<compile_context>
chip_gen: v7x
topology: tpu7x:2x2x1
jax: 0.10.2.dev20260603
libtpu: 0.0.44.dev20260713+nightly
codegen_flags: <defaults>
</compile_context>

<pallas_src>
import functools

import jax
import jax.numpy as jnp
import numpy as np
from jax import lax
from jax.experimental import pallas as pl
from jax.experimental.pallas import tpu as pltpu
from jax.experimental.pallas import tpu_sc as plsc

_P = 128
_N = 32768
_D = 64
_G = 3072
_Q = 1024
_BN = 512
_H = np.float32(3.0 / 3071.0)


def _proj_body(x_ref, z0_ref, z1_ref, w_ref, ang_ref, num_ref, den_ref, u_scr):
    i = pl.program_id(0)

    @pl.when(i == 0)
    def _():
        z0 = z0_ref[...]
        z1 = z1_ref[...]
        u0 = z0 * lax.rsqrt(jnp.sum(z0 * z0, axis=0, keepdims=True))
        v1 = z1 - jnp.sum(u0 * z1, axis=0, keepdims=True) * u0
        u1 = v1 * lax.rsqrt(jnp.sum(v1 * v1, axis=0, keepdims=True))
        u_scr[:, 0:_P] = u0
        u_scr[:, _P:2 * _P] = u1

    xb = x_ref[...]
    u = u_scr[...]
    w = w_ref[...].reshape(1, _BN)
    mm = lax.dot_general(u, xb, (((0,), (1,)), ((), ())),
                         preferred_element_type=jnp.float32)
    r2 = jnp.sum(xb * xb, axis=1)[None, :]
    px = mm[0:_P, :]
    py = mm[_P:2 * _P, :]
    rp2 = px * px + py * py
    ign = rp2 <= (1e-12 * r2)
    ang = (jnp.arctan2(-py, -px) + np.pi) / (2.0 * np.pi)
    wb = jnp.where(ign, 0.0, jnp.broadcast_to(w, (_P, _BN)))
    bin_ = jnp.clip((ang * 3071.0).astype(jnp.int32), 0, 3071)
    bin_ = jnp.where(ign, 3071, bin_)
    wbits = lax.shift_right_logical(lax.bitcast_convert_type(w, jnp.int32), 16)
    ang_ref[...] = lax.shift_left(bin_, 16) | wbits
    pnum = jnp.sum(ang * wb, axis=1, keepdims=True)
    pden = jnp.sum(wb, axis=1, keepdims=True)

    @pl.when(i == 0)
    def _():
        num_ref[...] = pnum
        den_ref[...] = pden

    @pl.when(i > 0)
    def _():
        num_ref[...] += pnum
        den_ref[...] += pden


def _project(x1, x1_weights, z0, z1):
    grid = _N // _BN
    return pl.pallas_call(
        _proj_body,
        grid=(grid,),
        in_specs=[
            pl.BlockSpec((_BN, _D), lambda i: (i, 0)),
            pl.BlockSpec((_D, _P), lambda i: (0, 0)),
            pl.BlockSpec((_D, _P), lambda i: (0, 0)),
            pl.BlockSpec((1, 1, _BN), lambda i: (i, 0, 0)),
        ],
        out_specs=[
            pl.BlockSpec((_P, _BN), lambda i: (0, i)),
            pl.BlockSpec((_P, 1), lambda i: (0, 0)),
            pl.BlockSpec((_P, 1), lambda i: (0, 0)),
        ],
        out_shape=[
            jax.ShapeDtypeStruct((_P, _N), jnp.int32),
            jax.ShapeDtypeStruct((_P, 1), jnp.float32),
            jax.ShapeDtypeStruct((_P, 1), jnp.float32),
        ],
        scratch_shapes=[pltpu.VMEM((_D, 2 * _P), jnp.float32)],
    )(x1, z0, z1, x1_weights.reshape(grid, 1, _BN))


def _sc_body(ang_hbm, alpha_hbm, out_hbm,
             ang_v0, ang_v1, hist, pexcl, ecdf, alpha_v, out_v, sem):
    wid = lax.axis_index("s") * 2 + lax.axis_index("c")
    pltpu.sync_copy(alpha_hbm, alpha_v)
    iota = lax.iota(jnp.int32, 16)
    bufs = [ang_v0, ang_v1]
    cp = pltpu.async_copy(ang_hbm.at[wid * 4], ang_v0, sem)

    def _zero(j, _):
        for u in range(4):
            hist[pl.ds(j * 64 + u * 16, 16)] = jnp.zeros(16, jnp.float32)
        return 0
    lax.fori_loop(0, 3088 // 64, _zero, 0)
    hist[pl.ds(3072, 16)] = jnp.zeros(16, jnp.float32)

    sums = []
    for k in range(4):
        p = wid * 4 + k
        cp.wait()
        if k < 3:
            cp = pltpu.async_copy(ang_hbm.at[p + 1], bufs[(k + 1) % 2], sem)
        ang_v = bufs[k % 2]

        @plsc.parallel_loop(0, _N // 16, unroll=8)
        def _hist(i):
            word = ang_v[pl.ds(i * 16, 16)]
            wv = plsc.bitcast(lax.shift_left(word, 16), jnp.float32)
            m = lax.shift_right_arithmetic(word, 16)
            plsc.addupdate_scatter(hist, [m], wv)

        @plsc.parallel_loop(0, _G // 16, unroll=4, carry=jnp.float32(0.0))
        def _scan(j, carry):
            v = hist[pl.ds(j * 16, 16)]
            inc = plsc.cumsum(v)
            pexcl[pl.ds(j * 16, 16)] = inc - v + carry
            hist[pl.ds(j * 16, 16)] = jnp.zeros(16, jnp.float32)
            return carry + jnp.sum(v)
        hist[pl.ds(3072, 16)] = jnp.zeros(16, jnp.float32)

        @plsc.parallel_loop(0, _G // 16, unroll=4)
        def _ecdf(c):
            i = c * 16 + iota
            intx = jnp.where(i < 1024, -1.0,
                             jnp.where(i < 2048, 0.0,
                                       jnp.where(i < 3071, 1.0, 2.0)))
            roff = jnp.where(i < 1024, 0,
                             jnp.where(i < 2048, 3071,
                                       jnp.where(i < 3071, 6142, 9213)))
            r = 3 * i - roff
            ecdf[pl.ds(c * 16, 16)] = intx + plsc.load_gather(pexcl, [r])

        av = plsc.load_gather(alpha_v, [jnp.zeros(16, jnp.int32) + p])

        @plsc.parallel_loop(0, _Q // 16, unroll=4, carry=jnp.zeros(16, jnp.float32))
        def _bisect(q, acc):
            if True:
                qk = (q * 16 + iota).astype(jnp.float32) * np.float32(1.0 / 1024.0)
                t = qk - av
                lo = jnp.zeros(16, jnp.int32)
                hi = jnp.zeros(16, jnp.int32) + _G
                for _ in range(12):
                    mid = lo + ((hi - lo) >> 1)
                    e = plsc.load_gather(ecdf, [mid])
                    cond = t <= e
                    hi = jnp.where(cond, mid, hi)
                    lo = jnp.where(cond, lo, mid)
                idx = jnp.clip(hi - 1, 0, _G - 2)
                e0 = plsc.load_gather(ecdf, [idx])
                e1 = plsc.load_gather(ecdf, [idx + 1])
                x0 = idx.astype(jnp.float32) * _H - 1.0
                de = e1 - e0
                slope = _H / jnp.where(de == 0.0, 1.0, de)
                emb = x0 + slope * (t - e0) - qk
                a = jnp.abs(emb)
                mn = jnp.minimum(a, 1.0 - a)
                acc = acc + mn * mn
            return acc
        acc = _bisect
        sums.append(jnp.sum(acc))

    ov = jnp.zeros(16, jnp.float32)
    for k in range(4):
        ov = jnp.where(iota == k, sums[k], ov)
    out_v[...] = ov
    pltpu.sync_copy(out_v, out_hbm.at[wid])


def _sc_stage(ang, alpha):
    mesh = plsc.VectorSubcoreMesh(core_axis_name="c", subcore_axis_name="s")
    f = pl.kernel(
        _sc_body,
        out_type=jax.ShapeDtypeStruct((32, 16), jnp.float32),
        mesh=mesh,
        compiler_params=pltpu.CompilerParams(needs_layout_passes=False),
        scratch_types=[
            pltpu.VMEM((_N,), jnp.int32),
            pltpu.VMEM((_N,), jnp.int32),
            pltpu.VMEM((3088,), jnp.float32),
            pltpu.VMEM((3088,), jnp.float32),
            pltpu.VMEM((_G,), jnp.float32),
            pltpu.VMEM((_P,), jnp.float32),
            pltpu.VMEM((16,), jnp.float32),
            pltpu.SemaphoreType.DMA,
        ],
    )
    return f(ang, alpha)


def _final_body(s_ref, out_ref):
    out_ref[...] = jnp.sqrt(jnp.sum(s_ref[...]) * np.float32(1.0 / _P)).reshape(1, 1)


def _finalize(sums):
    return pl.pallas_call(
        _final_body,
        out_shape=jax.ShapeDtypeStruct((1, 1), jnp.float32),
    )(sums)


def kernel(x1, x1_weights, Z):
    z0 = Z[:, :, 0].T
    z1 = Z[:, :, 1].T
    ang, num, den = _project(x1, x1_weights, z0, z1)
    alpha = num[:, 0] / den[:, 0] - 0.5
    sums = _sc_stage(ang, alpha)
    return _finalize(sums)[0, 0]

# --- scband reference (transcript-rebuilt; emitter-appended) ---
"""Pipeline reference for scband-lssot-72602127172320 (READ-ONLY COPY).

The authoritative reference and input builder live on the scoring server;
editing this copy changes nothing except your own understanding.
"""

import jax, jax.numpy as jnp
import numpy as np

NUM_PROJ = 128
REF_SIZE = 1024
CAP = 1e-06


def _interp1d(x, y, xnew):
    # row-wise linear interpolation with edge-slope extrapolation (torchinterp1d semantics)
    def row(xr, yr, xq):
        n = xr.shape[0]
        idx = jnp.clip(jnp.searchsorted(xr, xq, side='left') - 1, 0, n - 2)
        x0 = xr[idx]
        x1 = xr[idx + 1]
        y0 = yr[idx]
        y1 = yr[idx + 1]
        dx = x1 - x0
        slope = (y1 - y0) / jnp.where(dx == 0, 1.0, dx)
        return y0 + slope * (xq - x0)
    return jax.vmap(row)(x, y, xnew)


def _normalize(v, eps=1e-12):
    n = jnp.linalg.norm(v, ord=2, axis=-1, keepdims=True)
    return v / jnp.clip(n, eps)


def _sort_measure(vals, w):
    srt = jnp.argsort(vals, axis=-1)
    return jnp.take_along_axis(vals, srt, -1), jnp.take_along_axis(w, srt, -1)


def _lcot_emb(samples, weights, ref):
    N = ref.shape[0]
    l = samples.shape[0]
    alpha = (jnp.sum(samples * weights, axis=-1) / jnp.sum(weights, axis=-1) - 0.5)[:, None]
    xnew = jnp.tile(jnp.linspace(-1.0, 2.0, 3 * N)[None, :], (l, 1))
    xref = jnp.tile(ref[None, :], (l, 1))
    int_x = jnp.floor(xnew)
    rest_x = xnew - int_x
    xs, ws = _sort_measure(samples, weights)
    ys = jnp.cumsum(ws, axis=-1)
    ecdf_vals = int_x + _interp1d(xs, ys, rest_x)
    embedd = _interp1d(ecdf_vals, xnew, xref - alpha) - xref
    return embedd


def _slice(x, x_weights, U):
    x = _normalize(x)
    P = U.shape[0]
    slice_w = jnp.tile(x_weights[None, :], (P, 1))
    xp = jnp.einsum('nd,pdk->pnk', x, U)
    ignore = jnp.linalg.norm(xp, axis=-1) <= CAP
    mod_w = jnp.where(ignore, 0.0, slice_w)
    slice_w = mod_w  # torch code aliases modified_weights = slice_weights -> in-place zeroing hits both
    xp = _normalize(xp)
    ang = (jnp.arctan2(-xp[..., 1], -xp[..., 0]) + jnp.pi) / (2.0 * jnp.pi)
    corr = (slice_w - mod_w).sum(-1) / jnp.logical_not(ignore).sum(-1)
    mod_w = mod_w + corr[:, None]
    mod_w = jnp.where(ignore, 0.0, mod_w)
    return ang, mod_w


def _forward(x1, x1_weights, Z, ref):
    U, _ = jnp.linalg.qr(Z)
    s, w = _slice(x1, x1_weights, U)
    x1_hat = _lcot_emb(s, w, ref)
    a = jnp.abs(x1_hat)
    return jnp.sqrt((jnp.minimum(a, 1.0 - a) ** 2).sum(-1).mean())


def setup_inputs(seed: int = 0) -> dict:
    key = jax.random.key(seed)
    k1, k2, k3 = jax.random.split(key, 3)
    x1 = jax.random.normal(k1, (32768, 64), dtype=jnp.float32)
    x1_weights = jax.random.uniform(k2, (32768,), dtype=jnp.float32)
    Z = jax.random.normal(k3, (NUM_PROJ, 64, 2), dtype=jnp.float32)
    return {"x1": x1, "x1_weights": x1_weights, "Z": Z}


def reference(x1, x1_weights, Z):
    ref = jnp.linspace(0.0, 1.0, REF_SIZE + 1)[:-1]
    return _forward(x1, x1_weights, Z, ref)

if __name__ == "__main__":
    import jax
    _d = setup_inputs()
    print(jax.jit(kernel)(*tuple(_d.values())))

</pallas_src>

<mosaic_0001>
#map = affine_map<(d0, d1) -> (0, 0)>
#map1 = affine_map<(d0, d1) -> (0)>
module attributes {stable_mosaic.version = 14 : i64} {
  func.func @_sc_body(%arg0: i32, %arg1: i32, %arg2: memref<128x32768xi32, #tpu.memory_space<hbm>>, %arg3: memref<128xf32, #tpu.memory_space<hbm>>, %arg4: memref<32x16xf32, #tpu.memory_space<hbm>>, %arg5: memref<32768xi32, #tpu.memory_space<vmem>>, %arg6: memref<32768xi32, #tpu.memory_space<vmem>>, %arg7: memref<3088xf32, #tpu.memory_space<vmem>>, %arg8: memref<3088xf32, #tpu.memory_space<vmem>>, %arg9: memref<3072xf32, #tpu.memory_space<vmem>>, %arg10: memref<128xf32, #tpu.memory_space<vmem>>, %arg11: memref<16xf32, #tpu.memory_space<vmem>>, %arg12: memref<!tpu.dma_semaphore, #tpu.memory_space<semaphore_mem>>) attributes {dimension_semantics = [#tpu.dimension_semantics<core_parallel>, #tpu.dimension_semantics<subcore_parallel>], iteration_bounds = array<i64: 2, 16>, scalar_prefetch = 0 : i64, scratch_operands = 8 : i64, tpu.core_type = #tpu.core_type<sc_vector_subcore>, window_params = [{transform_indices = #map}, {transform_indices = #map1}, {transform_indices = #map}]} {
    %mul3A = arith.constant 2 : i32
    %mul3A_0 = arith.muli %arg1, %mul3A : i32
    %add3A = arith.addi %mul3A_0, %arg0 : i32
    "tpu.region"() ({
      %run_scoped3A = tpu.sem_alloc : memref<!tpu.dma_semaphore, #tpu.memory_space<semaphore_mem>>
      tpu.enqueue_dma source(%arg3 : memref<128xf32, #tpu.memory_space<hbm>>) target(%arg10 : memref<128xf32, #tpu.memory_space<vmem>>) target_semaphore(%run_scoped3A : memref<!tpu.dma_semaphore, #tpu.memory_space<semaphore_mem>>)
      tpu.wait_dma2 semaphore(%run_scoped3A : memref<!tpu.dma_semaphore, #tpu.memory_space<semaphore_mem>>) src(%arg3 : memref<128xf32, #tpu.memory_space<hbm>>) dst(%arg10 : memref<128xf32, #tpu.memory_space<vmem>>)
      tpu.yield
    }) : () -> ()
    %iota3A = tpu.iota {dimensions = array<i32: 0>} : vector<16xi32>
    %mul3A_1 = arith.constant 4 : i32
    %mul3A_2 = arith.muli %add3A, %mul3A_1 : i32
    %dma_start3A = arith.constant 0 : i32
    %dma_start3A_3 = tpu.memref_slice %arg2[%mul3A_2, %dma_start3A] : memref<128x32768xi32, #tpu.memory_space<hbm>> -> memref<1x32768xi32, #tpu.memory_space<hbm>>
    %dma_start3A_4 = tpu.memref_squeeze %dma_start3A_3 : memref<1x32768xi32, #tpu.memory_space<hbm>> -> memref<32768xi32, #tpu.memory_space<hbm>>
    %dma_start3A_5 = arith.constant 0 : i32
    %dma_start3A_6 = tpu.memref_slice %arg2[%mul3A_2, %dma_start3A_5] : memref<128x32768xi32, #tpu.memory_space<hbm>> -> memref<1x32768xi32, #tpu.memory_space<hbm>>
    %dma_start3A_7 = tpu.memref_squeeze %dma_start3A_6 : memref<1x32768xi32, #tpu.memory_space<hbm>> -> memref<32768xi32, #tpu.memory_space<hbm>>
    tpu.enqueue_dma source(%dma_start3A_7 : memref<32768xi32, #tpu.memory_space<hbm>>) target(%arg5 : memref<32768xi32, #tpu.memory_space<vmem>>) target_semaphore(%arg12 : memref<!tpu.dma_semaphore, #tpu.memory_space<semaphore_mem>>)
    %scan3A = arith.constant 0 : i32
    %scan3A_8 = arith.constant 0 : i32
    %scan3A_9 = arith.constant 48 : i32
    %scan3A_10 = arith.addi %scan3A_8, %scan3A_9 : i32
    %scan3A_11 = arith.constant 1 : i32
    %scan3A_12 = scf.for %scan3A_218 = %scan3A_8 to %scan3A_10 step %scan3A_11 iter_args(%scan3A_219 = %scan3A) -> (i32)  : i32 {
      %broadcast_in_dim3A_220 = arith.constant 0.000000e+00 : f32
      %broadcast_in_dim3A_221 = vector.broadcast %broadcast_in_dim3A_220 : f32 to vector<16xf32>
      %mul3A_222 = arith.constant 64 : i32
      %mul3A_223 = arith.muli %scan3A_218, %mul3A_222 : i32
      %add3A_224 = arith.constant 0 : i32
      %add3A_225 = arith.addi %mul3A_223, %add3A_224 : i32
      %swap3A_226 = arith.index_cast %add3A_225 : i32 to index
      %swap3A_227 = tpu.vector_load %arg7[%swap3A_226] {strides = array<i32>} : memref<3088xf32, #tpu.memory_space<vmem>>, vector<16xf32>,
      tpu.vector_store %arg7[%swap3A_226], %broadcast_in_dim3A_221 {strides = array<i32>} : memref<3088xf32, #tpu.memory_space<vmem>>, vector<16xf32>,
      %broadcast_in_dim3A_228 = arith.constant 0.000000e+00 : f32
      %broadcast_in_dim3A_229 = vector.broadcast %broadcast_in_dim3A_228 : f32 to vector<16xf32>
      %mul3A_230 = arith.constant 64 : i32
      %mul3A_231 = arith.muli %scan3A_218, %mul3A_230 : i32
      %add3A_232 = arith.constant 16 : i32
      %add3A_233 = arith.addi %mul3A_231, %add3A_232 : i32
      %swap3A_234 = arith.index_cast %add3A_233 : i32 to index
      %swap3A_235 = tpu.vector_load %arg7[%swap3A_234] {strides = array<i32>} : memref<3088xf32, #tpu.memory_space<vmem>>, vector<16xf32>,
      tpu.vector_store %arg7[%swap3A_234], %broadcast_in_dim3A_229 {strides = array<i32>} : memref<3088xf32, #tpu.memory_space<vmem>>, vector<16xf32>,
      %broadcast_in_dim3A_236 = arith.constant 0.000000e+00 : f32
      %broadcast_in_dim3A_237 = vector.broadcast %broadcast_in_dim3A_236 : f32 to vector<16xf32>
      %mul3A_238 = arith.constant 64 : i32
      %mul3A_239 = arith.muli %scan3A_218, %mul3A_238 : i32
      %add3A_240 = arith.constant 32 : i32
      %add3A_241 = arith.addi %mul3A_239, %add3A_240 : i32
      %swap3A_242 = arith.index_cast %add3A_241 : i32 to index
      %swap3A_243 = tpu.vector_load %arg7[%swap3A_242] {strides = array<i32>} : memref<3088xf32, #tpu.memory_space<vmem>>, vector<16xf32>,
      tpu.vector_store %arg7[%swap3A_242], %broadcast_in_dim3A_237 {strides = array<i32>} : memref<3088xf32, #tpu.memory_space<vmem>>, vector<16xf32>,
      %broadcast_in_dim3A_244 = arith.constant 0.000000e+00 : f32
      %broadcast_in_dim3A_245 = vector.broadcast %broadcast_in_dim3A_244 : f32 to vector<16xf32>
      %mul3A_246 = arith.constant 64 : i32
      %mul3A_247 = arith.muli %scan3A_218, %mul3A_246 : i32
      %add3A_248 = arith.constant 48 : i32
      %add3A_249 = arith.addi %mul3A_247, %add3A_248 : i32
      %swap3A_250 = arith.index_cast %add3A_249 : i32 to index
      %swap3A_251 = tpu.vector_load %arg7[%swap3A_250] {strides = array<i32>} : memref<3088xf32, #tpu.memory_space<vmem>>, vector<16xf32>,
      tpu.vector_store %arg7[%swap3A_250], %broadcast_in_dim3A_245 {strides = array<i32>} : memref<3088xf32, #tpu.memory_space<vmem>>, vector<16xf32>,
      %scan3A_252 = arith.constant 0 : i32
      scf.yield %scan3A_252 : i32
    }
    %scan3A_13 = arith.constant 48 : i32
    %broadcast_in_dim3A = arith.constant 0.000000e+00 : f32
    %broadcast_in_dim3A_14 = vector.broadcast %broadcast_in_dim3A : f32 to vector<16xf32>
    %swap3A = arith.constant 3072 : index
    %swap3A_15 = tpu.vector_load %arg7[%swap3A] {strides = array<i32>} : memref<3088xf32, #tpu.memory_space<vmem>>, vector<16xf32>,
    tpu.vector_store %arg7[%swap3A], %broadcast_in_dim3A_14 {strides = array<i32>} : memref<3088xf32, #tpu.memory_space<vmem>>, vector<16xf32>,
    %mul3A_16 = arith.constant 4 : i32
    %mul3A_17 = arith.muli %add3A, %mul3A_16 : i32
    %add3A_18 = arith.constant 0 : i32
    %add3A_19 = arith.addi %mul3A_17, %add3A_18 : i32
    %dma_wait3A = arith.constant 0 : i32
    %dma_wait3A_20 = tpu.memref_slice %arg2[%mul3A_2, %dma_wait3A] : memref<128x32768xi32, #tpu.memory_space<hbm>> -> memref<1x32768xi32, #tpu.memory_space<hbm>>
    %dma_wait3A_21 = tpu.memref_squeeze %dma_wait3A_20 : memref<1x32768xi32, #tpu.memory_space<hbm>> -> memref<32768xi32, #tpu.memory_space<hbm>>
    %dma_wait3A_22 = arith.constant 0 : i32
    %dma_wait3A_23 = tpu.memref_slice %arg2[%mul3A_2, %dma_wait3A_22] : memref<128x32768xi32, #tpu.memory_space<hbm>> -> memref<1x32768xi32, #tpu.memory_space<hbm>>
    %dma_wait3A_24 = tpu.memref_squeeze %dma_wait3A_23 : memref<1x32768xi32, #tpu.memory_space<hbm>> -> memref<32768xi32, #tpu.memory_space<hbm>>
    tpu.wait_dma2 semaphore(%arg12 : memref<!tpu.dma_semaphore, #tpu.memory_space<semaphore_mem>>) src(%dma_wait3A_24 : memref<32768xi32, #tpu.memory_space<hbm>>) dst(%arg5 : memref<32768xi32, #tpu.memory_space<vmem>>)
    %add3A_25 = arith.constant 1 : i32
    %add3A_26 = arith.addi %add3A_19, %add3A_25 : i32
    %dma_start3A_27 = arith.constant 0 : i32
    %dma_start3A_28 = tpu.memref_slice %arg2[%add3A_26, %dma_start3A_27] : memref<128x32768xi32, #tpu.memory_space<hbm>> -> memref<1x32768xi32, #tpu.memory_space<hbm>>
    %dma_start3A_29 = tpu.memref_squeeze %dma_start3A_28 : memref<1x32768xi32, #tpu.memory_space<hbm>> -> memref<32768xi32, #tpu.memory_space<hbm>>
    %dma_start3A_30 = arith.constant 0 : i32
    %dma_start3A_31 = tpu.memref_slice %arg2[%add3A_26, %dma_start3A_30] : memref<128x32768xi32, #tpu.memory_space<hbm>> -> memref<1x32768xi32, #tpu.memory_space<hbm>>
    %dma_start3A_32 = tpu.memref_squeeze %dma_start3A_31 : memref<1x32768xi32, #tpu.memory_space<hbm>> -> memref<32768xi32, #tpu.memory_space<hbm>>
    tpu.enqueue_dma source(%dma_start3A_32 : memref<32768xi32, #tpu.memory_space<hbm>>) target(%arg6 : memref<32768xi32, #tpu.memory_space<vmem>>) target_semaphore(%arg12 : memref<!tpu.dma_semaphore, #tpu.memory_space<semaphore_mem>>)
    %parallel_loop3A = arith.constant 0 : i32
    %parallel_loop3A_33 = arith.constant 2048 : i32
    %parallel_loop3A_34 = arith.constant 1 : i32
    scf.for %parallel_loop3A_218 = %parallel_loop3A to %parallel_loop3A_33 step %parallel_loop3A_34  : i32 {
      %parallel_loop3A_219 = arith.constant 16 : i32
      %parallel_loop3A_220 = arith.muli %parallel_loop3A_218, %parallel_loop3A_219 : i32
      %parallel_loop3A_221 = arith.index_cast %parallel_loop3A_220 : i32 to index
      %parallel_loop3A_222 = tpu.vector_load %arg5[%parallel_loop3A_221] {strides = array<i32>} : memref<32768xi32, #tpu.memory_space<vmem>>, vector<16xi32>,
      %parallel_loop3A_223 = arith.constant 16 : i32
      %parallel_loop3A_224 = vector.broadcast %parallel_loop3A_223 : i32 to vector<16xi32>
      %parallel_loop3A_225 = arith.shli %parallel_loop3A_222, %parallel_loop3A_224 : vector<16xi32>
      %parallel_loop3A_226 = vector.bitcast %parallel_loop3A_225 : vector<16xi32> to vector<16xf32>
      %parallel_loop3A_227 = arith.constant 16 : i32
      %parallel_loop3A_228 = vector.broadcast %parallel_loop3A_227 : i32 to vector<16xi32>
      %parallel_loop3A_229 = arith.shrsi %parallel_loop3A_222, %parallel_loop3A_228 : vector<16xi32>
      tpu.vector_store_idx %arg7[%parallel_loop3A_229], %parallel_loop3A_226 {add = true} : memref<3088xf32, #tpu.memory_space<vmem>>[vector<16xi32>], vector<16xf32>,
    } {sc.loop_unroll_factor = 8 : i64, sc.parallel_access}
    %parallel_loop3A_35 = arith.constant 0 : i32
    %parallel_loop3A_36 = arith.constant 192 : i32
    %parallel_loop3A_37 = arith.constant 1 : i32
    %parallel_loop3A_38 = arith.constant 0.000000e+00 : f32
    %parallel_loop3A_39 = scf.for %parallel_loop3A_218 = %parallel_loop3A_35 to %parallel_loop3A_36 step %parallel_loop3A_37 iter_args(%parallel_loop3A_219 = %parallel_loop3A_38) -> (f32)  : i32 {
      %parallel_loop3A_220 = arith.constant 16 : i32
      %parallel_loop3A_221 = arith.muli %parallel_loop3A_218, %parallel_loop3A_220 : i32
      %parallel_loop3A_222 = arith.index_cast %parallel_loop3A_221 : i32 to index
      %parallel_loop3A_223 = tpu.vector_load %arg7[%parallel_loop3A_222] {strides = array<i32>} : memref<3088xf32, #tpu.memory_space<vmem>>, vector<16xf32>,
      %parallel_loop3A_224 = arith.constant true
      %parallel_loop3A_225 = vector.broadcast %parallel_loop3A_224 : i1 to vector<16xi1>
      %parallel_loop3A_226 = tpu.scan <sum>, %parallel_loop3A_223 masked %parallel_loop3A_225 : vector<16xf32>, vector<16xi1> -> vector<16xf32>
      %parallel_loop3A_227 = arith.subf %parallel_loop3A_226, %parallel_loop3A_223 : vector<16xf32>
      %parallel_loop3A_228 = vector.broadcast %parallel_loop3A_219 : f32 to vector<16xf32>
      %parallel_loop3A_229 = arith.addf %parallel_loop3A_227, %parallel_loop3A_228 : vector<16xf32>
      %parallel_loop3A_230 = arith.constant 16 : i32
      %parallel_loop3A_231 = arith.muli %parallel_loop3A_218, %parallel_loop3A_230 : i32
      %parallel_loop3A_232 = arith.index_cast %parallel_loop3A_231 : i32 to index
      %parallel_loop3A_233 = tpu.vector_load %arg8[%parallel_loop3A_232] {strides = array<i32>} : memref<3088xf32, #tpu.memory_space<vmem>>, vector<16xf32>,
      tpu.vector_store %arg8[%parallel_loop3A_232], %parallel_loop3A_229 {strides = array<i32>} : memref<3088xf32, #tpu.memory_space<vmem>>, vector<16xf32>,
      %parallel_loop3A_234 = arith.constant 0.000000e+00 : f32
      %parallel_loop3A_235 = vector.broadcast %parallel_loop3A_234 : f32 to vector<16xf32>
      %parallel_loop3A_236 = arith.constant 16 : i32
      %parallel_loop3A_237 = arith.muli %parallel_loop3A_218, %parallel_loop3A_236 : i32
      %parallel_loop3A_238 = arith.index_cast %parallel_loop3A_237 : i32 to index
      %parallel_loop3A_239 = tpu.vector_load %arg7[%parallel_loop3A_238] {strides = array<i32>} : memref<3088xf32, #tpu.memory_space<vmem>>, vector<16xf32>,
      tpu.vector_store %arg7[%parallel_loop3A_238], %parallel_loop3A_235 {strides = array<i32>} : memref<3088xf32, #tpu.memory_space<vmem>>, vector<16xf32>,
      %parallel_loop3A_240 = arith.constant true
      %parallel_loop3A_241 = vector.broadcast %parallel_loop3A_240 : i1 to vector<16xi1>
      %parallel_loop3A_242 = tpu.scan <sum>, %parallel_loop3A_223 masked %parallel_loop3A_241 : vector<16xf32>, vector<16xi1> -> vector<16xf32>
      %parallel_loop3A_243 = vector.extract %parallel_loop3A_242[15] : f32 from vector<16xf32>
      %parallel_loop3A_244 = arith.addf %parallel_loop3A_219, %parallel_loop3A_243 : f32
      scf.yield %parallel_loop3A_244 : f32
    } {sc.loop_unroll_factor = 4 : i64, sc.parallel_access}
    %broadcast_in_dim3A_40 = arith.constant 0.000000e+00 : f32
    %broadcast_in_dim3A_41 = vector.broadcast %broadcast_in_dim3A_40 : f32 to vector<16xf32>
    %swap3A_42 = arith.constant 3072 : index
    %swap3A_43 = tpu.vector_load %arg7[%swap3A_42] {strides = array<i32>} : memref<3088xf32, #tpu.memory_space<vmem>>, vector<16xf32>,
    tpu.vector_store %arg7[%swap3A_42], %broadcast_in_dim3A_41 {strides = array<i32>} : memref<3088xf32, #tpu.memory_space<vmem>>, vector<16xf32>,
    %parallel_loop3A_44 = arith.constant 0 : i32
    %parallel_loop3A_45 = arith.constant 192 : i32
    %parallel_loop3A_46 = arith.constant 1 : i32
    scf.for %parallel_loop3A_218 = %parallel_loop3A_44 to %parallel_loop3A_45 step %parallel_loop3A_46  : i32 {
      %parallel_loop3A_219 = arith.constant 16 : i32
      %parallel_loop3A_220 = arith.muli %parallel_loop3A_218, %parallel_loop3A_219 : i32
      %parallel_loop3A_221 = vector.broadcast %parallel_loop3A_220 : i32 to vector<16xi32>
      %parallel_loop3A_222 = arith.addi %parallel_loop3A_221, %iota3A : vector<16xi32>
      %parallel_loop3A_223 = arith.constant 1024 : i32
      %parallel_loop3A_224 = vector.broadcast %parallel_loop3A_223 : i32 to vector<16xi32>
      %parallel_loop3A_225 = arith.cmpi slt, %parallel_loop3A_222, %parallel_loop3A_224 : vector<16xi32>
      %parallel_loop3A_226 = arith.constant 2048 : i32
      %parallel_loop3A_227 = vector.broadcast %parallel_loop3A_226 : i32 to vector<16xi32>
      %parallel_loop3A_228 = arith.cmpi slt, %parallel_loop3A_222, %parallel_loop3A_227 : vector<16xi32>
      %parallel_loop3A_229 = arith.constant 3071 : i32
      %parallel_loop3A_230 = vector.broadcast %parallel_loop3A_229 : i32 to vector<16xi32>
      %parallel_loop3A_231 = arith.cmpi slt, %parallel_loop3A_222, %parallel_loop3A_230 : vector<16xi32>
      %parallel_loop3A_232 = arith.constant 1.000000e+00 : f32
      %parallel_loop3A_233 = arith.constant 2.000000e+00 : f32
      %parallel_loop3A_234 = vector.broadcast %parallel_loop3A_232 : f32 to vector<16xf32>
      %parallel_loop3A_235 = vector.broadcast %parallel_loop3A_233 : f32 to vector<16xf32>
      %parallel_loop3A_236 = arith.select %parallel_loop3A_231, %parallel_loop3A_234, %parallel_loop3A_235 : vector<16xi1>, vector<16xf32>
      %parallel_loop3A_237 = arith.constant 0.000000e+00 : f32
      %parallel_loop3A_238 = vector.broadcast %parallel_loop3A_237 : f32 to vector<16xf32>
      %parallel_loop3A_239 = arith.select %parallel_loop3A_228, %parallel_loop3A_238, %parallel_loop3A_236 : vector<16xi1>, vector<16xf32>
      %parallel_loop3A_240 = arith.constant -1.000000e+00 : f32
      %parallel_loop3A_241 = vector.broadcast %parallel_loop3A_240 : f32 to vector<16xf32>
      %parallel_loop3A_242 = arith.select %parallel_loop3A_225, %parallel_loop3A_241, %parallel_loop3A_239 : vector<16xi1>, vector<16xf32>
      %parallel_loop3A_243 = arith.constant 1024 : i32
      %parallel_loop3A_244 = vector.broadcast %parallel_loop3A_243 : i32 to vector<16xi32>
      %parallel_loop3A_245 = arith.cmpi slt, %parallel_loop3A_222, %parallel_loop3A_244 : vector<16xi32>
      %parallel_loop3A_246 = arith.constant 2048 : i32
      %parallel_loop3A_247 = vector.broadcast %parallel_loop3A_246 : i32 to vector<16xi32>
      %parallel_loop3A_248 = arith.cmpi slt, %parallel_loop3A_222, %parallel_loop3A_247 : vector<16xi32>
      %parallel_loop3A_249 = arith.constant 3071 : i32
      %parallel_loop3A_250 = vector.broadcast %parallel_loop3A_249 : i32 to vector<16xi32>
      %parallel_loop3A_251 = arith.cmpi slt, %parallel_loop3A_222, %parallel_loop3A_250 : vector<16xi32>
      %parallel_loop3A_252 = arith.constant 6142 : i32
      %parallel_loop3A_253 = arith.constant 9213 : i32
      %parallel_loop3A_254 = vector.broadcast %parallel_loop3A_252 : i32 to vector<16xi32>
      %parallel_loop3A_255 = vector.broadcast %parallel_loop3A_253 : i32 to vector<16xi32>
      %parallel_loop3A_256 = arith.select %parallel_loop3A_251, %parallel_loop3A_254, %parallel_loop3A_255 : vector<16xi1>, vector<16xi32>
      %parallel_loop3A_257 = arith.constant 3071 : i32
      %parallel_loop3A_258 = vector.broadcast %parallel_loop3A_257 : i32 to vector<16xi32>
      %parallel_loop3A_259 = arith.select %parallel_loop3A_248, %parallel_loop3A_258, %parallel_loop3A_256 : vector<16xi1>, vector<16xi32>
      %parallel_loop3A_260 = arith.constant 0 : i32
      %parallel_loop3A_261 = vector.broadcast %parallel_loop3A_260 : i32 to vector<16xi32>
      %parallel_loop3A_262 = arith.select %parallel_loop3A_245, %parallel_loop3A_261, %parallel_loop3A_259 : vector<16xi1>, vector<16xi32>
      %parallel_loop3A_263 = arith.constant 3 : i32
      %parallel_loop3A_264 = vector.broadcast %parallel_loop3A_263 : i32 to vector<16xi32>
      %parallel_loop3A_265 = arith.muli %parallel_loop3A_264, %parallel_loop3A_222 : vector<16xi32>
      %parallel_loop3A_266 = arith.subi %parallel_loop3A_265, %parallel_loop3A_262 : vector<16xi32>
      %parallel_loop3A_267 = tpu.vector_load_idx %arg8[%parallel_loop3A_266] : memref<3088xf32, #tpu.memory_space<vmem>>[vector<16xi32>], vector<16xf32>,
      %parallel_loop3A_268 = arith.addf %parallel_loop3A_242, %parallel_loop3A_267 : vector<16xf32>
      %parallel_loop3A_269 = arith.constant 16 : i32
      %parallel_loop3A_270 = arith.muli %parallel_loop3A_218, %parallel_loop3A_269 : i32
      %parallel_loop3A_271 = arith.index_cast %parallel_loop3A_270 : i32 to index
      %parallel_loop3A_272 = tpu.vector_load %arg9[%parallel_loop3A_271] {strides = array<i32>} : memref<3072xf32, #tpu.memory_space<vmem>>, vector<16xf32>,
      tpu.vector_store %arg9[%parallel_loop3A_271], %parallel_loop3A_268 {strides = array<i32>} : memref<3072xf32, #tpu.memory_space<vmem>>, vector<16xf32>,
    } {sc.loop_unroll_factor = 4 : i64, sc.parallel_access}
    %broadcast_in_dim3A_47 = arith.constant 0 : i32
    %broadcast_in_dim3A_48 = vector.broadcast %broadcast_in_dim3A_47 : i32 to vector<16xi32>
    %add3A_49 = vector.broadcast %add3A_19 : i32 to vector<16xi32>
    %add3A_50 = arith.addi %broadcast_in_dim3A_48, %add3A_49 : vector<16xi32>
    %gather3A = tpu.vector_load_idx %arg10[%add3A_50] : memref<128xf32, #tpu.memory_space<vmem>>[vector<16xi32>], vector<16xf32>,
    %broadcast_in_dim3A_51 = arith.constant 0.000000e+00 : f32
    %broadcast_in_dim3A_52 = vector.broadcast %broadcast_in_dim3A_51 : f32 to vector<16xf32>
    %parallel_loop3A_53 = arith.constant 0 : i32
    %parallel_loop3A_54 = arith.constant 64 : i32
    %parallel_loop3A_55 = arith.constant 1 : i32
    %parallel_loop3A_56 = scf.for %parallel_loop3A_218 = %parallel_loop3A_53 to %parallel_loop3A_54 step %parallel_loop3A_55 iter_args(%parallel_loop3A_219 = %broadcast_in_dim3A_52) -> (vector<16xf32>)  : i32 {
      %parallel_loop3A_220 = arith.constant 16 : i32
      %parallel_loop3A_221 = arith.muli %parallel_loop3A_218, %parallel_loop3A_220 : i32
      %parallel_loop3A_222 = vector.broadcast %parallel_loop3A_221 : i32 to vector<16xi32>
      %parallel_loop3A_223 = arith.addi %parallel_loop3A_222, %iota3A : vector<16xi32>
      %parallel_loop3A_224 = arith.sitofp %parallel_loop3A_223 : vector<16xi32> to vector<16xf32>
      %parallel_loop3A_225 = arith.constant 9.765625E-4 : f32
      %parallel_loop3A_226 = vector.broadcast %parallel_loop3A_225 : f32 to vector<16xf32>
      %parallel_loop3A_227 = arith.mulf %parallel_loop3A_224, %parallel_loop3A_226 : vector<16xf32>
      %parallel_loop3A_228 = arith.subf %parallel_loop3A_227, %gather3A : vector<16xf32>
      %parallel_loop3A_229 = arith.constant 0 : i32
      %parallel_loop3A_230 = vector.broadcast %parallel_loop3A_229 : i32 to vector<16xi32>
      %parallel_loop3A_231 = arith.constant 0 : i32
      %parallel_loop3A_232 = vector.broadcast %parallel_loop3A_231 : i32 to vector<16xi32>
      %parallel_loop3A_233 = arith.constant 3072 : i32
      %parallel_loop3A_234 = vector.broadcast %parallel_loop3A_233 : i32 to vector<16xi32>
      %parallel_loop3A_235 = arith.addi %parallel_loop3A_232, %parallel_loop3A_234 : vector<16xi32>
      %parallel_loop3A_236 = arith.subi %parallel_loop3A_235, %parallel_loop3A_230 : vector<16xi32>
      %parallel_loop3A_237 = arith.constant 1 : i32
      %parallel_loop3A_238 = vector.broadcast %parallel_loop3A_237 : i32 to vector<16xi32>
      %parallel_loop3A_239 = arith.shrsi %parallel_loop3A_236, %parallel_loop3A_238 : vector<16xi32>
      %parallel_loop3A_240 = arith.addi %parallel_loop3A_230, %parallel_loop3A_239 : vector<16xi32>
      %parallel_loop3A_241 = tpu.vector_load_idx %arg9[%parallel_loop3A_240] : memref<3072xf32, #tpu.memory_space<vmem>>[vector<16xi32>], vector<16xf32>,
      %parallel_loop3A_242 = arith.cmpf ole, %parallel_loop3A_228, %parallel_loop3A_241 : vector<16xf32>
      %parallel_loop3A_243 = arith.select %parallel_loop3A_242, %parallel_loop3A_240, %parallel_loop3A_235 : vector<16xi1>, vector<16xi32>
      %parallel_loop3A_244 = arith.select %parallel_loop3A_242, %parallel_loop3A_230, %parallel_loop3A_240 : vector<16xi1>, vector<16xi32>
      %parallel_loop3A_245 = arith.subi %parallel_loop3A_243, %parallel_loop3A_244 : vector<16xi32>
      %parallel_loop3A_246 = arith.constant 1 : i32
      %parallel_loop3A_247 = vector.broadcast %parallel_loop3A_246 : i32 to vector<16xi32>
      %parallel_loop3A_248 = arith.shrsi %parallel_loop3A_245, %parallel_loop3A_247 : vector<16xi32>
      %parallel_loop3A_249 = arith.addi %parallel_loop3A_244, %parallel_loop3A_248 : vector<16xi32>
      %parallel_loop3A_250 = tpu.vector_load_idx %arg9[%parallel_loop3A_249] : memref<3072xf32, #tpu.memory_space<vmem>>[vector<16xi32>], vector<16xf32>,
      %parallel_loop3A_251 = arith.cmpf ole, %parallel_loop3A_228, %parallel_loop3A_250 : vector<16xf32>
      %parallel_loop3A_252 = arith.select %parallel_loop3A_251, %parallel_loop3A_249, %parallel_loop3A_243 : vector<16xi1>, vector<16xi32>
      %parallel_loop3A_253 = arith.select %parallel_loop3A_251, %parallel_loop3A_244, %parallel_loop3A_249 : vector<16xi1>, vector<16xi32>
      %parallel_loop3A_254 = arith.subi %parallel_loop3A_252, %parallel_loop3A_253 : vector<16xi32>
      %parallel_loop3A_255 = arith.constant 1 : i32
      %parallel_loop3A_256 = vector.broadcast %parallel_loop3A_255 : i32 to vector<16xi32>
      %parallel_loop3A_257 = arith.shrsi %parallel_loop3A_254, %parallel_loop3A_256 : vector<16xi32>
      %parallel_loop3A_258 = arith.addi %parallel_loop3A_253, %parallel_loop3A_257 : vector<16xi32>
      %parallel_loop3A_259 = tpu.vector_load_idx %arg9[%parallel_loop3A_258] : memref<3072xf32, #tpu.memory_space<vmem>>[vector<16xi32>], vector<16xf32>,
      %parallel_loop3A_260 = arith.cmpf ole, %parallel_loop3A_228, %parallel_loop3A_259 : vector<16xf32>
      %parallel_loop3A_261 = arith.select %parallel_loop3A_260, %parallel_loop3A_258, %parallel_loop3A_252 : vector<16xi1>, vector<16xi32>
      %parallel_loop3A_262 = arith.select %parallel_loop3A_260, %parallel_loop3A_253, %parallel_loop3A_258 : vector<16xi1>, vector<16xi32>
      %parallel_loop3A_263 = arith.subi %parallel_loop3A_261, %parallel_loop3A_262 : vector<16xi32>
      %parallel_loop3A_264 = arith.constant 1 : i32
      %parallel_loop3A_265 = vector.broadcast %parallel_loop3A_264 : i32 to vector<16xi32>
      %parallel_loop3A_266 = arith.shrsi %parallel_loop3A_263, %parallel_loop3A_265 : vector<16xi32>
      %parallel_loop3A_267 = arith.addi %parallel_loop3A_262, %parallel_loop3A_266 : vector<16xi32>
      %parallel_loop3A_268 = tpu.vector_load_idx %arg9[%parallel_loop3A_267] : memref<3072xf32, #tpu.memory_space<vmem>>[vector<16xi32>], vector<16xf32>,
      %parallel_loop3A_269 = arith.cmpf ole, %parallel_loop3A_228, %parallel_loop3A_268 : vector<16xf32>
      %parallel_loop3A_270 = arith.select %parallel_loop3A_269, %parallel_loop3A_267, %parallel_loop3A_261 : vector<16xi1>, vector<16xi32>
      %parallel_loop3A_271 = arith.select %parallel_loop3A_269, %parallel_loop3A_262, %parallel_loop3A_267 : vector<16xi1>, vector<16xi32>
      %parallel_loop3A_272 = arith.subi %parallel_loop3A_270, %parallel_loop3A_271 : vector<16xi32>
      %parallel_loop3A_273 = arith.constant 1 : i32
      %parallel_loop3A_274 = vector.broadcast %parallel_loop3A_273 : i32 to vector<16xi32>
      %parallel_loop3A_275 = arith.shrsi %parallel_loop3A_272, %parallel_loop3A_274 : vector<16xi32>
      %parallel_loop3A_276 = arith.addi %parallel_loop3A_271, %parallel_loop3A_275 : vector<16xi32>
      %parallel_loop3A_277 = tpu.vector_load_idx %arg9[%parallel_loop3A_276] : memref<3072xf32, #tpu.memory_space<vmem>>[vector<16xi32>], vector<16xf32>,
      %parallel_loop3A_278 = arith.cmpf ole, %parallel_loop3A_228, %parallel_loop3A_277 : vector<16xf32>
      %parallel_loop3A_279 = arith.select %parallel_loop3A_278, %parallel_loop3A_276, %parallel_loop3A_270 : vector<16xi1>, vector<16xi32>
      %parallel_loop3A_280 = arith.select %parallel_loop3A_278, %parallel_loop3A_271, %parallel_loop3A_276 : vector<16xi1>, vector<16xi32>
      %parallel_loop3A_281 = arith.subi %parallel_loop3A_279, %parallel_loop3A_280 : vector<16xi32>
      %parallel_loop3A_282 = arith.constant 1 : i32
      %parallel_loop3A_283 = vector.broadcast %parallel_loop3A_282 : i32 to vector<16xi32>
      %parallel_loop3A_284 = arith.shrsi %parallel_loop3A_281, %parallel_loop3A_283 : vector<16xi32>
      %parallel_loop3A_285 = arith.addi %parallel_loop3A_280, %parallel_loop3A_284 : vector<16xi32>
      %parallel_loop3A_286 = tpu.vector_load_idx %arg9[%parallel_loop3A_285] : memref<3072xf32, #tpu.memory_space<vmem>>[vector<16xi32>], vector<16xf32>,
      %parallel_loop3A_287 = arith.cmpf ole, %parallel_loop3A_228, %parallel_loop3A_286 : vector<16xf32>
      %parallel_loop3A_288 = arith.select %parallel_loop3A_287, %parallel_loop3A_285, %parallel_loop3A_279 : vector<16xi1>, vector<16xi32>
      %parallel_loop3A_289 = arith.select %parallel_loop3A_287, %parallel_loop3A_280, %parallel_loop3A_285 : vector<16xi1>, vector<16xi32>
      %parallel_loop3A_290 = arith.subi %parallel_loop3A_288, %parallel_loop3A_289 : vector<16xi32>
      %parallel_loop3A_291 = arith.constant 1 : i32
      %parallel_loop3A_292 = vector.broadcast %parallel_loop3A_291 : i32 to vector<16xi32>
      %parallel_loop3A_293 = arith.shrsi %parallel_loop3A_290, %parallel_loop3A_292 : vector<16xi32>
      %parallel_loop3A_294 = arith.addi %parallel_loop3A_289, %parallel_loop3A_293 : vector<16xi32>
      %parallel_loop3A_295 = tpu.vector_load_idx %arg9[%parallel_loop3A_294] : memref<3072xf32, #tpu.memory_space<vmem>>[vector<16xi32>], vector<16xf32>,
      %parallel_loop3A_296 = arith.cmpf ole, %parallel_loop3A_228, %parallel_loop3A_295 : vector<16xf32>
      %parallel_loop3A_297 = arith.select %parallel_loop3A_296, %parallel_loop3A_294, %parallel_loop3A_288 : vector<16xi1>, vector<16xi32>
      %parallel_loop3A_298 = arith.select %parallel_loop3A_296, %parallel_loop3A_289, %parallel_loop3A_294 : vector<16xi1>, vector<16xi32>
      %parallel_loop3A_299 = arith.subi %parallel_loop3A_297, %parallel_loop3A_298 : vector<16xi32>
      %parallel_loop3A_300 = arith.constant 1 : i32
      %parallel_loop3A_301 = vector.broadcast %parallel_loop3A_300 : i32 to vector<16xi32>
      %parallel_loop3A_302 = arith.shrsi %parallel_loop3A_299, %parallel_loop3A_301 : vector<16xi32>
      %parallel_loop3A_303 = arith.addi %parallel_loop3A_298, %parallel_loop3A_302 : vector<16xi32>
      %parallel_loop3A_304 = tpu.vector_load_idx %arg9[%parallel_loop3A_303] : memref<3072xf32, #tpu.memory_space<vmem>>[vector<16xi32>], vector<16xf32>,
      %parallel_loop3A_305 = arith.cmpf ole, %parallel_loop3A_228, %parallel_loop3A_304 : vector<16xf32>
      %parallel_loop3A_306 = arith.select %parallel_loop3A_305, %parallel_loop3A_303, %parallel_loop3A_297 : vector<16xi1>, vector<16xi32>
      %parallel_loop3A_307 = arith.select %parallel_loop3A_305, %parallel_loop3A_298, %parallel_loop3A_303 : vector<16xi1>, vector<16xi32>
      %parallel_loop3A_308 = arith.subi %parallel_loop3A_306, %parallel_loop3A_307 : vector<16xi32>
      %parallel_loop3A_309 = arith.constant 1 : i32
      %parallel_loop3A_310 = vector.broadcast %parallel_loop3A_309 : i32 to vector<16xi32>
      %parallel_loop3A_311 = arith.shrsi %parallel_loop3A_308, %parallel_loop3A_310 : vector<16xi32>
      %parallel_loop3A_312 = arith.addi %parallel_loop3A_307, %parallel_loop3A_311 : vector<16xi32>
      %parallel_loop3A_313 = tpu.vector_load_idx %arg9[%parallel_loop3A_312] : memref<3072xf32, #tpu.memory_space<vmem>>[vector<16xi32>], vector<16xf32>,
      %parallel_loop3A_314 = arith.cmpf ole, %parallel_loop3A_228, %parallel_loop3A_313 : vector<16xf32>
      %parallel_loop3A_315 = arith.select %parallel_loop3A_314, %parallel_loop3A_312, %parallel_loop3A_306 : vector<16xi1>, vector<16xi32>
      %parallel_loop3A_316 = arith.select %parallel_loop3A_314, %parallel_loop3A_307, %parallel_loop3A_312 : vector<16xi1>, vector<16xi32>
      %parallel_loop3A_317 = arith.subi %parallel_loop3A_315, %parallel_loop3A_316 : vector<16xi32>
      %parallel_loop3A_318 = arith.constant 1 : i32
      %parallel_loop3A_319 = vector.broadcast %parallel_loop3A_318 : i32 to vector<16xi32>
      %parallel_loop3A_320 = arith.shrsi %parallel_loop3A_317, %parallel_loop3A_319 : vector<16xi32>
      %parallel_loop3A_321 = arith.addi %parallel_loop3A_316, %parallel_loop3A_320 : vector<16xi32>
      %parallel_loop3A_322 = tpu.vector_load_idx %arg9[%parallel_loop3A_321] : memref<3072xf32, #tpu.memory_space<vmem>>[vector<16xi32>], vector<16xf32>,
      %parallel_loop3A_323 = arith.cmpf ole, %parallel_loop3A_228, %parallel_loop3A_322 : vector<16xf32>
      %parallel_loop3A_324 = arith.select %parallel_loop3A_323, %parallel_loop3A_321, %parallel_loop3A_315 : vector<16xi1>, vector<16xi32>
      %parallel_loop3A_325 = arith.select %parallel_loop3A_323, %parallel_loop3A_316, %parallel_loop3A_321 : vector<16xi1>, vector<16xi32>
      %parallel_loop3A_326 = arith.subi %parallel_loop3A_324, %parallel_loop3A_325 : vector<16xi32>
      %parallel_loop3A_327 = arith.constant 1 : i32
      %parallel_loop3A_328 = vector.broadcast %parallel_loop3A_327 : i32 to vector<16xi32>
      %parallel_loop3A_329 = arith.shrsi %parallel_loop3A_326, %parallel_loop3A_328 : vector<16xi32>
      %parallel_loop3A_330 = arith.addi %parallel_loop3A_325, %parallel_loop3A_329 : vector<16xi32>
      %parallel_loop3A_331 = tpu.vector_load_idx %arg9[%parallel_loop3A_330] : memref<3072xf32, #tpu.memory_space<vmem>>[vector<16xi32>], vector<16xf32>,
      %parallel_loop3A_332 = arith.cmpf ole, %parallel_loop3A_228, %parallel_loop3A_331 : vector<16xf32>
      %parallel_loop3A_333 = arith.select %parallel_loop3A_332, %parallel_loop3A_330, %parallel_loop3A_324 : vector<16xi1>, vector<16xi32>
      %parallel_loop3A_334 = arith.select %parallel_loop3A_332, %parallel_loop3A_325, %parallel_loop3A_330 : vector<16xi1>, vector<16xi32>
      %parallel_loop3A_335 = arith.subi %parallel_loop3A_333, %parallel_loop3A_334 : vector<16xi32>
      %parallel_loop3A_336 = arith.constant 1 : i32
      %parallel_loop3A_337 = vector.broadcast %parallel_loop3A_336 : i32 to vector<16xi32>
      %parallel_loop3A_338 = arith.shrsi %parallel_loop3A_335, %parallel_loop3A_337 : vector<16xi32>
      %parallel_loop3A_339 = arith.addi %parallel_loop3A_334, %parallel_loop3A_338 : vector<16xi32>
      %parallel_loop3A_340 = tpu.vector_load_idx %arg9[%parallel_loop3A_339] : memref<3072xf32, #tpu.memory_space<vmem>>[vector<16xi32>], vector<16xf32>,
      %parallel_loop3A_341 = arith.cmpf ole, %parallel_loop3A_228, %parallel_loop3A_340 : vector<16xf32>
      %parallel_loop3A_342 = arith.select %parallel_loop3A_341, %parallel_loop3A_339, %parallel_loop3A_333 : vector<16xi1>, vector<16xi32>
      %parallel_loop3A_343 = arith.select %parallel_loop3A_341, %parallel_loop3A_334, %parallel_loop3A_339 : vector<16xi1>, vector<16xi32>
      %parallel_loop3A_344 = arith.constant 1 : i32
      %parallel_loop3A_345 = vector.broadcast %parallel_loop3A_344 : i32 to vector<16xi32>
      %parallel_loop3A_346 = arith.subi %parallel_loop3A_342, %parallel_loop3A_345 : vector<16xi32>
      %parallel_loop3A_347 = arith.constant 0 : i32
      %parallel_loop3A_348 = arith.constant 3070 : i32
      %parallel_loop3A_349 = vector.broadcast %parallel_loop3A_347 : i32 to vector<16xi32>
      %parallel_loop3A_350 = arith.maxsi %parallel_loop3A_349, %parallel_loop3A_346 : vector<16xi32>
      %parallel_loop3A_351 = vector.broadcast %parallel_loop3A_348 : i32 to vector<16xi32>
      %parallel_loop3A_352 = arith.minsi %parallel_loop3A_351, %parallel_loop3A_350 : vector<16xi32>
      %parallel_loop3A_353 = tpu.vector_load_idx %arg9[%parallel_loop3A_352] : memref<3072xf32, #tpu.memory_space<vmem>>[vector<16xi32>], vector<16xf32>,
      %parallel_loop3A_354 = arith.constant 1 : i32
      %parallel_loop3A_355 = vector.broadcast %parallel_loop3A_354 : i32 to vector<16xi32>
      %parallel_loop3A_356 = arith.addi %parallel_loop3A_352, %parallel_loop3A_355 : vector<16xi32>
      %parallel_loop3A_357 = tpu.vector_load_idx %arg9[%parallel_loop3A_356] : memref<3072xf32, #tpu.memory_space<vmem>>[vector<16xi32>], vector<16xf32>,
      %parallel_loop3A_358 = arith.sitofp %parallel_loop3A_352 : vector<16xi32> to vector<16xf32>
      %parallel_loop3A_359 = arith.constant 9.76880547E-4 : f32
      %parallel_loop3A_360 = vector.broadcast %parallel_loop3A_359 : f32 to vector<16xf32>
      %parallel_loop3A_361 = arith.mulf %parallel_loop3A_358, %parallel_loop3A_360 : vector<16xf32>
      %parallel_loop3A_362 = arith.constant 1.000000e+00 : f32
      %parallel_loop3A_363 = vector.broadcast %parallel_loop3A_362 : f32 to vector<16xf32>
      %parallel_loop3A_364 = arith.subf %parallel_loop3A_361, %parallel_loop3A_363 : vector<16xf32>
      %parallel_loop3A_365 = arith.subf %parallel_loop3A_357, %parallel_loop3A_353 : vector<16xf32>
      %parallel_loop3A_366 = arith.constant 0.000000e+00 : f32
      %parallel_loop3A_367 = vector.broadcast %parallel_loop3A_366 : f32 to vector<16xf32>
      %parallel_loop3A_368 = arith.cmpf oeq, %parallel_loop3A_365, %parallel_loop3A_367 : vector<16xf32>
      %parallel_loop3A_369 = arith.constant 1.000000e+00 : f32
      %parallel_loop3A_370 = vector.broadcast %parallel_loop3A_369 : f32 to vector<16xf32>
      %parallel_loop3A_371 = arith.select %parallel_loop3A_368, %parallel_loop3A_370, %parallel_loop3A_365 : vector<16xi1>, vector<16xf32>
      %parallel_loop3A_372 = arith.constant 9.76880547E-4 : f32
      %parallel_loop3A_373 = vector.broadcast %parallel_loop3A_372 : f32 to vector<16xf32>
      %parallel_loop3A_374 = arith.divf %parallel_loop3A_373, %parallel_loop3A_371 : vector<16xf32>
      %parallel_loop3A_375 = arith.subf %parallel_loop3A_228, %parallel_loop3A_353 : vector<16xf32>
      %parallel_loop3A_376 = arith.mulf %parallel_loop3A_374, %parallel_loop3A_375 : vector<16xf32>
      %parallel_loop3A_377 = arith.addf %parallel_loop3A_364, %parallel_loop3A_376 : vector<16xf32>
      %parallel_loop3A_378 = arith.subf %parallel_loop3A_377, %parallel_loop3A_227 : vector<16xf32>
      %parallel_loop3A_379 = math.absf %parallel_loop3A_378 : vector<16xf32>
      %parallel_loop3A_380 = arith.constant 1.000000e+00 : f32
      %parallel_loop3A_381 = vector.broadcast %parallel_loop3A_380 : f32 to vector<16xf32>
      %parallel_loop3A_382 = arith.subf %parallel_loop3A_381, %parallel_loop3A_379 : vector<16xf32>
      %parallel_loop3A_383 = arith.minimumf %parallel_loop3A_379, %parallel_loop3A_382 : vector<16xf32>
      %parallel_loop3A_384 = arith.mulf %parallel_loop3A_383, %parallel_loop3A_383 : vector<16xf32>
      %parallel_loop3A_385 = arith.addf %parallel_loop3A_219, %parallel_loop3A_384 : vector<16xf32>
      scf.yield %parallel_loop3A_385 : vector<16xf32>
    } {sc.loop_unroll_factor = 4 : i64, sc.parallel_access}
    %reduce_sum3A = arith.constant true
    %reduce_sum3A_57 = vector.broadcast %reduce_sum3A : i1 to vector<16xi1>
    %reduce_sum3A_58 = tpu.scan <sum>, %parallel_loop3A_56 masked %reduce_sum3A_57 : vector<16xf32>, vector<16xi1> -> vector<16xf32>
    %reduce_sum3A_59 = vector.extract %reduce_sum3A_58[15] : f32 from vector<16xf32>
    %mul3A_60 = arith.constant 4 : i32
    %mul3A_61 = arith.muli %add3A, %mul3A_60 : i32
    %add3A_62 = arith.constant 1 : i32
    %add3A_63 = arith.addi %mul3A_61, %add3A_62 : i32
    %dma_wait3A_64 = arith.constant 0 : i32
    %dma_wait3A_65 = tpu.memref_slice %arg2[%add3A_26, %dma_wait3A_64] : memref<128x32768xi32, #tpu.memory_space<hbm>> -> memref<1x32768xi32, #tpu.memory_space<hbm>>
    %dma_wait3A_66 = tpu.memref_squeeze %dma_wait3A_65 : memref<1x32768xi32, #tpu.memory_space<hbm>> -> memref<32768xi32, #tpu.memory_space<hbm>>
    %dma_wait3A_67 = arith.constant 0 : i32
    %dma_wait3A_68 = tpu.memref_slice %arg2[%add3A_26, %dma_wait3A_67] : memref<128x32768xi32, #tpu.memory_space<hbm>> -> memref<1x32768xi32, #tpu.memory_space<hbm>>
    %dma_wait3A_69 = tpu.memref_squeeze %dma_wait3A_68 : memref<1x32768xi32, #tpu.memory_space<hbm>> -> memref<32768xi32, #tpu.memory_space<hbm>>
    tpu.wait_dma2 semaphore(%arg12 : memref<!tpu.dma_semaphore, #tpu.memory_space<semaphore_mem>>) src(%dma_wait3A_69 : memref<32768xi32, #tpu.memory_space<hbm>>) dst(%arg6 : memref<32768xi32, #tpu.memory_space<vmem>>)
    %add3A_70 = arith.constant 1 : i32
    %add3A_71 = arith.addi %add3A_63, %add3A_70 : i32
    %dma_start3A_72 = arith.constant 0 : i32
    %dma_start3A_73 = tpu.memref_slice %arg2[%add3A_71, %dma_start3A_72] : memref<128x32768xi32, #tpu.memory_space<hbm>> -> memref<1x32768xi32, #tpu.memory_space<hbm>>
    %dma_start3A_74 = tpu.memref_squeeze %dma_start3A_73 : memref<1x32768xi32, #tpu.memory_space<hbm>> -> memref<32768xi32, #tpu.memory_space<hbm>>
    %dma_start3A_75 = arith.constant 0 : i32
    %dma_start3A_76 = tpu.memref_slice %arg2[%add3A_71, %dma_start3A_75] : memref<128x32768xi32, #tpu.memory_space<hbm>> -> memref<1x32768xi32, #tpu.memory_space<hbm>>
    %dma_start3A_77 = tpu.memref_squeeze %dma_start3A_76 : memref<1x32768xi32, #tpu.memory_space<hbm>> -> memref<32768xi32, #tpu.memory_space<hbm>>
    tpu.enqueue_dma source(%dma_start3A_77 : memref<32768xi32, #tpu.memory_space<hbm>>) target(%arg5 : memref<32768xi32, #tpu.memory_space<vmem>>) target_semaphore(%arg12 : memref<!tpu.dma_semaphore, #tpu.memory_space<semaphore_mem>>)
    %parallel_loop3A_78 = arith.constant 0 : i32
    %parallel_loop3A_79 = arith.constant 2048 : i32
    %parallel_loop3A_80 = arith.constant 1 : i32
    scf.for %parallel_loop3A_218 = %parallel_loop3A_78 to %parallel_loop3A_79 step %parallel_loop3A_80  : i32 {
      %parallel_loop3A_219 = arith.constant 16 : i32
      %parallel_loop3A_220 = arith.muli %parallel_loop3A_218, %parallel_loop3A_219 : i32
      %parallel_loop3A_221 = arith.index_cast %parallel_loop3A_220 : i32 to index
      %parallel_loop3A_222 = tpu.vector_load %arg6[%parallel_loop3A_221] {strides = array<i32>} : memref<32768xi32, #tpu.memory_space<vmem>>, vector<16xi32>,
      %parallel_loop3A_223 = arith.constant 16 : i32
      %parallel_loop3A_224 = vector.broadcast %parallel_loop3A_223 : i32 to vector<16xi32>
      %parallel_loop3A_225 = arith.shli %parallel_loop3A_222, %parallel_loop3A_224 : vector<16xi32>
      %parallel_loop3A_226 = vector.bitcast %parallel_loop3A_225 : vector<16xi32> to vector<16xf32>
      %parallel_loop3A_227 = arith.constant 16 : i32
      %parallel_loop3A_228 = vector.broadcast %parallel_loop3A_227 : i32 to vector<16xi32>
      %parallel_loop3A_229 = arith.shrsi %parallel_loop3A_222, %parallel_loop3A_228 : vector<16xi32>
      tpu.vector_store_idx %arg7[%parallel_loop3A_229], %parallel_loop3A_226 {add = true} : memref<3088xf32, #tpu.memory_space<vmem>>[vector<16xi32>], vector<16xf32>,
    } {sc.loop_unroll_factor = 8 : i64, sc.parallel_access}
    %parallel_loop3A_81 = arith.constant 0 : i32
    %parallel_loop3A_82 = arith.constant 192 : i32
    %parallel_loop3A_83 = arith.constant 1 : i32
    %parallel_loop3A_84 = arith.constant 0.000000e+00 : f32
    %parallel_loop3A_85 = scf.for %parallel_loop3A_218 = %parallel_loop3A_81 to %parallel_loop3A_82 step %parallel_loop3A_83 iter_args(%parallel_loop3A_219 = %parallel_loop3A_84) -> (f32)  : i32 {
      %parallel_loop3A_220 = arith.constant 16 : i32
      %parallel_loop3A_221 = arith.muli %parallel_loop3A_218, %parallel_loop3A_220 : i32
      %parallel_loop3A_222 = arith.index_cast %parallel_loop3A_221 : i32 to index
      %parallel_loop3A_223 = tpu.vector_load %arg7[%parallel_loop3A_222] {strides = array<i32>} : memref<3088xf32, #tpu.memory_space<vmem>>, vector<16xf32>,
      %parallel_loop3A_224 = arith.constant true
      %parallel_loop3A_225 = vector.broadcast %parallel_loop3A_224 : i1 to vector<16xi1>
      %parallel_loop3A_226 = tpu.scan <sum>, %parallel_loop3A_223 masked %parallel_loop3A_225 : vector<16xf32>, vector<16xi1> -> vector<16xf32>
      %parallel_loop3A_227 = arith.subf %parallel_loop3A_226, %parallel_loop3A_223 : vector<16xf32>
      %parallel_loop3A_228 = vector.broadcast %parallel_loop3A_219 : f32 to vector<16xf32>
      %parallel_loop3A_229 = arith.addf %parallel_loop3A_227, %parallel_loop3A_228 : vector<16xf32>
      %parallel_loop3A_230 = arith.constant 16 : i32
      %parallel_loop3A_231 = arith.muli %parallel_loop3A_218, %parallel_loop3A_230 : i32
      %parallel_loop3A_232 = arith.index_cast %parallel_loop3A_231 : i32 to index
      %parallel_loop3A_233 = tpu.vector_load %arg8[%parallel_loop3A_232] {strides = array<i32>} : memref<3088xf32, #tpu.memory_space<vmem>>, vector<16xf32>,
      tpu.vector_store %arg8[%parallel_loop3A_232], %parallel_loop3A_229 {strides = array<i32>} : memref<3088xf32, #tpu.memory_space<vmem>>, vector<16xf32>,
      %parallel_loop3A_234 = arith.constant 0.000000e+00 : f32
      %parallel_loop3A_235 = vector.broadcast %parallel_loop3A_234 : f32 to vector<16xf32>
      %parallel_loop3A_236 = arith.constant 16 : i32
      %parallel_loop3A_237 = arith.muli %parallel_loop3A_218, %parallel_loop3A_236 : i32
      %parallel_loop3A_238 = arith.index_cast %parallel_loop3A_237 : i32 to index
      %parallel_loop3A_239 = tpu.vector_load %arg7[%parallel_loop3A_238] {strides = array<i32>} : memref<3088xf32, #tpu.memory_space<vmem>>, vector<16xf32>,
      tpu.vector_store %arg7[%parallel_loop3A_238], %parallel_loop3A_235 {strides = array<i32>} : memref<3088xf32, #tpu.memory_space<vmem>>, vector<16xf32>,
      %parallel_loop3A_240 = arith.constant true
      %parallel_loop3A_241 = vector.broadcast %parallel_loop3A_240 : i1 to vector<16xi1>
      %parallel_loop3A_242 = tpu.scan <sum>, %parallel_loop3A_223 masked %parallel_loop3A_241 : vector<16xf32>, vector<16xi1> -> vector<16xf32>
      %parallel_loop3A_243 = vector.extract %parallel_loop3A_242[15] : f32 from vector<16xf32>
      %parallel_loop3A_244 = arith.addf %parallel_loop3A_219, %parallel_loop3A_243 : f32
      scf.yield %parallel_loop3A_244 : f32
    } {sc.loop_unroll_factor = 4 : i64, sc.parallel_access}
    %broadcast_in_dim3A_86 = arith.constant 0.000000e+00 : f32
    %broadcast_in_dim3A_87 = vector.broadcast %broadcast_in_dim3A_86 : f32 to vector<16xf32>
    %swap3A_88 = arith.constant 3072 : index
    %swap3A_89 = tpu.vector_load %arg7[%swap3A_88] {strides = array<i32>} : memref<3088xf32, #tpu.memory_space<vmem>>, vector<16xf32>,
    tpu.vector_store %arg7[%swap3A_88], %broadcast_in_dim3A_87 {strides = array<i32>} : memref<3088xf32, #tpu.memory_space<vmem>>, vector<16xf32>,
    %parallel_loop3A_90 = arith.constant 0 : i32
    %parallel_loop3A_91 = arith.constant 192 : i32
    %parallel_loop3A_92 = arith.constant 1 : i32
    scf.for %parallel_loop3A_218 = %parallel_loop3A_90 to %parallel_loop3A_91 step %parallel_loop3A_92  : i32 {
      %parallel_loop3A_219 = arith.constant 16 : i32
      %parallel_loop3A_220 = arith.muli %parallel_loop3A_218, %parallel_loop3A_219 : i32
      %parallel_loop3A_221 = vector.broadcast %parallel_loop3A_220 : i32 to vector<16xi32>
      %parallel_loop3A_222 = arith.addi %parallel_loop3A_221, %iota3A : vector<16xi32>
      %parallel_loop3A_223 = arith.constant 1024 : i32
      %parallel_loop3A_224 = vector.broadcast %parallel_loop3A_223 : i32 to vector<16xi32>
      %parallel_loop3A_225 = arith.cmpi slt, %parallel_loop3A_222, %parallel_loop3A_224 : vector<16xi32>
      %parallel_loop3A_226 = arith.constant 2048 : i32
      %parallel_loop3A_227 = vector.broadcast %parallel_loop3A_226 : i32 to vector<16xi32>
      %parallel_loop3A_228 = arith.cmpi slt, %parallel_loop3A_222, %parallel_loop3A_227 : vector<16xi32>
      %parallel_loop3A_229 = arith.constant 3071 : i32
      %parallel_loop3A_230 = vector.broadcast %parallel_loop3A_229 : i32 to vector<16xi32>
      %parallel_loop3A_231 = arith.cmpi slt, %parallel_loop3A_222, %parallel_loop3A_230 : vector<16xi32>
      %parallel_loop3A_232 = arith.constant 1.000000e+00 : f32
      %parallel_loop3A_233 = arith.constant 2.000000e+00 : f32
      %parallel_loop3A_234 = vector.broadcast %parallel_loop3A_232 : f32 to vector<16xf32>
      %parallel_loop3A_235 = vector.broadcast %parallel_loop3A_233 : f32 to vector<16xf32>
      %parallel_loop3A_236 = arith.select %parallel_loop3A_231, %parallel_loop3A_234, %parallel_loop3A_235 : vector<16xi1>, vector<16xf32>
      %parallel_loop3A_237 = arith.constant 0.000000e+00 : f32
      %parallel_loop3A_238 = vector.broadcast %parallel_loop3A_237 : f32 to vector<16xf32>
      %parallel_loop3A_239 = arith.select %parallel_loop3A_228, %parallel_loop3A_238, %parallel_loop3A_236 : vector<16xi1>, vector<16xf32>
      %parallel_loop3A_240 = arith.constant -1.000000e+00 : f32
      %parallel_loop3A_241 = vector.broadcast %parallel_loop3A_240 : f32 to vector<16xf32>
      %parallel_loop3A_242 = arith.select %parallel_loop3A_225, %parallel_loop3A_241, %parallel_loop3A_239 : vector<16xi1>, vector<16xf32>
      %parallel_loop3A_243 = arith.constant 1024 : i32
      %parallel_loop3A_244 = vector.broadcast %parallel_loop3A_243 : i32 to vector<16xi32>
      %parallel_loop3A_245 = arith.cmpi slt, %parallel_loop3A_222, %parallel_loop3A_244 : vector<16xi32>
      %parallel_loop3A_246 = arith.constant 2048 : i32
      %parallel_loop3A_247 = vector.broadcast %parallel_loop3A_246 : i32 to vector<16xi32>
      %parallel_loop3A_248 = arith.cmpi slt, %parallel_loop3A_222, %parallel_loop3A_247 : vector<16xi32>
      %parallel_loop3A_249 = arith.constant 3071 : i32
      %parallel_loop3A_250 = vector.broadcast %parallel_loop3A_249 : i32 to vector<16xi32>
      %parallel_loop3A_251 = arith.cmpi slt, %parallel_loop3A_222, %parallel_loop3A_250 : vector<16xi32>
      %parallel_loop3A_252 = arith.constant 6142 : i32
      %parallel_loop3A_253 = arith.constant 9213 : i32
      %parallel_loop3A_254 = vector.broadcast %parallel_loop3A_252 : i32 to vector<16xi32>
      %parallel_loop3A_255 = vector.broadcast %parallel_loop3A_253 : i32 to vector<16xi32>
      %parallel_loop3A_256 = arith.select %parallel_loop3A_251, %parallel_loop3A_254, %parallel_loop3A_255 : vector<16xi1>, vector<16xi32>
      %parallel_loop3A_257 = arith.constant 3071 : i32
      %parallel_loop3A_258 = vector.broadcast %parallel_loop3A_257 : i32 to vector<16xi32>
      %parallel_loop3A_259 = arith.select %parallel_loop3A_248, %parallel_loop3A_258, %parallel_loop3A_256 : vector<16xi1>, vector<16xi32>
      %parallel_loop3A_260 = arith.constant 0 : i32
      %parallel_loop3A_261 = vector.broadcast %parallel_loop3A_260 : i32 to vector<16xi32>
      %parallel_loop3A_262 = arith.select %parallel_loop3A_245, %parallel_loop3A_261, %parallel_loop3A_259 : vector<16xi1>, vector<16xi32>
      %parallel_loop3A_263 = arith.constant 3 : i32
      %parallel_loop3A_264 = vector.broadcast %parallel_loop3A_263 : i32 to vector<16xi32>
      %parallel_loop3A_265 = arith.muli %parallel_loop3A_264, %parallel_loop3A_222 : vector<16xi32>
      %parallel_loop3A_266 = arith.subi %parallel_loop3A_265, %parallel_loop3A_262 : vector<16xi32>
      %parallel_loop3A_267 = tpu.vector_load_idx %arg8[%parallel_loop3A_266] : memref<3088xf32, #tpu.memory_space<vmem>>[vector<16xi32>], vector<16xf32>,
      %parallel_loop3A_268 = arith.addf %parallel_loop3A_242, %parallel_loop3A_267 : vector<16xf32>
      %parallel_loop3A_269 = arith.constant 16 : i32
      %parallel_loop3A_270 = arith.muli %parallel_loop3A_218, %parallel_loop3A_269 : i32
      %parallel_loop3A_271 = arith.index_cast %parallel_loop3A_270 : i32 to index
      %parallel_loop3A_272 = tpu.vector_load %arg9[%parallel_loop3A_271] {strides = array<i32>} : memref<3072xf32, #tpu.memory_space<vmem>>, vector<16xf32>,
      tpu.vector_store %arg9[%parallel_loop3A_271], %parallel_loop3A_268 {strides = array<i32>} : memref<3072xf32, #tpu.memory_space<vmem>>, vector<16xf32>,
    } {sc.loop_unroll_factor = 4 : i64, sc.parallel_access}
    %broadcast_in_dim3A_93 = arith.constant 0 : i32
    %broadcast_in_dim3A_94 = vector.broadcast %broadcast_in_dim3A_93 : i32 to vector<16xi32>
    %add3A_95 = vector.broadcast %add3A_63 : i32 to vector<16xi32>
    %add3A_96 = arith.addi %broadcast_in_dim3A_94, %add3A_95 : vector<16xi32>
    %gather3A_97 = tpu.vector_load_idx %arg10[%add3A_96] : memref<128xf32, #tpu.memory_space<vmem>>[vector<16xi32>], vector<16xf32>,
    %broadcast_in_dim3A_98 = arith.constant 0.000000e+00 : f32
    %broadcast_in_dim3A_99 = vector.broadcast %broadcast_in_dim3A_98 : f32 to vector<16xf32>
    %parallel_loop3A_100 = arith.constant 0 : i32
    %parallel_loop3A_101 = arith.constant 64 : i32
    %parallel_loop3A_102 = arith.constant 1 : i32
    %parallel_loop3A_103 = scf.for %parallel_loop3A_218 = %parallel_loop3A_100 to %parallel_loop3A_101 step %parallel_loop3A_102 iter_args(%parallel_loop3A_219 = %broadcast_in_dim3A_99) -> (vector<16xf32>)  : i32 {
      %parallel_loop3A_220 = arith.constant 16 : i32
      %parallel_loop3A_221 = arith.muli %parallel_loop3A_218, %parallel_loop3A_220 : i32
      %parallel_loop3A_222 = vector.broadcast %parallel_loop3A_221 : i32 to vector<16xi32>
      %parallel_loop3A_223 = arith.addi %parallel_loop3A_222, %iota3A : vector<16xi32>
      %parallel_loop3A_224 = arith.sitofp %parallel_loop3A_223 : vector<16xi32> to vector<16xf32>
      %parallel_loop3A_225 = arith.constant 9.765625E-4 : f32
      %parallel_loop3A_226 = vector.broadcast %parallel_loop3A_225 : f32 to vector<16xf32>
      %parallel_loop3A_227 = arith.mulf %parallel_loop3A_224, %parallel_loop3A_226 : vector<16xf32>
      %parallel_loop3A_228 = arith.subf %parallel_loop3A_227, %gather3A_97 : vector<16xf32>
      %parallel_loop3A_229 = arith.constant 0 : i32
      %parallel_loop3A_230 = vector.broadcast %parallel_loop3A_229 : i32 to vector<16xi32>
      %parallel_loop3A_231 = arith.constant 0 : i32
      %parallel_loop3A_232 = vector.broadcast %parallel_loop3A_231 : i32 to vector<16xi32>
      %parallel_loop3A_233 = arith.constant 3072 : i32
      %parallel_loop3A_234 = vector.broadcast %parallel_loop3A_233 : i32 to vector<16xi32>
      %parallel_loop3A_235 = arith.addi %parallel_loop3A_232, %parallel_loop3A_234 : vector<16xi32>
      %parallel_loop3A_236 = arith.subi %parallel_loop3A_235, %parallel_loop3A_230 : vector<16xi32>
      %parallel_loop3A_237 = arith.constant 1 : i32
      %parallel_loop3A_238 = vector.broadcast %parallel_loop3A_237 : i32 to vector<16xi32>
      %parallel_loop3A_239 = arith.shrsi %parallel_loop3A_236, %parallel_loop3A_238 : vector<16xi32>
      %parallel_loop3A_240 = arith.addi %parallel_loop3A_230, %parallel_loop3A_239 : vector<16xi32>
      %parallel_loop3A_241 = tpu.vector_load_idx %arg9[%parallel_loop3A_240] : memref<3072xf32, #tpu.memory_space<vmem>>[vector<16xi32>], vector<16xf32>,
      %parallel_loop3A_242 = arith.cmpf ole, %parallel_loop3A_228, %parallel_loop3A_241 : vector<16xf32>
      %parallel_loop3A_243 = arith.select %parallel_loop3A_242, %parallel_loop3A_240, %parallel_loop3A_235 : vector<16xi1>, vector<16xi32>
      %parallel_loop3A_244 = arith.select %parallel_loop3A_242, %parallel_loop3A_230, %parallel_loop3A_240 : vector<16xi1>, vector<16xi32>
      %parallel_loop3A_245 = arith.subi %parallel_loop3A_243, %parallel_loop3A_244 : vector<16xi32>
      %parallel_loop3A_246 = arith.constant 1 : i32
      %parallel_loop3A_247 = vector.broadcast %parallel_loop3A_246 : i32 to vector<16xi32>
      %parallel_loop3A_248 = arith.shrsi %parallel_loop3A_245, %parallel_loop3A_247 : vector<16xi32>
      %parallel_loop3A_249 = arith.addi %parallel_loop3A_244, %parallel_loop3A_248 : vector<16xi32>
      %parallel_loop3A_250 = tpu.vector_load_idx %arg9[%parallel_loop3A_249] : memref<3072xf32, #tpu.memory_space<vmem>>[vector<16xi32>], vector<16xf32>,
      %parallel_loop3A_251 = arith.cmpf ole, %parallel_loop3A_228, %parallel_loop3A_250 : vector<16xf32>
      %parallel_loop3A_252 = arith.select %parallel_loop3A_251, %parallel_loop3A_249, %parallel_loop3A_243 : vector<16xi1>, vector<16xi32>
      %parallel_loop3A_253 = arith.select %parallel_loop3A_251, %parallel_loop3A_244, %parallel_loop3A_249 : vector<16xi1>, vector<16xi32>
      %parallel_loop3A_254 = arith.subi %parallel_loop3A_252, %parallel_loop3A_253 : vector<16xi32>
      %parallel_loop3A_255 = arith.constant 1 : i32
      %parallel_loop3A_256 = vector.broadcast %parallel_loop3A_255 : i32 to vector<16xi32>
      %parallel_loop3A_257 = arith.shrsi %parallel_loop3A_254, %parallel_loop3A_256 : vector<16xi32>
      %parallel_loop3A_258 = arith.addi %parallel_loop3A_253, %parallel_loop3A_257 : vector<16xi32>
      %parallel_loop3A_259 = tpu.vector_load_idx %arg9[%parallel_loop3A_258] : memref<3072xf32, #tpu.memory_space<vmem>>[vector<16xi32>], vector<16xf32>,
      %parallel_loop3A_260 = arith.cmpf ole, %parallel_loop3A_228, %parallel_loop3A_259 : vector<16xf32>
      %parallel_loop3A_261 = arith.select %parallel_loop3A_260, %parallel_loop3A_258, %parallel_loop3A_252 : vector<16xi1>, vector<16xi32>
      %parallel_loop3A_262 = arith.select %parallel_loop3A_260, %parallel_loop3A_253, %parallel_loop3A_258 : vector<16xi1>, vector<16xi32>
      %parallel_loop3A_263 = arith.subi %parallel_loop3A_261, %parallel_loop3A_262 : vector<16xi32>
      %parallel_loop3A_264 = arith.constant 1 : i32
      %parallel_loop3A_265 = vector.broadcast %parallel_loop3A_264 : i32 to vector<16xi32>
      %parallel_loop3A_266 = arith.shrsi %parallel_loop3A_263, %parallel_loop3A_265 : vector<16xi32>
      %parallel_loop3A_267 = arith.addi %parallel_loop3A_262, %parallel_loop3A_266 : vector<16xi32>
      %parallel_loop3A_268 = tpu.vector_load_idx %arg9[%parallel_loop3A_267] : memref<3072xf32, #tpu.memory_space<vmem>>[vector<16xi32>], vector<16xf32>,
      %parallel_loop3A_269 = arith.cmpf ole, %parallel_loop3A_228, %parallel_loop3A_268 : vector<16xf32>
      %parallel_loop3A_270 = arith.select %parallel_loop3A_269, %parallel_loop3A_267, %parallel_loop3A_261 : vector<16xi1>, vector<16xi32>
      %parallel_loop3A_271 = arith.select %parallel_loop3A_269, %parallel_loop3A_262, %parallel_loop3A_267 : vector<16xi1>, vector<16xi32>
      %parallel_loop3A_272 = arith.subi %parallel_loop3A_270, %parallel_loop3A_271 : vector<16xi32>
      %parallel_loop3A_273 = arith.constant 1 : i32
      %parallel_loop3A_274 = vector.broadcast %parallel_loop3A_273 : i32 to vector<16xi32>
      %parallel_loop3A_275 = arith.shrsi %parallel_loop3A_272, %parallel_loop3A_274 : vector<16xi32>
      %parallel_loop3A_276 = arith.addi %parallel_loop3A_271, %parallel_loop3A_275 : vector<16xi32>
      %parallel_loop3A_277 = tpu.vector_load_idx %arg9[%parallel_loop3A_276] : memref<3072xf32, #tpu.memory_space<vmem>>[vector<16xi32>], vector<16xf32>,
      %parallel_loop3A_278 = arith.cmpf ole, %parallel_loop3A_228, %parallel_loop3A_277 : vector<16xf32>
      %parallel_loop3A_279 = arith.select %parallel_loop3A_278, %parallel_loop3A_276, %parallel_loop3A_270 : vector<16xi1>, vector<16xi32>
      %parallel_loop3A_280 = arith.select %parallel_loop3A_278, %parallel_loop3A_271, %parallel_loop3A_276 : vector<16xi1>, vector<16xi32>
      %parallel_loop3A_281 = arith.subi %parallel_loop3A_279, %parallel_loop3A_280 : vector<16xi32>
      %parallel_loop3A_282 = arith.constant 1 : i32
      %parallel_loop3A_283 = vector.broadcast %parallel_loop3A_282 : i32 to vector<16xi32>
      %parallel_loop3A_284 = arith.shrsi %parallel_loop3A_281, %parallel_loop3A_283 : vector<16xi32>
      %parallel_loop3A_285 = arith.addi %parallel_loop3A_280, %parallel_loop3A_284 : vector<16xi32>
      %parallel_loop3A_286 = tpu.vector_load_idx %arg9[%parallel_loop3A_285] : memref<3072xf32, #tpu.memory_space<vmem>>[vector<16xi32>], vector<16xf32>,
      %parallel_loop3A_287 = arith.cmpf ole, %parallel_loop3A_228, %parallel_loop3A_286 : vector<16xf32>
      %parallel_loop3A_288 = arith.select %parallel_loop3A_287, %parallel_loop3A_285, %parallel_loop3A_279 : vector<16xi1>, vector<16xi32>
      %parallel_loop3A_289 = arith.select %parallel_loop3A_287, %parallel_loop3A_280, %parallel_loop3A_285 : vector<16xi1>, vector<16xi32>
      %parallel_loop3A_290 = arith.subi %parallel_loop3A_288, %parallel_loop3A_289 : vector<16xi32>
      %parallel_loop3A_291 = arith.constant 1 : i32
      %parallel_loop3A_292 = vector.broadcast %parallel_loop3A_291 : i32 to vector<16xi32>
      %parallel_loop3A_293 = arith.shrsi %parallel_loop3A_290, %parallel_loop3A_292 : vector<16xi32>
      %parallel_loop3A_294 = arith.addi %parallel_loop3A_289, %parallel_loop3A_293 : vector<16xi32>
      %parallel_loop3A_295 = tpu.vector_load_idx %arg9[%parallel_loop3A_294] : memref<3072xf32, #tpu.memory_space<vmem>>[vector<16xi32>], vector<16xf32>,
      %parallel_loop3A_296 = arith.cmpf ole, %parallel_loop3A_228, %parallel_loop3A_295 : vector<16xf32>
      %parallel_loop3A_297 = arith.select %parallel_loop3A_296, %parallel_loop3A_294, %parallel_loop3A_288 : vector<16xi1>, vector<16xi32>
      %parallel_loop3A_298 = arith.select %parallel_loop3A_296, %parallel_loop3A_289, %parallel_loop3A_294 : vector<16xi1>, vector<16xi32>
      %parallel_loop3A_299 = arith.subi %parallel_loop3A_297, %parallel_loop3A_298 : vector<16xi32>
      %parallel_loop3A_300 = arith.constant 1 : i32
      %parallel_loop3A_301 = vector.broadcast %parallel_loop3A_300 : i32 to vector<16xi32>
      %parallel_loop3A_302 = arith.shrsi %parallel_loop3A_299, %parallel_loop3A_301 : vector<16xi32>
      %parallel_loop3A_303 = arith.addi %parallel_loop3A_298, %parallel_loop3A_302 : vector<16xi32>
      %parallel_loop3A_304 = tpu.vector_load_idx %arg9[%parallel_loop3A_303] : memref<3072xf32, #tpu.memory_space<vmem>>[vector<16xi32>], vector<16xf32>,
      %parallel_loop3A_305 = arith.cmpf ole, %parallel_loop3A_228, %parallel_loop3A_304 : vector<16xf32>
      %parallel_loop3A_306 = arith.select %parallel_loop3A_305, %parallel_loop3A_303, %parallel_loop3A_297 : vector<16xi1>, vector<16xi32>
      %parallel_loop3A_307 = arith.select %parallel_loop3A_305, %parallel_loop3A_298, %parallel_loop3A_303 : vector<16xi1>, vector<16xi32>
      %parallel_loop3A_308 = arith.subi %parallel_loop3A_306, %parallel_loop3A_307 : vector<16xi32>
      %parallel_loop3A_309 = arith.constant 1 : i32
      %parallel_loop3A_310 = vector.broadcast %parallel_loop3A_309 : i32 to vector<16xi32>
      %parallel_loop3A_311 = arith.shrsi %parallel_loop3A_308, %parallel_loop3A_310 : vector<16xi32>
      %parallel_loop3A_312 = arith.addi %parallel_loop3A_307, %parallel_loop3A_311 : vector<16xi32>
      %parallel_loop3A_313 = tpu.vector_load_idx %arg9[%parallel_loop3A_312] : memref<3072xf32, #tpu.memory_space<vmem>>[vector<16xi32>], vector<16xf32>,
      %parallel_loop3A_314 = arith.cmpf ole, %parallel_loop3A_228, %parallel_loop3A_313 : vector<16xf32>
      %parallel_loop3A_315 = arith.select %parallel_loop3A_314, %parallel_loop3A_312, %parallel_loop3A_306 : vector<16xi1>, vector<16xi32>
      %parallel_loop3A_316 = arith.select %parallel_loop3A_314, %parallel_loop3A_307, %parallel_loop3A_312 : vector<16xi1>, vector<16xi32>
      %parallel_loop3A_317 = arith.subi %parallel_loop3A_315, %parallel_loop3A_316 : vector<16xi32>
      %parallel_loop3A_318 = arith.constant 1 : i32
      %parallel_loop3A_319 = vector.broadcast %parallel_loop3A_318 : i32 to vector<16xi32>
      %parallel_loop3A_320 = arith.shrsi %parallel_loop3A_317, %parallel_loop3A_319 : vector<16xi32>
      %parallel_loop3A_321 = arith.addi %parallel_loop3A_316, %parallel_loop3A_320 : vector<16xi32>
      %parallel_loop3A_322 = tpu.vector_load_idx %arg9[%parallel_loop3A_321] : memref<3072xf32, #tpu.memory_space<vmem>>[vector<16xi32>], vector<16xf32>,
      %parallel_loop3A_323 = arith.cmpf ole, %parallel_loop3A_228, %parallel_loop3A_322 : vector<16xf32>
      %parallel_loop3A_324 = arith.select %parallel_loop3A_323, %parallel_loop3A_321, %parallel_loop3A_315 : vector<16xi1>, vector<16xi32>
      %parallel_loop3A_325 = arith.select %parallel_loop3A_323, %parallel_loop3A_316, %parallel_loop3A_321 : vector<16xi1>, vector<16xi32>
      %parallel_loop3A_326 = arith.subi %parallel_loop3A_324, %parallel_loop3A_325 : vector<16xi32>
      %parallel_loop3A_327 = arith.constant 1 : i32
      %parallel_loop3A_328 = vector.broadcast %parallel_loop3A_327 : i32 to vector<16xi32>
      %parallel_loop3A_329 = arith.shrsi %parallel_loop3A_326, %parallel_loop3A_328 : vector<16xi32>
      %parallel_loop3A_330 = arith.addi %parallel_loop3A_325, %parallel_loop3A_329 : vector<16xi32>
      %parallel_loop3A_331 = tpu.vector_load_idx %arg9[%parallel_loop3A_330] : memref<3072xf32, #tpu.memory_space<vmem>>[vector<16xi32>], vector<16xf32>,
      %parallel_loop3A_332 = arith.cmpf ole, %parallel_loop3A_228, %parallel_loop3A_331 : vector<16xf32>
      %parallel_loop3A_333 = arith.select %parallel_loop3A_332, %parallel_loop3A_330, %parallel_loop3A_324 : vector<16xi1>, vector<16xi32>
      %parallel_loop3A_334 = arith.select %parallel_loop3A_332, %parallel_loop3A_325, %parallel_loop3A_330 : vector<16xi1>, vector<16xi32>
      %parallel_loop3A_335 = arith.subi %parallel_loop3A_333, %parallel_loop3A_334 : vector<16xi32>
      %parallel_loop3A_336 = arith.constant 1 : i32
      %parallel_loop3A_337 = vector.broadcast %parallel_loop3A_336 : i32 to vector<16xi32>
      %parallel_loop3A_338 = arith.shrsi %parallel_loop3A_335, %parallel_loop3A_337 : vector<16xi32>
      %parallel_loop3A_339 = arith.addi %parallel_loop3A_334, %parallel_loop3A_338 : vector<16xi32>
      %parallel_loop3A_340 = tpu.vector_load_idx %arg9[%parallel_loop3A_339] : memref<3072xf32, #tpu.memory_space<vmem>>[vector<16xi32>], vector<16xf32>,
      %parallel_loop3A_341 = arith.cmpf ole, %parallel_loop3A_228, %parallel_loop3A_340 : vector<16xf32>
      %parallel_loop3A_342 = arith.select %parallel_loop3A_341, %parallel_loop3A_339, %parallel_loop3A_333 : vector<16xi1>, vector<16xi32>
      %parallel_loop3A_343 = arith.select %parallel_loop3A_341, %parallel_loop3A_334, %parallel_loop3A_339 : vector<16xi1>, vector<16xi32>
      %parallel_loop3A_344 = arith.constant 1 : i32
      %parallel_loop3A_345 = vector.broadcast %parallel_loop3A_344 : i32 to vector<16xi32>
      %parallel_loop3A_346 = arith.subi %parallel_loop3A_342, %parallel_loop3A_345 : vector<16xi32>
      %parallel_loop3A_347 = arith.constant 0 : i32
      %parallel_loop3A_348 = arith.constant 3070 : i32
      %parallel_loop3A_349 = vector.broadcast %parallel_loop3A_347 : i32 to vector<16xi32>
      %parallel_loop3A_350 = arith.maxsi %parallel_loop3A_349, %parallel_loop3A_346 : vector<16xi32>
      %parallel_loop3A_351 = vector.broadcast %parallel_loop3A_348 : i32 to vector<16xi32>
      %parallel_loop3A_352 = arith.minsi %parallel_loop3A_351, %parallel_loop3A_350 : vector<16xi32>
      %parallel_loop3A_353 = tpu.vector_load_idx %arg9[%parallel_loop3A_352] : memref<3072xf32, #tpu.memory_space<vmem>>[vector<16xi32>], vector<16xf32>,
      %parallel_loop3A_354 = arith.constant 1 : i32
      %parallel_loop3A_355 = vector.broadcast %parallel_loop3A_354 : i32 to vector<16xi32>
      %parallel_loop3A_356 = arith.addi %parallel_loop3A_352, %parallel_loop3A_355 : vector<16xi32>
      %parallel_loop3A_357 = tpu.vector_load_idx %arg9[%parallel_loop3A_356] : memref<3072xf32, #tpu.memory_space<vmem>>[vector<16xi32>], vector<16xf32>,
      %parallel_loop3A_358 = arith.sitofp %parallel_loop3A_352 : vector<16xi32> to vector<16xf32>
      %parallel_loop3A_359 = arith.constant 9.76880547E-4 : f32
      %parallel_loop3A_360 = vector.broadcast %parallel_loop3A_359 : f32 to vector<16xf32>
      %parallel_loop3A_361 = arith.mulf %parallel_loop3A_358, %parallel_loop3A_360 : vector<16xf32>
      %parallel_loop3A_362 = arith.constant 1.000000e+00 : f32
      %parallel_loop3A_363 = vector.broadcast %parallel_loop3A_362 : f32 to vector<16xf32>
      %parallel_loop3A_364 = arith.subf %parallel_loop3A_361, %parallel_loop3A_363 : vector<16xf32>
      %parallel_loop3A_365 = arith.subf %parallel_loop3A_357, %parallel_loop3A_353 : vector<16xf32>
      %parallel_loop3A_366 = arith.constant 0.000000e+00 : f32
      %parallel_loop3A_367 = vector.broadcast %parallel_loop3A_366 : f32 to vector<16xf32>
      %parallel_loop3A_368 = arith.cmpf oeq, %parallel_loop3A_365, %parallel_loop3A_367 : vector<16xf32>
      %parallel_loop3A_369 = arith.constant 1.000000e+00 : f32
      %parallel_loop3A_370 = vector.broadcast %parallel_loop3A_369 : f32 to vector<16xf32>
      %parallel_loop3A_371 = arith.select %parallel_loop3A_368, %parallel_loop3A_370, %parallel_loop3A_365 : vector<16xi1>, vector<16xf32>
      %parallel_loop3A_372 = arith.constant 9.76880547E-4 : f32
      %parallel_loop3A_373 = vector.broadcast %parallel_loop3A_372 : f32 to vector<16xf32>
      %parallel_loop3A_374 = arith.divf %parallel_loop3A_373, %parallel_loop3A_371 : vector<16xf32>
      %parallel_loop3A_375 = arith.subf %parallel_loop3A_228, %parallel_loop3A_353 : vector<16xf32>
      %parallel_loop3A_376 = arith.mulf %parallel_loop3A_374, %parallel_loop3A_375 : vector<16xf32>
      %parallel_loop3A_377 = arith.addf %parallel_loop3A_364, %parallel_loop3A_376 : vector<16xf32>
      %parallel_loop3A_378 = arith.subf %parallel_loop3A_377, %parallel_loop3A_227 : vector<16xf32>
      %parallel_loop3A_379 = math.absf %parallel_loop3A_378 : vector<16xf32>
      %parallel_loop3A_380 = arith.constant 1.000000e+00 : f32
      %parallel_loop3A_381 = vector.broadcast %parallel_loop3A_380 : f32 to vector<16xf32>
      %parallel_loop3A_382 = arith.subf %parallel_loop3A_381, %parallel_loop3A_379 : vector<16xf32>
      %parallel_loop3A_383 = arith.minimumf %parallel_loop3A_379, %parallel_loop3A_382 : vector<16xf32>
      %parallel_loop3A_384 = arith.mulf %parallel_loop3A_383, %parallel_loop3A_383 : vector<16xf32>
      %parallel_loop3A_385 = arith.addf %parallel_loop3A_219, %parallel_loop3A_384 : vector<16xf32>
      scf.yield %parallel_loop3A_385 : vector<16xf32>
    } {sc.loop_unroll_factor = 4 : i64, sc.parallel_access}
    %reduce_sum3A_104 = arith.constant true
    %reduce_sum3A_105 = vector.broadcast %reduce_sum3A_104 : i1 to vector<16xi1>
    %reduce_sum3A_106 = tpu.scan <sum>, %parallel_loop3A_103 masked %reduce_sum3A_105 : vector<16xf32>, vector<16xi1> -> vector<16xf32>
    %reduce_sum3A_107 = vector.extract %reduce_sum3A_106[15] : f32 from vector<16xf32>
    %mul3A_108 = arith.constant 4 : i32
    %mul3A_109 = arith.muli %add3A, %mul3A_108 : i32
    %add3A_110 = arith.constant 2 : i32
    %add3A_111 = arith.addi %mul3A_109, %add3A_110 : i32
    %dma_wait3A_112 = arith.constant 0 : i32
    %dma_wait3A_113 = tpu.memref_slice %arg2[%add3A_71, %dma_wait3A_112] : memref<128x32768xi32, #tpu.memory_space<hbm>> -> memref<1x32768xi32, #tpu.memory_space<hbm>>
    %dma_wait3A_114 = tpu.memref_squeeze %dma_wait3A_113 : memref<1x32768xi32, #tpu.memory_space<hbm>> -> memref<32768xi32, #tpu.memory_space<hbm>>
    %dma_wait3A_115 = arith.constant 0 : i32
    %dma_wait3A_116 = tpu.memref_slice %arg2[%add3A_71, %dma_wait3A_115] : memref<128x32768xi32, #tpu.memory_space<hbm>> -> memref<1x32768xi32, #tpu.memory_space<hbm>>
    %dma_wait3A_117 = tpu.memref_squeeze %dma_wait3A_116 : memref<1x32768xi32, #tpu.memory_space<hbm>> -> memref<32768xi32, #tpu.memory_space<hbm>>
    tpu.wait_dma2 semaphore(%arg12 : memref<!tpu.dma_semaphore, #tpu.memory_space<semaphore_mem>>) src(%dma_wait3A_117 : memref<32768xi32, #tpu.memory_space<hbm>>) dst(%arg5 : memref<32768xi32, #tpu.memory_space<vmem>>)
    %add3A_118 = arith.constant 1 : i32
    %add3A_119 = arith.addi %add3A_111, %add3A_118 : i32
    %dma_start3A_120 = arith.constant 0 : i32
    %dma_start3A_121 = tpu.memref_slice %arg2[%add3A_119, %dma_start3A_120] : memref<128x32768xi32, #tpu.memory_space<hbm>> -> memref<1x32768xi32, #tpu.memory_space<hbm>>
    %dma_start3A_122 = tpu.memref_squeeze %dma_start3A_121 : memref<1x32768xi32, #tpu.memory_space<hbm>> -> memref<32768xi32, #tpu.memory_space<hbm>>
    %dma_start3A_123 = arith.constant 0 : i32
    %dma_start3A_124 = tpu.memref_slice %arg2[%add3A_119, %dma_start3A_123] : memref<128x32768xi32, #tpu.memory_space<hbm>> -> memref<1x32768xi32, #tpu.memory_space<hbm>>
    %dma_start3A_125 = tpu.memref_squeeze %dma_start3A_124 : memref<1x32768xi32, #tpu.memory_space<hbm>> -> memref<32768xi32, #tpu.memory_space<hbm>>
    tpu.enqueue_dma source(%dma_start3A_125 : memref<32768xi32, #tpu.memory_space<hbm>>) target(%arg6 : memref<32768xi32, #tpu.memory_space<vmem>>) target_semaphore(%arg12 : memref<!tpu.dma_semaphore, #tpu.memory_space<semaphore_mem>>)
    %parallel_loop3A_126 = arith.constant 0 : i32
    %parallel_loop3A_127 = arith.constant 2048 : i32
    %parallel_loop3A_128 = arith.constant 1 : i32
    scf.for %parallel_loop3A_218 = %parallel_loop3A_126 to %parallel_loop3A_127 step %parallel_loop3A_128  : i32 {
      %parallel_loop3A_219 = arith.constant 16 : i32
      %parallel_loop3A_220 = arith.muli %parallel_loop3A_218, %parallel_loop3A_219 : i32
      %parallel_loop3A_221 = arith.index_cast %parallel_loop3A_220 : i32 to index
      %parallel_loop3A_222 = tpu.vector_load %arg5[%parallel_loop3A_221] {strides = array<i32>} : memref<32768xi32, #tpu.memory_space<vmem>>, vector<16xi32>,
      %parallel_loop3A_223 = arith.constant 16 : i32
      %parallel_loop3A_224 = vector.broadcast %parallel_loop3A_223 : i32 to vector<16xi32>
      %parallel_loop3A_225 = arith.shli %parallel_loop3A_222, %parallel_loop3A_224 : vector<16xi32>
      %parallel_loop3A_226 = vector.bitcast %parallel_loop3A_225 : vector<16xi32> to vector<16xf32>
      %parallel_loop3A_227 = arith.constant 16 : i32
      %parallel_loop3A_228 = vector.broadcast %parallel_loop3A_227 : i32 to vector<16xi32>
      %parallel_loop3A_229 = arith.shrsi %parallel_loop3A_222, %parallel_loop3A_228 : vector<16xi32>
      tpu.vector_store_idx %arg7[%parallel_loop3A_229], %parallel_loop3A_226 {add = true} : memref<3088xf32, #tpu.memory_space<vmem>>[vector<16xi32>], vector<16xf32>,
    } {sc.loop_unroll_factor = 8 : i64, sc.parallel_access}
    %parallel_loop3A_129 = arith.constant 0 : i32
    %parallel_loop3A_130 = arith.constant 192 : i32
    %parallel_loop3A_131 = arith.constant 1 : i32
    %parallel_loop3A_132 = arith.constant 0.000000e+00 : f32
    %parallel_loop3A_133 = scf.for %parallel_loop3A_218 = %parallel_loop3A_129 to %parallel_loop3A_130 step %parallel_loop3A_131 iter_args(%parallel_loop3A_219 = %parallel_loop3A_132) -> (f32)  : i32 {
      %parallel_loop3A_220 = arith.constant 16 : i32
      %parallel_loop3A_221 = arith.muli %parallel_loop3A_218, %parallel_loop3A_220 : i32
      %parallel_loop3A_222 = arith.index_cast %parallel_loop3A_221 : i32 to index
      %parallel_loop3A_223 = tpu.vector_load %arg7[%parallel_loop3A_222] {strides = array<i32>} : memref<3088xf32, #tpu.memory_space<vmem>>, vector<16xf32>,
      %parallel_loop3A_224 = arith.constant true
      %parallel_loop3A_225 = vector.broadcast %parallel_loop3A_224 : i1 to vector<16xi1>
      %parallel_loop3A_226 = tpu.scan <sum>, %parallel_loop3A_223 masked %parallel_loop3A_225 : vector<16xf32>, vector<16xi1> -> vector<16xf32>
      %parallel_loop3A_227 = arith.subf %parallel_loop3A_226, %parallel_loop3A_223 : vector<16xf32>
      %parallel_loop3A_228 = vector.broadcast %parallel_loop3A_219 : f32 to vector<16xf32>
      %parallel_loop3A_229 = arith.addf %parallel_loop3A_227, %parallel_loop3A_228 : vector<16xf32>
      %parallel_loop3A_230 = arith.constant 16 : i32
      %parallel_loop3A_231 = arith.muli %parallel_loop3A_218, %parallel_loop3A_230 : i32
      %parallel_loop3A_232 = arith.index_cast %parallel_loop3A_231 : i32 to index
      %parallel_loop3A_233 = tpu.vector_load %arg8[%parallel_loop3A_232] {strides = array<i32>} : memref<3088xf32, #tpu.memory_space<vmem>>, vector<16xf32>,
      tpu.vector_store %arg8[%parallel_loop3A_232], %parallel_loop3A_229 {strides = array<i32>} : memref<3088xf32, #tpu.memory_space<vmem>>, vector<16xf32>,
      %parallel_loop3A_234 = arith.constant 0.000000e+00 : f32
      %parallel_loop3A_235 = vector.broadcast %parallel_loop3A_234 : f32 to vector<16xf32>
      %parallel_loop3A_236 = arith.constant 16 : i32
      %parallel_loop3A_237 = arith.muli %parallel_loop3A_218, %parallel_loop3A_236 : i32
      %parallel_loop3A_238 = arith.index_cast %parallel_loop3A_237 : i32 to index
      %parallel_loop3A_239 = tpu.vector_load %arg7[%parallel_loop3A_238] {strides = array<i32>} : memref<3088xf32, #tpu.memory_space<vmem>>, vector<16xf32>,
      tpu.vector_store %arg7[%parallel_loop3A_238], %parallel_loop3A_235 {strides = array<i32>} : memref<3088xf32, #tpu.memory_space<vmem>>, vector<16xf32>,
      %parallel_loop3A_240 = arith.constant true
      %parallel_loop3A_241 = vector.broadcast %parallel_loop3A_240 : i1 to vector<16xi1>
      %parallel_loop3A_242 = tpu.scan <sum>, %parallel_loop3A_223 masked %parallel_loop3A_241 : vector<16xf32>, vector<16xi1> -> vector<16xf32>
      %parallel_loop3A_243 = vector.extract %parallel_loop3A_242[15] : f32 from vector<16xf32>
      %parallel_loop3A_244 = arith.addf %parallel_loop3A_219, %parallel_loop3A_243 : f32
      scf.yield %parallel_loop3A_244 : f32
    } {sc.loop_unroll_factor = 4 : i64, sc.parallel_access}
    %broadcast_in_dim3A_134 = arith.constant 0.000000e+00 : f32
    %broadcast_in_dim3A_135 = vector.broadcast %broadcast_in_dim3A_134 : f32 to vector<16xf32>
    %swap3A_136 = arith.constant 3072 : index
    %swap3A_137 = tpu.vector_load %arg7[%swap3A_136] {strides = array<i32>} : memref<3088xf32, #tpu.memory_space<vmem>>, vector<16xf32>,
    tpu.vector_store %arg7[%swap3A_136], %broadcast_in_dim3A_135 {strides = array<i32>} : memref<3088xf32, #tpu.memory_space<vmem>>, vector<16xf32>,
    %parallel_loop3A_138 = arith.constant 0 : i32
    %parallel_loop3A_139 = arith.constant 192 : i32
    %parallel_loop3A_140 = arith.constant 1 : i32
    scf.for %parallel_loop3A_218 = %parallel_loop3A_138 to %parallel_loop3A_139 step %parallel_loop3A_140  : i32 {
      %parallel_loop3A_219 = arith.constant 16 : i32
      %parallel_loop3A_220 = arith.muli %parallel_loop3A_218, %parallel_loop3A_219 : i32
      %parallel_loop3A_221 = vector.broadcast %parallel_loop3A_220 : i32 to vector<16xi32>
      %parallel_loop3A_222 = arith.addi %parallel_loop3A_221, %iota3A : vector<16xi32>
      %parallel_loop3A_223 = arith.constant 1024 : i32
      %parallel_loop3A_224 = vector.broadcast %parallel_loop3A_223 : i32 to vector<16xi32>
      %parallel_loop3A_225 = arith.cmpi slt, %parallel_loop3A_222, %parallel_loop3A_224 : vector<16xi32>
      %parallel_loop3A_226 = arith.constant 2048 : i32
      %parallel_loop3A_227 = vector.broadcast %parallel_loop3A_226 : i32 to vector<16xi32>
      %parallel_loop3A_228 = arith.cmpi slt, %parallel_loop3A_222, %parallel_loop3A_227 : vector<16xi32>
      %parallel_loop3A_229 = arith.constant 3071 : i32
      %parallel_loop3A_230 = vector.broadcast %parallel_loop3A_229 : i32 to vector<16xi32>
      %parallel_loop3A_231 = arith.cmpi slt, %parallel_loop3A_222, %parallel_loop3A_230 : vector<16xi32>
      %parallel_loop3A_232 = arith.constant 1.000000e+00 : f32
      %parallel_loop3A_233 = arith.constant 2.000000e+00 : f32
      %parallel_loop3A_234 = vector.broadcast %parallel_loop3A_232 : f32 to vector<16xf32>
      %parallel_loop3A_235 = vector.broadcast %parallel_loop3A_233 : f32 to vector<16xf32>
      %parallel_loop3A_236 = arith.select %parallel_loop3A_231, %parallel_loop3A_234, %parallel_loop3A_235 : vector<16xi1>, vector<16xf32>
      %parallel_loop3A_237 = arith.constant 0.000000e+00 : f32
      %parallel_loop3A_238 = vector.broadcast %parallel_loop3A_237 : f32 to vector<16xf32>
      %parallel_loop3A_239 = arith.select %parallel_loop3A_228, %parallel_loop3A_238, %parallel_loop3A_236 : vector<16xi1>, vector<16xf32>
      %parallel_loop3A_240 = arith.constant -1.000000e+00 : f32
      %parallel_loop3A_241 = vector.broadcast %parallel_loop3A_240 : f32 to vector<16xf32>
      %parallel_loop3A_242 = arith.select %parallel_loop3A_225, %parallel_loop3A_241, %parallel_loop3A_239 : vector<16xi1>, vector<16xf32>
      %parallel_loop3A_243 = arith.constant 1024 : i32
      %parallel_loop3A_244 = vector.broadcast %parallel_loop3A_243 : i32 to vector<16xi32>
      %parallel_loop3A_245 = arith.cmpi slt, %parallel_loop3A_222, %parallel_loop3A_244 : vector<16xi32>
      %parallel_loop3A_246 = arith.constant 2048 : i32
      %parallel_loop3A_247 = vector.broadcast %parallel_loop3A_246 : i32 to vector<16xi32>
      %parallel_loop3A_248 = arith.cmpi slt, %parallel_loop3A_222, %parallel_loop3A_247 : vector<16xi32>
      %parallel_loop3A_249 = arith.constant 3071 : i32
      %parallel_loop3A_250 = vector.broadcast %parallel_loop3A_249 : i32 to vector<16xi32>
      %parallel_loop3A_251 = arith.cmpi slt, %parallel_loop3A_222, %parallel_loop3A_250 : vector<16xi32>
      %parallel_loop3A_252 = arith.constant 6142 : i32
      %parallel_loop3A_253 = arith.constant 9213 : i32
      %parallel_loop3A_254 = vector.broadcast %parallel_loop3A_252 : i32 to vector<16xi32>
      %parallel_loop3A_255 = vector.broadcast %parallel_loop3A_253 : i32 to vector<16xi32>
      %parallel_loop3A_256 = arith.select %parallel_loop3A_251, %parallel_loop3A_254, %parallel_loop3A_255 : vector<16xi1>, vector<16xi32>
      %parallel_loop3A_257 = arith.constant 3071 : i32
      %parallel_loop3A_258 = vector.broadcast %parallel_loop3A_257 : i32 to vector<16xi32>
      %parallel_loop3A_259 = arith.select %parallel_loop3A_248, %parallel_loop3A_258, %parallel_loop3A_256 : vector<16xi1>, vector<16xi32>
      %parallel_loop3A_260 = arith.constant 0 : i32
      %parallel_loop3A_261 = vector.broadcast %parallel_loop3A_260 : i32 to vector<16xi32>
      %parallel_loop3A_262 = arith.select %parallel_loop3A_245, %parallel_loop3A_261, %parallel_loop3A_259 : vector<16xi1>, vector<16xi32>
      %parallel_loop3A_263 = arith.constant 3 : i32
      %parallel_loop3A_264 = vector.broadcast %parallel_loop3A_263 : i32 to vector<16xi32>
      %parallel_loop3A_265 = arith.muli %parallel_loop3A_264, %parallel_loop3A_222 : vector<16xi32>
      %parallel_loop3A_266 = arith.subi %parallel_loop3A_265, %parallel_loop3A_262 : vector<16xi32>
      %parallel_loop3A_267 = tpu.vector_load_idx %arg8[%parallel_loop3A_266] : memref<3088xf32, #tpu.memory_space<vmem>>[vector<16xi32>], vector<16xf32>,
      %parallel_loop3A_268 = arith.addf %parallel_loop3A_242, %parallel_loop3A_267 : vector<16xf32>
      %parallel_loop3A_269 = arith.constant 16 : i32
      %parallel_loop3A_270 = arith.muli %parallel_loop3A_218, %parallel_loop3A_269 : i32
      %parallel_loop3A_271 = arith.index_cast %parallel_loop3A_270 : i32 to index
      %parallel_loop3A_272 = tpu.vector_load %arg9[%parallel_loop3A_271] {strides = array<i32>} : memref<3072xf32, #tpu.memory_space<vmem>>, vector<16xf32>,
      tpu.vector_store %arg9[%parallel_loop3A_271], %parallel_loop3A_268 {strides = array<i32>} : memref<3072xf32, #tpu.memory_space<vmem>>, vector<16xf32>,
    } {sc.loop_unroll_factor = 4 : i64, sc.parallel_access}
    %broadcast_in_dim3A_141 = arith.constant 0 : i32
    %broadcast_in_dim3A_142 = vector.broadcast %broadcast_in_dim3A_141 : i32 to vector<16xi32>
    %add3A_143 = vector.broadcast %add3A_111 : i32 to vector<16xi32>
    %add3A_144 = arith.addi %broadcast_in_dim3A_142, %add3A_143 : vector<16xi32>
    %gather3A_145 = tpu.vector_load_idx %arg10[%add3A_144] : memref<128xf32, #tpu.memory_space<vmem>>[vector<16xi32>], vector<16xf32>,
    %broadcast_in_dim3A_146 = arith.constant 0.000000e+00 : f32
    %broadcast_in_dim3A_147 = vector.broadcast %broadcast_in_dim3A_146 : f32 to vector<16xf32>
    %parallel_loop3A_148 = arith.constant 0 : i32
    %parallel_loop3A_149 = arith.constant 64 : i32
    %parallel_loop3A_150 = arith.constant 1 : i32
    %parallel_loop3A_151 = scf.for %parallel_loop3A_218 = %parallel_loop3A_148 to %parallel_loop3A_149 step %parallel_loop3A_150 iter_args(%parallel_loop3A_219 = %broadcast_in_dim3A_147) -> (vector<16xf32>)  : i32 {
      %parallel_loop3A_220 = arith.constant 16 : i32
      %parallel_loop3A_221 = arith.muli %parallel_loop3A_218, %parallel_loop3A_220 : i32
      %parallel_loop3A_222 = vector.broadcast %parallel_loop3A_221 : i32 to vector<16xi32>
      %parallel_loop3A_223 = arith.addi %parallel_loop3A_222, %iota3A : vector<16xi32>
      %parallel_loop3A_224 = arith.sitofp %parallel_loop3A_223 : vector<16xi32> to vector<16xf32>
      %parallel_loop3A_225 = arith.constant 9.765625E-4 : f32
      %parallel_loop3A_226 = vector.broadcast %parallel_loop3A_225 : f32 to vector<16xf32>
      %parallel_loop3A_227 = arith.mulf %parallel_loop3A_224, %parallel_loop3A_226 : vector<16xf32>
      %parallel_loop3A_228 = arith.subf %parallel_loop3A_227, %gather3A_145 : vector<16xf32>
      %parallel_loop3A_229 = arith.constant 0 : i32
      %parallel_loop3A_230 = vector.broadcast %parallel_loop3A_229 : i32 to vector<16xi32>
      %parallel_loop3A_231 = arith.constant 0 : i32
      %parallel_loop3A_232 = vector.broadcast %parallel_loop3A_231 : i32 to vector<16xi32>
      %parallel_loop3A_233 = arith.constant 3072 : i32
      %parallel_loop3A_234 = vector.broadcast %parallel_loop3A_233 : i32 to vector<16xi32>
      %parallel_loop3A_235 = arith.addi %parallel_loop3A_232, %parallel_loop3A_234 : vector<16xi32>
      %parallel_loop3A_236 = arith.subi %parallel_loop3A_235, %parallel_loop3A_230 : vector<16xi32>
      %parallel_loop3A_237 = arith.constant 1 : i32
      %parallel_loop3A_238 = vector.broadcast %parallel_loop3A_237 : i32 to vector<16xi32>
      %parallel_loop3A_239 = arith.shrsi %parallel_loop3A_236, %parallel_loop3A_238 : vector<16xi32>
      %parallel_loop3A_240 = arith.addi %parallel_loop3A_230, %parallel_loop3A_239 : vector<16xi32>
      %parallel_loop3A_241 = tpu.vector_load_idx %arg9[%parallel_loop3A_240] : memref<3072xf32, #tpu.memory_space<vmem>>[vector<16xi32>], vector<16xf32>,
      %parallel_loop3A_242 = arith.cmpf ole, %parallel_loop3A_228, %parallel_loop3A_241 : vector<16xf32>
      %parallel_loop3A_243 = arith.select %parallel_loop3A_242, %parallel_loop3A_240, %parallel_loop3A_235 : vector<16xi1>, vector<16xi32>
      %parallel_loop3A_244 = arith.select %parallel_loop3A_242, %parallel_loop3A_230, %parallel_loop3A_240 : vector<16xi1>, vector<16xi32>
      %parallel_loop3A_245 = arith.subi %parallel_loop3A_243, %parallel_loop3A_244 : vector<16xi32>
      %parallel_loop3A_246 = arith.constant 1 : i32
      %parallel_loop3A_247 = vector.broadcast %parallel_loop3A_246 : i32 to vector<16xi32>
      %parallel_loop3A_248 = arith.shrsi %parallel_loop3A_245, %parallel_loop3A_247 : vector<16xi32>
      %parallel_loop3A_249 = arith.addi %parallel_loop3A_244, %parallel_loop3A_248 : vector<16xi32>
      %parallel_loop3A_250 = tpu.vector_load_idx %arg9[%parallel_loop3A_249] : memref<3072xf32, #tpu.memory_space<vmem>>[vector<16xi32>], vector<16xf32>,
      %parallel_loop3A_251 = arith.cmpf ole, %parallel_loop3A_228, %parallel_loop3A_250 : vector<16xf32>
      %parallel_loop3A_252 = arith.select %parallel_loop3A_251, %parallel_loop3A_249, %parallel_loop3A_243 : vector<16xi1>, vector<16xi32>
      %parallel_loop3A_253 = arith.select %parallel_loop3A_251, %parallel_loop3A_244, %parallel_loop3A_249 : vector<16xi1>, vector<16xi32>
      %parallel_loop3A_254 = arith.subi %parallel_loop3A_252, %parallel_loop3A_253 : vector<16xi32>
      %parallel_loop3A_255 = arith.constant 1 : i32
      %parallel_loop3A_256 = vector.broadcast %parallel_loop3A_255 : i32 to vector<16xi32>
      %parallel_loop3A_257 = arith.shrsi %parallel_loop3A_254, %parallel_loop3A_256 : vector<16xi32>
      %parallel_loop3A_258 = arith.addi %parallel_loop3A_253, %parallel_loop3A_257 : vector<16xi32>
      %parallel_loop3A_259 = tpu.vector_load_idx %arg9[%parallel_loop3A_258] : memref<3072xf32, #tpu.memory_space<vmem>>[vector<16xi32>], vector<16xf32>,
      %parallel_loop3A_260 = arith.cmpf ole, %parallel_loop3A_228, %parallel_loop3A_259 : vector<16xf32>
      %parallel_loop3A_261 = arith.select %parallel_loop3A_260, %parallel_loop3A_258, %parallel_loop3A_252 : vector<16xi1>, vector<16xi32>
      %parallel_loop3A_262 = arith.select %parallel_loop3A_260, %parallel_loop3A_253, %parallel_loop3A_258 : vector<16xi1>, vector<16xi32>
      %parallel_loop3A_263 = arith.subi %parallel_loop3A_261, %parallel_loop3A_262 : vector<16xi32>
      %parallel_loop3A_264 = arith.constant 1 : i32
      %parallel_loop3A_265 = vector.broadcast %parallel_loop3A_264 : i32 to vector<16xi32>
      %parallel_loop3A_266 = arith.shrsi %parallel_loop3A_263, %parallel_loop3A_265 : vector<16xi32>
      %parallel_loop3A_267 = arith.addi %parallel_loop3A_262, %parallel_loop3A_266 : vector<16xi32>
      %parallel_loop3A_268 = tpu.vector_load_idx %arg9[%parallel_loop3A_267] : memref<3072xf32, #tpu.memory_space<vmem>>[vector<16xi32>], vector<16xf32>,
      %parallel_loop3A_269 = arith.cmpf ole, %parallel_loop3A_228, %parallel_loop3A_268 : vector<16xf32>
      %parallel_loop3A_270 = arith.select %parallel_loop3A_269, %parallel_loop3A_267, %parallel_loop3A_261 : vector<16xi1>, vector<16xi32>
      %parallel_loop3A_271 = arith.select %parallel_loop3A_269, %parallel_loop3A_262, %parallel_loop3A_267 : vector<16xi1>, vector<16xi32>
      %parallel_loop3A_272 = arith.subi %parallel_loop3A_270, %parallel_loop3A_271 : vector<16xi32>
      %parallel_loop3A_273 = arith.constant 1 : i32
      %parallel_loop3A_274 = vector.broadcast %parallel_loop3A_273 : i32 to vector<16xi32>
      %parallel_loop3A_275 = arith.shrsi %parallel_loop3A_272, %parallel_loop3A_274 : vector<16xi32>
      %parallel_loop3A_276 = arith.addi %parallel_loop3A_271, %parallel_loop3A_275 : vector<16xi32>
      %parallel_loop3A_277 = tpu.vector_load_idx %arg9[%parallel_loop3A_276] : memref<3072xf32, #tpu.memory_space<vmem>>[vector<16xi32>], vector<16xf32>,
      %parallel_loop3A_278 = arith.cmpf ole, %parallel_loop3A_228, %parallel_loop3A_277 : vector<16xf32>
      %parallel_loop3A_279 = arith.select %parallel_loop3A_278, %parallel_loop3A_276, %parallel_loop3A_270 : vector<16xi1>, vector<16xi32>
      %parallel_loop3A_280 = arith.select %parallel_loop3A_278, %parallel_loop3A_271, %parallel_loop3A_276 : vector<16xi1>, vector<16xi32>
      %parallel_loop3A_281 = arith.subi %parallel_loop3A_279, %parallel_loop3A_280 : vector<16xi32>
      %parallel_loop3A_282 = arith.constant 1 : i32
      %parallel_loop3A_283 = vector.broadcast %parallel_loop3A_282 : i32 to vector<16xi32>
      %parallel_loop3A_284 = arith.shrsi %parallel_loop3A_281, %parallel_loop3A_283 : vector<16xi32>
      %parallel_loop3A_285 = arith.addi %parallel_loop3A_280, %parallel_loop3A_284 : vector<16xi32>
      %parallel_loop3A_286 = tpu.vector_load_idx %arg9[%parallel_loop3A_285] : memref<3072xf32, #tpu.memory_space<vmem>>[vector<16xi32>], vector<16xf32>,
      %parallel_loop3A_287 = arith.cmpf ole, %parallel_loop3A_228, %parallel_loop3A_286 : vector<16xf32>
      %parallel_loop3A_288 = arith.select %parallel_loop3A_287, %parallel_loop3A_285, %parallel_loop3A_279 : vector<16xi1>, vector<16xi32>
      %parallel_loop3A_289 = arith.select %parallel_loop3A_287, %parallel_loop3A_280, %parallel_loop3A_285 : vector<16xi1>, vector<16xi32>
      %parallel_loop3A_290 = arith.subi %parallel_loop3A_288, %parallel_loop3A_289 : vector<16xi32>
      %parallel_loop3A_291 = arith.constant 1 : i32
      %parallel_loop3A_292 = vector.broadcast %parallel_loop3A_291 : i32 to vector<16xi32>
      %parallel_loop3A_293 = arith.shrsi %parallel_loop3A_290, %parallel_loop3A_292 : vector<16xi32>
      %parallel_loop3A_294 = arith.addi %parallel_loop3A_289, %parallel_loop3A_293 : vector<16xi32>
      %parallel_loop3A_295 = tpu.vector_load_idx %arg9[%parallel_loop3A_294] : memref<3072xf32, #tpu.memory_space<vmem>>[vector<16xi32>], vector<16xf32>,
      %parallel_loop3A_296 = arith.cmpf ole, %parallel_loop3A_228, %parallel_loop3A_295 : vector<16xf32>
      %parallel_loop3A_297 = arith.select %parallel_loop3A_296, %parallel_loop3A_294, %parallel_loop3A_288 : vector<16xi1>, vector<16xi32>
      %parallel_loop3A_298 = arith.select %parallel_loop3A_296, %parallel_loop3A_289, %parallel_loop3A_294 : vector<16xi1>, vector<16xi32>
      %parallel_loop3A_299 = arith.subi %parallel_loop3A_297, %parallel_loop3A_298 : vector<16xi32>
      %parallel_loop3A_300 = arith.constant 1 : i32
      %parallel_loop3A_301 = vector.broadcast %parallel_loop3A_300 : i32 to vector<16xi32>
      %parallel_loop3A_302 = arith.shrsi %parallel_loop3A_299, %parallel_loop3A_301 : vector<16xi32>
      %parallel_loop3A_303 = arith.addi %parallel_loop3A_298, %parallel_loop3A_302 : vector<16xi32>
      %parallel_loop3A_304 = tpu.vector_load_idx %arg9[%parallel_loop3A_303] : memref<3072xf32, #tpu.memory_space<vmem>>[vector<16xi32>], vector<16xf32>,
      %parallel_loop3A_305 = arith.cmpf ole, %parallel_loop3A_228, %parallel_loop3A_304 : vector<16xf32>
      %parallel_loop3A_306 = arith.select %parallel_loop3A_305, %parallel_loop3A_303, %parallel_loop3A_297 : vector<16xi1>, vector<16xi32>
      %parallel_loop3A_307 = arith.select %parallel_loop3A_305, %parallel_loop3A_298, %parallel_loop3A_303 : vector<16xi1>, vector<16xi32>
      %parallel_loop3A_308 = arith.subi %parallel_loop3A_306, %parallel_loop3A_307 : vector<16xi32>
      %parallel_loop3A_309 = arith.constant 1 : i32
      %parallel_loop3A_310 = vector.broadcast %parallel_loop3A_309 : i32 to vector<16xi32>
      %parallel_loop3A_311 = arith.shrsi %parallel_loop3A_308, %parallel_loop3A_310 : vector<16xi32>
      %parallel_loop3A_312 = arith.addi %parallel_loop3A_307, %parallel_loop3A_311 : vector<16xi32>
      %parallel_loop3A_313 = tpu.vector_load_idx %arg9[%parallel_loop3A_312] : memref<3072xf32, #tpu.memory_space<vmem>>[vector<16xi32>], vector<16xf32>,
      %parallel_loop3A_314 = arith.cmpf ole, %parallel_loop3A_228, %parallel_loop3A_313 : vector<16xf32>
      %parallel_loop3A_315 = arith.select %parallel_loop3A_314, %parallel_loop3A_312, %parallel_loop3A_306 : vector<16xi1>, vector<16xi32>
      %parallel_loop3A_316 = arith.select %parallel_loop3A_314, %parallel_loop3A_307, %parallel_loop3A_312 : vector<16xi1>, vector<16xi32>
      %parallel_loop3A_317 = arith.subi %parallel_loop3A_315, %parallel_loop3A_316 : vector<16xi32>
      %parallel_loop3A_318 = arith.constant 1 : i32
      %parallel_loop3A_319 = vector.broadcast %parallel_loop3A_318 : i32 to vector<16xi32>
      %parallel_loop3A_320 = arith.shrsi %parallel_loop3A_317, %parallel_loop3A_319 : vector<16xi32>
      %parallel_loop3A_321 = arith.addi %parallel_loop3A_316, %parallel_loop3A_320 : vector<16xi32>
      %parallel_loop3A_322 = tpu.vector_load_idx %arg9[%parallel_loop3A_321] : memref<3072xf32, #tpu.memory_space<vmem>>[vector<16xi32>], vector<16xf32>,
      %parallel_loop3A_323 = arith.cmpf ole, %parallel_loop3A_228, %parallel_loop3A_322 : vector<16xf32>
      %parallel_loop3A_324 = arith.select %parallel_loop3A_323, %parallel_loop3A_321, %parallel_loop3A_315 : vector<16xi1>, vector<16xi32>
      %parallel_loop3A_325 = arith.select %parallel_loop3A_323, %parallel_loop3A_316, %parallel_loop3A_321 : vector<16xi1>, vector<16xi32>
      %parallel_loop3A_326 = arith.subi %parallel_loop3A_324, %parallel_loop3A_325 : vector<16xi32>
      %parallel_loop3A_327 = arith.constant 1 : i32
      %parallel_loop3A_328 = vector.broadcast %parallel_loop3A_327 : i32 to vector<16xi32>
      %parallel_loop3A_329 = arith.shrsi %parallel_loop3A_326, %parallel_loop3A_328 : vector<16xi32>
      %parallel_loop3A_330 = arith.addi %parallel_loop3A_325, %parallel_loop3A_329 : vector<16xi32>
      %parallel_loop3A_331 = tpu.vector_load_idx %arg9[%parallel_loop3A_330] : memref<3072xf32, #tpu.memory_space<vmem>>[vector<16xi32>], vector<16xf32>,
      %parallel_loop3A_332 = arith.cmpf ole, %parallel_loop3A_228, %parallel_loop3A_331 : vector<16xf32>
      %parallel_loop3A_333 = arith.select %parallel_loop3A_332, %parallel_loop3A_330, %parallel_loop3A_324 : vector<16xi1>, vector<16xi32>
      %parallel_loop3A_334 = arith.select %parallel_loop3A_332, %parallel_loop3A_325, %parallel_loop3A_330 : vector<16xi1>, vector<16xi32>
      %parallel_loop3A_335 = arith.subi %parallel_loop3A_333, %parallel_loop3A_334 : vector<16xi32>
      %parallel_loop3A_336 = arith.constant 1 : i32
      %parallel_loop3A_337 = vector.broadcast %parallel_loop3A_336 : i32 to vector<16xi32>
      %parallel_loop3A_338 = arith.shrsi %parallel_loop3A_335, %parallel_loop3A_337 : vector<16xi32>
      %parallel_loop3A_339 = arith.addi %parallel_loop3A_334, %parallel_loop3A_338 : vector<16xi32>
      %parallel_loop3A_340 = tpu.vector_load_idx %arg9[%parallel_loop3A_339] : memref<3072xf32, #tpu.memory_space<vmem>>[vector<16xi32>], vector<16xf32>,
      %parallel_loop3A_341 = arith.cmpf ole, %parallel_loop3A_228, %parallel_loop3A_340 : vector<16xf32>
      %parallel_loop3A_342 = arith.select %parallel_loop3A_341, %parallel_loop3A_339, %parallel_loop3A_333 : vector<16xi1>, vector<16xi32>
      %parallel_loop3A_343 = arith.select %parallel_loop3A_341, %parallel_loop3A_334, %parallel_loop3A_339 : vector<16xi1>, vector<16xi32>
      %parallel_loop3A_344 = arith.constant 1 : i32
      %parallel_loop3A_345 = vector.broadcast %parallel_loop3A_344 : i32 to vector<16xi32>
      %parallel_loop3A_346 = arith.subi %parallel_loop3A_342, %parallel_loop3A_345 : vector<16xi32>
      %parallel_loop3A_347 = arith.constant 0 : i32
      %parallel_loop3A_348 = arith.constant 3070 : i32
      %parallel_loop3A_349 = vector.broadcast %parallel_loop3A_347 : i32 to vector<16xi32>
      %parallel_loop3A_350 = arith.maxsi %parallel_loop3A_349, %parallel_loop3A_346 : vector<16xi32>
      %parallel_loop3A_351 = vector.broadcast %parallel_loop3A_348 : i32 to vector<16xi32>
      %parallel_loop3A_352 = arith.minsi %parallel_loop3A_351, %parallel_loop3A_350 : vector<16xi32>
      %parallel_loop3A_353 = tpu.vector_load_idx %arg9[%parallel_loop3A_352] : memref<3072xf32, #tpu.memory_space<vmem>>[vector<16xi32>], vector<16xf32>,
      %parallel_loop3A_354 = arith.constant 1 : i32
      %parallel_loop3A_355 = vector.broadcast %parallel_loop3A_354 : i32 to vector<16xi32>
      %parallel_loop3A_356 = arith.addi %parallel_loop3A_352, %parallel_loop3A_355 : vector<16xi32>
      %parallel_loop3A_357 = tpu.vector_load_idx %arg9[%parallel_loop3A_356] : memref<3072xf32, #tpu.memory_space<vmem>>[vector<16xi32>], vector<16xf32>,
      %parallel_loop3A_358 = arith.sitofp %parallel_loop3A_352 : vector<16xi32> to vector<16xf32>
      %parallel_loop3A_359 = arith.constant 9.76880547E-4 : f32
      %parallel_loop3A_360 = vector.broadcast %parallel_loop3A_359 : f32 to vector<16xf32>
      %parallel_loop3A_361 = arith.mulf %parallel_loop3A_358, %parallel_loop3A_360 : vector<16xf32>
      %parallel_loop3A_362 = arith.constant 1.000000e+00 : f32
      %parallel_loop3A_363 = vector.broadcast %parallel_loop3A_362 : f32 to vector<16xf32>
      %parallel_loop3A_364 = arith.subf %parallel_loop3A_361, %parallel_loop3A_363 : vector<16xf32>
      %parallel_loop3A_365 = arith.subf %parallel_loop3A_357, %parallel_loop3A_353 : vector<16xf32>
      %parallel_loop3A_366 = arith.constant 0.000000e+00 : f32
      %parallel_loop3A_367 = vector.broadcast %parallel_loop3A_366 : f32 to vector<16xf32>
      %parallel_loop3A_368 = arith.cmpf oeq, %parallel_loop3A_365, %parallel_loop3A_367 : vector<16xf32>
      %parallel_loop3A_369 = arith.constant 1.000000e+00 : f32
      %parallel_loop3A_370 = vector.broadcast %parallel_loop3A_369 : f32 to vector<16xf32>
      %parallel_loop3A_371 = arith.select %parallel_loop3A_368, %parallel_loop3A_370, %parallel_loop3A_365 : vector<16xi1>, vector<16xf32>
      %parallel_loop3A_372 = arith.constant 9.76880547E-4 : f32
      %parallel_loop3A_373 = vector.broadcast %parallel_loop3A_372 : f32 to vector<16xf32>
      %parallel_loop3A_374 = arith.divf %parallel_loop3A_373, %parallel_loop3A_371 : vector<16xf32>
      %parallel_loop3A_375 = arith.subf %parallel_loop3A_228, %parallel_loop3A_353 : vector<16xf32>
      %parallel_loop3A_376 = arith.mulf %parallel_loop3A_374, %parallel_loop3A_375 : vector<16xf32>
      %parallel_loop3A_377 = arith.addf %parallel_loop3A_364, %parallel_loop3A_376 : vector<16xf32>
      %parallel_loop3A_378 = arith.subf %parallel_loop3A_377, %parallel_loop3A_227 : vector<16xf32>
      %parallel_loop3A_379 = math.absf %parallel_loop3A_378 : vector<16xf32>
      %parallel_loop3A_380 = arith.constant 1.000000e+00 : f32
      %parallel_loop3A_381 = vector.broadcast %parallel_loop3A_380 : f32 to vector<16xf32>
      %parallel_loop3A_382 = arith.subf %parallel_loop3A_381, %parallel_loop3A_379 : vector<16xf32>
      %parallel_loop3A_383 = arith.minimumf %parallel_loop3A_379, %parallel_loop3A_382 : vector<16xf32>
      %parallel_loop3A_384 = arith.mulf %parallel_loop3A_383, %parallel_loop3A_383 : vector<16xf32>
      %parallel_loop3A_385 = arith.addf %parallel_loop3A_219, %parallel_loop3A_384 : vector<16xf32>
      scf.yield %parallel_loop3A_385 : vector<16xf32>
    } {sc.loop_unroll_factor = 4 : i64, sc.parallel_access}
    %reduce_sum3A_152 = arith.constant true
    %reduce_sum3A_153 = vector.broadcast %reduce_sum3A_152 : i1 to vector<16xi1>
    %reduce_sum3A_154 = tpu.scan <sum>, %parallel_loop3A_151 masked %reduce_sum3A_153 : vector<16xf32>, vector<16xi1> -> vector<16xf32>
    %reduce_sum3A_155 = vector.extract %reduce_sum3A_154[15] : f32 from vector<16xf32>
    %mul3A_156 = arith.constant 4 : i32
    %mul3A_157 = arith.muli %add3A, %mul3A_156 : i32
    %add3A_158 = arith.constant 3 : i32
    %add3A_159 = arith.addi %mul3A_157, %add3A_158 : i32
    %dma_wait3A_160 = arith.constant 0 : i32
    %dma_wait3A_161 = tpu.memref_slice %arg2[%add3A_119, %dma_wait3A_160] : memref<128x32768xi32, #tpu.memory_space<hbm>> -> memref<1x32768xi32, #tpu.memory_space<hbm>>
    %dma_wait3A_162 = tpu.memref_squeeze %dma_wait3A_161 : memref<1x32768xi32, #tpu.memory_space<hbm>> -> memref<32768xi32, #tpu.memory_space<hbm>>
    %dma_wait3A_163 = arith.constant 0 : i32
    %dma_wait3A_164 = tpu.memref_slice %arg2[%add3A_119, %dma_wait3A_163] : memref<128x32768xi32, #tpu.memory_space<hbm>> -> memref<1x32768xi32, #tpu.memory_space<hbm>>
    %dma_wait3A_165 = tpu.memref_squeeze %dma_wait3A_164 : memref<1x32768xi32, #tpu.memory_space<hbm>> -> memref<32768xi32, #tpu.memory_space<hbm>>
    tpu.wait_dma2 semaphore(%arg12 : memref<!tpu.dma_semaphore, #tpu.memory_space<semaphore_mem>>) src(%dma_wait3A_165 : memref<32768xi32, #tpu.memory_space<hbm>>) dst(%arg6 : memref<32768xi32, #tpu.memory_space<vmem>>)
    %parallel_loop3A_166 = arith.constant 0 : i32
    %parallel_loop3A_167 = arith.constant 2048 : i32
    %parallel_loop3A_168 = arith.constant 1 : i32
    scf.for %parallel_loop3A_218 = %parallel_loop3A_166 to %parallel_loop3A_167 step %parallel_loop3A_168  : i32 {
      %parallel_loop3A_219 = arith.constant 16 : i32
      %parallel_loop3A_220 = arith.muli %parallel_loop3A_218, %parallel_loop3A_219 : i32
      %parallel_loop3A_221 = arith.index_cast %parallel_loop3A_220 : i32 to index
      %parallel_loop3A_222 = tpu.vector_load %arg6[%parallel_loop3A_221] {strides = array<i32>} : memref<32768xi32, #tpu.memory_space<vmem>>, vector<16xi32>,
      %parallel_loop3A_223 = arith.constant 16 : i32
      %parallel_loop3A_224 = vector.broadcast %parallel_loop3A_223 : i32 to vector<16xi32>
      %parallel_loop3A_225 = arith.shli %parallel_loop3A_222, %parallel_loop3A_224 : vector<16xi32>
      %parallel_loop3A_226 = vector.bitcast %parallel_loop3A_225 : vector<16xi32> to vector<16xf32>
      %parallel_loop3A_227 = arith.constant 16 : i32
      %parallel_loop3A_228 = vector.broadcast %parallel_loop3A_227 : i32 to vector<16xi32>
      %parallel_loop3A_229 = arith.shrsi %parallel_loop3A_222, %parallel_loop3A_228 : vector<16xi32>
      tpu.vector_store_idx %arg7[%parallel_loop3A_229], %parallel_loop3A_226 {add = true} : memref<3088xf32, #tpu.memory_space<vmem>>[vector<16xi32>], vector<16xf32>,
    } {sc.loop_unroll_factor = 8 : i64, sc.parallel_access}
    %parallel_loop3A_169 = arith.constant 0 : i32
    %parallel_loop3A_170 = arith.constant 192 : i32
    %parallel_loop3A_171 = arith.constant 1 : i32
    %parallel_loop3A_172 = arith.constant 0.000000e+00 : f32
    %parallel_loop3A_173 = scf.for %parallel_loop3A_218 = %parallel_loop3A_169 to %parallel_loop3A_170 step %parallel_loop3A_171 iter_args(%parallel_loop3A_219 = %parallel_loop3A_172) -> (f32)  : i32 {
      %parallel_loop3A_220 = arith.constant 16 : i32
      %parallel_loop3A_221 = arith.muli %parallel_loop3A_218, %parallel_loop3A_220 : i32
      %parallel_loop3A_222 = arith.index_cast %parallel_loop3A_221 : i32 to index
      %parallel_loop3A_223 = tpu.vector_load %arg7[%parallel_loop3A_222] {strides = array<i32>} : memref<3088xf32, #tpu.memory_space<vmem>>, vector<16xf32>,
      %parallel_loop3A_224 = arith.constant true
      %parallel_loop3A_225 = vector.broadcast %parallel_loop3A_224 : i1 to vector<16xi1>
      %parallel_loop3A_226 = tpu.scan <sum>, %parallel_loop3A_223 masked %parallel_loop3A_225 : vector<16xf32>, vector<16xi1> -> vector<16xf32>
      %parallel_loop3A_227 = arith.subf %parallel_loop3A_226, %parallel_loop3A_223 : vector<16xf32>
      %parallel_loop3A_228 = vector.broadcast %parallel_loop3A_219 : f32 to vector<16xf32>
      %parallel_loop3A_229 = arith.addf %parallel_loop3A_227, %parallel_loop3A_228 : vector<16xf32>
      %parallel_loop3A_230 = arith.constant 16 : i32
      %parallel_loop3A_231 = arith.muli %parallel_loop3A_218, %parallel_loop3A_230 : i32
      %parallel_loop3A_232 = arith.index_cast %parallel_loop3A_231 : i32 to index
      %parallel_loop3A_233 = tpu.vector_load %arg8[%parallel_loop3A_232] {strides = array<i32>} : memref<3088xf32, #tpu.memory_space<vmem>>, vector<16xf32>,
      tpu.vector_store %arg8[%parallel_loop3A_232], %parallel_loop3A_229 {strides = array<i32>} : memref<3088xf32, #tpu.memory_space<vmem>>, vector<16xf32>,
      %parallel_loop3A_234 = arith.constant 0.000000e+00 : f32
      %parallel_loop3A_235 = vector.broadcast %parallel_loop3A_234 : f32 to vector<16xf32>
      %parallel_loop3A_236 = arith.constant 16 : i32
      %parallel_loop3A_237 = arith.muli %parallel_loop3A_218, %parallel_loop3A_236 : i32
      %parallel_loop3A_238 = arith.index_cast %parallel_loop3A_237 : i32 to index
      %parallel_loop3A_239 = tpu.vector_load %arg7[%parallel_loop3A_238] {strides = array<i32>} : memref<3088xf32, #tpu.memory_space<vmem>>, vector<16xf32>,
      tpu.vector_store %arg7[%parallel_loop3A_238], %parallel_loop3A_235 {strides = array<i32>} : memref<3088xf32, #tpu.memory_space<vmem>>, vector<16xf32>,
      %parallel_loop3A_240 = arith.constant true
      %parallel_loop3A_241 = vector.broadcast %parallel_loop3A_240 : i1 to vector<16xi1>
      %parallel_loop3A_242 = tpu.scan <sum>, %parallel_loop3A_223 masked %parallel_loop3A_241 : vector<16xf32>, vector<16xi1> -> vector<16xf32>
      %parallel_loop3A_243 = vector.extract %parallel_loop3A_242[15] : f32 from vector<16xf32>
      %parallel_loop3A_244 = arith.addf %parallel_loop3A_219, %parallel_loop3A_243 : f32
      scf.yield %parallel_loop3A_244 : f32
    } {sc.loop_unroll_factor = 4 : i64, sc.parallel_access}
    %broadcast_in_dim3A_174 = arith.constant 0.000000e+00 : f32
    %broadcast_in_dim3A_175 = vector.broadcast %broadcast_in_dim3A_174 : f32 to vector<16xf32>
    %swap3A_176 = arith.constant 3072 : index
    %swap3A_177 = tpu.vector_load %arg7[%swap3A_176] {strides = array<i32>} : memref<3088xf32, #tpu.memory_space<vmem>>, vector<16xf32>,
    tpu.vector_store %arg7[%swap3A_176], %broadcast_in_dim3A_175 {strides = array<i32>} : memref<3088xf32, #tpu.memory_space<vmem>>, vector<16xf32>,
    %parallel_loop3A_178 = arith.constant 0 : i32
    %parallel_loop3A_179 = arith.constant 192 : i32
    %parallel_loop3A_180 = arith.constant 1 : i32
    scf.for %parallel_loop3A_218 = %parallel_loop3A_178 to %parallel_loop3A_179 step %parallel_loop3A_180  : i32 {
      %parallel_loop3A_219 = arith.constant 16 : i32
      %parallel_loop3A_220 = arith.muli %parallel_loop3A_218, %parallel_loop3A_219 : i32
      %parallel_loop3A_221 = vector.broadcast %parallel_loop3A_220 : i32 to vector<16xi32>
      %parallel_loop3A_222 = arith.addi %parallel_loop3A_221, %iota3A : vector<16xi32>
      %parallel_loop3A_223 = arith.constant 1024 : i32
      %parallel_loop3A_224 = vector.broadcast %parallel_loop3A_223 : i32 to vector<16xi32>
      %parallel_loop3A_225 = arith.cmpi slt, %parallel_loop3A_222, %parallel_loop3A_224 : vector<16xi32>
      %parallel_loop3A_226 = arith.constant 2048 : i32
      %parallel_loop3A_227 = vector.broadcast %parallel_loop3A_226 : i32 to vector<16xi32>
      %parallel_loop3A_228 = arith.cmpi slt, %parallel_loop3A_222, %parallel_loop3A_227 : vector<16xi32>
      %parallel_loop3A_229 = arith.constant 3071 : i32
      %parallel_loop3A_230 = vector.broadcast %parallel_loop3A_229 : i32 to vector<16xi32>
      %parallel_loop3A_231 = arith.cmpi slt, %parallel_loop3A_222, %parallel_loop3A_230 : vector<16xi32>
      %parallel_loop3A_232 = arith.constant 1.000000e+00 : f32
      %parallel_loop3A_233 = arith.constant 2.000000e+00 : f32
      %parallel_loop3A_234 = vector.broadcast %parallel_loop3A_232 : f32 to vector<16xf32>
      %parallel_loop3A_235 = vector.broadcast %parallel_loop3A_233 : f32 to vector<16xf32>
      %parallel_loop3A_236 = arith.select %parallel_loop3A_231, %parallel_loop3A_234, %parallel_loop3A_235 : vector<16xi1>, vector<16xf32>
      %parallel_loop3A_237 = arith.constant 0.000000e+00 : f32
      %parallel_loop3A_238 = vector.broadcast %parallel_loop3A_237 : f32 to vector<16xf32>
      %parallel_loop3A_239 = arith.select %parallel_loop3A_228, %parallel_loop3A_238, %parallel_loop3A_236 : vector<16xi1>, vector<16xf32>
      %parallel_loop3A_240 = arith.constant -1.000000e+00 : f32
      %parallel_loop3A_241 = vector.broadcast %parallel_loop3A_240 : f32 to vector<16xf32>
      %parallel_loop3A_242 = arith.select %parallel_loop3A_225, %parallel_loop3A_241, %parallel_loop3A_239 : vector<16xi1>, vector<16xf32>
      %parallel_loop3A_243 = arith.constant 1024 : i32
      %parallel_loop3A_244 = vector.broadcast %parallel_loop3A_243 : i32 to vector<16xi32>
      %parallel_loop3A_245 = arith.cmpi slt, %parallel_loop3A_222, %parallel_loop3A_244 : vector<16xi32>
      %parallel_loop3A_246 = arith.constant 2048 : i32
      %parallel_loop3A_247 = vector.broadcast %parallel_loop3A_246 : i32 to vector<16xi32>
      %parallel_loop3A_248 = arith.cmpi slt, %parallel_loop3A_222, %parallel_loop3A_247 : vector<16xi32>
      %parallel_loop3A_249 = arith.constant 3071 : i32
      %parallel_loop3A_250 = vector.broadcast %parallel_loop3A_249 : i32 to vector<16xi32>
      %parallel_loop3A_251 = arith.cmpi slt, %parallel_loop3A_222, %parallel_loop3A_250 : vector<16xi32>
      %parallel_loop3A_252 = arith.constant 6142 : i32
      %parallel_loop3A_253 = arith.constant 9213 : i32
      %parallel_loop3A_254 = vector.broadcast %parallel_loop3A_252 : i32 to vector<16xi32>
      %parallel_loop3A_255 = vector.broadcast %parallel_loop3A_253 : i32 to vector<16xi32>
      %parallel_loop3A_256 = arith.select %parallel_loop3A_251, %parallel_loop3A_254, %parallel_loop3A_255 : vector<16xi1>, vector<16xi32>
      %parallel_loop3A_257 = arith.constant 3071 : i32
      %parallel_loop3A_258 = vector.broadcast %parallel_loop3A_257 : i32 to vector<16xi32>
      %parallel_loop3A_259 = arith.select %parallel_loop3A_248, %parallel_loop3A_258, %parallel_loop3A_256 : vector<16xi1>, vector<16xi32>
      %parallel_loop3A_260 = arith.constant 0 : i32
      %parallel_loop3A_261 = vector.broadcast %parallel_loop3A_260 : i32 to vector<16xi32>
      %parallel_loop3A_262 = arith.select %parallel_loop3A_245, %parallel_loop3A_261, %parallel_loop3A_259 : vector<16xi1>, vector<16xi32>
      %parallel_loop3A_263 = arith.constant 3 : i32
      %parallel_loop3A_264 = vector.broadcast %parallel_loop3A_263 : i32 to vector<16xi32>
      %parallel_loop3A_265 = arith.muli %parallel_loop3A_264, %parallel_loop3A_222 : vector<16xi32>
      %parallel_loop3A_266 = arith.subi %parallel_loop3A_265, %parallel_loop3A_262 : vector<16xi32>
      %parallel_loop3A_267 = tpu.vector_load_idx %arg8[%parallel_loop3A_266] : memref<3088xf32, #tpu.memory_space<vmem>>[vector<16xi32>], vector<16xf32>,
      %parallel_loop3A_268 = arith.addf %parallel_loop3A_242, %parallel_loop3A_267 : vector<16xf32>
      %parallel_loop3A_269 = arith.constant 16 : i32
      %parallel_loop3A_270 = arith.muli %parallel_loop3A_218, %parallel_loop3A_269 : i32
      %parallel_loop3A_271 = arith.index_cast %parallel_loop3A_270 : i32 to index
      %parallel_loop3A_272 = tpu.vector_load %arg9[%parallel_loop3A_271] {strides = array<i32>} : memref<3072xf32, #tpu.memory_space<vmem>>, vector<16xf32>,
      tpu.vector_store %arg9[%parallel_loop3A_271], %parallel_loop3A_268 {strides = array<i32>} : memref<3072xf32, #tpu.memory_space<vmem>>, vector<16xf32>,
    } {sc.loop_unroll_factor = 4 : i64, sc.parallel_access}
    %broadcast_in_dim3A_181 = arith.constant 0 : i32
    %broadcast_in_dim3A_182 = vector.broadcast %broadcast_in_dim3A_181 : i32 to vector<16xi32>
    %add3A_183 = vector.broadcast %add3A_159 : i32 to vector<16xi32>
    %add3A_184 = arith.addi %broadcast_in_dim3A_182, %add3A_183 : vector<16xi32>
    %gather3A_185 = tpu.vector_load_idx %arg10[%add3A_184] : memref<128xf32, #tpu.memory_space<vmem>>[vector<16xi32>], vector<16xf32>,
    %broadcast_in_dim3A_186 = arith.constant 0.000000e+00 : f32
    %broadcast_in_dim3A_187 = vector.broadcast %broadcast_in_dim3A_186 : f32 to vector<16xf32>
    %parallel_loop3A_188 = arith.constant 0 : i32
    %parallel_loop3A_189 = arith.constant 64 : i32
    %parallel_loop3A_190 = arith.constant 1 : i32
    %parallel_loop3A_191 = scf.for %parallel_loop3A_218 = %parallel_loop3A_188 to %parallel_loop3A_189 step %parallel_loop3A_190 iter_args(%parallel_loop3A_219 = %broadcast_in_dim3A_187) -> (vector<16xf32>)  : i32 {
      %parallel_loop3A_220 = arith.constant 16 : i32
      %parallel_loop3A_221 = arith.muli %parallel_loop3A_218, %parallel_loop3A_220 : i32
      %parallel_loop3A_222 = vector.broadcast %parallel_loop3A_221 : i32 to vector<16xi32>
      %parallel_loop3A_223 = arith.addi %parallel_loop3A_222, %iota3A : vector<16xi32>
      %parallel_loop3A_224 = arith.sitofp %parallel_loop3A_223 : vector<16xi32> to vector<16xf32>
      %parallel_loop3A_225 = arith.constant 9.765625E-4 : f32
      %parallel_loop3A_226 = vector.broadcast %parallel_loop3A_225 : f32 to vector<16xf32>
      %parallel_loop3A_227 = arith.mulf %parallel_loop3A_224, %parallel_loop3A_226 : vector<16xf32>
      %parallel_loop3A_228 = arith.subf %parallel_loop3A_227, %gather3A_185 : vector<16xf32>
      %parallel_loop3A_229 = arith.constant 0 : i32
      %parallel_loop3A_230 = vector.broadcast %parallel_loop3A_229 : i32 to vector<16xi32>
      %parallel_loop3A_231 = arith.constant 0 : i32
      %parallel_loop3A_232 = vector.broadcast %parallel_loop3A_231 : i32 to vector<16xi32>
      %parallel_loop3A_233 = arith.constant 3072 : i32
      %parallel_loop3A_234 = vector.broadcast %parallel_loop3A_233 : i32 to vector<16xi32>
      %parallel_loop3A_235 = arith.addi %parallel_loop3A_232, %parallel_loop3A_234 : vector<16xi32>
      %parallel_loop3A_236 = arith.subi %parallel_loop3A_235, %parallel_loop3A_230 : vector<16xi32>
      %parallel_loop3A_237 = arith.constant 1 : i32
      %parallel_loop3A_238 = vector.broadcast %parallel_loop3A_237 : i32 to vector<16xi32>
      %parallel_loop3A_239 = arith.shrsi %parallel_loop3A_236, %parallel_loop3A_238 : vector<16xi32>
      %parallel_loop3A_240 = arith.addi %parallel_loop3A_230, %parallel_loop3A_239 : vector<16xi32>
      %parallel_loop3A_241 = tpu.vector_load_idx %arg9[%parallel_loop3A_240] : memref<3072xf32, #tpu.memory_space<vmem>>[vector<16xi32>], vector<16xf32>,
      %parallel_loop3A_242 = arith.cmpf ole, %parallel_loop3A_228, %parallel_loop3A_241 : vector<16xf32>
      %parallel_loop3A_243 = arith.select %parallel_loop3A_242, %parallel_loop3A_240, %parallel_loop3A_235 : vector<16xi1>, vector<16xi32>
      %parallel_loop3A_244 = arith.select %parallel_loop3A_242, %parallel_loop3A_230, %parallel_loop3A_240 : vector<16xi1>, vector<16xi32>
      %parallel_loop3A_245 = arith.subi %parallel_loop3A_243, %parallel_loop3A_244 : vector<16xi32>
      %parallel_loop3A_246 = arith.constant 1 : i32
      %parallel_loop3A_247 = vector.broadcast %parallel_loop3A_246 : i32 to vector<16xi32>
      %parallel_loop3A_248 = arith.shrsi %parallel_loop3A_245, %parallel_loop3A_247 : vector<16xi32>
      %parallel_loop3A_249 = arith.addi %parallel_loop3A_244, %parallel_loop3A_248 : vector<16xi32>
      %parallel_loop3A_250 = tpu.vector_load_idx %arg9[%parallel_loop3A_249] : memref<3072xf32, #tpu.memory_space<vmem>>[vector<16xi32>], vector<16xf32>,
      %parallel_loop3A_251 = arith.cmpf ole, %parallel_loop3A_228, %parallel_loop3A_250 : vector<16xf32>
      %parallel_loop3A_252 = arith.select %parallel_loop3A_251, %parallel_loop3A_249, %parallel_loop3A_243 : vector<16xi1>, vector<16xi32>
      %parallel_loop3A_253 = arith.select %parallel_loop3A_251, %parallel_loop3A_244, %parallel_loop3A_249 : vector<16xi1>, vector<16xi32>
      %parallel_loop3A_254 = arith.subi %parallel_loop3A_252, %parallel_loop3A_253 : vector<16xi32>
      %parallel_loop3A_255 = arith.constant 1 : i32
      %parallel_loop3A_256 = vector.broadcast %parallel_loop3A_255 : i32 to vector<16xi32>
      %parallel_loop3A_257 = arith.shrsi %parallel_loop3A_254, %parallel_loop3A_256 : vector<16xi32>
      %parallel_loop3A_258 = arith.addi %parallel_loop3A_253, %parallel_loop3A_257 : vector<16xi32>
      %parallel_loop3A_259 = tpu.vector_load_idx %arg9[%parallel_loop3A_258] : memref<3072xf32, #tpu.memory_space<vmem>>[vector<16xi32>], vector<16xf32>,
      %parallel_loop3A_260 = arith.cmpf ole, %parallel_loop3A_228, %parallel_loop3A_259 : vector<16xf32>
      %parallel_loop3A_261 = arith.select %parallel_loop3A_260, %parallel_loop3A_258, %parallel_loop3A_252 : vector<16xi1>, vector<16xi32>
      %parallel_loop3A_262 = arith.select %parallel_loop3A_260, %parallel_loop3A_253, %parallel_loop3A_258 : vector<16xi1>, vector<16xi32>
      %parallel_loop3A_263 = arith.subi %parallel_loop3A_261, %parallel_loop3A_262 : vector<16xi32>
      %parallel_loop3A_264 = arith.constant 1 : i32
      %parallel_loop3A_265 = vector.broadcast %parallel_loop3A_264 : i32 to vector<16xi32>
      %parallel_loop3A_266 = arith.shrsi %parallel_loop3A_263, %parallel_loop3A_265 : vector<16xi32>
      %parallel_loop3A_267 = arith.addi %parallel_loop3A_262, %parallel_loop3A_266 : vector<16xi32>
      %parallel_loop3A_268 = tpu.vector_load_idx %arg9[%parallel_loop3A_267] : memref<3072xf32, #tpu.memory_space<vmem>>[vector<16xi32>], vector<16xf32>,
      %parallel_loop3A_269 = arith.cmpf ole, %parallel_loop3A_228, %parallel_loop3A_268 : vector<16xf32>
      %parallel_loop3A_270 = arith.select %parallel_loop3A_269, %parallel_loop3A_267, %parallel_loop3A_261 : vector<16xi1>, vector<16xi32>
      %parallel_loop3A_271 = arith.select %parallel_loop3A_269, %parallel_loop3A_262, %parallel_loop3A_267 : vector<16xi1>, vector<16xi32>
      %parallel_loop3A_272 = arith.subi %parallel_loop3A_270, %parallel_loop3A_271 : vector<16xi32>
      %parallel_loop3A_273 = arith.constant 1 : i32
      %parallel_loop3A_274 = vector.broadcast %parallel_loop3A_273 : i32 to vector<16xi32>
      %parallel_loop3A_275 = arith.shrsi %parallel_loop3A_272, %parallel_loop3A_274 : vector<16xi32>
      %parallel_loop3A_276 = arith.addi %parallel_loop3A_271, %parallel_loop3A_275 : vector<16xi32>
      %parallel_loop3A_277 = tpu.vector_load_idx %arg9[%parallel_loop3A_276] : memref<3072xf32, #tpu.memory_space<vmem>>[vector<16xi32>], vector<16xf32>,
      %parallel_loop3A_278 = arith.cmpf ole, %parallel_loop3A_228, %parallel_loop3A_277 : vector<16xf32>
      %parallel_loop3A_279 = arith.select %parallel_loop3A_278, %parallel_loop3A_276, %parallel_loop3A_270 : vector<16xi1>, vector<16xi32>
      %parallel_loop3A_280 = arith.select %parallel_loop3A_278, %parallel_loop3A_271, %parallel_loop3A_276 : vector<16xi1>, vector<16xi32>
      %parallel_loop3A_281 = arith.subi %parallel_loop3A_279, %parallel_loop3A_280 : vector<16xi32>
      %parallel_loop3A_282 = arith.constant 1 : i32
      %parallel_loop3A_283 = vector.broadcast %parallel_loop3A_282 : i32 to vector<16xi32>
      %parallel_loop3A_284 = arith.shrsi %parallel_loop3A_281, %parallel_loop3A_283 : vector<16xi32>
      %parallel_loop3A_285 = arith.addi %parallel_loop3A_280, %parallel_loop3A_284 : vector<16xi32>
      %parallel_loop3A_286 = tpu.vector_load_idx %arg9[%parallel_loop3A_285] : memref<3072xf32, #tpu.memory_space<vmem>>[vector<16xi32>], vector<16xf32>,
      %parallel_loop3A_287 = arith.cmpf ole, %parallel_loop3A_228, %parallel_loop3A_286 : vector<16xf32>
      %parallel_loop3A_288 = arith.select %parallel_loop3A_287, %parallel_loop3A_285, %parallel_loop3A_279 : vector<16xi1>, vector<16xi32>
      %parallel_loop3A_289 = arith.select %parallel_loop3A_287, %parallel_loop3A_280, %parallel_loop3A_285 : vector<16xi1>, vector<16xi32>
      %parallel_loop3A_290 = arith.subi %parallel_loop3A_288, %parallel_loop3A_289 : vector<16xi32>
      %parallel_loop3A_291 = arith.constant 1 : i32
      %parallel_loop3A_292 = vector.broadcast %parallel_loop3A_291 : i32 to vector<16xi32>
      %parallel_loop3A_293 = arith.shrsi %parallel_loop3A_290, %parallel_loop3A_292 : vector<16xi32>
      %parallel_loop3A_294 = arith.addi %parallel_loop3A_289, %parallel_loop3A_293 : vector<16xi32>
      %parallel_loop3A_295 = tpu.vector_load_idx %arg9[%parallel_loop3A_294] : memref<3072xf32, #tpu.memory_space<vmem>>[vector<16xi32>], vector<16xf32>,
      %parallel_loop3A_296 = arith.cmpf ole, %parallel_loop3A_228, %parallel_loop3A_295 : vector<16xf32>
      %parallel_loop3A_297 = arith.select %parallel_loop3A_296, %parallel_loop3A_294, %parallel_loop3A_288 : vector<16xi1>, vector<16xi32>
      %parallel_loop3A_298 = arith.select %parallel_loop3A_296, %parallel_loop3A_289, %parallel_loop3A_294 : vector<16xi1>, vector<16xi32>
      %parallel_loop3A_299 = arith.subi %parallel_loop3A_297, %parallel_loop3A_298 : vector<16xi32>
      %parallel_loop3A_300 = arith.constant 1 : i32
      %parallel_loop3A_301 = vector.broadcast %parallel_loop3A_300 : i32 to vector<16xi32>
      %parallel_loop3A_302 = arith.shrsi %parallel_loop3A_299, %parallel_loop3A_301 : vector<16xi32>
      %parallel_loop3A_303 = arith.addi %parallel_loop3A_298, %parallel_loop3A_302 : vector<16xi32>
      %parallel_loop3A_304 = tpu.vector_load_idx %arg9[%parallel_loop3A_303] : memref<3072xf32, #tpu.memory_space<vmem>>[vector<16xi32>], vector<16xf32>,
      %parallel_loop3A_305 = arith.cmpf ole, %parallel_loop3A_228, %parallel_loop3A_304 : vector<16xf32>
      %parallel_loop3A_306 = arith.select %parallel_loop3A_305, %parallel_loop3A_303, %parallel_loop3A_297 : vector<16xi1>, vector<16xi32>
      %parallel_loop3A_307 = arith.select %parallel_loop3A_305, %parallel_loop3A_298, %parallel_loop3A_303 : vector<16xi1>, vector<16xi32>
      %parallel_loop3A_308 = arith.subi %parallel_loop3A_306, %parallel_loop3A_307 : vector<16xi32>
      %parallel_loop3A_309 = arith.constant 1 : i32
      %parallel_loop3A_310 = vector.broadcast %parallel_loop3A_309 : i32 to vector<16xi32>
      %parallel_loop3A_311 = arith.shrsi %parallel_loop3A_308, %parallel_loop3A_310 : vector<16xi32>
      %parallel_loop3A_312 = arith.addi %parallel_loop3A_307, %parallel_loop3A_311 : vector<16xi32>
      %parallel_loop3A_313 = tpu.vector_load_idx %arg9[%parallel_loop3A_312] : memref<3072xf32, #tpu.memory_space<vmem>>[vector<16xi32>], vector<16xf32>,
      %parallel_loop3A_314 = arith.cmpf ole, %parallel_loop3A_228, %parallel_loop3A_313 : vector<16xf32>
      %parallel_loop3A_315 = arith.select %parallel_loop3A_314, %parallel_loop3A_312, %parallel_loop3A_306 : vector<16xi1>, vector<16xi32>
      %parallel_loop3A_316 = arith.select %parallel_loop3A_314, %parallel_loop3A_307, %parallel_loop3A_312 : vector<16xi1>, vector<16xi32>
      %parallel_loop3A_317 = arith.subi %parallel_loop3A_315, %parallel_loop3A_316 : vector<16xi32>
      %parallel_loop3A_318 = arith.constant 1 : i32
      %parallel_loop3A_319 = vector.broadcast %parallel_loop3A_318 : i32 to vector<16xi32>
      %parallel_loop3A_320 = arith.shrsi %parallel_loop3A_317, %parallel_loop3A_319 : vector<16xi32>
      %parallel_loop3A_321 = arith.addi %parallel_loop3A_316, %parallel_loop3A_320 : vector<16xi32>
      %parallel_loop3A_322 = tpu.vector_load_idx %arg9[%parallel_loop3A_321] : memref<3072xf32, #tpu.memory_space<vmem>>[vector<16xi32>], vector<16xf32>,
      %parallel_loop3A_323 = arith.cmpf ole, %parallel_loop3A_228, %parallel_loop3A_322 : vector<16xf32>
      %parallel_loop3A_324 = arith.select %parallel_loop3A_323, %parallel_loop3A_321, %parallel_loop3A_315 : vector<16xi1>, vector<16xi32>
      %parallel_loop3A_325 = arith.select %parallel_loop3A_323, %parallel_loop3A_316, %parallel_loop3A_321 : vector<16xi1>, vector<16xi32>
      %parallel_loop3A_326 = arith.subi %parallel_loop3A_324, %parallel_loop3A_325 : vector<16xi32>
      %parallel_loop3A_327 = arith.constant 1 : i32
      %parallel_loop3A_328 = vector.broadcast %parallel_loop3A_327 : i32 to vector<16xi32>
      %parallel_loop3A_329 = arith.shrsi %parallel_loop3A_326, %parallel_loop3A_328 : vector<16xi32>
      %parallel_loop3A_330 = arith.addi %parallel_loop3A_325, %parallel_loop3A_329 : vector<16xi32>
      %parallel_loop3A_331 = tpu.vector_load_idx %arg9[%parallel_loop3A_330] : memref<3072xf32, #tpu.memory_space<vmem>>[vector<16xi32>], vector<16xf32>,
      %parallel_loop3A_332 = arith.cmpf ole, %parallel_loop3A_228, %parallel_loop3A_331 : vector<16xf32>
      %parallel_loop3A_333 = arith.select %parallel_loop3A_332, %parallel_loop3A_330, %parallel_loop3A_324 : vector<16xi1>, vector<16xi32>
      %parallel_loop3A_334 = arith.select %parallel_loop3A_332, %parallel_loop3A_325, %parallel_loop3A_330 : vector<16xi1>, vector<16xi32>
      %parallel_loop3A_335 = arith.subi %parallel_loop3A_333, %parallel_loop3A_334 : vector<16xi32>
      %parallel_loop3A_336 = arith.constant 1 : i32
      %parallel_loop3A_337 = vector.broadcast %parallel_loop3A_336 : i32 to vector<16xi32>
      %parallel_loop3A_338 = arith.shrsi %parallel_loop3A_335, %parallel_loop3A_337 : vector<16xi32>
      %parallel_loop3A_339 = arith.addi %parallel_loop3A_334, %parallel_loop3A_338 : vector<16xi32>
      %parallel_loop3A_340 = tpu.vector_load_idx %arg9[%parallel_loop3A_339] : memref<3072xf32, #tpu.memory_space<vmem>>[vector<16xi32>], vector<16xf32>,
      %parallel_loop3A_341 = arith.cmpf ole, %parallel_loop3A_228, %parallel_loop3A_340 : vector<16xf32>
      %parallel_loop3A_342 = arith.select %parallel_loop3A_341, %parallel_loop3A_339, %parallel_loop3A_333 : vector<16xi1>, vector<16xi32>
      %parallel_loop3A_343 = arith.select %parallel_loop3A_341, %parallel_loop3A_334, %parallel_loop3A_339 : vector<16xi1>, vector<16xi32>
      %parallel_loop3A_344 = arith.constant 1 : i32
      %parallel_loop3A_345 = vector.broadcast %parallel_loop3A_344 : i32 to vector<16xi32>
      %parallel_loop3A_346 = arith.subi %parallel_loop3A_342, %parallel_loop3A_345 : vector<16xi32>
      %parallel_loop3A_347 = arith.constant 0 : i32
      %parallel_loop3A_348 = arith.constant 3070 : i32
      %parallel_loop3A_349 = vector.broadcast %parallel_loop3A_347 : i32 to vector<16xi32>
      %parallel_loop3A_350 = arith.maxsi %parallel_loop3A_349, %parallel_loop3A_346 : vector<16xi32>
      %parallel_loop3A_351 = vector.broadcast %parallel_loop3A_348 : i32 to vector<16xi32>
      %parallel_loop3A_352 = arith.minsi %parallel_loop3A_351, %parallel_loop3A_350 : vector<16xi32>
      %parallel_loop3A_353 = tpu.vector_load_idx %arg9[%parallel_loop3A_352] : memref<3072xf32, #tpu.memory_space<vmem>>[vector<16xi32>], vector<16xf32>,
      %parallel_loop3A_354 = arith.constant 1 : i32
      %parallel_loop3A_355 = vector.broadcast %parallel_loop3A_354 : i32 to vector<16xi32>
      %parallel_loop3A_356 = arith.addi %parallel_loop3A_352, %parallel_loop3A_355 : vector<16xi32>
      %parallel_loop3A_357 = tpu.vector_load_idx %arg9[%parallel_loop3A_356] : memref<3072xf32, #tpu.memory_space<vmem>>[vector<16xi32>], vector<16xf32>,
      %parallel_loop3A_358 = arith.sitofp %parallel_loop3A_352 : vector<16xi32> to vector<16xf32>
      %parallel_loop3A_359 = arith.constant 9.76880547E-4 : f32
      %parallel_loop3A_360 = vector.broadcast %parallel_loop3A_359 : f32 to vector<16xf32>
      %parallel_loop3A_361 = arith.mulf %parallel_loop3A_358, %parallel_loop3A_360 : vector<16xf32>
      %parallel_loop3A_362 = arith.constant 1.000000e+00 : f32
      %parallel_loop3A_363 = vector.broadcast %parallel_loop3A_362 : f32 to vector<16xf32>
      %parallel_loop3A_364 = arith.subf %parallel_loop3A_361, %parallel_loop3A_363 : vector<16xf32>
      %parallel_loop3A_365 = arith.subf %parallel_loop3A_357, %parallel_loop3A_353 : vector<16xf32>
      %parallel_loop3A_366 = arith.constant 0.000000e+00 : f32
      %parallel_loop3A_367 = vector.broadcast %parallel_loop3A_366 : f32 to vector<16xf32>
      %parallel_loop3A_368 = arith.cmpf oeq, %parallel_loop3A_365, %parallel_loop3A_367 : vector<16xf32>
      %parallel_loop3A_369 = arith.constant 1.000000e+00 : f32
      %parallel_loop3A_370 = vector.broadcast %parallel_loop3A_369 : f32 to vector<16xf32>
      %parallel_loop3A_371 = arith.select %parallel_loop3A_368, %parallel_loop3A_370, %parallel_loop3A_365 : vector<16xi1>, vector<16xf32>
      %parallel_loop3A_372 = arith.constant 9.76880547E-4 : f32
      %parallel_loop3A_373 = vector.broadcast %parallel_loop3A_372 : f32 to vector<16xf32>
      %parallel_loop3A_374 = arith.divf %parallel_loop3A_373, %parallel_loop3A_371 : vector<16xf32>
      %parallel_loop3A_375 = arith.subf %parallel_loop3A_228, %parallel_loop3A_353 : vector<16xf32>
      %parallel_loop3A_376 = arith.mulf %parallel_loop3A_374, %parallel_loop3A_375 : vector<16xf32>
      %parallel_loop3A_377 = arith.addf %parallel_loop3A_364, %parallel_loop3A_376 : vector<16xf32>
      %parallel_loop3A_378 = arith.subf %parallel_loop3A_377, %parallel_loop3A_227 : vector<16xf32>
      %parallel_loop3A_379 = math.absf %parallel_loop3A_378 : vector<16xf32>
      %parallel_loop3A_380 = arith.constant 1.000000e+00 : f32
      %parallel_loop3A_381 = vector.broadcast %parallel_loop3A_380 : f32 to vector<16xf32>
      %parallel_loop3A_382 = arith.subf %parallel_loop3A_381, %parallel_loop3A_379 : vector<16xf32>
      %parallel_loop3A_383 = arith.minimumf %parallel_loop3A_379, %parallel_loop3A_382 : vector<16xf32>
      %parallel_loop3A_384 = arith.mulf %parallel_loop3A_383, %parallel_loop3A_383 : vector<16xf32>
      %parallel_loop3A_385 = arith.addf %parallel_loop3A_219, %parallel_loop3A_384 : vector<16xf32>
      scf.yield %parallel_loop3A_385 : vector<16xf32>
    } {sc.loop_unroll_factor = 4 : i64, sc.parallel_access}
    %reduce_sum3A_192 = arith.constant true
    %reduce_sum3A_193 = vector.broadcast %reduce_sum3A_192 : i1 to vector<16xi1>
    %reduce_sum3A_194 = tpu.scan <sum>, %parallel_loop3A_191 masked %reduce_sum3A_193 : vector<16xf32>, vector<16xi1> -> vector<16xf32>
    %reduce_sum3A_195 = vector.extract %reduce_sum3A_194[15] : f32 from vector<16xf32>
    %broadcast_in_dim3A_196 = arith.constant 0.000000e+00 : f32
    %broadcast_in_dim3A_197 = vector.broadcast %broadcast_in_dim3A_196 : f32 to vector<16xf32>
    %eq3A = arith.constant 0 : i32
    %eq3A_198 = vector.broadcast %eq3A : i32 to vector<16xi32>
    %eq3A_199 = arith.cmpi eq, %iota3A, %eq3A_198 : vector<16xi32>
    %broadcast_in_dim3A_200 = vector.broadcast %reduce_sum3A_59 : f32 to vector<16xf32>
    %select_n3A = arith.select %eq3A_199, %broadcast_in_dim3A_200, %broadcast_in_dim3A_197 : vector<16xi1>, vector<16xf32>
    %eq3A_201 = arith.constant 1 : i32
    %eq3A_202 = vector.broadcast %eq3A_201 : i32 to vector<16xi32>
    %eq3A_203 = arith.cmpi eq, %iota3A, %eq3A_202 : vector<16xi32>
    %broadcast_in_dim3A_204 = vector.broadcast %reduce_sum3A_107 : f32 to vector<16xf32>
    %select_n3A_205 = arith.select %eq3A_203, %broadcast_in_dim3A_204, %select_n3A : vector<16xi1>, vector<16xf32>
    %eq3A_206 = arith.constant 2 : i32
    %eq3A_207 = vector.broadcast %eq3A_206 : i32 to vector<16xi32>
    %eq3A_208 = arith.cmpi eq, %iota3A, %eq3A_207 : vector<16xi32>
    %broadcast_in_dim3A_209 = vector.broadcast %reduce_sum3A_155 : f32 to vector<16xf32>
    %select_n3A_210 = arith.select %eq3A_208, %broadcast_in_dim3A_209, %select_n3A_205 : vector<16xi1>, vector<16xf32>
    %eq3A_211 = arith.constant 3 : i32
    %eq3A_212 = vector.broadcast %eq3A_211 : i32 to vector<16xi32>
    %eq3A_213 = arith.cmpi eq, %iota3A, %eq3A_212 : vector<16xi32>
    %broadcast_in_dim3A_214 = vector.broadcast %reduce_sum3A_195 : f32 to vector<16xf32>
    %select_n3A_215 = arith.select %eq3A_213, %broadcast_in_dim3A_214, %select_n3A_210 : vector<16xi1>, vector<16xf32>
    %swap3A_216 = arith.constant 0 : index
    %swap3A_217 = tpu.vector_load %arg11[%swap3A_216] {strides = array<i32>} : memref<16xf32, #tpu.memory_space<vmem>>, vector<16xf32>,
    tpu.vector_store %arg11[%swap3A_216], %select_n3A_215 {strides = array<i32>} : memref<16xf32, #tpu.memory_space<vmem>>, vector<16xf32>,
    "tpu.region"() ({
      %run_scoped3A = tpu.sem_alloc : memref<!tpu.dma_semaphore, #tpu.memory_space<semaphore_mem>>
      %dma_start3A_218 = arith.constant 0 : i32
      %dma_start3A_219 = tpu.memref_slice %arg4[%add3A, %dma_start3A_218] : memref<32x16xf32, #tpu.memory_space<hbm>> -> memref<1x16xf32, #tpu.memory_space<hbm>>
      %dma_start3A_220 = tpu.memref_squeeze %dma_start3A_219 : memref<1x16xf32, #tpu.memory_space<hbm>> -> memref<16xf32, #tpu.memory_space<hbm>>
      %dma_start3A_221 = arith.constant 0 : i32
      %dma_start3A_222 = tpu.memref_slice %arg4[%add3A, %dma_start3A_221] : memref<32x16xf32, #tpu.memory_space<hbm>> -> memref<1x16xf32, #tpu.memory_space<hbm>>
      %dma_start3A_223 = tpu.memref_squeeze %dma_start3A_222 : memref<1x16xf32, #tpu.memory_space<hbm>> -> memref<16xf32, #tpu.memory_space<hbm>>
      tpu.enqueue_dma source(%arg11 : memref<16xf32, #tpu.memory_space<vmem>>) target(%dma_start3A_223 : memref<16xf32, #tpu.memory_space<hbm>>) target_semaphore(%run_scoped3A : memref<!tpu.dma_semaphore, #tpu.memory_space<semaphore_mem>>)
      %dma_wait3A_224 = arith.constant 0 : i32
      %dma_wait3A_225 = tpu.memref_slice %arg4[%add3A, %dma_wait3A_224] : memref<32x16xf32, #tpu.memory_space<hbm>> -> memref<1x16xf32, #tpu.memory_space<hbm>>
      %dma_wait3A_226 = tpu.memref_squeeze %dma_wait3A_225 : memref<1x16xf32, #tpu.memory_space<hbm>> -> memref<16xf32, #tpu.memory_space<hbm>>
      %dma_wait3A_227 = arith.constant 0 : i32
      %dma_wait3A_228 = tpu.memref_slice %arg4[%add3A, %dma_wait3A_227] : memref<32x16xf32, #tpu.memory_space<hbm>> -> memref<1x16xf32, #tpu.memory_space<hbm>>
      %dma_wait3A_229 = tpu.memref_squeeze %dma_wait3A_228 : memref<1x16xf32, #tpu.memory_space<hbm>> -> memref<16xf32, #tpu.memory_space<hbm>>
      tpu.wait_dma2 semaphore(%run_scoped3A : memref<!tpu.dma_semaphore, #tpu.memory_space<semaphore_mem>>) src(%arg11 : memref<16xf32, #tpu.memory_space<vmem>>) dst(%dma_wait3A_229 : memref<16xf32, #tpu.memory_space<hbm>>)
      tpu.yield
    }) : () -> ()
    return
  }
}

module attributes {stable_mosaic.version = 14 : i64} {
  func.func @_proj_body(%arg0: i32, %arg1: memref<512x64xf32, #tpu.memory_space<vmem>>, %arg2: memref<64x128xf32, #tpu.memory_space<vmem>>, %arg3: memref<64x128xf32, #tpu.memory_space<vmem>>, %arg4: memref<1x1x512xf32, #tpu.memory_space<vmem>>, %arg5: memref<128x512xi32, #tpu.memory_space<vmem>>, %arg6: memref<128x1xf32, #tpu.memory_space<vmem>>, %arg7: memref<128x1xf32, #tpu.memory_space<vmem>>, %arg8: memref<64x256xf32, #tpu.memory_space<vmem>>) attributes {dimension_semantics = [#tpu.dimension_semantics<arbitrary>], iteration_bounds = array<i64: 64>, scalar_prefetch = 0 : i64, scratch_operands = 1 : i64, tpu.core_type = #tpu.core_type<tc>, window_params = [{transform_indices = @transform_0, window_bounds = array<i64: 512, 64>}, {pipeline_mode = #tpu.pipeline_mode<synchronous>, transform_indices = @transform_1, window_bounds = array<i64: 64, 128>}, {pipeline_mode = #tpu.pipeline_mode<synchronous>, transform_indices = @transform_2, window_bounds = array<i64: 64, 128>}, {transform_indices = @transform_3, window_bounds = array<i64: 1, 1, 512>}, {transform_indices = @transform_4, window_bounds = array<i64: 128, 512>}, {pipeline_mode = #tpu.pipeline_mode<synchronous>, transform_indices = @transform_5, window_bounds = array<i64: 128, 1>}, {pipeline_mode = #tpu.pipeline_mode<synchronous>, transform_indices = @transform_6, window_bounds = array<i64: 128, 1>}]} {
    %eq3A = arith.constant 0 : i32
    %eq3A_0 = arith.cmpi eq, %arg0, %eq3A : i32
    %convert_element_type3A = arith.extui %eq3A_0 : i1 to i32
    %cond3A = arith.constant 0 : i32
    %cond3A_1 = arith.cmpi ne, %convert_element_type3A, %cond3A : i32
    scf.if %cond3A_1 {
      %get3A_67 = arith.constant 0 : index
      %get3A_68 = arith.constant 0 : index
      %get3A_69 = vector.load %arg2[%get3A_67, %get3A_68] : memref<64x128xf32, #tpu.memory_space<vmem>>, vector<64x128xf32>
      %get3A_70 = arith.constant 0 : index
      %get3A_71 = arith.constant 0 : index
      %get3A_72 = vector.load %arg3[%get3A_70, %get3A_71] : memref<64x128xf32, #tpu.memory_space<vmem>>, vector<64x128xf32>
      %mul3A_73 = arith.mulf %get3A_69, %get3A_69 : vector<64x128xf32>
      %reduce_sum3A_74 = arith.constant dense<0.000000e+00> : vector<128xf32>
      %reduce_sum3A_75 = vector.multi_reduction <add>, %mul3A_73, %reduce_sum3A_74 [0] : vector<64x128xf32> to vector<128xf32>
      %broadcast_in_dim3A_76 = vector.shape_cast %reduce_sum3A_75 : vector<128xf32> to vector<1x128xf32>
      %rsqrt3A = math.rsqrt %broadcast_in_dim3A_76 : vector<1x128xf32>
      %mul3A_77 = vector.broadcast %rsqrt3A : vector<1x128xf32> to vector<64x128xf32>
      %mul3A_78 = arith.mulf %get3A_69, %mul3A_77 : vector<64x128xf32>
      %mul3A_79 = arith.mulf %mul3A_78, %get3A_72 : vector<64x128xf32>
      %reduce_sum3A_80 = arith.constant dense<0.000000e+00> : vector<128xf32>
      %reduce_sum3A_81 = vector.multi_reduction <add>, %mul3A_79, %reduce_sum3A_80 [0] : vector<64x128xf32> to vector<128xf32>
      %broadcast_in_dim3A_82 = vector.shape_cast %reduce_sum3A_81 : vector<128xf32> to vector<1x128xf32>
      %mul3A_83 = vector.broadcast %broadcast_in_dim3A_82 : vector<1x128xf32> to vector<64x128xf32>
      %mul3A_84 = arith.mulf %mul3A_83, %mul3A_78 : vector<64x128xf32>
      %sub3A = arith.subf %get3A_72, %mul3A_84 : vector<64x128xf32>
      %mul3A_85 = arith.mulf %sub3A, %sub3A : vector<64x128xf32>
      %reduce_sum3A_86 = arith.constant dense<0.000000e+00> : vector<128xf32>
      %reduce_sum3A_87 = vector.multi_reduction <add>, %mul3A_85, %reduce_sum3A_86 [0] : vector<64x128xf32> to vector<128xf32>
      %broadcast_in_dim3A_88 = vector.shape_cast %reduce_sum3A_87 : vector<128xf32> to vector<1x128xf32>
      %rsqrt3A_89 = math.rsqrt %broadcast_in_dim3A_88 : vector<1x128xf32>
      %mul3A_90 = vector.broadcast %rsqrt3A_89 : vector<1x128xf32> to vector<64x128xf32>
      %mul3A_91 = arith.mulf %sub3A, %mul3A_90 : vector<64x128xf32>
      %swap3A_92 = arith.constant 0 : index
      %swap3A_93 = arith.constant 0 : index
      %swap3A_94 = vector.load %arg8[%swap3A_92, %swap3A_93] : memref<64x256xf32, #tpu.memory_space<vmem>>, vector<64x128xf32>
      tpu.vector_store %arg8[%swap3A_92, %swap3A_93], %mul3A_78 {strides = array<i32>} : memref<64x256xf32, #tpu.memory_space<vmem>>, vector<64x128xf32>,
      %swap3A_95 = arith.constant 0 : index
      %swap3A_96 = arith.constant 128 : index
      %swap3A_97 = vector.load %arg8[%swap3A_95, %swap3A_96] : memref<64x256xf32, #tpu.memory_space<vmem>>, vector<64x128xf32>
      tpu.vector_store %arg8[%swap3A_95, %swap3A_96], %mul3A_91 {strides = array<i32>} : memref<64x256xf32, #tpu.memory_space<vmem>>, vector<64x128xf32>,
    } else {
    }
    %get3A = arith.constant 0 : index
    %get3A_2 = arith.constant 0 : index
    %get3A_3 = vector.load %arg1[%get3A, %get3A_2] : memref<512x64xf32, #tpu.memory_space<vmem>>, vector<512x64xf32>
    %get3A_4 = arith.constant 0 : index
    %get3A_5 = arith.constant 0 : index
    %get3A_6 = vector.load %arg8[%get3A_4, %get3A_5] : memref<64x256xf32, #tpu.memory_space<vmem>>, vector<64x256xf32>
    %get3A_7 = arith.constant 0 : index
    %get3A_8 = arith.constant 0 : index
    %get3A_9 = arith.constant 0 : index
    %get3A_10 = vector.load %arg4[%get3A_7, %get3A_8, %get3A_9] : memref<1x1x512xf32, #tpu.memory_space<vmem>>, vector<1x1x512xf32>
    %reshape3A = vector.shape_cast %get3A_10 : vector<1x1x512xf32> to vector<1x512xf32>
    %dot_general3A = arith.constant dense<0.000000e+00> : vector<256x512xf32>
    %dot_general3A_11 = tpu.matmul %get3A_6, %get3A_3, %dot_general3A {dimension_numbers = #tpu.dot_dimension_numbers<[0], [1], [1], [0], [0, 1, 1, 0], [], []>, transpose_lhs_hint = false} : vector<64x256xf32>, vector<512x64xf32>, vector<256x512xf32> -> vector<256x512xf32>
    %mul3A = arith.mulf %get3A_3, %get3A_3 : vector<512x64xf32>
    %reduce_sum3A = arith.constant dense<0.000000e+00> : vector<512xf32>
    %reduce_sum3A_12 = vector.multi_reduction <add>, %mul3A, %reduce_sum3A [1] : vector<512x64xf32> to vector<512xf32>
    %broadcast_in_dim3A = vector.shape_cast %reduce_sum3A_12 : vector<512xf32> to vector<1x512xf32>
    %slice3A = vector.extract_strided_slice %dot_general3A_11 {offsets = [0, 0], sizes = [128, 512], strides = [1, 1]} : vector<256x512xf32> to vector<128x512xf32>
    %slice3A_13 = vector.extract_strided_slice %dot_general3A_11 {offsets = [128, 0], sizes = [128, 512], strides = [1, 1]} : vector<256x512xf32> to vector<128x512xf32>
    %mul3A_14 = arith.mulf %slice3A, %slice3A : vector<128x512xf32>
    %mul3A_15 = arith.mulf %slice3A_13, %slice3A_13 : vector<128x512xf32>
    %add3A = arith.addf %mul3A_14, %mul3A_15 : vector<128x512xf32>
    %mul3A_16 = arith.constant 9.99999996E-13 : f32
    %mul3A_17 = vector.broadcast %mul3A_16 : f32 to vector<1x512xf32>
    %mul3A_18 = arith.mulf %mul3A_17, %broadcast_in_dim3A : vector<1x512xf32>
    %le3A = vector.broadcast %mul3A_18 : vector<1x512xf32> to vector<128x512xf32>
    %le3A_19 = arith.cmpf ole, %add3A, %le3A : vector<128x512xf32>
    %neg3A = arith.constant 0.000000e+00 : f32
    %neg3A_20 = vector.broadcast %neg3A : f32 to vector<128x512xf32>
    %neg3A_21 = arith.subf %neg3A_20, %slice3A_13 : vector<128x512xf32>
    %neg3A_22 = arith.constant 0.000000e+00 : f32
    %neg3A_23 = vector.broadcast %neg3A_22 : f32 to vector<128x512xf32>
    %neg3A_24 = arith.subf %neg3A_23, %slice3A : vector<128x512xf32>
    %atan23A = math.atan2 %neg3A_21, %neg3A_24 : vector<128x512xf32>
    %add3A_25 = arith.constant 3.14159274 : f32
    %add3A_26 = vector.broadcast %add3A_25 : f32 to vector<128x512xf32>
    %add3A_27 = arith.addf %atan23A, %add3A_26 : vector<128x512xf32>
    %div3A = arith.constant 6.28318548 : f32
    %div3A_28 = vector.broadcast %div3A : f32 to vector<128x512xf32>
    %div3A_29 = arith.divf %add3A_27, %div3A_28 : vector<128x512xf32>
    %broadcast_in_dim3A_30 = vector.shape_cast %reshape3A : vector<1x512xf32> to vector<1x512xf32>
    %broadcast_in_dim3A_31 = vector.broadcast %broadcast_in_dim3A_30 : vector<1x512xf32> to vector<128x512xf32>
    %jit3A = arith.constant 0.000000e+00 : f32
    %broadcast_in_dim3A_32 = vector.broadcast %jit3A : f32 to vector<128x512xf32>
    %select_n3A = arith.select %le3A_19, %broadcast_in_dim3A_32, %broadcast_in_dim3A_31 : vector<128x512xi1>, vector<128x512xf32>
    %mul3A_33 = arith.constant 3.071000e+03 : f32
    %mul3A_34 = vector.broadcast %mul3A_33 : f32 to vector<128x512xf32>
    %mul3A_35 = arith.mulf %div3A_29, %mul3A_34 : vector<128x512xf32>
    %convert_element_type3A_36 = arith.fptosi %mul3A_35 : vector<128x512xf32> to vector<128x512xi32>
    %jit3A_37 = arith.constant 0 : i32
    %jit3A_38 = arith.constant 3071 : i32
    %max3A = vector.broadcast %jit3A_37 : i32 to vector<128x512xi32>
    %max3A_39 = arith.maxsi %max3A, %convert_element_type3A_36 : vector<128x512xi32>
    %min3A = vector.broadcast %jit3A_38 : i32 to vector<128x512xi32>
    %min3A_40 = arith.minsi %min3A, %max3A_39 : vector<128x512xi32>
    %jit3A_41 = arith.constant 3071 : i32
    %broadcast_in_dim3A_42 = vector.broadcast %jit3A_41 : i32 to vector<128x512xi32>
    %select_n3A_43 = arith.select %le3A_19, %broadcast_in_dim3A_42, %min3A_40 : vector<128x512xi1>, vector<128x512xi32>
    %bitcast_convert_type3A = tpu.bitcast %reshape3A : vector<1x512xf32> -> vector<1x512xi32>
    %shift_right_logical3A = arith.constant 16 : i32
    %shift_right_logical3A_44 = vector.broadcast %shift_right_logical3A : i32 to vector<1x512xi32>
    %shift_right_logical3A_45 = arith.shrui %bitcast_convert_type3A, %shift_right_logical3A_44 : vector<1x512xi32>
    %shift_left3A = arith.constant 16 : i32
    %shift_left3A_46 = vector.broadcast %shift_left3A : i32 to vector<128x512xi32>
    %shift_left3A_47 = arith.shli %select_n3A_43, %shift_left3A_46 : vector<128x512xi32>
    %or3A = vector.broadcast %shift_right_logical3A_45 : vector<1x512xi32> to vector<128x512xi32>
    %or3A_48 = arith.ori %shift_left3A_47, %or3A : vector<128x512xi32>
    %swap3A = arith.constant 0 : index
    %swap3A_49 = arith.constant 0 : index
    %swap3A_50 = vector.load %arg5[%swap3A, %swap3A_49] : memref<128x512xi32, #tpu.memory_space<vmem>>, vector<128x512xi32>
    tpu.vector_store %arg5[%swap3A, %swap3A_49], %or3A_48 {strides = array<i32>} : memref<128x512xi32, #tpu.memory_space<vmem>>, vector<128x512xi32>,
    %mul3A_51 = arith.mulf %div3A_29, %select_n3A : vector<128x512xf32>
    %reduce_sum3A_52 = arith.constant dense<0.000000e+00> : vector<128xf32>
    %reduce_sum3A_53 = vector.multi_reduction <add>, %mul3A_51, %reduce_sum3A_52 [1] : vector<128x512xf32> to vector<128xf32>
    %broadcast_in_dim3A_54 = vector.shape_cast %reduce_sum3A_53 : vector<128xf32> to vector<128x1xf32>
    %reduce_sum3A_55 = arith.constant dense<0.000000e+00> : vector<128xf32>
    %reduce_sum3A_56 = vector.multi_reduction <add>, %select_n3A, %reduce_sum3A_55 [1] : vector<128x512xf32> to vector<128xf32>
    %broadcast_in_dim3A_57 = vector.shape_cast %reduce_sum3A_56 : vector<128xf32> to vector<128x1xf32>
    %eq3A_58 = arith.constant 0 : i32
    %eq3A_59 = arith.cmpi eq, %arg0, %eq3A_58 : i32
    %convert_element_type3A_60 = arith.extui %eq3A_59 : i1 to i32
    %cond3A_61 = arith.constant 0 : i32
    %cond3A_62 = arith.cmpi ne, %convert_element_type3A_60, %cond3A_61 : i32
    scf.if %cond3A_62 {
      %swap3A_67 = arith.constant 0 : index
      %swap3A_68 = arith.constant 0 : index
      %swap3A_69 = vector.load %arg6[%swap3A_67, %swap3A_68] : memref<128x1xf32, #tpu.memory_space<vmem>>, vector<128x1xf32>
      tpu.vector_store %arg6[%swap3A_67, %swap3A_68], %broadcast_in_dim3A_54 {strides = array<i32>} : memref<128x1xf32, #tpu.memory_space<vmem>>, vector<128x1xf32>,
      %swap3A_70 = arith.constant 0 : index
      %swap3A_71 = arith.constant 0 : index
      %swap3A_72 = vector.load %arg7[%swap3A_70, %swap3A_71] : memref<128x1xf32, #tpu.memory_space<vmem>>, vector<128x1xf32>
      tpu.vector_store %arg7[%swap3A_70, %swap3A_71], %broadcast_in_dim3A_57 {strides = array<i32>} : memref<128x1xf32, #tpu.memory_space<vmem>>, vector<128x1xf32>,
    } else {
    }
    %gt3A = arith.constant 0 : i32
    %gt3A_63 = arith.cmpi sgt, %arg0, %gt3A : i32
    %convert_element_type3A_64 = arith.extui %gt3A_63 : i1 to i32
    %cond3A_65 = arith.constant 0 : i32
    %cond3A_66 = arith.cmpi ne, %convert_element_type3A_64, %cond3A_65 : i32
    scf.if %cond3A_66 {
      %get3A_67 = arith.constant 0 : index
      %get3A_68 = arith.constant 0 : index
      %get3A_69 = vector.load %arg6[%get3A_67, %get3A_68] : memref<128x1xf32, #tpu.memory_space<vmem>>, vector<128x1xf32>
      %add3A_70 = arith.addf %get3A_69, %broadcast_in_dim3A_54 : vector<128x1xf32>
      %swap3A_71 = arith.constant 0 : index
      %swap3A_72 = arith.constant 0 : index
      %swap3A_73 = vector.load %arg6[%swap3A_71, %swap3A_72] : memref<128x1xf32, #tpu.memory_space<vmem>>, vector<128x1xf32>
      tpu.vector_store %arg6[%swap3A_71, %swap3A_72], %add3A_70 {strides = array<i32>} : memref<128x1xf32, #tpu.memory_space<vmem>>, vector<128x1xf32>,
      %get3A_74 = arith.constant 0 : index
      %get3A_75 = arith.constant 0 : index
      %get3A_76 = vector.load %arg7[%get3A_74, %get3A_75] : memref<128x1xf32, #tpu.memory_space<vmem>>, vector<128x1xf32>
      %add3A_77 = arith.addf %get3A_76, %broadcast_in_dim3A_57 : vector<128x1xf32>
      %swap3A_78 = arith.constant 0 : index
      %swap3A_79 = arith.constant 0 : index
      %swap3A_80 = vector.load %arg7[%swap3A_78, %swap3A_79] : memref<128x1xf32, #tpu.memory_space<vmem>>, vector<128x1xf32>
      tpu.vector_store %arg7[%swap3A_78, %swap3A_79], %add3A_77 {strides = array<i32>} : memref<128x1xf32, #tpu.memory_space<vmem>>, vector<128x1xf32>,
    } else {
    }
    return
  }
  func.func @transform_0(%arg0: i32) -> (i32, i32) {
    %c0_i32 = arith.constant 0 : i32
    %c0_i32_0 = arith.constant 0 : i32
    return %arg0, %c0_i32 : i32, i32
  }
  func.func @transform_1(%arg0: i32) -> (i32, i32) {
    %c0_i32 = arith.constant 0 : i32
    %c0_i32_0 = arith.constant 0 : i32
    %c0_i32_1 = arith.constant 0 : i32
    return %c0_i32, %c0_i32_0 : i32, i32
  }
  func.func @transform_2(%arg0: i32) -> (i32, i32) {
    %c0_i32 = arith.constant 0 : i32
    %c0_i32_0 = arith.constant 0 : i32
    %c0_i32_1 = arith.constant 0 : i32
    return %c0_i32, %c0_i32_0 : i32, i32
  }
  func.func @transform_3(%arg0: i32) -> (i32, i32, i32) {
    %c0_i32 = arith.constant 0 : i32
    %c0_i32_0 = arith.constant 0 : i32
    %c0_i32_1 = arith.constant 0 : i32
    return %arg0, %c0_i32, %c0_i32_0 : i32, i32, i32
  }
  func.func @transform_4(%arg0: i32) -> (i32, i32) {
    %c0_i32 = arith.constant 0 : i32
    %c0_i32_0 = arith.constant 0 : i32
    return %c0_i32, %arg0 : i32, i32
  }
  func.func @transform_5(%arg0: i32) -> (i32, i32) {
    %c0_i32 = arith.constant 0 : i32
    %c0_i32_0 = arith.constant 0 : i32
    %c0_i32_1 = arith.constant 0 : i32
    return %c0_i32, %c0_i32_0 : i32, i32
  }
  func.func @transform_6(%arg0: i32) -> (i32, i32) {
    %c0_i32 = arith.constant 0 : i32
    %c0_i32_0 = arith.constant 0 : i32
    %c0_i32_1 = arith.constant 0 : i32
    return %c0_i32, %c0_i32_0 : i32, i32
  }
}

module attributes {stable_mosaic.version = 14 : i64} {
  func.func @_final_body(%arg0: memref<32x16xf32, #tpu.memory_space<vmem>>, %arg1: memref<1x1xf32, #tpu.memory_space<vmem>>) attributes {dimension_semantics = [], scalar_prefetch = 0 : i64, scratch_operands = 0 : i64, tpu.core_type = #tpu.core_type<tc>} {
    %get3A = arith.constant 0 : index
    %get3A_0 = arith.constant 0 : index
    %get3A_1 = vector.load %arg0[%get3A, %get3A_0] : memref<32x16xf32, #tpu.memory_space<vmem>>, vector<32x16xf32>
    %reduce_sum3A = vector.shape_cast %get3A_1 : vector<32x16xf32> to vector<1x32x16xf32>
    %reduce_sum3A_2 = arith.constant dense<0.000000e+00> : vector<1xf32>
    %reduce_sum3A_3 = vector.multi_reduction <add>, %reduce_sum3A, %reduce_sum3A_2 [1, 2] : vector<1x32x16xf32> to vector<1xf32>
    %reduce_sum3A_4 = vector.shape_cast %reduce_sum3A_3 : vector<1xf32> to vector<1x1x1xf32>
    %reduce_sum3A_5 = vector.extract %reduce_sum3A_4[0, 0, 0] : f32 from vector<1x1x1xf32>
    %mul3A = arith.constant 7.812500e-03 : f32
    %mul3A_6 = arith.mulf %reduce_sum3A_5, %mul3A : f32
    %sqrt3A = math.sqrt %mul3A_6 : f32
    %reshape3A = vector.broadcast %sqrt3A : f32 to vector<1x1xf32>
    %swap3A = arith.constant 0 : index
    %swap3A_7 = arith.constant 0 : index
    %swap3A_8 = vector.load %arg1[%swap3A, %swap3A_7] : memref<1x1xf32, #tpu.memory_space<vmem>>, vector<1x1xf32>
    tpu.vector_store %arg1[%swap3A, %swap3A_7], %reshape3A {strides = array<i32>} : memref<1x1xf32, #tpu.memory_space<vmem>>, vector<1x1xf32>,
    return
  }
}

</mosaic_0001>

<sc_bundles>
// kernel: kernel.5.cloned.1.call-start
scs
__scs_entry_jumppad:
0x0: {  	(pc) =	sbr.rel $0x88, $3  }
0x1: {  	(tag) =	ssettag $0x0;
	lr =	simm.s32 $0x1  }
0x2: {  	[smem:$0x3F9E] =	sst lr;
	_ =	strace $0xD0000000  }
0x3: {  	_ = 	snop  }
0x4: {  	_ = 	snop  }
0x5: {  	_ = 	snop  }
0x6: {  	_ = 	snop  }
0x7: {  	_ = 	snop  }
__scs_overlays_trampoline_lowered:
0x8: {  	[smem:$0x3FAD] =	sst s0  }
0x9: {  	[smem:$0x3FAE] =	sst s1  }
0xa: {  	[smem:$0x3FAF] =	sst s2  }
0xb: {  	[smem:$0x3FB0] =	sst s3  }
0xc: {  	[smem:$0x3FB1] =	sst s4  }
0xd: {  	[smem:$0x3FB2] =	sst s5  }
0xe: {  	[smem:$0x3FB3] =	sst s6  }
0xf: {  	[smem:$0x3FB4] =	sst s7  }
0x10: {  	[smem:$0x3FB5] =	sst s8  }
0x11: {  	[smem:$0x3FB6] =	sst s9;
	s0 =	simm.s32 @!p0 $0x0  }
0x12: {  	s1 =	sld [smem:$0x3F9C];
	s0 =	simm.s32 @p0 $0x1  }
0x13: {  	[smem:$0x3FB7] =	sst s0;
	s0 =	simm.s32 @!p1 $0x0  }
0x14: {  	s2 =	sld [smem:$0x3F9B];
	s0 =	simm.s32 @p1 $0x1  }
0x15: {  	[smem:$0x3FB8] =	sst s0;
	s0 =	simm.s32 @!p2 $0x0  }
0x16: {  	s3 =	sld [smem:$0x3FDB];
	s0 =	simm.s32 @p2 $0x1  }
0x17: {  	s4 =	simm.s32 $0x1BF5;
	[smem:$0x3FBA] =	sst s0  }
0x18: {  	s0 =	sld [smem:$0x3F9D];
	_ =	swait.ge [sflag:s4], $0x0  }
0x19: {  	s7 =	sld [smem:$0x3F9E]  }
0x1a: {  	s8 =	sadd.s32 $0xFFFFE003, lr  }
0x1b: {  	s9 =	sadd.s32 $0xFFFFFEF7, lr;
	s5 =	simm.s32 $0xFFFFFFFF;
	p2 =	slt.u32 s8, $0xFFFFF086  }
0x1c: {  	p1 =	slt.u32 s9, $0xF7A;
	s5 =	simm.s32 @!p2 $0x0  }
0x1d: {  	s5 =	simm.s32 @p1 $0x1;
	p0 =	seq.s32 s7, s2  }
0x1e: {  	s7 =	smul.u32 @!p0 $0xF7A, s2;
	p2 =	seq.s32 @!p0 s5, $0x0  }
0x1f: {  	s9 =	smul.u32 $0xF7A, s1;
	s8 =	simm.s32 @!p0 $0x1BF5;
	p2 =	por !p2, p0  }
0x20: {  	[sflag:s8] =	ssyncset.s32 @!p0 $0xFFFFF086;
	s6 =	sadd.s32 @!p0 s3, s7;
	s7 =	simm.s32 @!p0 $0x108  }
0x21: {  	s3 =	sadd.s32 s3, s9;
	s6 =	sadd.s32 @!p0 $0x88, s6;
	s7 =	simm.s32 @p2 $0x1082  }
0x22: {  	[simem:s7], [sflag:s8] =	dma.local @!p0 [hbm:s6], $0xF7A  }
0x23: {  	s9 =	sor.u32 $0xD0000000, s2;
	s6 =	simm.s32 $0x108;
	_ =	swait.ge @!p0 [sflag:s8], $0x0  }
0x24: {  	s3 =	sadd.s32 $0x88, s3;
	s6 =	simm.s32 @!p1 $0x1082;
	[sflag:s4] =	ssyncset.s32 $0xFFFFF086  }
0x25: {  	[simem:s6], [sflag:s4] =	dma.local [hbm:s3], $0xF7A  }
0x26: {  	[smem:$0x3F9E] =	sst s1;
	(tag) =	ssettag s2;
	_ =	strace s9  }
0x27: {  	s1 =	sld [smem:$0x3FAE]  }
0x28: {  	s2 =	sld [smem:$0x3FAF]  }
0x29: {  	s4 =	sld [smem:$0x3FB1]  }
0x2a: {  	p0 =	seq.s32 s5, $0x0;
	s5 =	sld [smem:$0x3FB2]  }
0x2b: {  	s6 =	sld [smem:$0x3FB3]  }
0x2c: {  	s7 =	sld [smem:$0x3FB4]  }
0x2d: {  	s3 =	simm.s32 $0x108;
	s8 =	sld [smem:$0x3FB5]  }
0x2e: {  	s3 =	simm.s32 @!p0 $0x1082;
	s9 =	sld [smem:$0x3FB6]  }
0x2f: {  	lr =	sadd.s32 s0, s3;
	s0 =	sld [smem:$0x3FAD]  }
0x30: {  	s3 =	sld [smem:$0x3FB0]  }
0x31: {  	[smem:$0x3FB9] =	sst s10  }
0x32: {  	s10 =	sld [smem:$0x3FB7];
	_ =	sdelay $0x3  }
0x33: {  	p0 =	seq.s32 s10, $0x1;
	s10 =	sld [smem:$0x3FB9];
	_ =	sdelay $0x3  }
0x34: {  	[smem:$0x3FB9] =	sst s10  }
0x35: {  	s10 =	sld [smem:$0x3FB8];
	_ =	sdelay $0x3  }
0x36: {  	p1 =	seq.s32 s10, $0x1;
	s10 =	sld [smem:$0x3FB9];
	_ =	sdelay $0x3  }
0x37: {  	[smem:$0x3FB9] =	sst s10  }
0x38: {  	s10 =	sld [smem:$0x3FBA]  }
0x39: {  	_ = 	snop;
	(pc) =	sbr.ind lr, $3  }
0x3a: {  	_ = 	snop  }
0x3b: {  	_ = 	snop  }
0x3c: {  	p2 =	seq.s32 s10, $0x1;
	s10 =	sld [smem:$0x3FB9]  }
0x3d: {  	_ =	shalt  }
0x3e: {  	_ =	shalt  }
0x3f: {  	_ =	shalt  }
0x40: {  	_ =	shalt  }
0x41: {  	_ =	shalt  }
0x42: {  	_ =	shalt  }
0x43: {  	_ =	shalt  }
0x44: {  	_ =	shalt  }
0x45: {  	_ =	shalt  }
0x46: {  	_ =	shalt  }
0x47: {  	_ =	shalt  }
0x48: {  	_ =	shalt  }
0x49: {  	_ =	shalt  }
0x4a: {  	_ =	shalt  }
0x4b: {  	_ =	shalt  }
0x4c: {  	_ =	shalt  }
0x4d: {  	_ =	shalt  }
0x4e: {  	_ =	shalt  }
0x4f: {  	_ =	shalt  }
0x50: {  	_ =	shalt  }
0x51: {  	_ =	shalt  }
0x52: {  	_ =	shalt  }
0x53: {  	_ =	shalt  }
0x54: {  	_ =	shalt  }
0x55: {  	_ =	shalt  }
0x56: {  	_ =	shalt  }
0x57: {  	_ =	shalt  }
0x58: {  	_ =	shalt  }
0x59: {  	_ =	shalt  }
0x5a: {  	_ =	shalt  }
0x5b: {  	_ =	shalt  }
0x5c: {  	_ =	shalt  }
0x5d: {  	_ =	shalt  }
0x5e: {  	_ =	shalt  }
0x5f: {  	_ =	shalt  }
0x60: {  	_ =	shalt  }
0x61: {  	_ =	shalt  }
0x62: {  	_ =	shalt  }
0x63: {  	_ =	shalt  }
0x64: {  	_ =	shalt  }
0x65: {  	_ =	shalt  }
0x66: {  	_ =	shalt  }
0x67: {  	_ =	shalt  }
0x68: {  	_ =	shalt  }
0x69: {  	_ =	shalt  }
0x6a: {  	_ =	shalt  }
0x6b: {  	_ =	shalt  }
0x6c: {  	_ =	shalt  }
0x6d: {  	_ =	shalt  }
0x6e: {  	_ =	shalt  }
0x6f: {  	_ =	shalt  }
0x70: {  	_ =	shalt  }
0x71: {  	_ =	shalt  }
0x72: {  	_ =	shalt  }
0x73: {  	_ =	shalt  }
0x74: {  	_ =	shalt  }
0x75: {  	_ =	shalt  }
0x76: {  	_ =	shalt  }
0x77: {  	_ =	shalt  }
0x78: {  	_ =	shalt  }
0x79: {  	_ =	shalt  }
0x7a: {  	_ =	shalt  }
0x7b: {  	_ =	shalt  }
0x7c: {  	_ =	shalt  }
0x7d: {  	_ =	shalt  }
0x7e: {  	_ =	shalt  }
0x7f: {  	_ =	shalt  }
0x80: {  	_ =	shalt  }
0x81: {  	_ =	shalt  }
0x82: {  	_ =	shalt  }
0x83: {  	_ =	shalt  }
0x84: {  	_ =	shalt  }
0x85: {  	_ =	shalt  }
0x86: {  	_ =	shalt  }
0x87: {  	_ =	shalt  }
.Lfunc_end0:
.L_simem_size_0:
called_computation_lowered:
.L_overlay_start_0:
0x88: {  	s2 =	sld [smem:$0x3FD9]  }
0x89: {  	s3 =	sld [smem:$0x3FFE];
	_ =	sdelay $0x1  }
0x8a: {  	s1 =	srdreg.scid  }
0x8b: {  	s0 =	sand.u32 $0x1, s1  }
0x8c: {  	s17 =	sshll.u32 s0, $0xA;
	s2 =	sadd.s32 s3, s2  }
0x8d: {  	s2 =	sadd.s32 s2, s17  }
0x8e: {  	[smem:$0x3FC5] =	sst s2  }
0x8f: {  	_ = 	snop  }
0x90: {  	s2 =	sld [smem:$0x3FD0];
	(tm) =	ssettm $0x1  }
0x91: {  	s18 =	sld [smem:$0x3FFB];
	_ =	sdelay $0x3  }
0x92: {  	_ =	strace s18  }
0x93: {  	s3 =	sld [smem:$0x3FFC];
	_ =	sdelay $0x3  }
0x94: {  	_ =	strace s3  }
0x95: {  	s3 =	sld [smem:$0x3FFD];
	_ =	sdelay $0x3  }
0x96: {  	_ =	strace s3  }
0x97: {  	_ =	strace $0x8FFFFFFF  }
0x98: {  	s19 =	sld [smem:$0x3FDB];
	_ =	sdelay $0x1  }
0x99: {  	s4 =	simm.s32 $_scs_section_size  }
0x9a: {  	s5 =	simm.s32 $_size__tile_overlayer_lowered;
	s6 =	simm.s32 $_tile_overlayer_lowered  }
0x9b: {  	s22 =	simm.s32 $0x1BFF;
	s21 =	sshll.u32 s6, $0x1;
	s3 =	sadd.s32 s4, s19  }
0x9c: {  	s7 =	simm.s32 $0x0;
	s20 =	sshll.u32 s5, $0x1;
	s5 =	sadd.s32 s21, s3  }
0x9d: {  	[timem:s7], [sflag:s22] =	dma.local [hbm:s5], s20  }
0x9e: {  	_ =	swait.ge [sflag:s22], s20  }
0x9f: {  	s4 =	ssub.s32 $0x0, s20;
	[sflag:s22] =	ssyncset.done $0x0  }
0xa0: {  	[sflag:s22] =	ssyncadd.s32 s4;
	_ =	sdelay $0x1  }
0xa1: {  	s23 =	simm.s32 $0x1B8B  }
0xa2: {  	_ =	swait.ge [sflag:s23], $0x1  }
0xa3: {  	[sflag:s23] =	ssyncset.done $0x0  }
0xa4: {  	s25 =	simm.s32 $0x1B8E;
	s24 =	sld [smem:$0x3FFE];
	[sflag:s23] =	ssyncadd.s32 $0xFFFFFFFF  }
0xa5: {  	s26 =	simm.s32 $execute0_lowered;
	[smem:$0x3FD2] =	sst s25  }
0xa6: {  	s5 =	sshll.u32 s26, $0x1;
	_ =	strace $0x80000046;
	[dreg:$0x1] =	wrdreg $0xFFFFFFFF  }
0xa7: {  	s28 =	simm.s32 $_size_execute0_lowered;
	s3 =	sadd.s32 s3, s5;
	[dreg:$0x0] =	wrdreg $0x0  }
0xa8: {  	s5 =	sshll.u32 s28, $0x1;
	[dreg:$0x2] =	wrdreg s3  }
0xa9: {  	[dreg:$0x3] =	wrdreg s5  }
0xaa: {  	[dreg:$0x4] =	wrdreg $0xC0  }
0xab: {  	_ =	task [dreg:s7], $0x5FFFF  }
0xac: {  	[dreg:$0x1] =	wrdreg $0xFFFFFFFF  }
0xad: {  	[dreg:$0x0] =	wrdreg $0x60  }
0xae: {  	[dreg:$0x2] =	wrdreg s24  }
0xaf: {  	[dreg:$0x3] =	wrdreg s2  }
0xb0: {  	[dreg:$0x4] =	wrdreg $0x9  }
0xb1: {  	_ =	task.clear_ibuf [dreg:s7], $0x5FFFF;
	_ =	strace $0x90000046  }
0xb2: {  	s29 =	simm.s32 $0x9;
	_ =	strace $0x80000048  }
0xb3: {  	_ =	swait.ge [sflag:s29], $0x1  }
0xb4: {  	[sflag:s29] =	ssyncadd.s32 $0xFFFFFFFF  }
0xb5: {  	_ =	strace $0x90000048  }
0xb6: {  	_ =	sfence  }
0xb7: {  	s30 =	sld [smem:$0x0];
	_ =	sdelay $0x2  }
0xb8: {  	s31 =	sshll.u32 s1, $0xD;
	s1 =	sshrl.u32 s1, $0x2  }
0xb9: {  	s3 =	sand.u32 $0x4000, s31;
	s1 =	sadd.s32 s1, s30  }
0xba: {  	s0 =	sor.u32 s3, s0;
	s1 =	sshll.u32 s1, $0x11  }
0xbb: {  	s0 =	sor.u32 s1, s0  }
0xbc: {  	s0 =	sadd.s32 $0x8F2B, s0  }
0xbd: {  	[sflag:s0] =	ssyncadd.remote.s32 $0x1  }
0xbe: {  	_ =	sfence.sel $0xFFFF  }
0xbf: {  	[dreg:$0x0] =	wrdreg $0xFFFFFFFF;
	(pc) =	sbr.abs _section_cstart, $3  }
0xc0: {  	[dreg:$0x1] =	wrdreg $0xFFFFFFFF  }
0xc1: {  	_ =	task.clear_ibuf [dreg:s7], $0x2FFFF;
	_ =	strace $0x9FFFFFFF  }
0xc2: {  	(tm) =	ssettm $0x7FFFFFFF  }
0xc3: {  	_ =	shalt  }
tec
execute0_lowered:
.L_overlay_start_1:
0x0: {  	(tag) =	ssettag $0x1  }
0x1: {  	s4 =	rddreg [dreg:$0x0];
	s3 =	simm.s32 $0x0;
	s5 =	srdreg.scid  }
0x2: {  	s0 =	stileid.u32;
	s16 =	simm.s32 $0x10000;
	s17 =	simm.s32 $0x10C80  }
0x3: {  	s18 =	simm.s32 $0x11900;
	s20 =	simm.s32 $0x0;
	[smem:$0x7FF] =	sst s3  }
0x4: {  	s5 =	sand.u32 $0x1, s5;
	s6 =	sshll.u32 s0, $0x1;
	s7 =	sadd.s32 $0xA00, s4  }
0x5: {  	s9 =	sshll.u32 s0, $0x12;
	_ =	strace $0x80000047;
	s6 =	sor.u32 s5, s6  }
0x6: {  	s10 =	sshll.u32 s5, $0x9;
	s26 =	ssub.s32 $0x2, s5;
	s8 =	sshll.u32 s6, $0x4  }
0x7: {  	s28 =	sor.u32 s10, s9;
	s29 =	sshrl.u32 s26, $0x1;
	s11 =	sshll.u32 s6, $0x2  }
0x8: {  	s14 =	sshllo.u32 s6, $0x2;
	s8 =	sadd.s32 s8, s4;
	s5 =	sshrl.u32 s28, $0x3  }
0x9: {  	s10 =	ssub.s32 s26, s29;
	s12 =	sor.u32 $0x1, s11;
	s13 =	sor.u32 $0x2, s11;
	v0 =	vmov s11  }
0xa: {  	s15 =	sshll.u32 s14, $0x7;
	s11 =	simm.s32 $0x2;
	s4 =	sadd.s32 s7, s5;
	v0 =	vbroadcast v0, $0x0  }
0xb: {  	s30 =	sshll.u32 s12, $0x7;
	s31 =	sshll.u32 s13, $0x7;
	s15 =	sand.u32 $0x380, s15;
	v1 =	vmov s12  }
0xc: {  	s8 =	sadd.s32 $0x80A00, s8;
	s12 =	simm.s32 $0x80;
	s5 =	sand.u32 $0x280, s30;
	[tilespmem:$0x1FFC0] =	vst v0;
	v0 =	vbroadcast v1, $0x0  }
0xd: {  	v2 =	vmov s13;
	s13 =	simm.s32 $0x400;
	s6 =	sand.u32 $0x300, s31;
	s5 =	sor.u32 s9, s5  }
0xe: {  	v61 =	vlaneseq.u32;
	s6 =	sor.u32 s9, s6;
	s9 =	sor.u32 s9, s15;
	s15 =	simm.s32 $0x8000;
	[tilespmem:$0x1FFD0] =	vst v0;
	v0 =	vbroadcast v2, $0x0  }
0xf: {  	v3 =	vimm.s32 $0x600;
	v4 =	vimm.s32 $0xC00;
	vm0 =	vcmask $0x310;
	s5 =	sshrl.u32 s5, $0x3;
	s6 =	sshrl.u32 s6, $0x3;
	s9 =	sshrl.u32 s9, $0x3  }
0x10: {  	vm1 =	vcmask $0x710;
	vm2 =	vcmask $0xB10;
	s5 =	sadd.s32 s7, s5;
	s6 =	sadd.s32 s7, s6;
	s7 =	sadd.s32 s7, s9;
	[tilespmem:$0x1FFE0] =	vst v0;
	v0 =	vmov s14  }
0x11: {  	v1 =	vimm.f32 $2.000000000e+00;
	s9 =	smax.u32 s10, $0x1;
	s10 =	simm.s32 $0x12500;
	v2 =	vimm.s32 $0xFFFFDC03;
	s14 =	simm.s32 $0x1;
	[tilespmem:$0x1FFF0] =	vst v0;
	v0 =	vimm.f32 $0.0e+00  }
.LBB2_1:
0x12: {  	s0 =	rddreg [dreg:$0x1]  }
0x13: {  	[tilespmem:s10], [sflag:$0x2] =	stream.linear.gather [hbm4b:s0+s3], $0x80, $0x38;
	[tilespmem:$0x12600] =	vst v63  }
0x14: {  	_ =	swait.ge [sflag:s11], $0x80  }
0x15: {  	[sflag:s11] =	ssyncset.done $0x0  }
0x16: {  	s22 =	simm.s32 $0x100;
	s21 =	simm.s32 $0x0;
	[sflag:s11] =	ssyncadd.s32 $0xFFFFFF80  }
0x17: {  	[tilespmem:s3], [sflag:$0x1] =	stream.strided.gather [hbm4b:s4+s12], $0x8000, s13, s12, $0x38;
	[tilespmem:$0x12600] =	vst v63  }
.LBB2_2:
0x18: {  	p0 =	sne.s32 s22, $0x2F00;
	[tilespmem:s21+$0x10030] =	vst v0;
	s23 =	smov.u32 s22;
	s22 =	sadd.s32 $0x100, s22  }
.Ltmp0:
0x19: {  	[tilespmem:s21+$0x10020] =	vst v0;
	(pc) =	sbr.rel @p0 .LBB2_2-.Ltmp0, $3  }
0x1a: {  	[tilespmem:s21+$0x10000] =	vst v0  }
0x1b: {  	[tilespmem:s21+$0x10010] =	vst v0;
	_ =	sdelay $0x1  }
0x1c: {  	s21 =	sshra.s32 s23, $0x2  }
0x1d: {  	[tilespmem:s21+$0x10030] =	vst v0  }
0x1e: {  	[tilespmem:s21+$0x10020] =	vst v0  }
0x1f: {  	[tilespmem:s21+$0x10000] =	vst v0  }
0x20: {  	[tilespmem:s21+$0x10010] =	vst v0  }
0x21: {  	[tilespmem:$0x10C00] =	vst v0  }
0x22: {  	_ =	swait.ge [sflag:s14], $0x8000  }
0x23: {  	[sflag:s14] =	ssyncset.done $0x0  }
0x24: {  	s31 =	simm.s32 $0x40;
	[sflag:s14] =	ssyncadd.s32 $0xFFFF8000  }
0x25: {  	[tilespmem:s15], [sflag:$0x1] =	stream.strided.gather [hbm4b:s5+s12], $0x8000, s13, s12, $0x38;
	[tilespmem:$0x12600] =	vst v63  }
0x26: {  	v10 =	vld [tilespmem:s31+$0x30]  }
0x27: {  	v11 =	vld [tilespmem:s31+$0xFFFFFFD0]  }
0x28: {  	v12 =	vld [tilespmem:s31+$0xFFFFFFE0]  }
0x29: {  	v13 =	vld [tilespmem:s31+$0xFFFFFFF0]  }
0x2a: {  	v14 =	vld [tilespmem:s31+$0x0]  }
0x2b: {  	v15 =	vld [tilespmem:s31+$0x10];
	v16 =	vshra.s32 v10, $0x10  }
0x2c: {  	v17 =	vshra.s32 v11, $0x10  }
0x2d: {  	v18 =	vshra.s32 v12, $0x10  }
0x2e: {  	v19 =	vld [tilespmem:s31+$0x20];
	v20 =	vshra.s32 v13, $0x10  }
0x2f: {  	v21 =	vld [tilespmem:s31+$0xFFFFFFC0];
	v22 =	vshra.s32 v14, $0x10;
	v10 =	vshll.u32 v10, $0x10  }
0x30: {  	v11 =	vshll.u32 v11, $0x10;
	v23 =	vshra.s32 v15, $0x10;
	[tilespmem:v16+s16+$0x0] =	vst.idx.add.f32.msk $0xffff, v10  }
0x31: {  	v10 =	vshll.u32 v12, $0x10;
	[tilespmem:v17+s16+$0x0] =	vst.idx.add.f32.msk $0xffff, v11  }
0x32: {  	v11 =	vshll.u32 v13, $0x10;
	[tilespmem:v18+s16+$0x0] =	vst.idx.add.f32.msk $0xffff, v10  }
0x33: {  	v12 =	vshll.u32 v14, $0x10;
	[tilespmem:v20+s16+$0x0] =	vst.idx.add.f32.msk $0xffff, v11  }
0x34: {  	s23 =	simm.s32 $0x0;
	s21 =	simm.s32 $0x10020;
	v14 =	vshll.u32 v15, $0x10;
	v13 =	vshra.s32 v21, $0x10;
	[tilespmem:v22+s16+$0x0] =	vst.idx.add.f32.msk $0xffff, v12  }
0x35: {  	s25 =	simm.f32 $0.0e+00;
	s22 =	simm.s32 $0x10CA0;
	s24 =	simm.s32 $0xC0;
	v10 =	vshll.u32 v19, $0x10;
	v11 =	vshra.s32 v19, $0x10;
	v12 =	vshll.u32 v21, $0x10;
	[tilespmem:v23+s16+$0x0] =	vst.idx.add.f32.msk $0xffff, v14  }
.LBB2_4:
0x36: {  	v14 =	vld [tilespmem:s24+$0x30];
	s23 =	sadd.s32 $0x8, s23  }
0x37: {  	v15 =	vld [tilespmem:s24+$0xFFFFFFD0];
	p0 =	slt.u32 s23, $0x7F8  }
0x38: {  	v16 =	vld [tilespmem:s24+$0xFFFFFFE0]  }
0x39: {  	v17 =	vld [tilespmem:s24+$0xFFFFFFF0]  }
0x3a: {  	v18 =	vld [tilespmem:s24+$0x0]  }
0x3b: {  	v19 =	vld [tilespmem:s24+$0x10];
	v20 =	vshra.s32 v14, $0x10  }
0x3c: {  	v21 =	vshll.u32 v15, $0x10;
	v15 =	vshra.s32 v15, $0x10;
	v22 =	vld [tilespmem:s24+$0x20]  }
0x3d: {  	v23 =	vld [tilespmem:s24+$0xFFFFFFC0];
	v24 =	vshll.u32 v16, $0x10;
	v16 =	vshra.s32 v16, $0x10  }
0x3e: {  	v25 =	vshll.u32 v17, $0x10;
	v17 =	vshra.s32 v17, $0x10;
	[tilespmem:v13+s16+$0x0] =	vst.idx.add.f32.msk $0xffff, v12  }
0x3f: {  	v12 =	vshll.u32 v14, $0x10;
	v26 =	vshll.u32 v18, $0x10;
	v18 =	vshra.s32 v18, $0x10;
	[tilespmem:v11+s16+$0x0] =	vst.idx.add.f32.msk $0xffff, v10  }
0x40: {  	v14 =	vshll.u32 v19, $0x10;
	v19 =	vshra.s32 v19, $0x10;
	[tilespmem:v20+s16+$0x0] =	vst.idx.add.f32.msk $0xffff, v12  }
.Ltmp1:
0x41: {  	[tilespmem:v15+s16+$0x0] =	vst.idx.add.f32.msk $0xffff, v21;
	v10 =	vshll.u32 v22, $0x10;
	v11 =	vshra.s32 v22, $0x10;
	(pc) =	sbr.rel @p0 .LBB2_4-.Ltmp1, $4  }
0x42: {  	v12 =	vshll.u32 v23, $0x10;
	v13 =	vshra.s32 v23, $0x10;
	[tilespmem:v16+s16+$0x0] =	vst.idx.add.f32.msk $0xffff, v24  }
0x43: {  	[tilespmem:v17+s16+$0x0] =	vst.idx.add.f32.msk $0xffff, v25  }
0x44: {  	[tilespmem:v18+s16+$0x0] =	vst.idx.add.f32.msk $0xffff, v26  }
0x45: {  	s24 =	sadd.s32 $0x80, s24;
	[tilespmem:v19+s16+$0x0] =	vst.idx.add.f32.msk $0xffff, v14  }
0x46: {  	_ =	sdelay $0x3  }
0x47: {  	[tilespmem:v13+s16+$0x0] =	vst.idx.add.f32.msk $0xffff, v12  }
0x48: {  	[tilespmem:v11+s16+$0x0] =	vst.idx.add.f32.msk $0xffff, v10  }
0x49: {  	v10 =	vld [tilespmem:s21+$0x0]  }
0x4a: {  	v11 =	vld [tilespmem:s21+$0xFFFFFFE0];
	_ =	sdelay $0x2  }
0x4b: {  	v12 =	vld [tilespmem:s21+$0xFFFFFFF0]  }
0x4c: {  	(xrf2) =	vadd.scan.msk.f32 $0xffff, v10  }
0x4d: {  	(xrf2) =	vadd.scan.msk.f32 $0xffff, v11;
	_ =	sdelay $0x2  }
0x4e: {  	(xrf2) =	vadd.scan.msk.f32 $0xffff, v12;
	_ =	sdelay $0x1  }
0x4f: {  	s24 =	simm.s32 $0x10060  }
0x50: {  	v13 =	vld [tilespmem:s24+$0x0]  }
0x51: {  	v14 =	vld [tilespmem:s21+$0x10];
	_ =	sdelay $0x1  }
0x52: {  	v15, _, _ =	vpop (xrf2)  }
0x53: {  	v17 =	vld [tilespmem:s24+$0xFFFFFFE0];
	v16, _, _ =	vpop (xrf2)  }
0x54: {  	(xrf2) =	vadd.scan.msk.f32 $0xffff, v13;
	(v2sf) =	vpush v16, $0xF  }
0x55: {  	(xrf2) =	vadd.scan.msk.f32 $0xffff, v14  }
0x56: {  	v19 =	vld [tilespmem:s24+$0xFFFFFFF0];
	v18, _, _ =	vpop (xrf2)  }
0x57: {  	(v2sf) =	vpush v18, $0xF  }
0x58: {  	(xrf2) =	vadd.scan.msk.f32 $0xffff, v17;
	(v2sf) =	vpush v15, $0xF  }
0x59: {  	s23 =	simm.s32 $0x100A0  }
0x5a: {  	v20 =	vld [tilespmem:s23+$0x0]  }
0x5b: {  	v21 =	vld [tilespmem:s24+$0x10];
	(xrf2) =	vadd.scan.msk.f32 $0xffff, v19  }
0x5c: {  	v23 =	vld [tilespmem:s23+$0xFFFFFFE0];
	_ =	sdelay $0x1  }
0x5d: {  	v22, _, _ =	vpop (xrf2)  }
0x5e: {  	(xrf2) =	vadd.scan.msk.f32 $0xffff, v20;
	v24, _, _ =	vpop (xrf2)  }
0x5f: {  	(xrf2) =	vadd.scan.msk.f32 $0xffff, v21;
	(v2sf) =	vpush v24, $0xF  }
0x60: {  	(xrf2) =	vadd.scan.msk.f32 $0xffff, v23  }
0x61: {  	v11 =	vsub.f32 v16, v11;
	v16 =	vsub.f32 v18, v12;
	v12 =	vld [tilespmem:s23+$0xFFFFFFF0];
	v18, _, _ =	vpop (xrf2)  }
0x62: {  	s26 =	spop (v2sf);
	(v2sf) =	vpush v18, $0xF  }
0x63: {  	s28 =	simm.s32 $0x100E0;
	v15 =	vsub.f32 v15, v10;
	v10 =	vsub.f32 v22, v13  }
0x64: {  	v13 =	vld [tilespmem:s28+$0x0];
	v24 =	vsub.f32 v24, v14;
	v14 =	vsub.f32 v18, v17;
	v17, _, _ =	vpop (xrf2)  }
0x65: {  	s2 =	spop (v2sf);
	(v2sf) =	vpush v17, $0xF  }
0x66: {  	(xrf2) =	vadd.scan.msk.f32 $0xffff, v12;
	s19 =	spop (v2sf);
	(v2sf) =	vpush v22, $0xF  }
0x67: {  	v25 =	vadd.f32 s25, v11;
	v11 =	vld [tilespmem:s23+$0x10];
	s1 =	sadd.f32 s26, s25  }
0x68: {  	v18, _, _ =	vpop (xrf2)  }
0x69: {  	[tilespmem:s22+$0xFFFFFFE0] =	vst v25;
	(xrf2) =	vadd.scan.msk.f32 $0xffff, v13;
	v62 =	vadd.f32 s1, v16;
	s25 =	sadd.f32 s2, s1;
	v16 =	vsub.f32 v17, v19;
	v17, _, _ =	vpop (xrf2)  }
0x6a: {  	[tilespmem:s21+$0xFFFFFFE0] =	vst v0;
	v19 =	vld [tilespmem:s28+$0xFFFFFFE0];
	(v2sf) =	vpush v17, $0xF;
	v63, _, _ =	vpop (xrf2)  }
0x6b: {  	[tilespmem:s22+$0xFFFFFFF0] =	vst v62;
	v22 =	vadd.f32 s25, v15;
	(v2sf) =	vpush v63, $0xF  }
0x6c: {  	(xrf2) =	vadd.scan.msk.f32 $0xffff, v11;
	s30 =	sadd.f32 s19, s25;
	v15 =	vsub.f32 v18, v20;
	v20 =	vld [tilespmem:s28+$0xFFFFFFF0];
	[tilespmem:s21+$0xFFFFFFF0] =	vst v0  }
0x6d: {  	s29 =	simm.s32 $0xC;
	v17 =	vsub.f32 v17, v21;
	[tilespmem:s22+$0x0] =	vst v22  }
0x6e: {  	s26 =	simm.s32 $0x10CA0;
	s31 =	spop (v2sf);
	s25 =	simm.s32 $0x100E0;
	v21 =	vadd.f32 s30, v24;
	v22 =	vsub.f32 v63, v23;
	[tilespmem:s21+$0x0] =	vst v0  }
.LBB2_6:
0x6f: {  	s29 =	sadd.s32 $0x4, s29;
	s28 =	sadd.s32 $0x40, s28;
	(xrf2) =	vadd.scan.msk.f32 $0xffff, v19;
	s22 =	sadd.s32 $0x40, s22;
	v23 =	vmov v19  }
0x70: {  	v19 =	vld [tilespmem:s28+$0x0];
	p0 =	slt.u32 s29, $0xBC;
	v24, _, _ =	vpop (xrf2)  }
0x71: {  	s30 =	sadd.f32 s31, s30;
	v25 =	vld [tilespmem:s25+$0x10];
	v26 =	vsub.f32 v24, v12;
	(v2sf) =	vpush v24, $0xF;
	s0 =	spop (v2sf);
	[tilespmem:s26+$0x10] =	vst v21;
	v12 =	vmov v20;
	s26 =	smov.u32 s22  }
0x72: {  	(xrf2) =	vadd.scan.msk.f32 $0xffff, v12;
	(v2sf) =	vpush v18, $0xF;
	[tilespmem:s21+$0x10] =	vst v0;
	s21 =	smov.u32 s24;
	s24 =	smov.u32 s23;
	s23 =	smov.u32 s25  }
0x73: {  	v20 =	vadd.f32 s30, v14;
	v14 =	vmov v22;
	s0 =	sadd.f32 s0, s30;
	s25 =	smov.u32 s28;
	v18, _, _ =	vpop (xrf2)  }
0x74: {  	v21 =	vsub.f32 v18, v13;
	s30 =	spop (v2sf)  }
0x75: {  	(xrf2) =	vadd.scan.msk.f32 $0xffff, v19;
	[tilespmem:s22+$0xFFFFFFE0] =	vst v20;
	v20 =	vadd.f32 s0, v16;
	s0 =	sadd.f32 s30, s0;
	s30 =	spop (v2sf);
	v13 =	vmovc v19;
	v16 =	vmov v26  }
.Ltmp2:
0x76: {  	v19 =	vld [tilespmem:s28+$0xFFFFFFE0];
	v22, _, _ =	vpop (xrf2);
	[tilespmem:s21+$0xFFFFFFE0] =	vst v0;
	(pc) =	sbr.rel @p0 .LBB2_6-.Ltmp2, $4  }
0x77: {  	(v2sf) =	vpush v22, $0xF;
	[tilespmem:s22+$0xFFFFFFF0] =	vst v20;
	v24 =	vadd.f32 s0, v10;
	s30 =	sadd.f32 s30, s0;
	v10 =	vmovc v15;
	v15 =	vmov v21  }
0x78: {  	v26 =	vsub.f32 v22, v11;
	v11 =	vmov v25;
	v20 =	vld [tilespmem:s28+$0xFFFFFFF0];
	(xrf2) =	vadd.scan.msk.f32 $0xffff, v25;
	[tilespmem:s21+$0xFFFFFFF0] =	vst v0  }
0x79: {  	v25, _, _ =	vpop (xrf2);
	[tilespmem:s22+$0x0] =	vst v24;
	v21 =	vadd.f32 s30, v17  }
0x7a: {  	v17 =	vmov v26;
	v22 =	vsub.f32 v25, v23;
	(v2sf) =	vpush v25, $0xF;
	[tilespmem:s21+$0x0] =	vst v0;
	s31 =	spop (v2sf)  }
0x7b: {  	(xrf2) =	vadd.scan.msk.f32 $0xffff, v19;
	_ =	sdelay $0x3  }
0x7c: {  	v23, _, _ =	vpop (xrf2);
	(xrf2) =	vadd.scan.msk.f32 $0xffff, v20  }
0x7d: {  	(v2sf) =	vpush v23, $0xF;
	_ =	sdelay $0x1  }
0x7e: {  	(v2sf) =	vpush v18, $0xF;
	v18, _, _ =	vpop (xrf2)  }
0x7f: {  	v24, _, _ =	vpop (xrf2)  }
0x80: {  	s0 =	sadd.f32 s31, s30;
	(v2sf) =	vpush v24, $0xF  }
0x81: {  	s28 =	spop (v2sf);
	v27 =	vld [tilespmem:s25+$0x10];
	v25, _, _ =	vpop (xrf2)  }
0x82: {  	s28 =	sadd.f32 s28, s0;
	(v2sf) =	vpush v25, $0xF  }
0x83: {  	s29 =	spop (v2sf)  }
0x84: {  	s29 =	sadd.f32 s29, s28  }
0x85: {  	s2 =	spop (v2sf);
	v26, _, _ =	vpop (xrf2)  }
0x86: {  	(xrf2) =	vadd.scan.msk.f32 $0xffff, v27;
	s30 =	sadd.f32 s2, s29;
	(v2sf) =	vpush v26, $0xF  }
0x87: {  	s19 =	spop (v2sf)  }
0x88: {  	s31 =	sadd.f32 s19, s30;
	(v2sf) =	vpush v18, $0xF  }
0x89: {  	s1 =	spop (v2sf)  }
0x8a: {  	v14 =	vadd.f32 s0, v14;
	s1 =	sadd.f32 s1, s31  }
0x8b: {  	v12 =	vsub.f32 v23, v12;
	v16 =	vadd.f32 s28, v16;
	s2 =	spop (v2sf)  }
0x8c: {  	v13 =	vsub.f32 v18, v13;
	v10 =	vadd.f32 s29, v10;
	s2 =	sadd.f32 s2, s1  }
0x8d: {  	v11 =	vsub.f32 v24, v11;
	v17 =	vadd.f32 s30, v17;
	s19 =	spop (v2sf)  }
0x8e: {  	v22 =	vadd.f32 s31, v22;
	v18 =	vsub.f32 v25, v19;
	s19 =	sadd.f32 s19, s2  }
0x8f: {  	[tilespmem:s26+$0x10] =	vst v21;
	s22 =	sadd.s32 $0x40, s22;
	v19 =	vsub.f32 v26, v20;
	v12 =	vadd.f32 s1, v12;
	s28 =	spop (v2sf)  }
0x90: {  	[tilespmem:s21+$0x10] =	vst v0;
	s21 =	sadd.s32 $0x40, s22;
	v20, _, _ =	vpop (xrf2);
	v15 =	vadd.f32 s2, v15;
	v11 =	vadd.f32 s19, v11;
	s0 =	sadd.f32 s28, s19;
	s19 =	simm.s32 $0x20  }
0x91: {  	[tilespmem:s21+$0xFFFFFFE0] =	vst v22;
	v54 =	vor.u32 s19, v61;
	v22 =	vmov s19;
	s30 =	spop (v2sf);
	(v2sf) =	vpush v20, $0xF  }
0x92: {  	v20 =	vsub.f32 v20, v27;
	v18 =	vadd.f32 s0, v18;
	vm8 =	vlt.u32 v54, $0xBFF  }
0x93: {  	vm12 =	vlt.u32 v22, $0x800;
	vm13 =	vlt.u32 v22, $0x400;
	s1 =	sadd.f32 s30, s0;
	s30 =	simm.s32 $0x0;
	v56 =	vsel vm8, $0xFFFFE802, v2  }
0x94: {  	[tilespmem:s21+$0x10] =	vst v11;
	v11 =	vsel vm8, $0x3F800000, v1;
	v21 =	vor.u32 s30, v61;
	v24 =	vsel vm12, $0xFFFFF401, v56  }
0x95: {  	s26 =	simm.s32 $0x40;
	s31 =	spop (v2sf);
	v11 =	vsel vm12, $0x0, v11;
	v19 =	vadd.f32 s1, v19;
	vm3 =	vlt.u32 v21, $0xBFF  }
0x96: {  	[tilespmem:s21+$0xFFFFFFF0] =	vst v12;
	s2 =	sadd.f32 s31, s1;
	s31 =	simm.s32 $0x10;
	v12 =	vmul.u32 $0x3, v21;
	v22 =	vsel vm13, $0xBF800000, v11;
	v11 =	vmov s26  }
0x97: {  	[tilespmem:s22+$0xFFFFFFE0] =	vst v14;
	s28 =	spop (v2sf);
	v23 =	vor.u32 s31, v61;
	v55 =	vmov s31;
	vm12 =	vlt.u32 v11, $0x800  }
0x98: {  	[tilespmem:s22+$0xFFFFFFF0] =	vst v16;
	s29 =	sadd.f32 s28, s2;
	v13 =	vadd.f32 s2, v13;
	s2 =	simm.s32 $0x30;
	vm7 =	vlt.u32 v23, $0xBFF;
	vm10 =	vlt.u32 v55, $0x800  }
0x99: {  	[tilespmem:s22+$0x10] =	vst v17;
	s0 =	sadd.s32 $0x40, s21;
	vm9 =	vlt.u32 v55, $0x400;
	v23 =	vmul.u32 $0x3, v23;
	s28 =	simm.s32 $0x50;
	v53 =	vor.u32 s2, v61  }
0x9a: {  	[tilespmem:s0+$0xFFFFFFF0] =	vst v19;
	v16 =	vmov s2;
	v17 =	vsel vm7, $0xFFFFE802, v2;
	v19 =	vor.u32 s28, v61  }
0x9b: {  	[tilespmem:s24+$0xFFFFFFE0] =	vst v0;
	v14 =	vadd.f32 s29, v20;
	v20 =	vmov s30;
	vm6 =	vlt.u32 v53, $0xBFF  }
0x9c: {  	[tilespmem:s24+$0xFFFFFFF0] =	vst v0;
	vm5 =	vlt.u32 v16, $0x800;
	vm4 =	vlt.u32 v16, $0x400;
	v17 =	vsel vm10, $0xFFFFF401, v17  }
0x9d: {  	[tilespmem:s22+$0x0] =	vst v10;
	v16 =	vsel vm6, $0xFFFFE802, v2;
	vm11 =	vlt.u32 v20, $0x800;
	vm14 =	vlt.u32 v20, $0x400  }
0x9e: {  	[tilespmem:s24+$0x0] =	vst v0;
	s29 =	simm.s32 $0x70;
	s30 =	simm.s32 $0x60;
	v20 =	vmul.u32 $0x3, v54;
	v17 =	vsel vm9, $0x0, v17;
	v21 =	vsel vm6, $0x3F800000, v1  }
0x9f: {  	[tilespmem:s24+$0x10] =	vst v0;
	v57 =	vor.u32 s30, v61;
	v58 =	vmov s29;
	v10 =	vsel vm5, $0xFFFFF401, v16  }
0xa0: {  	[tilespmem:s21+$0x0] =	vst v15;
	v16 =	vmul.u32 $0x3, v53;
	v15 =	vadd.s32 v23, v17;
	v17 =	vsel vm13, $0x0, v24  }
0xa1: {  	[tilespmem:s23+$0xFFFFFFE0] =	vst v0;
	v21 =	vsel vm5, $0x0, v21;
	v23 =	vor.u32 s29, v61;
	vm6 =	vlt.u32 v58, $0x800  }
0xa2: {  	[tilespmem:s0+$0x10] =	vst v14;
	v14 =	vmov s28;
	v24 =	vmul.u32 $0x3, v57;
	v10 =	vsel vm4, $0x0, v10  }
0xa3: {  	[tilespmem:s23+$0xFFFFFFF0] =	vst v0;
	v17 =	vadd.s32 v20, v17;
	v20 =	vsel vm3, $0x3F800000, v1;
	v21 =	vsel vm4, $0xBF800000, v21  }
0xa4: {  	[tilespmem:s23+$0x0] =	vst v0;
	vm5 =	vlt.u32 v23, $0xBFF;
	vm4 =	vlt.u32 v58, $0x400;
	v23 =	vmul.u32 $0x3, v23  }
0xa5: {  	[tilespmem:s0+$0x0] =	vst v13;
	v16 =	vadd.s32 v16, v10;
	v10 =	vsel vm3, $0xFFFFE802, v2;
	v13 =	vsel vm5, $0xFFFFE802, v2  }
0xa6: {  	[tilespmem:s23+$0x10] =	vst v0;
	v20 =	vsel vm11, $0x0, v20;
	v10 =	vsel vm11, $0xFFFFF401, v10;
	v13 =	vsel vm6, $0xFFFFF401, v13  }
0xa7: {  	[tilespmem:s0+$0xFFFFFFE0] =	vst v18;
	vm11 =	vlt.u32 v14, $0x800;
	v10 =	vsel vm14, $0x0, v10;
	v13 =	vsel vm4, $0x0, v13  }
0xa8: {  	[tilespmem:s25+$0xFFFFFFE0] =	vst v0;
	v12 =	vadd.s32 v12, v10;
	v10 =	vsel vm7, $0x3F800000, v1;
	vm7 =	vlt.u32 v19, $0xBFF  }
0xa9: {  	[tilespmem:s25+$0xFFFFFFF0] =	vst v0;
	v13 =	vadd.s32 v23, v13;
	v23 =	vmov s30;
	v19 =	vmul.u32 $0x3, v19  }
0xaa: {  	[tilespmem:s25+$0x0] =	vst v0;
	v10 =	vsel vm10, $0x0, v10;
	vm10 =	vlt.u32 v57, $0xBFF;
	v59 =	vsel vm7, $0xFFFFE802, v2  }
0xab: {  	[tilespmem:s25+$0x10] =	vst v0;
	vm13 =	vlt.u32 v23, $0x800;
	vm8 =	vlt.u32 v23, $0x400;
	v18 =	vsel vm9, $0xBF800000, v10  }
0xac: {  	[tilespmem:$0x10C00] =	vst v0;
	v10 =	vsel vm14, $0xBF800000, v20;
	v20 =	vor.u32 s26, v61;
	vm9 =	vlt.u32 v14, $0x400  }
0xad: {  	v16 =	vld.idx.msk [tilespmem:v16+s17+$0x0], $0xffff;
	v23 =	vsel vm10, $0xFFFFE802, v2;
	v25 =	vsel vm11, $0xFFFFF401, v59;
	vm3 =	vlt.u32 v20, $0xBFF  }
0xae: {  	vm14 =	vlt.u32 v11, $0x400;
	v23 =	vsel vm13, $0xFFFFF401, v23;
	v14 =	vsel vm3, $0xFFFFE802, v2  }
0xaf: {  	v60 =	vld.idx.msk [tilespmem:v15+s17+$0x0], $0xffff;
	v11 =	vmul.u32 $0x3, v20;
	v15 =	vsel vm9, $0x0, v25;
	v14 =	vsel vm12, $0xFFFFF401, v14  }
0xb0: {  	v19 =	vadd.s32 v19, v15;
	v20 =	vsel vm8, $0x0, v23;
	v13 =	vld.idx.msk [tilespmem:v13+s17+$0x0], $0xffff;
	v14 =	vsel vm14, $0x0, v14  }
0xb1: {  	v23 =	vld.idx.msk [tilespmem:v17+s17+$0x0], $0xffff;
	v24 =	vadd.s32 v24, v20;
	v15 =	vadd.s32 v11, v14;
	v11 =	vsel vm7, $0x3F800000, v1  }
0xb2: {  	v21 =	vadd.f32 v16, v21;
	v16 =	vsel vm5, $0x3F800000, v1;
	v20 =	vsel vm11, $0x0, v11;
	v11 =	vld.idx.msk [tilespmem:v12+s17+$0x0], $0xffff  }
0xb3: {  	v17 =	vsel vm10, $0x3F800000, v1;
	v14 =	vsel vm3, $0x3F800000, v1;
	v16 =	vsel vm6, $0x0, v16  }
0xb4: {  	v62 =	vsel vm13, $0x0, v17;
	v14 =	vsel vm12, $0x0, v14;
	v63 =	vsel vm4, $0xBF800000, v16  }
0xb5: {  	s22 =	simm.s32 $0x11960;
	s21 =	simm.s32 $0x11920;
	v12 =	vsel vm9, $0xBF800000, v20;
	v17 =	vsel vm14, $0xBF800000, v14;
	v16 =	vld.idx.msk [tilespmem:v19+s17+$0x0], $0xffff;
	v20 =	vadd.f32 v13, v63  }
0xb6: {  	s24 =	simm.s32 $0x80;
	s23 =	simm.s32 $0x4;
	s31 =	spop (v2sf);
	[tilespmem:s21+$0x10] =	vst v21;
	v14 =	vsel vm8, $0xBF800000, v62;
	v19 =	vadd.f32 v60, v18;
	v18 =	vadd.f32 v23, v22;
	v13 =	vld.idx.msk [tilespmem:v24+s17+$0x0], $0xffff  }
.LBB2_8:
0xb7: {  	v21 =	vmov s24;
	v22 =	vor.u32 s24, v61;
	s0 =	sadd.s32 $0x10, s24;
	s1 =	sadd.s32 $0x30, s24;
	s23 =	sadd.s32 $0x4, s23;
	[tilespmem:s22+$0x10] =	vst v20;
	v20 =	vadd.f32 v11, v10;
	v11 =	vld.idx.msk [tilespmem:v15+s17+$0x0], $0xffff;
	v10 =	vmovc v17  }
0xb8: {  	s2 =	sadd.s32 $0x20, s24;
	vm3 =	vlt.u32 v22, $0xBFF;
	v15 =	vor.u32 s0, v61;
	v17 =	vor.u32 s1, v61;
	p0 =	slt.u32 s23, $0xBC;
	[tilespmem:s21+$0xFFFFFFF0] =	vst v19  }
0xb9: {  	v19 =	vor.u32 s2, v61;
	v0 =	vmov s1;
	vm5 =	vlt.u32 v17, $0xBFF;
	[tilespmem:s21+$0x0] =	vst v18  }
0xba: {  	vm7 =	vlt.u32 v15, $0xBFF;
	vm4 =	vlt.u32 v0, $0x800;
	v18 =	vsel vm5, $0xFFFFE802, v2;
	[tilespmem:s21+$0xFFFFFFE0] =	vst v20;
	s21 =	smov.u32 s22  }
0xbb: {  	vm6 =	vlt.u32 v0, $0x400;
	v17 =	vmul.u32 $0x3, v17;
	v23 =	vmovc v16;
	v18 =	vsel vm4, $0xFFFFF401, v18  }
0xbc: {  	vm8 =	vlt.u32 v19, $0xBFF;
	v16 =	vmov s0;
	v18 =	vsel vm6, $0x0, v18  }
0xbd: {  	v24 =	vmov s2;
	v20 =	vsel vm7, $0xFFFFE802, v2;
	v17 =	vadd.s32 v17, v18  }
0xbe: {  	v25 =	vsel vm8, $0xFFFFE802, v2;
	vm10 =	vlt.u32 v16, $0x800;
	v18 =	vsel vm3, $0xFFFFE802, v2  }
0xbf: {  	vm9 =	vlt.u32 v21, $0x800;
	vm11 =	vlt.u32 v24, $0x800;
	v20 =	vsel vm10, $0xFFFFF401, v20  }
0xc0: {  	vm12 =	vlt.u32 v16, $0x400;
	v16 =	vsel vm11, $0xFFFFF401, v25;
	v18 =	vsel vm9, $0xFFFFF401, v18  }
0xc1: {  	v15 =	vmul.u32 $0x3, v15;
	vm13 =	vlt.u32 v24, $0x400;
	v19 =	vmul.u32 $0x3, v19  }
0xc2: {  	vm14 =	vlt.u32 v21, $0x400;
	v21 =	vmul.u32 $0x3, v22;
	v20 =	vsel vm12, $0x0, v20;
	v22 =	vld.idx.msk [tilespmem:v17+s17+$0x0], $0xffff  }
0xc3: {  	v16 =	vsel vm13, $0x0, v16;
	v17 =	vsel vm14, $0x0, v18;
	v18 =	vadd.s32 v15, v20  }
0xc4: {  	v15 =	vadd.s32 v21, v17;
	v17 =	vsel vm7, $0x3F800000, v1;
	v21 =	vadd.s32 v19, v16  }
.Ltmp3:
0xc5: {  	v20 =	vsel vm5, $0x3F800000, v1;
	v16 =	vsel vm3, $0x3F800000, v1;
	v19 =	vsel vm8, $0x3F800000, v1;
	(pc) =	sbr.rel @p0 .LBB2_8-.Ltmp3, $4  }
0xc6: {  	v20 =	vsel vm4, $0x0, v20;
	v17 =	vsel vm10, $0x0, v17;
	v19 =	vsel vm11, $0x0, v19  }
0xc7: {  	v16 =	vsel vm9, $0x0, v16;
	v20 =	vsel vm6, $0xBF800000, v20;
	v24 =	vsel vm12, $0xBF800000, v17  }
0xc8: {  	v17 =	vsel vm14, $0xBF800000, v16;
	v25 =	vsel vm13, $0xBF800000, v19;
	v20 =	vadd.f32 v22, v20;
	v16 =	vld.idx.msk [tilespmem:v18+s17+$0x0], $0xffff  }
0xc9: {  	s24 =	sadd.s32 $0x40, s24;
	s22 =	sadd.s32 $0x40, s22;
	v19 =	vadd.f32 v23, v12;
	v12 =	vmovc v24;
	v18 =	vadd.f32 v13, v14;
	v14 =	vmov v25;
	v13 =	vld.idx.msk [tilespmem:v21+s17+$0x0], $0xffff  }
0xca: {  	_ =	sdelay $0x3  }
0xcb: {  	v15 =	vld.idx.msk [tilespmem:v15+s17+$0x0], $0xffff  }
0xcc: {  	[tilespmem:s22+$0x10] =	vst v20  }
0xcd: {  	v10 =	vadd.f32 v11, v10;
	[tilespmem:s21+$0xFFFFFFF0] =	vst v19  }
0xce: {  	[tilespmem:s21+$0x0] =	vst v18;
	v47 =	vadd.f32 v16, v12  }
0xcf: {  	[tilespmem:s21+$0xFFFFFFE0] =	vst v10;
	v48 =	vadd.f32 v13, v14  }
0xd0: {  	v12 =	vadd.f32 v15, v17;
	[tilespmem:s22+$0xFFFFFFF0] =	vst v47  }
0xd1: {  	[tilespmem:s22+$0x0] =	vst v48  }
0xd2: {  	[tilespmem:s22+$0xFFFFFFE0] =	vst v12  }
0xd3: {  	v0 =	vld [tilespmem:$0x1FFC0];
	_ =	sdelay $0x6  }
0xd4: {  	s0 =	simm.s32 $0x30  }
0xd5: {  	s1 =	simm.s32 $0x10;
	v49 =	vor.u32 s0, v61;
	v27 =	vld.idx.msk [tilespmem:v0+s10+$0x0], $0xffff  }
0xd6: {  	s26 =	simm.s32 $0x0;
	v50 =	vor.u32 s1, v61;
	v10 =	vcvt.s32.f32 v49  }
0xd7: {  	v11 =	vcvt.s32.f32 v50;
	v12 =	vor.u32 s26, v61;
	v28 =	vld.idx.msk [tilespmem:v3+s18+$0x0], $0xffff  }
0xd8: {  	v62 =	vmul.f32 $9.765625000e-04, v10;
	v12 =	vcvt.s32.f32 v12  }
0xd9: {  	v63 =	vmul.f32 $9.765625000e-04, v11  }
0xda: {  	v51 =	vmul.f32 $9.765625000e-04, v12;
	v13 =	vsub.f32 v62, v27  }
0xdb: {  	v15 =	vsub.f32 v63, v27  }
0xdc: {  	v16 =	vsub.f32 v51, v27;
	vm3 =	vle.f32 v13, v28  }
0xdd: {  	vm4 =	vle.f32 v15, v28;
	v17 =	vsel vm3, $0x0, v3  }
0xde: {  	s28 =	simm.s32 $0x20;
	vm5 =	vle.f32 v16, v28;
	v19 =	vsel vm4, $0x0, v3;
	v20 =	vadd.s32 $0x300, v17  }
0xdf: {  	v14 =	vor.u32 s28, v61;
	v21 =	vsel vm5, $0x0, v3;
	v22 =	vadd.s32 $0x300, v19  }
0xe0: {  	v14 =	vcvt.s32.f32 v14;
	v23 =	vadd.s32 $0x300, v21;
	_ =	sdelay $0x1  }
0xe1: {  	v52 =	vmul.f32 $9.765625000e-04, v14;
	[tilespmem:$0x1FF80] =	vst v51  }
0xe2: {  	v24 =	vld.idx.msk [tilespmem:v20+s18+$0x0], $0xffff  }
0xe3: {  	v25 =	vld.idx.msk [tilespmem:v22+s18+$0x0], $0xffff;
	[tilespmem:$0x1FF90] =	vst v52  }
0xe4: {  	v18 =	vsub.f32 v52, v27;
	v26 =	vld.idx.msk [tilespmem:v23+s18+$0x0], $0xffff;
	_ =	sdelay $0x1  }
0xe5: {  	v29 =	vsel vm3, $0x600, v4;
	vm3 =	vle.f32 v18, v28;
	v30 =	vsel vm5, $0x600, v4  }
0xe6: {  	v31 =	vsel vm4, $0x600, v4;
	v32 =	vsel vm3, $0x0, v3;
	vm13 =	vle.f32 v13, v24  }
0xe7: {  	v24 =	vadd.s32 $0x300, v32;
	vm15 =	vle.f32 v15, v25;
	v29 =	vsel vm13, v20, v29  }
0xe8: {  	v17 =	vsel vm13, v17, v20;
	vm14 =	vle.f32 v16, v26;
	v25 =	vsel vm15, v22, v31  }
0xe9: {  	v19 =	vsel vm15, v19, v22;
	v20 =	vsub.s32 v29, v17;
	v22 =	vsel vm14, v23, v30  }
0xea: {  	v21 =	vsel vm14, v21, v23;
	v23 =	vsub.s32 v25, v19;
	v20 =	vshra.s32 v20, $0x1  }
0xeb: {  	v26 =	vsub.s32 v22, v21;
	v23 =	vshra.s32 v23, $0x1;
	v20 =	vadd.s32 v17, v20  }
0xec: {  	v26 =	vshra.s32 v26, $0x1;
	v23 =	vadd.s32 v19, v23  }
0xed: {  	v30 =	vld.idx.msk [tilespmem:v24+s18+$0x0], $0xffff;
	v26 =	vadd.s32 v21, v26;
	_ =	sdelay $0x2  }
0xee: {  	v31 =	vld.idx.msk [tilespmem:v20+s18+$0x0], $0xffff  }
0xef: {  	v33 =	vld.idx.msk [tilespmem:v23+s18+$0x0], $0xffff  }
0xf0: {  	v34 =	vsel vm3, $0x600, v4;
	vm3 =	vle.f32 v18, v30;
	v30 =	vld.idx.msk [tilespmem:v26+s18+$0x0], $0xffff  }
0xf1: {  	v34 =	vsel vm3, v24, v34;
	v24 =	vsel vm3, v32, v24  }
0xf2: {  	v32 =	vsub.s32 v34, v24  }
0xf3: {  	v32 =	vshra.s32 v32, $0x1;
	vm3 =	vle.f32 v13, v31  }
0xf4: {  	v31 =	vadd.s32 v24, v32;
	vm8 =	vle.f32 v15, v33;
	v29 =	vsel vm3, v20, v29  }
0xf5: {  	v17 =	vsel vm3, v17, v20;
	vm3 =	vle.f32 v16, v30;
	v25 =	vsel vm8, v23, v25  }
0xf6: {  	v19 =	vsel vm8, v19, v23;
	v20 =	vsub.s32 v29, v17;
	v22 =	vsel vm3, v26, v22  }
0xf7: {  	v21 =	vsel vm3, v21, v26;
	v23 =	vsub.s32 v25, v19;
	v20 =	vshra.s32 v20, $0x1  }
0xf8: {  	v23 =	vshra.s32 v23, $0x1;
	v26 =	vsub.s32 v22, v21;
	v20 =	vadd.s32 v17, v20  }
0xf9: {  	v23 =	vadd.s32 v19, v23;
	v26 =	vshra.s32 v26, $0x1  }
0xfa: {  	v30 =	vld.idx.msk [tilespmem:v31+s18+$0x0], $0xffff;
	v26 =	vadd.s32 v21, v26;
	_ =	sdelay $0x2  }
0xfb: {  	v53 =	vld.idx.msk [tilespmem:v20+s18+$0x0], $0xffff  }
0xfc: {  	v54 =	vld.idx.msk [tilespmem:v23+s18+$0x0], $0xffff  }
0xfd: {  	vm3 =	vle.f32 v18, v30;
	v30 =	vld.idx.msk [tilespmem:v26+s18+$0x0], $0xffff  }
0xfe: {  	v34 =	vsel vm3, v31, v34;
	v24 =	vsel vm3, v24, v31  }
0xff: {  	v31 =	vsub.s32 v34, v24  }
0x100: {  	v31 =	vshra.s32 v31, $0x1;
	vm3 =	vle.f32 v13, v53  }
0x101: {  	v31 =	vadd.s32 v24, v31;
	v29 =	vsel vm3, v20, v29;
	v17 =	vsel vm3, v17, v20  }
0x102: {  	vm3 =	vle.f32 v15, v54;
	vm9 =	vle.f32 v16, v30;
	v20 =	vsub.s32 v29, v17  }
0x103: {  	v25 =	vsel vm3, v23, v25;
	v22 =	vsel vm9, v26, v22;
	v19 =	vsel vm3, v19, v23  }
0x104: {  	v21 =	vsel vm9, v21, v26;
	v20 =	vshra.s32 v20, $0x1;
	v23 =	vsub.s32 v25, v19  }
0x105: {  	v26 =	vsub.s32 v22, v21;
	v20 =	vadd.s32 v17, v20;
	v23 =	vshra.s32 v23, $0x1  }
0x106: {  	v26 =	vshra.s32 v26, $0x1;
	v30 =	vld.idx.msk [tilespmem:v31+s18+$0x0], $0xffff;
	v23 =	vadd.s32 v19, v23  }
0x107: {  	v26 =	vadd.s32 v21, v26;
	_ =	sdelay $0x2  }
0x108: {  	v55 =	vld.idx.msk [tilespmem:v20+s18+$0x0], $0xffff  }
0x109: {  	vm3 =	vle.f32 v18, v30;
	v30 =	vld.idx.msk [tilespmem:v23+s18+$0x0], $0xffff  }
0x10a: {  	v56 =	vsel vm3, v31, v34;
	v24 =	vsel vm3, v24, v31;
	v31 =	vld.idx.msk [tilespmem:v26+s18+$0x0], $0xffff  }
0x10b: {  	v34 =	vsub.s32 v56, v24  }
0x10c: {  	v34 =	vshra.s32 v34, $0x1  }
0x10d: {  	v34 =	vadd.s32 v24, v34;
	vm3 =	vle.f32 v13, v55  }
0x10e: {  	v29 =	vsel vm3, v20, v29;
	v32 =	vsel vm3, v17, v20  }
0x10f: {  	vm3 =	vle.f32 v15, v30;
	vm10 =	vle.f32 v16, v31;
	v17 =	vsub.s32 v29, v32  }
0x110: {  	v25 =	vsel vm3, v23, v25;
	v30 =	vsel vm3, v19, v23;
	v31 =	vsel vm10, v26, v22  }
0x111: {  	v26 =	vsel vm10, v21, v26;
	v17 =	vshra.s32 v17, $0x1;
	v19 =	vsub.s32 v25, v30  }
0x112: {  	v21 =	vsub.s32 v31, v26;
	v19 =	vshra.s32 v19, $0x1;
	v35 =	vadd.s32 v32, v17;
	v20 =	vld.idx.msk [tilespmem:v34+s18+$0x0], $0xffff  }
0x113: {  	v17 =	vshra.s32 v21, $0x1;
	v36 =	vadd.s32 v30, v19  }
0x114: {  	v37 =	vadd.s32 v26, v17  }
0x115: {  	s30 =	simm.s32 $0x50  }
0x116: {  	s29 =	simm.s32 $0x70;
	s2 =	simm.s32 $0x60;
	v19 =	vor.u32 s30, v61  }
0x117: {  	v21 =	vor.u32 s2, v61;
	v17 =	vor.u32 s29, v61;
	v23 =	vld.idx.msk [tilespmem:v35+s18+$0x0], $0xffff;
	vm3 =	vle.f32 v18, v20  }
0x118: {  	s31 =	simm.s32 $0x40;
	v19 =	vcvt.s32.f32 v19;
	v33 =	vsel vm3, v34, v56;
	v34 =	vsel vm3, v24, v34;
	v24 =	vld.idx.msk [tilespmem:v36+s18+$0x0], $0xffff  }
0x119: {  	v21 =	vcvt.s32.f32 v21;
	v17 =	vcvt.s32.f32 v17;
	v20 =	vor.u32 s31, v61;
	v38 =	vld.idx.msk [tilespmem:v37+s18+$0x0], $0xffff  }
0x11a: {  	v57 =	vmul.f32 $9.765625000e-04, v19;
	v39 =	vcvt.s32.f32 v20;
	v22 =	vsub.s32 v33, v34  }
0x11b: {  	v19 =	vmul.f32 $9.765625000e-04, v21;
	v20 =	vmul.f32 $9.765625000e-04, v17;
	v22 =	vshra.s32 v22, $0x1  }
0x11c: {  	v1 =	vmul.f32 $9.765625000e-04, v39;
	v40 =	vadd.s32 v34, v22;
	vm3 =	vle.f32 v13, v23  }
0x11d: {  	v23 =	vsub.f32 v57, v27;
	v29 =	vsel vm3, v35, v29;
	v32 =	vsel vm3, v32, v35  }
0x11e: {  	vm3 =	vle.f32 v16, v38;
	vm11 =	vle.f32 v15, v24;
	v24 =	vsub.s32 v29, v32  }
0x11f: {  	vm13 =	vle.f32 v23, v28;
	v58 =	vsel vm11, v36, v25;
	v30 =	vsel vm11, v30, v36  }
0x120: {  	v31 =	vsel vm3, v37, v31;
	v26 =	vsel vm3, v26, v37;
	v24 =	vshra.s32 v24, $0x1  }
0x121: {  	v44 =	vsel vm13, $0x0, v3;
	v25 =	vsub.s32 v58, v30;
	v60 =	vadd.s32 v32, v24  }
0x122: {  	[tilespmem:$0x1FFA0] =	vst v57;
	v37 =	vsub.s32 v31, v26;
	v47 =	vadd.s32 $0x300, v44;
	v25 =	vshra.s32 v25, $0x1  }
0x123: {  	v21 =	vsub.f32 v20, v27;
	v59 =	vld.idx.msk [tilespmem:v40+s18+$0x0], $0xffff;
	v37 =	vshra.s32 v37, $0x1;
	v0 =	vadd.s32 v30, v25  }
0x124: {  	v24 =	vsub.f32 v19, v27;
	v37 =	vadd.s32 v26, v37  }
0x125: {  	vm3 =	vle.f32 v21, v28;
	v53 =	vsel vm13, $0x600, v4;
	[tilespmem:$0x1FFB0] =	vst v1  }
0x126: {  	v41 =	vsel vm3, $0x0, v3;
	v25 =	vsub.f32 v1, v27;
	vm6 =	vle.f32 v24, v28;
	v2 =	vld.idx.msk [tilespmem:v60+s18+$0x0], $0xffff  }
0x127: {  	v51 =	vsel vm3, $0x600, v4;
	v43 =	vadd.s32 $0x300, v41;
	v42 =	vsel vm6, $0x0, v3;
	v8 =	vld.idx.msk [tilespmem:v47+s18+$0x0], $0xffff  }
0x128: {  	v54 =	vsel vm6, $0x600, v4;
	vm12 =	vle.f32 v25, v28;
	vm7 =	vle.f32 v18, v59;
	v46 =	vld.idx.msk [tilespmem:v0+s18+$0x0], $0xffff  }
0x129: {  	v45 =	vadd.s32 $0x300, v42;
	v33 =	vsel vm7, v40, v33;
	v34 =	vsel vm7, v34, v40;
	v48 =	vld.idx.msk [tilespmem:v37+s18+$0x0], $0xffff  }
0x12a: {  	v3 =	vsel vm12, $0x0, v3;
	v52 =	vsel vm12, $0x600, v4;
	v50 =	vsub.s32 v33, v34  }
0x12b: {  	v49 =	vadd.s32 $0x300, v3;
	v50 =	vshra.s32 v50, $0x1;
	vm3 =	vle.f32 v13, v2  }
0x12c: {  	v50 =	vadd.s32 v34, v50;
	vm15 =	vle.f32 v23, v8;
	v29 =	vsel vm3, v60, v29  }
0x12d: {  	v5 =	vld.idx.msk [tilespmem:v43+s18+$0x0], $0xffff;
	v32 =	vsel vm3, v32, v60;
	v44 =	vsel vm15, v44, v47;
	vm3 =	vle.f32 v15, v46  }
0x12e: {  	v6 =	vld.idx.msk [tilespmem:v45+s18+$0x0], $0xffff;
	vm14 =	vle.f32 v16, v48;
	v7 =	vsub.s32 v29, v32;
	v48 =	vsel vm15, v47, v53  }
0x12f: {  	v35 =	vsel vm3, v0, v58;
	v31 =	vsel vm14, v37, v31;
	v30 =	vsel vm3, v30, v0  }
0x130: {  	v55 =	vld.idx.msk [tilespmem:v49+s18+$0x0], $0xffff;
	v26 =	vsel vm14, v26, v37;
	v10 =	vshra.s32 v7, $0x1;
	v9 =	vsub.s32 v35, v30  }
0x131: {  	v11 =	vsub.s32 v31, v26;
	v39 =	vadd.s32 v32, v10;
	v56 =	vld.idx.msk [tilespmem:v50+s18+$0x0], $0xffff;
	v37 =	vshra.s32 v9, $0x1  }
0x132: {  	vm3 =	vle.f32 v21, v5;
	v58 =	vshra.s32 v11, $0x1;
	v37 =	vadd.s32 v30, v37  }
0x133: {  	v2 =	vsub.s32 v48, v44;
	vm8 =	vle.f32 v24, v6;
	v36 =	vadd.s32 v26, v58  }
0x134: {  	v46 =	vsel vm3, v43, v51;
	v41 =	vsel vm3, v41, v43;
	v38 =	vsel vm8, v45, v54  }
0x135: {  	v42 =	vsel vm8, v42, v45;
	v43 =	vsub.s32 v46, v41;
	vm3 =	vle.f32 v25, v55  }
0x136: {  	v43 =	vshra.s32 v43, $0x1;
	v47 =	vsel vm3, v49, v52;
	v59 =	vld.idx.msk [tilespmem:v39+s18+$0x0], $0xffff;
	vm9 =	vle.f32 v18, v56  }
0x137: {  	v40 =	vsel vm3, v3, v49;
	v33 =	vsel vm9, v50, v33;
	v34 =	vsel vm9, v34, v50;
	v60 =	vld.idx.msk [tilespmem:v37+s18+$0x0], $0xffff  }
0x138: {  	v3 =	vsub.s32 v38, v42;
	v43 =	vadd.s32 v41, v43;
	v1 =	vld.idx.msk [tilespmem:v36+s18+$0x0], $0xffff;
	v0 =	vsub.s32 v33, v34  }
0x139: {  	v52 =	vshra.s32 v2, $0x1;
	v4 =	vsub.s32 v47, v40;
	v49 =	vshra.s32 v0, $0x1  }
0x13a: {  	v53 =	vshra.s32 v3, $0x1;
	v55 =	vadd.s32 v44, v52;
	v49 =	vadd.s32 v34, v49  }
0x13b: {  	v54 =	vshra.s32 v4, $0x1;
	v5 =	vadd.s32 v42, v53;
	vm3 =	vle.f32 v13, v59  }
0x13c: {  	v53 =	vadd.s32 v40, v54;
	v29 =	vsel vm3, v39, v29;
	v32 =	vsel vm3, v32, v39  }
0x13d: {  	vm3 =	vle.f32 v16, v1;
	vm10 =	vle.f32 v15, v60;
	v39 =	vsub.s32 v29, v32  }
0x13e: {  	v31 =	vsel vm3, v36, v31;
	v50 =	vsel vm10, v37, v35;
	v37 =	vsel vm10, v30, v37  }
0x13f: {  	v51 =	vsel vm3, v26, v36;
	v6 =	vshra.s32 v39, $0x1;
	v26 =	vsub.s32 v50, v37;
	v30 =	vld.idx.msk [tilespmem:v49+s18+$0x0], $0xffff  }
0x140: {  	v58 =	vld.idx.msk [tilespmem:v55+s18+$0x0], $0xffff;
	v36 =	vsub.s32 v31, v51;
	v35 =	vadd.s32 v32, v6;
	v26 =	vshra.s32 v26, $0x1  }
0x141: {  	v9 =	vld.idx.msk [tilespmem:v5+s18+$0x0], $0xffff;
	v36 =	vshra.s32 v36, $0x1;
	v8 =	vadd.s32 v37, v26  }
0x142: {  	v7 =	vld.idx.msk [tilespmem:v43+s18+$0x0], $0xffff;
	v57 =	vadd.s32 v51, v36;
	_ =	sdelay $0x1  }
0x143: {  	v10 =	vld.idx.msk [tilespmem:v53+s18+$0x0], $0xffff;
	vm3 =	vle.f32 v18, v30  }
0x144: {  	v14 =	vimm.s32 $0xC00;
	v30 =	vld.idx.msk [tilespmem:v35+s18+$0x0], $0xffff;
	v33 =	vsel vm3, v49, v33;
	v59 =	vsel vm3, v34, v49  }
0x145: {  	vm12 =	vle.f32 v23, v58;
	vm11 =	vle.f32 v24, v9;
	v11 =	vld.idx.msk [tilespmem:v8+s18+$0x0], $0xffff;
	v0 =	vsub.s32 v33, v59  }
0x146: {  	v26 =	vimm.f32 $0.0e+00;
	vm3 =	vle.f32 v21, v7;
	v1 =	vld.idx.msk [tilespmem:v57+s18+$0x0], $0xffff;
	v2 =	vshra.s32 v0, $0x1  }
0x147: {  	v46 =	vsel vm3, v43, v46;
	v45 =	vsel vm3, v41, v43;
	v60 =	vadd.s32 v59, v2  }
0x148: {  	v39 =	vsel vm11, v42, v5;
	vm3 =	vle.f32 v25, v10;
	v3 =	vsub.s32 v46, v45  }
0x149: {  	v41 =	vsel vm11, v5, v38;
	v36 =	vshra.s32 v3, $0x1;
	vm13 =	vle.f32 v13, v30  }
0x14a: {  	v52 =	vadd.s32 v45, v36;
	v36 =	vsel vm13, v35, v29;
	v35 =	vsel vm13, v32, v35  }
0x14b: {  	vm14 =	vle.f32 v16, v1;
	vm15 =	vle.f32 v15, v11;
	v4 =	vsub.s32 v36, v35  }
0x14c: {  	v29 =	vsel vm14, v57, v31;
	v30 =	vsel vm15, v8, v50;
	v31 =	vsel vm15, v37, v8;
	v5 =	vld.idx.msk [tilespmem:v60+s18+$0x0], $0xffff  }
0x14d: {  	v32 =	vsel vm14, v51, v57;
	v37 =	vsub.s32 v30, v31;
	v34 =	vshra.s32 v4, $0x1  }
0x14e: {  	v6 =	vsub.s32 v29, v32;
	v37 =	vshra.s32 v37, $0x1;
	v42 =	vadd.s32 v35, v34  }
0x14f: {  	v43 =	vsel vm12, v55, v48;
	v7 =	vshra.s32 v6, $0x1;
	v37 =	vadd.s32 v31, v37  }
0x150: {  	v48 =	vsel vm12, v44, v55;
	v49 =	vsel vm3, v40, v53;
	v38 =	vadd.s32 v32, v7  }
0x151: {  	v9 =	vsub.s32 v41, v39;
	v51 =	vsel vm3, v53, v47;
	vm3 =	vle.f32 v18, v5  }
0x152: {  	v44 =	vshra.s32 v9, $0x1;
	v55 =	vld.idx.msk [tilespmem:v52+s18+$0x0], $0xffff;
	v34 =	vsel vm3, v60, v33;
	v33 =	vsel vm3, v59, v60  }
0x153: {  	v8 =	vsub.s32 v43, v48;
	v53 =	vadd.s32 v39, v44;
	v50 =	vld.idx.msk [tilespmem:v42+s18+$0x0], $0xffff;
	v10 =	vsub.s32 v34, v33  }
0x154: {  	v40 =	vshra.s32 v8, $0x1;
	v11 =	vsub.s32 v51, v49;
	v44 =	vld.idx.msk [tilespmem:v37+s18+$0x0], $0xffff;
	v60 =	vshra.s32 v10, $0x1  }
0x155: {  	s21 =	simm.s32 $0x4;
	s22 =	simm.s32 $0xB0;
	v54 =	vadd.s32 v48, v40;
	v56 =	vshra.s32 v11, $0x1;
	v47 =	vld.idx.msk [tilespmem:v38+s18+$0x0], $0xffff;
	v40 =	vadd.s32 v33, v60  }
.LBB2_10:
0x156: {  	_ =	sdelay $0x1  }
0x157: {  	s0 =	sadd.s32 $0xFFFFFFE0, s22;
	s1 =	sadd.s32 $0xFFFFFFF0, s22;
	v57 =	vor.u32 s22, v61  }
0x158: {  	v56 =	vadd.s32 v49, v56;
	s2 =	sadd.s32 $0xFFFFFFD0, s22;
	v58 =	vor.u32 s0, v61;
	v59 =	vor.u32 s1, v61  }
0x159: {  	v7 =	vld.idx.msk [tilespmem:v54+s18+$0x0], $0xffff;
	v57 =	vcvt.s32.f32 v57;
	v60 =	vor.u32 s2, v61;
	v59 =	vcvt.s32.f32 v59  }
0x15a: {  	v60 =	vcvt.s32.f32 v60;
	vm3 =	vle.f32 v21, v55;
	v55 =	vcvt.s32.f32 v58  }
0x15b: {  	vm4 =	vle.f32 v13, v50;
	vm14 =	vle.f32 v15, v44;
	v46 =	vsel vm3, v52, v46  }
0x15c: {  	v8 =	vld.idx.msk [tilespmem:v40+s18+$0x0], $0xffff;
	v45 =	vsel vm3, v45, v52;
	v36 =	vsel vm4, v42, v36;
	v35 =	vsel vm4, v35, v42  }
0x15d: {  	v6 =	vld.idx.msk [tilespmem:v53+s18+$0x0], $0xffff;
	vm3 =	vle.f32 v16, v47;
	v52 =	vsel vm14, v37, v30;
	v37 =	vsel vm14, v31, v37  }
0x15e: {  	vm15 =	vle.f32 v23, v7;
	v10 =	vsub.s32 v36, v35;
	v47 =	vsel vm3, v38, v29  }
0x15f: {  	v32 =	vsel vm3, v32, v38;
	v29 =	vsub.s32 v52, v37;
	v30 =	vshra.s32 v10, $0x1  }
0x160: {  	v31 =	vsub.s32 v47, v32;
	v29 =	vshra.s32 v29, $0x1;
	v11 =	vadd.s32 v35, v30  }
0x161: {  	v9 =	vld.idx.msk [tilespmem:v56+s18+$0x0], $0xffff;
	vm5 =	vle.f32 v18, v8;
	v30 =	vshra.s32 v31, $0x1;
	v44 =	vadd.s32 v37, v29  }
0x162: {  	vm3 =	vle.f32 v24, v6;
	v34 =	vsel vm5, v40, v34;
	v0 =	vadd.s32 v32, v30  }
0x163: {  	v33 =	vsel vm5, v33, v40;
	v40 =	vsel vm3, v53, v41;
	v41 =	vsel vm15, v54, v43  }
0x164: {  	v39 =	vsel vm3, v39, v53;
	v43 =	vsel vm15, v48, v54;
	v30 =	vsub.s32 v34, v33  }
0x165: {  	v29 =	vsub.s32 v46, v45;
	v4 =	vsub.s32 v41, v43;
	v30 =	vshra.s32 v30, $0x1;
	v31 =	vld.idx.msk [tilespmem:v11+s18+$0x0], $0xffff  }
0x166: {  	v29 =	vshra.s32 v29, $0x1;
	vm6 =	vle.f32 v25, v9;
	v2 =	vadd.s32 v33, v30;
	v1 =	vld.idx.msk [tilespmem:v44+s18+$0x0], $0xffff  }
0x167: {  	v42 =	vsel vm6, v56, v51;
	v49 =	vsel vm6, v49, v56;
	v30 =	vsub.s32 v40, v39;
	v3 =	vld.idx.msk [tilespmem:v0+s18+$0x0], $0xffff  }
0x168: {  	v5 =	vadd.s32 v45, v29;
	v30 =	vshra.s32 v30, $0x1;
	v29 =	vsub.s32 v42, v49  }
0x169: {  	v53 =	vshra.s32 v4, $0x1;
	v6 =	vadd.s32 v39, v30;
	v30 =	vshra.s32 v29, $0x1  }
0x16a: {  	v53 =	vadd.s32 v43, v53;
	v29 =	vmul.f32 $9.765625000e-04, v57;
	v7 =	vadd.s32 v49, v30  }
0x16b: {  	v30 =	vmul.f32 $9.765625000e-04, v59;
	v8 =	vld.idx.msk [tilespmem:v2+s18+$0x0], $0xffff;
	vm3 =	vle.f32 v13, v31;
	v31 =	vmul.f32 $9.765625000e-04, v55  }
0x16c: {  	vm9 =	vle.f32 v15, v1;
	v36 =	vsel vm3, v11, v36;
	vm8 =	vle.f32 v16, v3  }
0x16d: {  	v9 =	vld.idx.msk [tilespmem:v5+s18+$0x0], $0xffff;
	v35 =	vsel vm3, v35, v11;
	v52 =	vsel vm9, v44, v52;
	v37 =	vsel vm9, v37, v44  }
0x16e: {  	v10 =	vld.idx.msk [tilespmem:v6+s18+$0x0], $0xffff;
	v47 =	vsel vm8, v0, v47;
	v32 =	vsel vm8, v32, v0;
	v11 =	vsub.s32 v36, v35  }
0x16f: {  	v1 =	vld.idx.msk [tilespmem:v7+s18+$0x0], $0xffff;
	v44 =	vsub.s32 v52, v37;
	v58 =	vsub.s32 v47, v32;
	v48 =	vshra.s32 v11, $0x1  }
0x170: {  	v0 =	vld.idx.msk [tilespmem:v53+s18+$0x0], $0xffff;
	vm3 =	vle.f32 v18, v8;
	v44 =	vshra.s32 v44, $0x1;
	v58 =	vshra.s32 v58, $0x1  }
0x171: {  	v35 =	vadd.s32 v35, v48;
	v34 =	vsel vm3, v2, v34;
	v33 =	vsel vm3, v33, v2  }
0x172: {  	vm3 =	vle.f32 v21, v9;
	v37 =	vadd.s32 v37, v44;
	v32 =	vadd.s32 v32, v58  }
0x173: {  	v2 =	vsub.s32 v34, v33;
	v48 =	vsel vm3, v5, v46;
	v45 =	vsel vm3, v45, v5  }
0x174: {  	vm10 =	vle.f32 v24, v10;
	v46 =	vsub.f32 v30, v27;
	v44 =	vshra.s32 v2, $0x1  }
0x175: {  	vm11 =	vle.f32 v25, v1;
	v4 =	vsub.s32 v48, v45;
	vm3 =	vle.f32 v23, v0  }
0x176: {  	v33 =	vadd.s32 v33, v44;
	v44 =	vsel vm10, v6, v40;
	v54 =	vsel vm11, v7, v42;
	v3 =	vld.idx.msk [tilespmem:v35+s18+$0x0], $0xffff  }
0x177: {  	v55 =	vsel vm11, v49, v7;
	v50 =	vsel vm3, v53, v41;
	v51 =	vsel vm3, v43, v53;
	v5 =	vld.idx.msk [tilespmem:v32+s18+$0x0], $0xffff  }
0x178: {  	v53 =	vsel vm10, v39, v6;
	v6 =	vshra.s32 v4, $0x1;
	v8 =	vsub.s32 v54, v55;
	v7 =	vld.idx.msk [tilespmem:v37+s18+$0x0], $0xffff  }
0x179: {  	v9 =	vsub.s32 v50, v51;
	v10 =	vsub.s32 v44, v53;
	v56 =	vadd.s32 v45, v6  }
0x17a: {  	v41 =	vshra.s32 v8, $0x1;
	v42 =	vshra.s32 v9, $0x1;
	v43 =	vshra.s32 v10, $0x1  }
0x17b: {  	v59 =	vadd.s32 v55, v41;
	v57 =	vadd.s32 v53, v43;
	v11 =	vld.idx.msk [tilespmem:v33+s18+$0x0], $0xffff;
	vm3 =	vle.f32 v13, v3  }
0x17c: {  	v58 =	vadd.s32 v51, v42;
	vm12 =	vle.f32 v16, v5;
	v35 =	vsel vm3, v35, v36  }
0x17d: {  	vm13 =	vle.f32 v15, v7;
	v32 =	vsel vm12, v32, v47;
	vm3 =	vgt.s32 v35, $0x1  }
0x17e: {  	v40 =	vsel vm13, v37, v52;
	vm4 =	vgt.s32 v32, $0x1;
	v35 =	vnsel vm3, $0x1, v35  }
0x17f: {  	vm3 =	vgt.s32 v40, $0x1;
	v32 =	vnsel vm4, $0x1, v32;
	v41 =	vmin.u32 v35, $0xBFF  }
0x180: {  	v38 =	vld.idx.msk [tilespmem:v56+s18+$0x0], $0xffff;
	vm14 =	vle.f32 v18, v11;
	v42 =	vnsel vm3, $0x1, v40;
	v32 =	vmin.u32 v32, $0xBFF  }
0x181: {  	v17 =	vmovc v62;
	v0 =	vsub.f32 v31, v27;
	v62 =	vld.idx.msk [tilespmem:v59+s18+$0x0], $0xffff;
	v33 =	vsel vm14, v33, v34;
	v43 =	vmin.u32 v42, $0xBFF  }
0x182: {  	vm8 =	vle.f32 v46, v28;
	v52 =	vld.idx.msk [tilespmem:v57+s18+$0x0], $0xffff;
	vm3 =	vgt.s32 v33, $0x1;
	v61 =	vadd.s32 $0xFFFFFFFF, v32  }
0x183: {  	v22 =	vmovc v19;
	v19 =	vmovc v63;
	v47 =	vmul.f32 $9.765625000e-04, v60;
	v60 =	vld.idx.msk [tilespmem:v58+s18+$0x0], $0xffff;
	v63 =	vadd.s32 $0xFFFFFFFF, v43;
	v33 =	vnsel vm3, $0x1, v33  }
0x184: {  	v49 =	vsub.f32 v29, v27;
	v39 =	vsel vm8, $0x600, v14;
	v33 =	vmin.u32 v33, $0xBFF;
	v1 =	vld.idx.msk [tilespmem:v41+s18+$0x0], $0xffff  }
0x185: {  	vm15 =	vle.f32 v0, v28;
	v10 =	vimm.s32 $0x600;
	v6 =	vadd.s32 $0xFFFFFFFF, v33;
	v3 =	vld.idx.msk [tilespmem:v32+s18+$0x0], $0xffff  }
0x186: {  	v37 =	vsel vm15, $0x0, v10;
	v2 =	vsub.f32 v47, v27;
	v9 =	vadd.s32 $0xFFFFFFFF, v41;
	v8 =	vld.idx.msk [tilespmem:v43+s18+$0x0], $0xffff  }
0x187: {  	v34 =	vsel vm15, $0x600, v14;
	v40 =	vsel vm8, $0x0, v10;
	vm3 =	vle.f32 v49, v28;
	v7 =	vld.idx.msk [tilespmem:v61+s18+$0x0], $0xffff  }
0x188: {  	v42 =	vadd.s32 $0x300, v37;
	v35 =	vsel vm3, $0x600, v14;
	v36 =	vsel vm3, $0x0, v10;
	v4 =	vld.idx.msk [tilespmem:v63+s18+$0x0], $0xffff  }
0x189: {  	vm3 =	vle.f32 v2, v28;
	vm9 =	vle.f32 v24, v52;
	vm10 =	vle.f32 v23, v60;
	v5 =	vld.idx.msk [tilespmem:v33+s18+$0x0], $0xffff  }
0x18a: {  	v44 =	vsel vm9, v57, v44;
	v50 =	vsel vm10, v58, v50;
	v33 =	vsel vm3, $0x0, v10;
	v10 =	vld.idx.msk [tilespmem:v6+s18+$0x0], $0xffff  }
0x18b: {  	v51 =	vsel vm10, v51, v58;
	v41 =	vadd.s32 $0x300, v40;
	v12 =	vld.idx.msk [tilespmem:v9+s18+$0x0], $0xffff;
	v9 =	vcvt.s32.f32 v9  }
0x18c: {  	v32 =	vsel vm3, $0x600, v14;
	v43 =	vadd.s32 $0x300, v36;
	v3 =	vsub.f32 v3, v7  }
0x18d: {  	v63 =	vcvt.s32.f32 v63;
	vm3 =	vle.f32 v21, v38;
	v9 =	vmul.f32 $9.768805470e-04, v9  }
0x18e: {  	v11 =	vsel vm3, v56, v48;
	v8 =	vsub.f32 v8, v4;
	vm11 =	veq.f32 v3, $0.0e+00  }
0x18f: {  	v52 =	vsel vm3, v45, v56;
	v5 =	vsub.f32 v5, v10;
	v3 =	vsel vm11, $0x3F800000, v3  }
0x190: {  	vm3 =	vle.f32 v25, v62;
	vm12 =	veq.f32 v8, $0.0e+00;
	(erf) = vrcp.f32 v3  }
0x191: {  	v1 =	vsub.f32 v1, v12;
	v56 =	vsel vm12, $0x3F800000, v8;
	vm13 =	veq.f32 v5, $0.0e+00  }
0x192: {  	v8 =	vsel vm3, v59, v54;
	(erf) = vrcp.f32 v56;
	v5 =	vsel vm13, $0x3F800000, v5  }
0x193: {  	v3 =	vsel vm3, v55, v59;
	vm3 =	veq.f32 v1, $0.0e+00;
	(erf) = vrcp.f32 v5  }
0x194: {  	v45 =	vsel vm9, v53, v57;
	v57 =	vsub.s32 v50, v51;
	v1 =	vsel vm3, $0x3F800000, v1  }
0x195: {  	v6 =	vcvt.s32.f32 v6;
	v48 =	vsub.s32 v11, v52;
	(erf) = vrcp.f32 v1  }
0x196: {  	v53 =	vsub.s32 v44, v45;
	v48 =	vshra.s32 v48, $0x1;
	v59 =	vcvt.s32.f32 v61  }
0x197: {  	v53 =	vshra.s32 v53, $0x1;
	v6 =	vmul.f32 $9.768805470e-04, v6;
	v54 =	vadd.s32 v52, v48  }
0x198: {  	v7 =	vsub.f32 v16, v7;
	v4 =	vsub.f32 v15, v4;
	v62 =	vmul.f32 $9.768805470e-04, v59  }
0x199: {  	v48 =	vadd.s32 v45, v53;
	v58 =	vsub.s32 v8, v3;
	v5 =	vshra.s32 v57, $0x1;
	v60 =	vpop (erf)  }
0x19a: {  	v16 =	vmovc v25;
	v25 =	vmovc v2;
	v5 =	vadd.s32 v51, v5;
	v62 =	vadd.f32 $-1.000000000e+00, v62;
	v56 =	vmul.f32 $9.768805470e-04, v60  }
0x19b: {  	v55 =	vmul.f32 $9.768805470e-04, v63;
	v1 =	vshra.s32 v58, $0x1;
	v63 =	vpop (erf);
	v60 =	vsub.f32 v18, v10;
	v10 =	vld [tilespmem:$0x1FF80]  }
0x19c: {  	v1 =	vadd.s32 v3, v1;
	v2 =	vld.idx.msk [tilespmem:v54+s18+$0x0], $0xffff;
	v53 =	vmul.f32 $9.768805470e-04, v63;
	v18 =	vpop (erf);
	v7 =	vmul.f32 v56, v7  }
0x19d: {  	v38 =	vadd.s32 $0x300, v33;
	v15 =	vmovc v23;
	v23 =	vmovc v0;
	v6 =	vadd.f32 $-1.000000000e+00, v6;
	v18 =	vmul.f32 $9.768805470e-04, v18  }
0x19e: {  	v0 =	vadd.f32 $-1.000000000e+00, v55;
	v4 =	vmul.f32 v53, v4;
	v7 =	vadd.f32 v62, v7;
	v62 =	vpop (erf)  }
0x19f: {  	v55 =	vld.idx.msk [tilespmem:v5+s18+$0x0], $0xffff;
	v63 =	vsub.f32 v13, v12;
	v13 =	vmovc v21;
	v57 =	vmul.f32 v18, v60;
	v53 =	vmul.f32 $9.768805470e-04, v62  }
0x1a0: {  	v0 =	vadd.f32 v0, v4;
	v62 =	vmovc v20;
	v20 =	vmov v29;
	v29 =	vld.idx.msk [tilespmem:v42+s18+$0x0], $0xffff;
	v7 =	vsub.f32 v7, v10  }
0x1a1: {  	v59 =	vadd.f32 $-1.000000000e+00, v9;
	vm3 =	vle.f32 v13, v2;
	v10 =	vld.idx.msk [tilespmem:v1+s18+$0x0], $0xffff;
	v4 =	vadd.f32 v6, v57  }
0x1a2: {  	v12 =	vmovc v47;
	v53 =	vmul.f32 v53, v63;
	v0 =	vsub.f32 v0, v19;
	v19 =	vld [tilespmem:$0x1FF90];
	v7 =	vand.u32 $0x7FFFFFFF, v7  }
0x1a3: {  	v18 =	vld [tilespmem:$0x1FFB0];
	[tilespmem:$0x1FFB0] =	vst v12;
	v6 =	vsel vm3, v54, v11;
	v11 =	vsel vm3, v52, v54;
	v12 =	vsub.f32 $1.000000000e+00, v7  }
0x1a4: {  	vm3 =	vle.f32 v15, v55;
	v0 =	vand.u32 $0x7FFFFFFF, v0;
	v2 =	vadd.f32 v59, v53  }
0x1a5: {  	v47 =	vld.idx.msk [tilespmem:v43+s18+$0x0], $0xffff;
	v59 =	vsub.f32 $1.000000000e+00, v0;
	vm15 =	vle.f32 v23, v29;
	v7 =	vmin.f32 v7, v12  }
0x1a6: {  	v2 =	vsub.f32 v2, v17;
	vm14 =	vle.f32 v16, v10;
	v29 =	vsel vm15, v42, v34  }
0x1a7: {  	v34 =	vsel vm15, v37, v42;
	v4 =	vsub.f32 v4, v19;
	v7 =	vmul.f32 v7, v7  }
0x1a8: {  	v19 =	vmovc v30;
	v0 =	vmin.f32 v0, v59;
	v30 =	vsel vm3, v5, v50;
	v8 =	vsel vm14, v1, v8  }
0x1a9: {  	v21 =	vmovc v49;
	v58 =	vmovc v18;
	v5 =	vsel vm3, v51, v5;
	v1 =	vsel vm14, v3, v1;
	v4 =	vand.u32 $0x7FFFFFFF, v4  }
0x1aa: {  	v56 =	vld [tilespmem:$0x1FFA0];
	v18 =	vmovc v24;
	v24 =	vmovc v46;
	vm3 =	vle.f32 v21, v47;
	v0 =	vmul.f32 v0, v0;
	v46 =	vsub.f32 $1.000000000e+00, v4  }
0x1ab: {  	v2 =	vand.u32 $0x7FFFFFFF, v2;
	v7 =	vadd.f32 v7, v26;
	v26 =	vsub.s32 v6, v11  }
0x1ac: {  	v57 =	vmovc v31;
	v53 =	vld.idx.msk [tilespmem:v48+s18+$0x0], $0xffff;
	v49 =	vsub.f32 $1.000000000e+00, v2;
	v26 =	vshra.s32 v26, $0x1;
	v4 =	vmin.f32 v4, v46  }
0x1ad: {  	v12 =	vld.idx.msk [tilespmem:v41+s18+$0x0], $0xffff;
	v0 =	vadd.f32 v0, v7;
	v31 =	vadd.s32 v11, v26;
	v4 =	vmul.f32 v4, v4  }
0x1ae: {  	v3 =	vsub.s32 v8, v1;
	v52 =	vsub.s32 v30, v5;
	v2 =	vmin.f32 v2, v49  }
0x1af: {  	v63 =	vmovc v56;
	[tilespmem:$0x1FF80] =	vst v58;
	v2 =	vmul.f32 v2, v2;
	v0 =	vadd.f32 v4, v0;
	v4 =	vshra.s32 v52, $0x1  }
0x1b0: {  	v58 =	vmovc v22;
	v50 =	vld.idx.msk [tilespmem:v38+s18+$0x0], $0xffff;
	v47 =	vsub.s32 v29, v34;
	v54 =	vshra.s32 v3, $0x1;
	v55 =	vadd.s32 v5, v4  }
0x1b1: {  	[tilespmem:$0x1FF90] =	vst v58;
	vm9 =	vle.f32 v18, v53;
	v26 =	vadd.f32 v2, v0;
	v0 =	vadd.s32 v1, v54  }
0x1b2: {  	v3 =	vsel vm3, v43, v35;
	v58 =	vsel vm9, v48, v44;
	vm8 =	vle.f32 v24, v12;
	v56 =	vld.idx.msk [tilespmem:v31+s18+$0x0], $0xffff  }
0x1b3: {  	v59 =	vsel vm9, v45, v48;
	v7 =	vsel vm8, v41, v39;
	v10 =	vsel vm8, v40, v41  }
0x1b4: {  	[tilespmem:$0x1FFA0] =	vst v57;
	v46 =	vsub.s32 v58, v59;
	v39 =	vshra.s32 v47, $0x1;
	v41 =	vsub.s32 v7, v10  }
0x1b5: {  	v49 =	vadd.s32 v34, v39;
	v4 =	vsel vm3, v36, v43;
	vm3 =	vle.f32 v25, v50;
	v57 =	vld.idx.msk [tilespmem:v55+s18+$0x0], $0xffff  }
0x1b6: {  	v40 =	vsel vm3, v38, v32;
	v33 =	vsel vm3, v33, v38;
	v38 =	vshra.s32 v46, $0x1;
	v60 =	vld.idx.msk [tilespmem:v0+s18+$0x0], $0xffff  }
0x1b7: {  	v41 =	vshra.s32 v41, $0x1;
	v38 =	vadd.s32 v59, v38;
	vm3 =	vle.f32 v13, v56  }
0x1b8: {  	v12 =	vsub.s32 v3, v4;
	v6 =	vsel vm3, v31, v6;
	v11 =	vsel vm3, v11, v31  }
0x1b9: {  	v50 =	vadd.s32 v10, v41;
	v12 =	vshra.s32 v12, $0x1;
	v31 =	vsub.s32 v6, v11  }
0x1ba: {  	v12 =	vadd.s32 v4, v12;
	v31 =	vshra.s32 v31, $0x1;
	vm10 =	vle.f32 v15, v57  }
0x1bb: {  	vm3 =	vle.f32 v16, v60;
	v30 =	vsel vm10, v55, v30;
	v2 =	vsel vm10, v5, v55  }
0x1bc: {  	v51 =	vld.idx.msk [tilespmem:v38+s18+$0x0], $0xffff;
	v8 =	vsel vm3, v0, v8;
	v0 =	vsel vm3, v1, v0;
	v52 =	vsub.s32 v30, v2  }
0x1bd: {  	v31 =	vadd.s32 v11, v31;
	v54 =	vsub.s32 v8, v0;
	v1 =	vshra.s32 v52, $0x1  }
0x1be: {  	v41 =	vld.idx.msk [tilespmem:v50+s18+$0x0], $0xffff;
	v37 =	vshra.s32 v54, $0x1;
	v1 =	vadd.s32 v2, v1  }
0x1bf: {  	v53 =	vld.idx.msk [tilespmem:v12+s18+$0x0], $0xffff;
	v37 =	vadd.s32 v0, v37;
	_ =	sdelay $0x1  }
0x1c0: {  	v61 =	vlaneseq.u32;
	v48 =	vsub.s32 v40, v33;
	v55 =	vld.idx.msk [tilespmem:v49+s18+$0x0], $0xffff;
	vm3 =	vle.f32 v18, v51  }
0x1c1: {  	v42 =	vshra.s32 v48, $0x1;
	v5 =	vsel vm3, v38, v58;
	v47 =	vsel vm3, v59, v38;
	v57 =	vld.idx.msk [tilespmem:v31+s18+$0x0], $0xffff  }
0x1c2: {  	v9 =	vadd.s32 v33, v42;
	vm12 =	vle.f32 v24, v41;
	v36 =	vsub.s32 v5, v47;
	v58 =	vld.idx.msk [tilespmem:v1+s18+$0x0], $0xffff  }
0x1c3: {  	v41 =	vsel vm12, v50, v7;
	vm3 =	vle.f32 v21, v53;
	v36 =	vshra.s32 v36, $0x1;
	v59 =	vld.idx.msk [tilespmem:v37+s18+$0x0], $0xffff  }
0x1c4: {  	v46 =	vsel vm3, v12, v3;
	v45 =	vsel vm3, v4, v12;
	v60 =	vadd.s32 v47, v36  }
0x1c5: {  	v39 =	vsel vm12, v10, v50;
	v4 =	vsub.s32 v46, v45;
	vm11 =	vle.f32 v23, v55  }
0x1c6: {  	v4 =	vshra.s32 v4, $0x1;
	v43 =	vsel vm11, v49, v29;
	vm13 =	vle.f32 v13, v57  }
0x1c7: {  	v56 =	vld.idx.msk [tilespmem:v9+s18+$0x0], $0xffff;
	v52 =	vadd.s32 v45, v4;
	v36 =	vsel vm13, v31, v6;
	v35 =	vsel vm13, v11, v31  }
0x1c8: {  	v6 =	vsub.s32 v36, v35;
	vm15 =	vle.f32 v15, v58;
	vm14 =	vle.f32 v16, v59  }
0x1c9: {  	v10 =	vld.idx.msk [tilespmem:v60+s18+$0x0], $0xffff;
	v30 =	vsel vm15, v1, v30;
	v31 =	vsel vm15, v2, v1;
	v29 =	vsel vm14, v37, v8  }
0x1ca: {  	v32 =	vsel vm14, v0, v37;
	v11 =	vsub.s32 v30, v31;
	v37 =	vshra.s32 v6, $0x1  }
0x1cb: {  	v38 =	vsub.s32 v29, v32;
	v0 =	vshra.s32 v11, $0x1;
	v42 =	vadd.s32 v35, v37  }
0x1cc: {  	s21 =	sadd.s32 $0x4, s21;
	vm3 =	vle.f32 v25, v56;
	v44 =	vshra.s32 v38, $0x1;
	v37 =	vadd.s32 v31, v0  }
0x1cd: {  	p0 =	slt.u32 s21, $0x3C;
	v51 =	vsel vm3, v9, v40;
	v48 =	vsel vm11, v34, v49;
	v38 =	vadd.s32 v32, v44  }
.Ltmp4:
0x1ce: {  	v49 =	vsel vm3, v33, v9;
	v50 =	vsub.s32 v43, v48;
	vm3 =	vle.f32 v18, v10;
	(pc) =	sbr.rel @p0 .LBB2_10-.Ltmp4, $4  }
0x1cf: {  	v57 =	vsub.s32 v41, v39;
	v55 =	vld.idx.msk [tilespmem:v52+s18+$0x0], $0xffff;
	v34 =	vsel vm3, v60, v5;
	v33 =	vsel vm3, v47, v60  }
0x1d0: {  	v1 =	vshra.s32 v57, $0x1;
	v0 =	vshra.s32 v50, $0x1;
	v58 =	vsub.s32 v34, v33;
	v50 =	vld.idx.msk [tilespmem:v42+s18+$0x0], $0xffff  }
0x1d1: {  	v59 =	vsub.s32 v51, v49;
	v53 =	vadd.s32 v39, v1;
	v60 =	vshra.s32 v58, $0x1;
	v44 =	vld.idx.msk [tilespmem:v37+s18+$0x0], $0xffff  }
0x1d2: {  	s22 =	sadd.s32 $0x40, s22;
	v56 =	vshra.s32 v59, $0x1;
	v54 =	vadd.s32 v48, v0;
	v40 =	vadd.s32 v33, v60;
	v47 =	vld.idx.msk [tilespmem:v38+s18+$0x0], $0xffff  }
0x1d3: {  	_ = 	snop  }
0x1d4: {  	v0 =	vadd.s32 v49, v56;
	_ =	sdelay $0x2  }
0x1d5: {  	v1 =	vld.idx.msk [tilespmem:v54+s18+$0x0], $0xffff;
	_ =	sdelay $0x1  }
0x1d6: {  	v2 =	vld.idx.msk [tilespmem:v0+s18+$0x0], $0xffff  }
0x1d7: {  	vm3 =	vle.f32 v21, v55  }
0x1d8: {  	v3 =	vsel vm3, v52, v46;
	v4 =	vsel vm3, v45, v52  }
0x1d9: {  	v45 =	vsub.s32 v3, v4;
	vm3 =	vle.f32 v23, v1  }
0x1da: {  	v1 =	vshra.s32 v45, $0x1;
	v46 =	vsel vm3, v54, v43;
	v6 =	vsel vm3, v48, v54  }
0x1db: {  	v1 =	vadd.s32 v4, v1;
	v7 =	vsub.s32 v46, v6;
	vm4 =	vle.f32 v25, v2  }
0x1dc: {  	v9 =	vld.idx.msk [tilespmem:v53+s18+$0x0], $0xffff;
	v7 =	vshra.s32 v7, $0x1;
	v5 =	vsel vm4, v0, v51;
	v0 =	vsel vm4, v49, v0  }
0x1dd: {  	v7 =	vadd.s32 v6, v7;
	v8 =	vsub.s32 v5, v0  }
0x1de: {  	v8 =	vshra.s32 v8, $0x1  }
0x1df: {  	v8 =	vadd.s32 v0, v8  }
0x1e0: {  	v10 =	vld.idx.msk [tilespmem:v1+s18+$0x0], $0xffff  }
0x1e1: {  	vm3 =	vle.f32 v24, v9  }
0x1e2: {  	v12 =	vsel vm3, v53, v41;
	v27 =	vsel vm3, v39, v53;
	v11 =	vld.idx.msk [tilespmem:v7+s18+$0x0], $0xffff  }
0x1e3: {  	v28 =	vsub.s32 v12, v27  }
0x1e4: {  	v28 =	vshra.s32 v28, $0x1;
	v9 =	vld.idx.msk [tilespmem:v8+s18+$0x0], $0xffff  }
0x1e5: {  	vm3 =	vle.f32 v21, v10;
	v10 =	vadd.s32 v27, v28  }
0x1e6: {  	v3 =	vsel vm3, v1, v3;
	v1 =	vsel vm3, v4, v1  }
0x1e7: {  	v4 =	vsub.s32 v3, v1;
	vm3 =	vle.f32 v23, v11  }
0x1e8: {  	v4 =	vshra.s32 v4, $0x1;
	v2 =	vsel vm3, v7, v46;
	v6 =	vsel vm3, v6, v7  }
0x1e9: {  	v4 =	vadd.s32 v1, v4;
	v7 =	vsub.s32 v2, v6;
	vm13 =	vle.f32 v25, v9  }
0x1ea: {  	v7 =	vshra.s32 v7, $0x1;
	v9 =	vld.idx.msk [tilespmem:v10+s18+$0x0], $0xffff;
	v5 =	vsel vm13, v8, v5;
	v0 =	vsel vm13, v0, v8  }
0x1eb: {  	v7 =	vadd.s32 v6, v7;
	v8 =	vsub.s32 v5, v0  }
0x1ec: {  	v8 =	vshra.s32 v8, $0x1  }
0x1ed: {  	v8 =	vadd.s32 v0, v8  }
0x1ee: {  	v11 =	vld.idx.msk [tilespmem:v4+s18+$0x0], $0xffff  }
0x1ef: {  	vm3 =	vle.f32 v24, v9  }
0x1f0: {  	v52 =	vld.idx.msk [tilespmem:v7+s18+$0x0], $0xffff;
	v12 =	vsel vm3, v10, v12;
	v10 =	vsel vm3, v27, v10  }
0x1f1: {  	v27 =	vsub.s32 v12, v10  }
0x1f2: {  	v27 =	vshra.s32 v27, $0x1;
	v9 =	vld.idx.msk [tilespmem:v8+s18+$0x0], $0xffff  }
0x1f3: {  	vm3 =	vle.f32 v21, v11;
	v11 =	vadd.s32 v10, v27  }
0x1f4: {  	v3 =	vsel vm3, v4, v3;
	v1 =	vsel vm3, v1, v4  }
0x1f5: {  	v4 =	vsub.s32 v3, v1;
	vm14 =	vle.f32 v23, v52  }
0x1f6: {  	v4 =	vshra.s32 v4, $0x1;
	v2 =	vsel vm14, v7, v2;
	v6 =	vsel vm14, v6, v7  }
0x1f7: {  	v4 =	vadd.s32 v1, v4;
	v7 =	vsub.s32 v2, v6;
	vm3 =	vle.f32 v25, v9  }
0x1f8: {  	v7 =	vshra.s32 v7, $0x1;
	v9 =	vld.idx.msk [tilespmem:v11+s18+$0x0], $0xffff;
	v5 =	vsel vm3, v8, v5;
	v0 =	vsel vm3, v0, v8  }
0x1f9: {  	v7 =	vadd.s32 v6, v7;
	v8 =	vsub.s32 v5, v0  }
0x1fa: {  	v8 =	vshra.s32 v8, $0x1  }
0x1fb: {  	v8 =	vadd.s32 v0, v8  }
0x1fc: {  	v53 =	vld.idx.msk [tilespmem:v4+s18+$0x0], $0xffff  }
0x1fd: {  	vm3 =	vle.f32 v24, v9  }
0x1fe: {  	v9 =	vld.idx.msk [tilespmem:v7+s18+$0x0], $0xffff;
	v12 =	vsel vm3, v11, v12;
	v10 =	vsel vm3, v10, v11  }
0x1ff: {  	vm9 =	vle.f32 v15, v44;
	v54 =	vsub.s32 v12, v10  }
0x200: {  	v30 =	vsel vm9, v37, v30;
	v28 =	vshra.s32 v54, $0x1;
	v11 =	vld.idx.msk [tilespmem:v8+s18+$0x0], $0xffff  }
0x201: {  	vm3 =	vle.f32 v13, v50;
	vm15 =	vle.f32 v21, v53;
	v28 =	vadd.s32 v10, v28  }
0x202: {  	v36 =	vsel vm3, v42, v36;
	v3 =	vsel vm15, v4, v3;
	v1 =	vsel vm15, v1, v4  }
0x203: {  	v55 =	vsel vm3, v35, v42;
	v4 =	vsub.s32 v3, v1;
	vm3 =	vle.f32 v23, v9  }
0x204: {  	v4 =	vshra.s32 v4, $0x1;
	v2 =	vsel vm3, v7, v2;
	v6 =	vsel vm3, v6, v7  }
0x205: {  	v4 =	vadd.s32 v1, v4;
	v7 =	vsub.s32 v2, v6;
	vm8 =	vle.f32 v25, v11  }
0x206: {  	v7 =	vshra.s32 v7, $0x1;
	v9 =	vld.idx.msk [tilespmem:v28+s18+$0x0], $0xffff;
	v5 =	vsel vm8, v8, v5;
	v0 =	vsel vm8, v0, v8  }
0x207: {  	v31 =	vsel vm9, v31, v37;
	v7 =	vadd.s32 v6, v7;
	v8 =	vsub.s32 v5, v0  }
0x208: {  	v37 =	vsub.s32 v30, v31;
	v8 =	vshra.s32 v8, $0x1  }
0x209: {  	v37 =	vshra.s32 v37, $0x1;
	v8 =	vadd.s32 v0, v8  }
0x20a: {  	v56 =	vld.idx.msk [tilespmem:v40+s18+$0x0], $0xffff;
	v37 =	vadd.s32 v31, v37;
	vm3 =	vle.f32 v16, v47  }
0x20b: {  	v29 =	vsel vm3, v38, v29;
	v32 =	vsel vm3, v32, v38;
	vm3 =	vle.f32 v24, v9;
	v9 =	vld.idx.msk [tilespmem:v4+s18+$0x0], $0xffff  }
0x20c: {  	v11 =	vsub.s32 v36, v55;
	v57 =	vld.idx.msk [tilespmem:v7+s18+$0x0], $0xffff;
	v12 =	vsel vm3, v28, v12;
	v10 =	vsel vm3, v10, v28  }
0x20d: {  	v11 =	vshra.s32 v11, $0x1;
	v60 =	vsub.s32 v12, v10  }
0x20e: {  	v38 =	vsub.s32 v29, v32;
	v11 =	vadd.s32 v55, v11;
	v41 =	vshra.s32 v60, $0x1;
	v59 =	vld.idx.msk [tilespmem:v8+s18+$0x0], $0xffff  }
0x20f: {  	v58 =	vshra.s32 v38, $0x1;
	vm3 =	vle.f32 v18, v56;
	v17 =	vadd.s32 v10, v41  }
0x210: {  	v28 =	vadd.s32 v32, v58;
	v34 =	vsel vm3, v40, v34;
	vm10 =	vle.f32 v21, v9  }
0x211: {  	v44 =	vld.idx.msk [tilespmem:v37+s18+$0x0], $0xffff;
	vm11 =	vle.f32 v23, v57;
	v3 =	vsel vm10, v4, v3;
	v1 =	vsel vm10, v1, v4  }
0x212: {  	v9 =	vsel vm3, v33, v40;
	v2 =	vsel vm11, v7, v2;
	v45 =	vsub.s32 v3, v1  }
0x213: {  	v22 =	vld.idx.msk [tilespmem:v11+s18+$0x0], $0xffff;
	v6 =	vsel vm11, v6, v7;
	v38 =	vshra.s32 v45, $0x1;
	vm3 =	vle.f32 v25, v59  }
0x214: {  	v47 =	vld.idx.msk [tilespmem:v17+s18+$0x0], $0xffff;
	v5 =	vsel vm3, v8, v5;
	v0 =	vsel vm3, v0, v8;
	v8 =	vsub.s32 v2, v6  }
0x215: {  	v46 =	vld.idx.msk [tilespmem:v28+s18+$0x0], $0xffff;
	v38 =	vadd.s32 v1, v38;
	v48 =	vsub.s32 v5, v0;
	v8 =	vshra.s32 v8, $0x1  }
0x216: {  	vm5 =	vle.f32 v15, v44;
	v40 =	vshra.s32 v48, $0x1;
	v8 =	vadd.s32 v6, v8  }
0x217: {  	v30 =	vsel vm5, v37, v30;
	v31 =	vsel vm5, v31, v37;
	v50 =	vadd.s32 v0, v40  }
0x218: {  	v60 =	vsub.s32 v30, v31;
	v49 =	vsub.s32 v34, v9;
	vm3 =	vle.f32 v13, v22  }
0x219: {  	v36 =	vsel vm3, v11, v36;
	v52 =	vsel vm3, v55, v11;
	vm3 =	vle.f32 v24, v47  }
0x21a: {  	vm12 =	vle.f32 v16, v46;
	v11 =	vsel vm3, v17, v12;
	v10 =	vsel vm3, v10, v17;
	v12 =	vld.idx.msk [tilespmem:v38+s18+$0x0], $0xffff  }
0x21b: {  	v41 =	vshra.s32 v49, $0x1;
	v53 =	vsel vm12, v28, v29;
	v57 =	vsub.s32 v11, v10;
	v56 =	vld.idx.msk [tilespmem:v8+s18+$0x0], $0xffff  }
0x21c: {  	v54 =	vsel vm12, v32, v28;
	v55 =	vsub.s32 v36, v52;
	v32 =	vshra.s32 v57, $0x1;
	v59 =	vld.idx.msk [tilespmem:v50+s18+$0x0], $0xffff  }
0x21d: {  	v58 =	vsub.s32 v53, v54;
	v28 =	vshra.s32 v55, $0x1;
	v32 =	vadd.s32 v10, v32  }
0x21e: {  	v51 =	vadd.s32 v9, v41;
	v35 =	vshra.s32 v58, $0x1;
	v4 =	vadd.s32 v52, v28  }
0x21f: {  	v28 =	vshra.s32 v60, $0x1;
	v27 =	vadd.s32 v54, v35;
	vm3 =	vle.f32 v21, v12  }
0x220: {  	v12 =	vadd.s32 v31, v28;
	v3 =	vsel vm3, v38, v3;
	v1 =	vsel vm3, v1, v38  }
0x221: {  	vm13 =	vle.f32 v23, v56;
	v17 =	vsub.s32 v3, v1;
	vm3 =	vle.f32 v25, v59  }
0x222: {  	v22 =	vld.idx.msk [tilespmem:v32+s18+$0x0], $0xffff;
	v2 =	vsel vm13, v8, v2;
	v6 =	vsel vm13, v6, v8;
	v28 =	vshra.s32 v17, $0x1  }
0x223: {  	v5 =	vsel vm3, v50, v5;
	v0 =	vsel vm3, v0, v50;
	v8 =	vsub.s32 v2, v6  }
0x224: {  	v43 =	vld.idx.msk [tilespmem:v27+s18+$0x0], $0xffff;
	v28 =	vadd.s32 v1, v28;
	v33 =	vsub.s32 v5, v0;
	v8 =	vshra.s32 v8, $0x1  }
0x225: {  	v41 =	vld.idx.msk [tilespmem:v51+s18+$0x0], $0xffff;
	v33 =	vshra.s32 v33, $0x1;
	v8 =	vadd.s32 v6, v8  }
0x226: {  	v33 =	vadd.s32 v0, v33  }
0x227: {  	v42 =	vld.idx.msk [tilespmem:v4+s18+$0x0], $0xffff;
	vm3 =	vle.f32 v24, v22  }
0x228: {  	v11 =	vsel vm3, v32, v11;
	v10 =	vsel vm3, v10, v32  }
0x229: {  	vm14 =	vle.f32 v16, v43;
	v46 =	vld.idx.msk [tilespmem:v28+s18+$0x0], $0xffff;
	v45 =	vsub.s32 v11, v10  }
0x22a: {  	v7 =	vsel vm14, v27, v53;
	vm3 =	vle.f32 v18, v41;
	v47 =	vld.idx.msk [tilespmem:v8+s18+$0x0], $0xffff;
	v31 =	vshra.s32 v45, $0x1  }
0x22b: {  	v34 =	vsel vm3, v51, v34;
	v9 =	vsel vm3, v9, v51;
	v49 =	vld.idx.msk [tilespmem:v33+s18+$0x0], $0xffff;
	v31 =	vadd.s32 v10, v31  }
0x22c: {  	vm4 =	vgt.s32 v7, $0x1;
	vm3 =	vle.f32 v13, v42;
	v48 =	vsub.s32 v34, v9  }
0x22d: {  	v7 =	vnsel vm4, $0x1, v7;
	v4 =	vsel vm3, v4, v36;
	v39 =	vshra.s32 v48, $0x1  }
0x22e: {  	vm3 =	vgt.s32 v4, $0x1;
	v9 =	vadd.s32 v9, v39;
	vm6 =	vle.f32 v21, v46  }
0x22f: {  	v44 =	vld.idx.msk [tilespmem:v12+s18+$0x0], $0xffff;
	v4 =	vnsel vm3, $0x1, v4;
	v3 =	vsel vm6, v28, v3;
	v1 =	vsel vm6, v1, v28  }
0x230: {  	vm9 =	vle.f32 v23, v47;
	v28 =	vsub.s32 v3, v1;
	v50 =	vld.idx.msk [tilespmem:v31+s18+$0x0], $0xffff;
	vm3 =	vle.f32 v25, v49  }
0x231: {  	v2 =	vsel vm9, v8, v2;
	v6 =	vsel vm9, v6, v8;
	v28 =	vshra.s32 v28, $0x1  }
0x232: {  	v5 =	vsel vm3, v33, v5;
	v0 =	vsel vm3, v0, v33;
	v8 =	vsub.s32 v2, v6  }
0x233: {  	v51 =	vld.idx.msk [tilespmem:v9+s18+$0x0], $0xffff;
	v28 =	vadd.s32 v1, v28;
	v52 =	vsub.s32 v5, v0;
	v8 =	vshra.s32 v8, $0x1  }
0x234: {  	v7 =	vmin.u32 v7, $0xBFF;
	v32 =	vshra.s32 v52, $0x1;
	v8 =	vadd.s32 v6, v8  }
0x235: {  	vm15 =	vle.f32 v15, v44;
	v53 =	vadd.s32 v0, v32;
	vm3 =	vle.f32 v24, v50  }
0x236: {  	v55 =	vadd.s32 $0xFFFFFFFF, v7;
	v11 =	vsel vm3, v31, v11;
	v10 =	vsel vm3, v10, v31  }
0x237: {  	v12 =	vsel vm15, v12, v30;
	v4 =	vmin.u32 v4, $0xBFF;
	v54 =	vsub.s32 v11, v10  }
0x238: {  	vm3 =	vgt.s32 v12, $0x1;
	vm10 =	vle.f32 v18, v51;
	v56 =	vld.idx.msk [tilespmem:v28+s18+$0x0], $0xffff;
	v27 =	vshra.s32 v54, $0x1  }
0x239: {  	v12 =	vnsel vm3, $0x1, v12;
	v9 =	vsel vm10, v9, v34;
	v57 =	vld.idx.msk [tilespmem:v8+s18+$0x0], $0xffff;
	v27 =	vadd.s32 v10, v27  }
0x23a: {  	v12 =	vmin.u32 v12, $0xBFF;
	vm3 =	vgt.s32 v9, $0x1;
	v58 =	vld.idx.msk [tilespmem:v53+s18+$0x0], $0xffff  }
0x23b: {  	v7 =	vld.idx.msk [tilespmem:v7+s18+$0x0], $0xffff;
	v59 =	vadd.s32 $0xFFFFFFFF, v12;
	v9 =	vnsel vm3, $0x1, v9  }
0x23c: {  	v22 =	vld.idx.msk [tilespmem:v55+s18+$0x0], $0xffff;
	v9 =	vmin.u32 v9, $0xBFF  }
0x23d: {  	v60 =	vld.idx.msk [tilespmem:v4+s18+$0x0], $0xffff;
	v17 =	vadd.s32 $0xFFFFFFFF, v9;
	vm3 =	vle.f32 v21, v56  }
0x23e: {  	v4 =	vadd.s32 $0xFFFFFFFF, v4;
	v3 =	vsel vm3, v28, v3;
	v39 =	vld.idx.msk [tilespmem:v27+s18+$0x0], $0xffff  }
0x23f: {  	v1 =	vsel vm3, v1, v28;
	v12 =	vld.idx.msk [tilespmem:v12+s18+$0x0], $0xffff;
	vm12 =	vle.f32 v23, v57;
	vm11 =	vle.f32 v25, v58  }
0x240: {  	v41 =	vsub.s32 v3, v1;
	v40 =	vld.idx.msk [tilespmem:v59+s18+$0x0], $0xffff;
	v5 =	vsel vm11, v53, v5;
	v0 =	vsel vm11, v0, v53  }
0x241: {  	v2 =	vsel vm12, v8, v2;
	v30 =	vshra.s32 v41, $0x1;
	v9 =	vld.idx.msk [tilespmem:v9+s18+$0x0], $0xffff;
	v42 =	vsub.s32 v5, v0  }
0x242: {  	v6 =	vsel vm12, v6, v8;
	v1 =	vadd.s32 v1, v30;
	v43 =	vld.idx.msk [tilespmem:v17+s18+$0x0], $0xffff;
	v32 =	vshra.s32 v42, $0x1  }
0x243: {  	v44 =	vsub.s32 v2, v6;
	v0 =	vadd.s32 v0, v32;
	vm3 =	vle.f32 v24, v39  }
0x244: {  	v8 =	vld.idx.msk [tilespmem:v4+s18+$0x0], $0xffff;
	v30 =	vshra.s32 v44, $0x1;
	v11 =	vsel vm3, v27, v11;
	v10 =	vsel vm3, v10, v27  }
0x245: {  	v7 =	vsub.f32 v7, v22;
	v6 =	vadd.s32 v6, v30;
	v27 =	vsub.s32 v11, v10  }
0x246: {  	v12 =	vsub.f32 v12, v40;
	v27 =	vshra.s32 v27, $0x1  }
0x247: {  	vm3 =	veq.f32 v7, $0.0e+00;
	v45 =	vld.idx.msk [tilespmem:v1+s18+$0x0], $0xffff;
	v9 =	vsub.f32 v9, v43;
	v10 =	vadd.s32 v10, v27  }
0x248: {  	v7 =	vsel vm3, $0x3F800000, v7;
	vm3 =	veq.f32 v12, $0.0e+00;
	v47 =	vld.idx.msk [tilespmem:v0+s18+$0x0], $0xffff  }
0x249: {  	v46 =	vsub.f32 v60, v8;
	v48 =	vsel vm3, $0x3F800000, v12;
	vm3 =	veq.f32 v9, $0.0e+00  }
0x24a: {  	v49 =	vsel vm3, $0x3F800000, v9;
	v9 =	vld.idx.msk [tilespmem:v6+s18+$0x0], $0xffff  }
0x24b: {  	(erf) = vrcp.f32 v7;
	vm3 =	veq.f32 v46, $0.0e+00  }
0x24c: {  	(erf) = vrcp.f32 v48;
	v12 =	vsel vm3, $0x3F800000, v46;
	vm3 =	vle.f32 v21, v45;
	v50 =	vld.idx.msk [tilespmem:v10+s18+$0x0], $0xffff  }
0x24d: {  	(erf) = vrcp.f32 v49;
	v1 =	vsel vm3, v1, v3;
	vm13 =	vle.f32 v25, v47  }
0x24e: {  	(erf) = vrcp.f32 v12;
	vm3 =	vgt.s32 v1, $0x1;
	v0 =	vsel vm13, v0, v5  }
0x24f: {  	v1 =	vnsel vm3, $0x1, v1;
	vm14 =	vle.f32 v23, v9;
	vm4 =	vgt.s32 v0, $0x1  }
0x250: {  	v1 =	vmin.u32 v1, $0xBFF;
	v2 =	vsel vm14, v6, v2;
	v0 =	vnsel vm4, $0x1, v0  }
0x251: {  	vm3 =	vgt.s32 v2, $0x1;
	v0 =	vmin.u32 v0, $0xBFF;
	vm15 =	vle.f32 v24, v50  }
0x252: {  	v2 =	vnsel vm3, $0x1, v2;
	v52 =	vadd.s32 $0xFFFFFFFF, v0;
	v53 =	vsel vm15, v10, v11  }
0x253: {  	v12 =	vcvt.s32.f32 v55;
	v2 =	vmin.u32 v2, $0xBFF;
	vm3 =	vgt.s32 v53, $0x1  }
0x254: {  	v10 =	vadd.s32 $0xFFFFFFFF, v2;
	v5 =	vnsel vm3, $0x1, v53  }
0x255: {  	v54 =	vmul.f32 $9.768805470e-04, v12;
	v12 =	vld.idx.msk [tilespmem:v1+s18+$0x0], $0xffff;
	v5 =	vmin.u32 v5, $0xBFF  }
0x256: {  	v55 =	vcvt.s32.f32 v59;
	v9 =	vpop (erf);
	v0 =	vld.idx.msk [tilespmem:v0+s18+$0x0], $0xffff;
	v58 =	vadd.s32 $0xFFFFFFFF, v5  }
0x257: {  	v57 =	vpop (erf);
	v1 =	vadd.s32 $0xFFFFFFFF, v1;
	v59 =	vld.idx.msk [tilespmem:v52+s18+$0x0], $0xffff  }
0x258: {  	v15 =	vsub.f32 v15, v40;
	v7 =	vmul.f32 $9.768805470e-04, v55;
	v27 =	vmul.f32 $9.768805470e-04, v57;
	v2 =	vld.idx.msk [tilespmem:v2+s18+$0x0], $0xffff  }
0x259: {  	v11 =	vsub.f32 v16, v22;
	v22 =	vld.idx.msk [tilespmem:v10+s18+$0x0], $0xffff  }
0x25a: {  	v51 =	vcvt.s32.f32 v4;
	v7 =	vadd.f32 $-1.000000000e+00, v7;
	v15 =	vmul.f32 v27, v15;
	v5 =	vld.idx.msk [tilespmem:v5+s18+$0x0], $0xffff  }
0x25b: {  	v56 =	vcvt.s32.f32 v17;
	v8 =	vsub.f32 v13, v8;
	v9 =	vmul.f32 $9.768805470e-04, v9;
	v13 =	vld.idx.msk [tilespmem:v58+s18+$0x0], $0xffff  }
0x25c: {  	v30 =	vsub.f32 v18, v43;
	v3 =	vmul.f32 $9.768805470e-04, v51;
	v7 =	vadd.f32 v7, v15;
	v15 =	vld.idx.msk [tilespmem:v1+s18+$0x0], $0xffff  }
0x25d: {  	v6 =	vadd.f32 $-1.000000000e+00, v54;
	v60 =	vpop (erf);
	v4 =	vcvt.s32.f32 v52;
	v9 =	vmul.f32 v9, v11  }
0x25e: {  	v31 =	vpop (erf);
	v41 =	vcvt.s32.f32 v10;
	v11 =	vmul.f32 $9.768805470e-04, v56;
	v0 =	vsub.f32 v0, v59  }
0x25f: {  	v14 =	vld [tilespmem:$0x1FF80];
	v16 =	vmul.f32 $9.768805470e-04, v31;
	v6 =	vadd.f32 v6, v9;
	v2 =	vsub.f32 v2, v22  }
0x260: {  	v9 =	vmul.f32 $9.768805470e-04, v60;
	vm3 =	veq.f32 v0, $0.0e+00;
	v5 =	vsub.f32 v5, v13  }
0x261: {  	v12 =	vsub.f32 v12, v15;
	v0 =	vsel vm3, $0x3F800000, v0;
	vm3 =	veq.f32 v2, $0.0e+00  }
0x262: {  	(erf) = vrcp.f32 v0;
	v32 =	vsel vm3, $0x3F800000, v2;
	vm3 =	veq.f32 v5, $0.0e+00  }
0x263: {  	(erf) = vrcp.f32 v32;
	v33 =	vsel vm3, $0x3F800000, v5;
	vm3 =	veq.f32 v12, $0.0e+00  }
0x264: {  	v6 =	vsub.f32 v6, v14;
	v14 =	vld [tilespmem:$0x1FF90];
	v35 =	vsel vm3, $0x3F800000, v12;
	(erf) = vrcp.f32 v33  }
0x265: {  	v11 =	vadd.f32 $-1.000000000e+00, v11;
	v9 =	vmul.f32 v9, v30;
	(erf) = vrcp.f32 v35  }
0x266: {  	v3 =	vadd.f32 $-1.000000000e+00, v3;
	v4 =	vmul.f32 $9.768805470e-04, v4;
	v8 =	vmul.f32 v16, v8  }
0x267: {  	v7 =	vsub.f32 v7, v63;
	v6 =	vand.u32 $0x7FFFFFFF, v6;
	v9 =	vadd.f32 v11, v9  }
0x268: {  	v4 =	vadd.f32 $-1.000000000e+00, v4;
	v1 =	vcvt.s32.f32 v1;
	v11 =	vsub.f32 $1.000000000e+00, v6  }
0x269: {  	v34 =	vadd.f32 v3, v8;
	v7 =	vand.u32 $0x7FFFFFFF, v7;
	v9 =	vsub.f32 v9, v14  }
0x26a: {  	v1 =	vmul.f32 $9.768805470e-04, v1;
	v37 =	vsub.f32 $1.000000000e+00, v7;
	v36 =	vmin.f32 v6, v11  }
0x26b: {  	v0 =	vmul.f32 v36, v36;
	v38 =	vand.u32 $0x7FFFFFFF, v9;
	v2 =	vsub.f32 v34, v62;
	v42 =	vpop (erf)  }
0x26c: {  	v44 =	vsub.f32 v25, v59;
	v9 =	vcvt.s32.f32 v58;
	v39 =	vsub.f32 $1.000000000e+00, v38;
	v8 =	vpop (erf)  }
0x26d: {  	v0 =	vadd.f32 v0, v26;
	v2 =	vand.u32 $0x7FFFFFFF, v2;
	v5 =	vmin.f32 v7, v37;
	v10 =	vpop (erf)  }
0x26e: {  	v5 =	vmul.f32 v5, v5;
	v45 =	vmul.f32 $9.768805470e-04, v8;
	v8 =	vsub.f32 v23, v22;
	v11 =	vpop (erf)  }
0x26f: {  	v9 =	vmul.f32 $9.768805470e-04, v9;
	v3 =	vmin.f32 v38, v39;
	v43 =	vmul.f32 $9.768805470e-04, v42;
	_ =	swait.ge [sflag:s14], $0x8000  }
0x270: {  	v0 =	vadd.f32 v5, v0;
	v5 =	vmul.f32 $9.768805470e-04, v41;
	v46 =	vmul.f32 v45, v8;
	v8 =	vld [tilespmem:$0x1FFB0]  }
0x271: {  	v40 =	vsub.f32 $1.000000000e+00, v2;
	v48 =	vadd.f32 $-1.000000000e+00, v9;
	v6 =	vmul.f32 v43, v44  }
0x272: {  	v12 =	vsub.f32 v24, v13;
	v5 =	vadd.f32 $-1.000000000e+00, v5;
	v47 =	vmul.f32 $9.768805470e-04, v10;
	v9 =	vld [tilespmem:$0x1FFA0]  }
0x273: {  	v1 =	vadd.f32 $-1.000000000e+00, v1;
	v3 =	vmul.f32 v3, v3;
	v4 =	vadd.f32 v4, v6;
	[sflag:s14] =	ssyncset.done $0x0  }
0x274: {  	s0 =	simm.s32 $0x8040;
	v2 =	vmin.f32 v2, v40;
	v5 =	vadd.f32 v5, v46;
	v49 =	vmul.f32 v47, v12;
	[sflag:s14] =	ssyncadd.s32 $0xFFFF8000  }
0x275: {  	v50 =	vmul.f32 $9.768805470e-04, v11;
	[tilespmem:s3], [sflag:$0x1] =	stream.strided.gather [hbm4b:s6+s12], $0x8000, s13, s12, $0x38;
	v4 =	vsub.f32 v4, v8;
	v8 =	vsub.f32 v21, v15;
	[tilespmem:$0x12600] =	vst v63  }
0x276: {  	v2 =	vmul.f32 v2, v2;
	v0 =	vadd.f32 v3, v0;
	v3 =	vadd.f32 v48, v49;
	v51 =	vld [tilespmem:s0+$0x30]  }
0x277: {  	v10 =	vld [tilespmem:s0+$0xFFFFFFE0];
	v5 =	vsub.f32 v5, v9;
	v4 =	vand.u32 $0x7FFFFFFF, v4;
	v7 =	vmul.f32 v50, v8  }
0x278: {  	v3 =	vsub.f32 v3, v19;
	v8 =	vsub.f32 $1.000000000e+00, v4  }
0x279: {  	v0 =	vadd.f32 v2, v0;
	v9 =	vld [tilespmem:s0+$0xFFFFFFD0];
	v5 =	vand.u32 $0x7FFFFFFF, v5;
	v1 =	vadd.f32 v1, v7  }
0x27a: {  	v3 =	vand.u32 $0x7FFFFFFF, v3;
	v52 =	vsub.f32 $1.000000000e+00, v5;
	v4 =	vmin.f32 v4, v8;
	v8 =	vld [tilespmem:s0+$0xFFFFFFF0]  }
0x27b: {  	v54 =	vld [tilespmem:s0+$0x0];
	v12 =	vsub.f32 $1.000000000e+00, v3;
	v53 =	vmul.f32 v4, v4;
	v1 =	vsub.f32 v1, v20  }
0x27c: {  	v11 =	vshra.s32 v51, $0x10;
	v13 =	vshra.s32 v10, $0x10;
	v5 =	vmin.f32 v5, v52  }
0x27d: {  	v55 =	vld [tilespmem:s0+$0x10];
	v5 =	vmul.f32 v5, v5;
	v0 =	vadd.f32 v53, v0;
	v1 =	vand.u32 $0x7FFFFFFF, v1  }
0x27e: {  	v3 =	vmin.f32 v3, v12;
	v56 =	vshra.s32 v9, $0x10;
	v12 =	vsub.f32 $1.000000000e+00, v1  }
0x27f: {  	v14 =	vld [tilespmem:s0+$0x20];
	v3 =	vmul.f32 v3, v3;
	v15 =	vshra.s32 v8, $0x10;
	v0 =	vadd.f32 v5, v0  }
0x280: {  	v57 =	vld [tilespmem:s0+$0xFFFFFFC0];
	v58 =	vshra.s32 v54, $0x10;
	v6 =	vshll.u32 v51, $0x10;
	v1 =	vmin.f32 v1, v12  }
0x281: {  	v59 =	vshll.u32 v10, $0x10;
	[tilespmem:v11+s16+$0x0] =	vst.idx.add.f32.msk $0xffff, v6;
	v0 =	vadd.f32 v3, v0;
	v1 =	vmul.f32 v1, v1  }
0x282: {  	v17 =	vshra.s32 v55, $0x10;
	v9 =	vshll.u32 v9, $0x10;
	[tilespmem:v13+s16+$0x0] =	vst.idx.add.f32.msk $0xffff, v59  }
0x283: {  	[tilespmem:v56+s16+$0x0] =	vst.idx.add.f32.msk $0xffff, v9;
	v60 =	vshll.u32 v8, $0x10;
	v0 =	vadd.f32 v1, v0  }
0x284: {  	[tilespmem:v15+s16+$0x0] =	vst.idx.add.f32.msk $0xffff, v60  }
0x285: {  	v62 =	vshll.u32 v54, $0x10;
	[tilespmem:$0x1FF70] =	vst v0  }
0x286: {  	v63 =	vshll.u32 v55, $0x10;
	v11 =	vshll.u32 v14, $0x10;
	[tilespmem:v58+s16+$0x0] =	vst.idx.add.f32.msk $0xffff, v62  }
0x287: {  	s21 =	simm.s32 $0x0;
	s22 =	simm.s32 $0x80C0;
	v13 =	vshll.u32 v57, $0x10;
	v12 =	vshra.s32 v14, $0x10;
	v14 =	vshra.s32 v57, $0x10;
	[tilespmem:v17+s16+$0x0] =	vst.idx.add.f32.msk $0xffff, v63  }
.LBB2_12:
0x288: {  	v0 =	vld [tilespmem:s22+$0x30];
	s21 =	sadd.s32 $0x8, s21  }
0x289: {  	v1 =	vld [tilespmem:s22+$0xFFFFFFD0];
	p0 =	slt.u32 s21, $0x7F8  }
0x28a: {  	v2 =	vld [tilespmem:s22+$0xFFFFFFE0]  }
0x28b: {  	v3 =	vld [tilespmem:s22+$0xFFFFFFF0]  }
0x28c: {  	v4 =	vld [tilespmem:s22+$0x0]  }
0x28d: {  	v5 =	vld [tilespmem:s22+$0x10];
	v6 =	vshra.s32 v0, $0x10  }
0x28e: {  	v7 =	vshll.u32 v1, $0x10;
	v1 =	vshra.s32 v1, $0x10;
	v8 =	vld [tilespmem:s22+$0x20]  }
0x28f: {  	v9 =	vld [tilespmem:s22+$0xFFFFFFC0];
	v15 =	vshll.u32 v2, $0x10;
	v2 =	vshra.s32 v2, $0x10  }
0x290: {  	v16 =	vshll.u32 v3, $0x10;
	v3 =	vshra.s32 v3, $0x10;
	[tilespmem:v14+s16+$0x0] =	vst.idx.add.f32.msk $0xffff, v13  }
0x291: {  	s23 =	simm.s32 $0x10020;
	v0 =	vshll.u32 v0, $0x10;
	v17 =	vshll.u32 v4, $0x10;
	v4 =	vshra.s32 v4, $0x10;
	[tilespmem:v12+s16+$0x0] =	vst.idx.add.f32.msk $0xffff, v11  }
0x292: {  	s24 =	simm.f32 $0.0e+00;
	s25 =	simm.s32 $0x10CA0;
	v18 =	vshll.u32 v5, $0x10;
	v5 =	vshra.s32 v5, $0x10;
	[tilespmem:v6+s16+$0x0] =	vst.idx.add.f32.msk $0xffff, v0  }
.Ltmp5:
0x293: {  	[tilespmem:v1+s16+$0x0] =	vst.idx.add.f32.msk $0xffff, v7;
	v11 =	vshll.u32 v8, $0x10;
	v12 =	vshra.s32 v8, $0x10;
	(pc) =	sbr.rel @p0 .LBB2_12-.Ltmp5, $4  }
0x294: {  	v13 =	vshll.u32 v9, $0x10;
	v14 =	vshra.s32 v9, $0x10;
	[tilespmem:v2+s16+$0x0] =	vst.idx.add.f32.msk $0xffff, v15  }
0x295: {  	[tilespmem:v3+s16+$0x0] =	vst.idx.add.f32.msk $0xffff, v16  }
0x296: {  	[tilespmem:v4+s16+$0x0] =	vst.idx.add.f32.msk $0xffff, v17  }
0x297: {  	s22 =	sadd.s32 $0x80, s22;
	[tilespmem:v5+s16+$0x0] =	vst.idx.add.f32.msk $0xffff, v18  }
0x298: {  	_ =	sdelay $0x3  }
0x299: {  	[tilespmem:v14+s16+$0x0] =	vst.idx.add.f32.msk $0xffff, v13  }
0x29a: {  	[tilespmem:v12+s16+$0x0] =	vst.idx.add.f32.msk $0xffff, v11  }
0x29b: {  	v0 =	vld [tilespmem:s23+$0x0]  }
0x29c: {  	v1 =	vld [tilespmem:s23+$0xFFFFFFE0];
	_ =	sdelay $0x2  }
0x29d: {  	v2 =	vld [tilespmem:s23+$0xFFFFFFF0]  }
0x29e: {  	(xrf2) =	vadd.scan.msk.f32 $0xffff, v0  }
0x29f: {  	(xrf2) =	vadd.scan.msk.f32 $0xffff, v1;
	_ =	sdelay $0x2  }
0x2a0: {  	(xrf2) =	vadd.scan.msk.f32 $0xffff, v2;
	_ =	sdelay $0x1  }
0x2a1: {  	s22 =	simm.s32 $0x10060  }
0x2a2: {  	v3 =	vld [tilespmem:s22+$0x0]  }
0x2a3: {  	v4 =	vld [tilespmem:s23+$0x10];
	_ =	sdelay $0x1  }
0x2a4: {  	v5, _, _ =	vpop (xrf2)  }
0x2a5: {  	v7 =	vld [tilespmem:s22+$0xFFFFFFE0];
	v6, _, _ =	vpop (xrf2)  }
0x2a6: {  	(xrf2) =	vadd.scan.msk.f32 $0xffff, v3;
	(v2sf) =	vpush v6, $0xF  }
0x2a7: {  	(xrf2) =	vadd.scan.msk.f32 $0xffff, v4  }
0x2a8: {  	v9 =	vld [tilespmem:s22+$0xFFFFFFF0];
	v8, _, _ =	vpop (xrf2)  }
0x2a9: {  	(v2sf) =	vpush v8, $0xF  }
0x2aa: {  	(xrf2) =	vadd.scan.msk.f32 $0xffff, v7;
	(v2sf) =	vpush v5, $0xF  }
0x2ab: {  	s21 =	simm.s32 $0x100A0  }
0x2ac: {  	v16 =	vld [tilespmem:s21+$0x0]  }
0x2ad: {  	v18 =	vld [tilespmem:s22+$0x10];
	(xrf2) =	vadd.scan.msk.f32 $0xffff, v9  }
0x2ae: {  	v23 =	vld [tilespmem:s21+$0xFFFFFFE0];
	_ =	sdelay $0x1  }
0x2af: {  	v20, _, _ =	vpop (xrf2)  }
0x2b0: {  	(xrf2) =	vadd.scan.msk.f32 $0xffff, v16;
	v12, _, _ =	vpop (xrf2)  }
0x2b1: {  	(xrf2) =	vadd.scan.msk.f32 $0xffff, v18;
	(v2sf) =	vpush v12, $0xF  }
0x2b2: {  	(xrf2) =	vadd.scan.msk.f32 $0xffff, v23  }
0x2b3: {  	v13 =	vld [tilespmem:s21+$0xFFFFFFF0];
	v57, _, _ =	vpop (xrf2)  }
0x2b4: {  	s0 =	spop (v2sf);
	(v2sf) =	vpush v57, $0xF  }
0x2b5: {  	s28 =	simm.s32 $0x100E0  }
0x2b6: {  	v14 =	vld [tilespmem:s28+$0x0];
	v59, _, _ =	vpop (xrf2)  }
0x2b7: {  	v1 =	vsub.f32 v6, v1;
	s1 =	spop (v2sf);
	(v2sf) =	vpush v59, $0xF  }
0x2b8: {  	v2 =	vsub.f32 v8, v2;
	(xrf2) =	vadd.scan.msk.f32 $0xffff, v13;
	s26 =	spop (v2sf);
	(v2sf) =	vpush v20, $0xF  }
0x2b9: {  	v1 =	vadd.f32 s24, v1;
	v58 =	vsub.f32 v12, v4;
	v12 =	vld [tilespmem:s21+$0x10];
	s0 =	sadd.f32 s0, s24  }
0x2ba: {  	v10 =	vimm.f32 $0.0e+00;
	v19, _, _ =	vpop (xrf2)  }
0x2bb: {  	v0 =	vsub.f32 v5, v0;
	[tilespmem:s25+$0xFFFFFFE0] =	vst v1;
	(xrf2) =	vadd.scan.msk.f32 $0xffff, v14;
	v62, _, _ =	vpop (xrf2);
	v60 =	vadd.f32 s0, v2;
	s0 =	sadd.f32 s1, s0  }
0x2bc: {  	v11 =	vsub.f32 v20, v3;
	[tilespmem:s23+$0xFFFFFFE0] =	vst v10;
	v63, _, _ =	vpop (xrf2);
	v20 =	vld [tilespmem:s28+$0xFFFFFFE0];
	(v2sf) =	vpush v62, $0xF  }
0x2bd: {  	v24 =	vimm.f32 $2.000000000e+00;
	(v2sf) =	vpush v63, $0xF;
	[tilespmem:s25+$0xFFFFFFF0] =	vst v60;
	v0 =	vadd.f32 s0, v0  }
0x2be: {  	v21 =	vld [tilespmem:s28+$0xFFFFFFF0];
	v15 =	vsub.f32 v57, v7;
	v17 =	vsub.f32 v59, v9;
	(xrf2) =	vadd.scan.msk.f32 $0xffff, v12;
	s30 =	sadd.f32 s26, s0;
	[tilespmem:s23+$0xFFFFFFF0] =	vst v10  }
0x2bf: {  	s29 =	simm.s32 $0xC;
	v25 =	vimm.s32 $0xFFFFDC03;
	v16 =	vsub.f32 v19, v16;
	v18 =	vsub.f32 v62, v18;
	[tilespmem:s25+$0x0] =	vst v0  }
0x2c0: {  	v38 =	vimm.s32 $0x600;
	v23 =	vsub.f32 v63, v23;
	s24 =	simm.s32 $0x100E0;
	s31 =	spop (v2sf);
	s26 =	simm.s32 $0x10CA0;
	v22 =	vadd.f32 s30, v58;
	[tilespmem:s23+$0x0] =	vst v10  }
.LBB2_14:
0x2c1: {  	s29 =	sadd.s32 $0x4, s29;
	s28 =	sadd.s32 $0x40, s28;
	(xrf2) =	vadd.scan.msk.f32 $0xffff, v20;
	s25 =	sadd.s32 $0x40, s25;
	v0 =	vmov v20  }
0x2c2: {  	v1 =	vld [tilespmem:s28+$0x0];
	p0 =	slt.u32 s29, $0xBC;
	v2, _, _ =	vpop (xrf2)  }
0x2c3: {  	s1 =	sadd.f32 s31, s30;
	v3 =	vld [tilespmem:s24+$0x10];
	v4 =	vsub.f32 v2, v13;
	(v2sf) =	vpush v2, $0xF;
	s0 =	spop (v2sf);
	[tilespmem:s26+$0x10] =	vst v22;
	v13 =	vmov v21;
	s26 =	smov.u32 s25  }
0x2c4: {  	(xrf2) =	vadd.scan.msk.f32 $0xffff, v13;
	(v2sf) =	vpush v19, $0xF;
	[tilespmem:s23+$0x10] =	vst v10;
	s23 =	smov.u32 s22;
	s22 =	smov.u32 s21;
	s21 =	smov.u32 s24  }
0x2c5: {  	v2 =	vadd.f32 s1, v15;
	v15 =	vmov v23;
	s0 =	sadd.f32 s0, s1;
	s24 =	smov.u32 s28;
	v19, _, _ =	vpop (xrf2)  }
0x2c6: {  	v5 =	vsub.f32 v19, v14;
	s1 =	spop (v2sf)  }
0x2c7: {  	(xrf2) =	vadd.scan.msk.f32 $0xffff, v1;
	[tilespmem:s25+$0xFFFFFFE0] =	vst v2;
	v2 =	vadd.f32 s0, v17;
	s0 =	sadd.f32 s1, s0;
	s1 =	spop (v2sf);
	v14 =	vmovc v1;
	v17 =	vmov v4  }
.Ltmp6:
0x2c8: {  	v20 =	vld [tilespmem:s28+$0xFFFFFFE0];
	v1, _, _ =	vpop (xrf2);
	[tilespmem:s23+$0xFFFFFFE0] =	vst v10;
	(pc) =	sbr.rel @p0 .LBB2_14-.Ltmp6, $4  }
0x2c9: {  	(v2sf) =	vpush v1, $0xF;
	[tilespmem:s25+$0xFFFFFFF0] =	vst v2;
	v2 =	vadd.f32 s0, v11;
	s30 =	sadd.f32 s1, s0;
	v11 =	vmovc v16;
	v16 =	vmov v5  }
0x2ca: {  	v1 =	vsub.f32 v1, v12;
	v12 =	vmov v3;
	v21 =	vld [tilespmem:s28+$0xFFFFFFF0];
	(xrf2) =	vadd.scan.msk.f32 $0xffff, v3;
	[tilespmem:s23+$0xFFFFFFF0] =	vst v10  }
0x2cb: {  	v3, _, _ =	vpop (xrf2);
	[tilespmem:s25+$0x0] =	vst v2;
	v22 =	vadd.f32 s30, v18  }
0x2cc: {  	v18 =	vmov v1;
	v23 =	vsub.f32 v3, v0;
	(v2sf) =	vpush v3, $0xF;
	[tilespmem:s23+$0x0] =	vst v10;
	s31 =	spop (v2sf)  }
0x2cd: {  	(xrf2) =	vadd.scan.msk.f32 $0xffff, v20;
	_ =	sdelay $0x1  }
0x2ce: {  	(xrf2) =	vadd.scan.msk.f32 $0xffff, v21;
	_ =	sdelay $0x1  }
0x2cf: {  	v0, _, _ =	vpop (xrf2)  }
0x2d0: {  	(v2sf) =	vpush v0, $0xF;
	_ =	sdelay $0x1  }
0x2d1: {  	(v2sf) =	vpush v19, $0xF;
	v1, _, _ =	vpop (xrf2)  }
0x2d2: {  	v2, _, _ =	vpop (xrf2)  }
0x2d3: {  	s0 =	sadd.f32 s31, s30;
	v5 =	vld [tilespmem:s24+$0x10];
	(v2sf) =	vpush v2, $0xF  }
0x2d4: {  	s1 =	spop (v2sf);
	v3, _, _ =	vpop (xrf2)  }
0x2d5: {  	s1 =	sadd.f32 s1, s0;
	(v2sf) =	vpush v3, $0xF  }
0x2d6: {  	s2 =	spop (v2sf);
	v4, _, _ =	vpop (xrf2)  }
0x2d7: {  	s2 =	sadd.f32 s2, s1;
	(v2sf) =	vpush v4, $0xF  }
0x2d8: {  	(xrf2) =	vadd.scan.msk.f32 $0xffff, v5;
	s19 =	spop (v2sf)  }
0x2d9: {  	s19 =	sadd.f32 s19, s2  }
0x2da: {  	s28 =	spop (v2sf);
	(v2sf) =	vpush v1, $0xF  }
0x2db: {  	s28 =	sadd.f32 s28, s19  }
0x2dc: {  	s29 =	spop (v2sf)  }
0x2dd: {  	s29 =	sadd.f32 s29, s28  }
0x2de: {  	v6 =	vadd.f32 s0, v15;
	v0 =	vsub.f32 v0, v13;
	s31 =	spop (v2sf)  }
0x2df: {  	v7 =	vadd.f32 s1, v17;
	v8 =	vadd.f32 s2, v11;
	s30 =	sadd.f32 s31, s29  }
0x2e0: {  	v2 =	vsub.f32 v2, v12;
	v9 =	vadd.f32 s19, v18;
	s31 =	spop (v2sf)  }
0x2e1: {  	v3 =	vsub.f32 v3, v20;
	v4 =	vsub.f32 v4, v21;
	s31 =	sadd.f32 s31, s30  }
0x2e2: {  	v11 =	vadd.f32 s28, v23;
	v13, _, _ =	vpop (xrf2);
	v12 =	vadd.f32 s30, v16;
	s30 =	simm.s32 $0x0;
	s1 =	spop (v2sf)  }
0x2e3: {  	v1 =	vsub.f32 v1, v14;
	v5 =	vsub.f32 v13, v5;
	v50 =	vmov s30;
	s0 =	sadd.f32 s1, s31  }
0x2e4: {  	[tilespmem:s26+$0x10] =	vst v22;
	v0 =	vadd.f32 s29, v0;
	v2 =	vadd.f32 s31, v2;
	vm11 =	vlt.u32 v50, $0x800;
	s31 =	simm.s32 $0x10;
	s2 =	spop (v2sf)  }
0x2e5: {  	s25 =	sadd.s32 $0x40, s25;
	[tilespmem:s23+$0x10] =	vst v10;
	vm14 =	vlt.u32 v50, $0x400;
	v14 =	vor.u32 s31, v61;
	(v2sf) =	vpush v13, $0xF;
	s1 =	sadd.f32 s2, s0  }
0x2e6: {  	[tilespmem:s25+$0xFFFFFFE0] =	vst v6;
	v3 =	vadd.f32 s0, v3;
	v13 =	vor.u32 s30, v61;
	vm7 =	vlt.u32 v14, $0xBFF;
	s19 =	spop (v2sf)  }
0x2e7: {  	s26 =	simm.s32 $0x40;
	[tilespmem:s25+$0x10] =	vst v9;
	v14 =	vmul.u32 $0x3, v14;
	vm3 =	vlt.u32 v13, $0xBFF;
	v9 =	vsel vm7, $0xFFFFE802, v25;
	s2 =	sadd.f32 s19, s1  }
0x2e8: {  	s23 =	sadd.s32 $0x40, s25;
	[tilespmem:s22+$0xFFFFFFE0] =	vst v10;
	v53 =	vmul.u32 $0x3, v13;
	v13 =	vor.u32 s26, v61;
	v4 =	vadd.f32 s1, v4;
	s19 =	simm.s32 $0x20  }
0x2e9: {  	[tilespmem:s23+$0xFFFFFFE0] =	vst v11;
	s28 =	spop (v2sf);
	v16 =	vor.u32 s19, v61;
	v11 =	vmov s19;
	v1 =	vadd.f32 s2, v1  }
0x2ea: {  	[tilespmem:s25+$0xFFFFFFF0] =	vst v7;
	s29 =	sadd.f32 s28, s2;
	s2 =	simm.s32 $0x30;
	vm8 =	vlt.u32 v16, $0xBFF;
	vm12 =	vlt.u32 v11, $0x800;
	vm13 =	vlt.u32 v11, $0x400  }
0x2eb: {  	[tilespmem:s22+$0xFFFFFFF0] =	vst v10;
	v54 =	vmul.u32 $0x3, v16;
	s28 =	simm.s32 $0x50;
	v15 =	vor.u32 s2, v61;
	v51 =	vmov s2  }
0x2ec: {  	[tilespmem:s25+$0x0] =	vst v8;
	v55 =	vsel vm8, $0x3F800000, v24;
	v57 =	vor.u32 s28, v61;
	v59 =	vmov s28  }
0x2ed: {  	[tilespmem:s22+$0x0] =	vst v10;
	v5 =	vadd.f32 s29, v5;
	vm6 =	vlt.u32 v15, $0xBFF;
	vm5 =	vlt.u32 v51, $0x800  }
0x2ee: {  	[tilespmem:s23+$0x10] =	vst v2;
	s0 =	sadd.s32 $0x40, s23;
	vm4 =	vlt.u32 v51, $0x400;
	v8 =	vmul.u32 $0x3, v15;
	v15 =	vmov s31  }
0x2ef: {  	[tilespmem:s0+$0xFFFFFFF0] =	vst v4;
	v2 =	vsel vm12, $0x0, v55;
	v4 =	vmul.u32 $0x3, v57;
	v52 =	vsel vm6, $0xFFFFE802, v25  }
0x2f0: {  	[tilespmem:s22+$0x10] =	vst v10;
	s29 =	simm.s32 $0x70;
	vm10 =	vlt.u32 v15, $0x800;
	vm9 =	vlt.u32 v15, $0x400;
	v15 =	vsel vm8, $0xFFFFE802, v25  }
0x2f1: {  	[tilespmem:s23+$0x0] =	vst v12;
	v12 =	vsel vm6, $0x3F800000, v24;
	v2 =	vsel vm13, $0xBF800000, v2;
	v16 =	vmov s29  }
0x2f2: {  	[tilespmem:s21+$0xFFFFFFE0] =	vst v10;
	v7 =	vsel vm5, $0xFFFFF401, v52;
	v9 =	vsel vm10, $0xFFFFF401, v9;
	v15 =	vsel vm12, $0xFFFFF401, v15  }
0x2f3: {  	[tilespmem:s23+$0xFFFFFFF0] =	vst v0;
	s30 =	simm.s32 $0x60;
	v12 =	vsel vm5, $0x0, v12;
	vm6 =	vlt.u32 v16, $0x800;
	v7 =	vsel vm4, $0x0, v7  }
0x2f4: {  	[tilespmem:s21+$0xFFFFFFF0] =	vst v10;
	v9 =	vsel vm9, $0x0, v9;
	v11 =	vsel vm13, $0x0, v15;
	v15 =	vor.u32 s30, v61  }
0x2f5: {  	[tilespmem:s21+$0x0] =	vst v10;
	v7 =	vadd.s32 v8, v7;
	v8 =	vsel vm3, $0xFFFFE802, v25;
	v9 =	vadd.s32 v14, v9  }
0x2f6: {  	[tilespmem:s21+$0x10] =	vst v10;
	v6 =	vadd.s32 v54, v11;
	v11 =	vsel vm3, $0x3F800000, v24;
	vm3 =	vlt.u32 v13, $0xBFF  }
0x2f7: {  	[tilespmem:s0+$0xFFFFFFE0] =	vst v3;
	v14 =	vor.u32 s29, v61;
	v8 =	vsel vm11, $0xFFFFF401, v8;
	v11 =	vsel vm11, $0x0, v11  }
0x2f8: {  	[tilespmem:s24+$0xFFFFFFE0] =	vst v10;
	vm5 =	vlt.u32 v14, $0xBFF;
	v14 =	vmul.u32 $0x3, v14;
	vm11 =	vlt.u32 v59, $0x800  }
0x2f9: {  	[tilespmem:s24+$0xFFFFFFF0] =	vst v10;
	v60 =	vsel vm3, $0xFFFFE802, v25;
	v8 =	vsel vm14, $0x0, v8;
	v11 =	vsel vm14, $0xBF800000, v11  }
0x2fa: {  	[tilespmem:s0+$0x0] =	vst v1;
	v58 =	vsel vm5, $0xFFFFE802, v25;
	v0 =	vadd.s32 v53, v8;
	v8 =	vsel vm7, $0x3F800000, v24  }
0x2fb: {  	[tilespmem:s24+$0x0] =	vst v10;
	vm7 =	vlt.u32 v57, $0xBFF;
	v1 =	vsel vm6, $0xFFFFF401, v58;
	v8 =	vsel vm10, $0x0, v8  }
0x2fc: {  	[tilespmem:s0+$0x10] =	vst v5;
	v56 =	vsel vm9, $0xBF800000, v8;
	v8 =	vsel vm4, $0xBF800000, v12;
	vm4 =	vlt.u32 v16, $0x400  }
0x2fd: {  	[tilespmem:s24+$0x10] =	vst v10;
	vm10 =	vlt.u32 v15, $0xBFF;
	v15 =	vmul.u32 $0x3, v15;
	v1 =	vsel vm4, $0x0, v1  }
0x2fe: {  	[tilespmem:$0x10C00] =	vst v10;
	v12 =	vmov s26;
	v16 =	vsel vm7, $0xFFFFE802, v25;
	v1 =	vadd.s32 v14, v1  }
0x2ff: {  	vm9 =	vlt.u32 v59, $0x400;
	v7 =	vld.idx.msk [tilespmem:v7+s17+$0x0], $0xffff;
	vm12 =	vlt.u32 v12, $0x800;
	v16 =	vsel vm11, $0xFFFFF401, v16  }
0x300: {  	v9 =	vld.idx.msk [tilespmem:v9+s17+$0x0], $0xffff;
	vm14 =	vlt.u32 v12, $0x400;
	v12 =	vmul.u32 $0x3, v13;
	v14 =	vmov s30  }
0x301: {  	v6 =	vld.idx.msk [tilespmem:v6+s17+$0x0], $0xffff;
	vm13 =	vlt.u32 v14, $0x800;
	vm8 =	vlt.u32 v14, $0x400;
	v14 =	vsel vm10, $0xFFFFE802, v25  }
0x302: {  	v5 =	vsel vm12, $0xFFFFF401, v60;
	v13 =	vsel vm9, $0x0, v16;
	v14 =	vsel vm13, $0xFFFFF401, v14  }
0x303: {  	v4 =	vadd.s32 v4, v13;
	v5 =	vsel vm14, $0x0, v5;
	v13 =	vsel vm8, $0x0, v14;
	v1 =	vld.idx.msk [tilespmem:v1+s17+$0x0], $0xffff  }
0x304: {  	v16 =	vadd.s32 v12, v5;
	v12 =	vsel vm5, $0x3F800000, v24;
	v62 =	vadd.s32 v15, v13  }
0x305: {  	v7 =	vadd.f32 v7, v8;
	v8 =	vsel vm7, $0x3F800000, v24;
	v15 =	vsel vm6, $0x0, v12;
	v12 =	vld.idx.msk [tilespmem:v0+s17+$0x0], $0xffff  }
0x306: {  	v14 =	vsel vm10, $0x3F800000, v24;
	v20 =	vadd.f32 v9, v56;
	v19 =	vadd.f32 v6, v2  }
0x307: {  	v13 =	vsel vm3, $0x3F800000, v24;
	v8 =	vsel vm11, $0x0, v8;
	v15 =	vsel vm4, $0xBF800000, v15  }
0x308: {  	s22 =	simm.s32 $0x11960;
	s21 =	simm.s32 $0x11920;
	v63 =	vsel vm13, $0x0, v14;
	v14 =	vsel vm12, $0x0, v13;
	v17 =	vld.idx.msk [tilespmem:v4+s17+$0x0], $0xffff;
	v21 =	vadd.f32 v1, v15  }
0x309: {  	s23 =	simm.s32 $0x4;
	s24 =	simm.s32 $0x80;
	s31 =	spop (v2sf);
	v13 =	vsel vm9, $0xBF800000, v8;
	[tilespmem:s21+$0x10] =	vst v7;
	v18 =	vsel vm14, $0xBF800000, v14;
	v14 =	vld.idx.msk [tilespmem:v62+s17+$0x0], $0xffff;
	v15 =	vsel vm8, $0xBF800000, v63  }
.LBB2_16:
0x30a: {  	v0 =	vmov s24;
	v1 =	vor.u32 s24, v61;
	s0 =	sadd.s32 $0x10, s24;
	s1 =	sadd.s32 $0x30, s24;
	s23 =	sadd.s32 $0x4, s23;
	[tilespmem:s22+$0x10] =	vst v21;
	v2 =	vadd.f32 v12, v11;
	v12 =	vld.idx.msk [tilespmem:v16+s17+$0x0], $0xffff;
	v11 =	vmovc v18  }
0x30b: {  	s2 =	sadd.s32 $0x20, s24;
	vm3 =	vlt.u32 v1, $0xBFF;
	v3 =	vor.u32 s0, v61;
	v4 =	vor.u32 s1, v61;
	p0 =	slt.u32 s23, $0xBC;
	[tilespmem:s21+$0xFFFFFFF0] =	vst v20  }
0x30c: {  	v5 =	vor.u32 s2, v61;
	v8 =	vmov s1;
	vm5 =	vlt.u32 v4, $0xBFF;
	[tilespmem:s21+$0x0] =	vst v19  }
0x30d: {  	vm7 =	vlt.u32 v3, $0xBFF;
	vm4 =	vlt.u32 v8, $0x800;
	v7 =	vsel vm5, $0xFFFFE802, v25;
	[tilespmem:s21+$0xFFFFFFE0] =	vst v2;
	s21 =	smov.u32 s22  }
0x30e: {  	vm6 =	vlt.u32 v8, $0x400;
	v4 =	vmul.u32 $0x3, v4;
	v6 =	vmovc v17;
	v2 =	vsel vm4, $0xFFFFF401, v7  }
0x30f: {  	vm8 =	vlt.u32 v5, $0xBFF;
	v7 =	vmov s0;
	v2 =	vsel vm6, $0x0, v2  }
0x310: {  	v9 =	vmov s2;
	v8 =	vsel vm7, $0xFFFFE802, v25;
	v2 =	vadd.s32 v4, v2  }
0x311: {  	v16 =	vsel vm8, $0xFFFFE802, v25;
	vm10 =	vlt.u32 v7, $0x800;
	v4 =	vsel vm3, $0xFFFFE802, v25  }
0x312: {  	vm9 =	vlt.u32 v0, $0x800;
	vm11 =	vlt.u32 v9, $0x800;
	v8 =	vsel vm10, $0xFFFFF401, v8  }
0x313: {  	vm12 =	vlt.u32 v7, $0x400;
	v7 =	vsel vm11, $0xFFFFF401, v16;
	v4 =	vsel vm9, $0xFFFFF401, v4  }
0x314: {  	v3 =	vmul.u32 $0x3, v3;
	vm13 =	vlt.u32 v9, $0x400;
	v5 =	vmul.u32 $0x3, v5  }
0x315: {  	vm14 =	vlt.u32 v0, $0x400;
	v0 =	vmul.u32 $0x3, v1;
	v1 =	vsel vm12, $0x0, v8;
	v2 =	vld.idx.msk [tilespmem:v2+s17+$0x0], $0xffff  }
0x316: {  	v4 =	vsel vm14, $0x0, v4;
	v1 =	vadd.s32 v3, v1;
	v3 =	vsel vm13, $0x0, v7  }
0x317: {  	v16 =	vadd.s32 v0, v4;
	v0 =	vsel vm7, $0x3F800000, v24;
	v3 =	vadd.s32 v5, v3  }
.Ltmp7:
0x318: {  	v7 =	vsel vm5, $0x3F800000, v24;
	v4 =	vsel vm3, $0x3F800000, v24;
	v5 =	vsel vm8, $0x3F800000, v24;
	(pc) =	sbr.rel @p0 .LBB2_16-.Ltmp7, $4  }
0x319: {  	v7 =	vsel vm4, $0x0, v7;
	v0 =	vsel vm10, $0x0, v0;
	v5 =	vsel vm11, $0x0, v5  }
0x31a: {  	v4 =	vsel vm9, $0x0, v4;
	v7 =	vsel vm6, $0xBF800000, v7;
	v0 =	vsel vm12, $0xBF800000, v0  }
0x31b: {  	v18 =	vsel vm14, $0xBF800000, v4;
	v21 =	vadd.f32 v2, v7;
	v17 =	vld.idx.msk [tilespmem:v1+s17+$0x0], $0xffff;
	v1 =	vsel vm13, $0xBF800000, v5  }
0x31c: {  	s24 =	sadd.s32 $0x40, s24;
	s22 =	sadd.s32 $0x40, s22;
	v20 =	vadd.f32 v6, v13;
	v19 =	vadd.f32 v14, v15;
	v13 =	vmovc v0;
	v14 =	vld.idx.msk [tilespmem:v3+s17+$0x0], $0xffff;
	v15 =	vmov v1  }
0x31d: {  	_ =	sdelay $0x3  }
0x31e: {  	v0 =	vld.idx.msk [tilespmem:v16+s17+$0x0], $0xffff  }
0x31f: {  	[tilespmem:s22+$0x10] =	vst v21  }
0x320: {  	v1 =	vadd.f32 v12, v11;
	[tilespmem:s21+$0xFFFFFFF0] =	vst v20  }
0x321: {  	[tilespmem:s21+$0x0] =	vst v19;
	v2 =	vadd.f32 v17, v13  }
0x322: {  	[tilespmem:s21+$0xFFFFFFE0] =	vst v1;
	v40 =	vadd.f32 v14, v15  }
0x323: {  	v0 =	vadd.f32 v0, v18;
	[tilespmem:s22+$0xFFFFFFF0] =	vst v2  }
0x324: {  	[tilespmem:s22+$0x0] =	vst v40  }
0x325: {  	[tilespmem:s22+$0xFFFFFFE0] =	vst v0  }
0x326: {  	v0 =	vld [tilespmem:$0x1FFD0];
	_ =	sdelay $0x6  }
0x327: {  	s0 =	simm.s32 $0x30  }
0x328: {  	s1 =	simm.s32 $0x10;
	v41 =	vor.u32 s0, v61;
	v10 =	vld.idx.msk [tilespmem:v0+s10+$0x0], $0xffff  }
0x329: {  	s26 =	simm.s32 $0x0;
	v42 =	vor.u32 s1, v61;
	v0 =	vcvt.s32.f32 v41  }
0x32a: {  	v44 =	vor.u32 s26, v61;
	v1 =	vcvt.s32.f32 v42;
	v43 =	vld.idx.msk [tilespmem:v38+s18+$0x0], $0xffff  }
0x32b: {  	v2 =	vcvt.s32.f32 v44;
	v58 =	vmul.f32 $9.765625000e-04, v0  }
0x32c: {  	v59 =	vmul.f32 $9.765625000e-04, v1  }
0x32d: {  	v60 =	vmul.f32 $9.765625000e-04, v2;
	v14 =	vsub.f32 v58, v10  }
0x32e: {  	v16 =	vsub.f32 v59, v10  }
0x32f: {  	v17 =	vsub.f32 v60, v10;
	vm3 =	vle.f32 v14, v43  }
0x330: {  	vm4 =	vle.f32 v16, v43;
	v45 =	vsel vm3, $0x0, v38  }
0x331: {  	vm5 =	vle.f32 v17, v43;
	v46 =	vsel vm4, $0x0, v38;
	v47 =	vadd.s32 $0x300, v45  }
0x332: {  	s28 =	simm.s32 $0x20;
	v3 =	vsel vm5, $0x0, v38;
	v4 =	vadd.s32 $0x300, v46  }
0x333: {  	v5 =	vor.u32 s28, v61;
	v6 =	vadd.s32 $0x300, v3  }
0x334: {  	v5 =	vcvt.s32.f32 v5;
	_ =	sdelay $0x1  }
0x335: {  	v15 =	vmul.f32 $9.765625000e-04, v5;
	v48 =	vld.idx.msk [tilespmem:v47+s18+$0x0], $0xffff  }
0x336: {  	v7 =	vld.idx.msk [tilespmem:v4+s18+$0x0], $0xffff  }
0x337: {  	v19 =	vsub.f32 v15, v10;
	v8 =	vld.idx.msk [tilespmem:v6+s18+$0x0], $0xffff  }
0x338: {  	v12 =	vimm.s32 $0xC00  }
0x339: {  	v9 =	vsel vm3, $0x600, v12;
	vm3 =	vle.f32 v19, v43  }
0x33a: {  	v21 =	vsel vm3, $0x0, v38  }
0x33b: {  	v18 =	vsel vm5, $0x600, v12;
	v20 =	vsel vm4, $0x600, v12;
	v49 =	vadd.s32 $0x300, v21  }
0x33c: {  	vm13 =	vle.f32 v14, v48;
	vm14 =	vle.f32 v17, v8;
	vm15 =	vle.f32 v16, v7  }
0x33d: {  	v9 =	vsel vm13, v47, v9;
	v0 =	vsel vm13, v45, v47;
	v7 =	vsel vm15, v4, v20  }
0x33e: {  	v1 =	vsel vm15, v46, v4;
	v50 =	vsel vm14, v6, v18;
	v2 =	vsub.s32 v9, v0  }
0x33f: {  	v3 =	vsel vm14, v3, v6;
	v51 =	vsub.s32 v7, v1;
	v2 =	vshra.s32 v2, $0x1  }
0x340: {  	v52 =	vsub.s32 v50, v3;
	v6 =	vshra.s32 v51, $0x1;
	v2 =	vadd.s32 v0, v2  }
0x341: {  	v8 =	vshra.s32 v52, $0x1;
	v6 =	vadd.s32 v1, v6  }
0x342: {  	v18 =	vld.idx.msk [tilespmem:v49+s18+$0x0], $0xffff;
	v8 =	vadd.s32 v3, v8;
	_ =	sdelay $0x2  }
0x343: {  	v20 =	vld.idx.msk [tilespmem:v2+s18+$0x0], $0xffff  }
0x344: {  	v22 =	vld.idx.msk [tilespmem:v6+s18+$0x0], $0xffff  }
0x345: {  	v23 =	vsel vm3, $0x600, v12;
	vm3 =	vle.f32 v19, v18;
	v18 =	vld.idx.msk [tilespmem:v8+s18+$0x0], $0xffff  }
0x346: {  	v23 =	vsel vm3, v49, v23;
	v5 =	vsel vm3, v21, v49  }
0x347: {  	v21 =	vsub.s32 v23, v5  }
0x348: {  	v21 =	vshra.s32 v21, $0x1;
	vm3 =	vle.f32 v14, v20  }
0x349: {  	v20 =	vadd.s32 v5, v21;
	vm8 =	vle.f32 v16, v22;
	v9 =	vsel vm3, v2, v9  }
0x34a: {  	v0 =	vsel vm3, v0, v2;
	vm3 =	vle.f32 v17, v18;
	v7 =	vsel vm8, v6, v7  }
0x34b: {  	v1 =	vsel vm8, v1, v6;
	v2 =	vsub.s32 v9, v0;
	v4 =	vsel vm3, v8, v50  }
0x34c: {  	v3 =	vsel vm3, v3, v8;
	v6 =	vsub.s32 v7, v1;
	v2 =	vshra.s32 v2, $0x1  }
0x34d: {  	v6 =	vshra.s32 v6, $0x1;
	v8 =	vsub.s32 v4, v3;
	v2 =	vadd.s32 v0, v2  }
0x34e: {  	v6 =	vadd.s32 v1, v6;
	v8 =	vshra.s32 v8, $0x1  }
0x34f: {  	v18 =	vld.idx.msk [tilespmem:v20+s18+$0x0], $0xffff;
	v8 =	vadd.s32 v3, v8;
	_ =	sdelay $0x2  }
0x350: {  	v21 =	vld.idx.msk [tilespmem:v2+s18+$0x0], $0xffff  }
0x351: {  	v22 =	vld.idx.msk [tilespmem:v6+s18+$0x0], $0xffff  }
0x352: {  	vm3 =	vle.f32 v19, v18;
	v18 =	vld.idx.msk [tilespmem:v8+s18+$0x0], $0xffff  }
0x353: {  	v23 =	vsel vm3, v20, v23;
	v5 =	vsel vm3, v5, v20  }
0x354: {  	v20 =	vsub.s32 v23, v5  }
0x355: {  	v20 =	vshra.s32 v20, $0x1;
	vm3 =	vle.f32 v14, v21  }
0x356: {  	v20 =	vadd.s32 v5, v20;
	v9 =	vsel vm3, v2, v9;
	v0 =	vsel vm3, v0, v2  }
0x357: {  	vm3 =	vle.f32 v16, v22;
	vm9 =	vle.f32 v17, v18;
	v2 =	vsub.s32 v9, v0  }
0x358: {  	v7 =	vsel vm3, v6, v7;
	v4 =	vsel vm9, v8, v4;
	v1 =	vsel vm3, v1, v6  }
0x359: {  	v3 =	vsel vm9, v3, v8;
	v2 =	vshra.s32 v2, $0x1;
	v6 =	vsub.s32 v7, v1  }
0x35a: {  	v8 =	vsub.s32 v4, v3;
	v2 =	vadd.s32 v0, v2;
	v6 =	vshra.s32 v6, $0x1  }
0x35b: {  	v8 =	vshra.s32 v8, $0x1;
	v18 =	vld.idx.msk [tilespmem:v20+s18+$0x0], $0xffff;
	v6 =	vadd.s32 v1, v6  }
0x35c: {  	v8 =	vadd.s32 v3, v8;
	_ =	sdelay $0x2  }
0x35d: {  	v21 =	vld.idx.msk [tilespmem:v2+s18+$0x0], $0xffff  }
0x35e: {  	vm3 =	vle.f32 v19, v18;
	v18 =	vld.idx.msk [tilespmem:v6+s18+$0x0], $0xffff  }
0x35f: {  	v22 =	vsel vm3, v20, v23;
	v5 =	vsel vm3, v5, v20;
	v20 =	vld.idx.msk [tilespmem:v8+s18+$0x0], $0xffff;
	_ =	sdelay $0x1  }
0x360: {  	v23 =	vsub.s32 v22, v5  }
0x361: {  	v23 =	vshra.s32 v23, $0x1;
	vm3 =	vle.f32 v14, v21  }
0x362: {  	v23 =	vadd.s32 v5, v23;
	v9 =	vsel vm3, v2, v9;
	v0 =	vsel vm3, v0, v2  }
0x363: {  	vm3 =	vle.f32 v16, v18;
	vm10 =	vle.f32 v17, v20;
	v2 =	vsub.s32 v9, v0  }
0x364: {  	v7 =	vsel vm3, v6, v7;
	v1 =	vsel vm3, v1, v6;
	v4 =	vsel vm10, v8, v4  }
0x365: {  	v3 =	vsel vm10, v3, v8;
	v2 =	vshra.s32 v2, $0x1;
	v6 =	vsub.s32 v7, v1  }
0x366: {  	v18 =	vsub.s32 v4, v3;
	v6 =	vshra.s32 v6, $0x1;
	v2 =	vadd.s32 v0, v2  }
0x367: {  	v18 =	vshra.s32 v18, $0x1;
	v6 =	vadd.s32 v1, v6  }
0x368: {  	v53 =	vld.idx.msk [tilespmem:v23+s18+$0x0], $0xffff;
	v25 =	vadd.s32 v3, v18  }
0x369: {  	s30 =	simm.s32 $0x50  }
0x36a: {  	v20 =	vor.u32 s30, v61  }
0x36b: {  	s29 =	simm.s32 $0x70;
	s2 =	simm.s32 $0x60;
	s31 =	simm.s32 $0x40;
	v20 =	vcvt.s32.f32 v20;
	v54 =	vld.idx.msk [tilespmem:v2+s18+$0x0], $0xffff  }
0x36c: {  	v24 =	vor.u32 s31, v61;
	v21 =	vor.u32 s2, v61;
	v18 =	vor.u32 s29, v61;
	v26 =	vld.idx.msk [tilespmem:v6+s18+$0x0], $0xffff  }
0x36d: {  	v62 =	vmul.f32 $9.765625000e-04, v20;
	v18 =	vcvt.s32.f32 v18;
	vm3 =	vle.f32 v19, v53;
	v30 =	vld.idx.msk [tilespmem:v25+s18+$0x0], $0xffff  }
0x36e: {  	v27 =	vsel vm3, v23, v22;
	v5 =	vsel vm3, v5, v23;
	v22 =	vcvt.s32.f32 v21  }
0x36f: {  	v18 =	vmul.f32 $9.765625000e-04, v18;
	v23 =	vcvt.s32.f32 v24;
	v21 =	vsub.s32 v27, v5  }
0x370: {  	v24 =	vshra.s32 v21, $0x1;
	v20 =	vmul.f32 $9.765625000e-04, v22;
	vm3 =	vle.f32 v14, v54  }
0x371: {  	v31 =	vadd.s32 v5, v24;
	v8 =	vsel vm3, v2, v9;
	v0 =	vsel vm3, v0, v2  }
0x372: {  	vm11 =	vle.f32 v16, v26;
	vm3 =	vle.f32 v17, v30;
	v2 =	vsub.s32 v8, v0  }
0x373: {  	v7 =	vsel vm11, v6, v7;
	v1 =	vsel vm11, v1, v6;
	v4 =	vsel vm3, v25, v4  }
0x374: {  	v3 =	vsel vm3, v3, v25;
	v2 =	vshra.s32 v2, $0x1;
	v6 =	vsub.s32 v7, v1  }
0x375: {  	v26 =	vsub.s32 v4, v3;
	v2 =	vadd.s32 v0, v2;
	v6 =	vshra.s32 v6, $0x1  }
0x376: {  	v24 =	vsub.f32 v62, v10;
	v55 =	vld.idx.msk [tilespmem:v31+s18+$0x0], $0xffff;
	v30 =	vshra.s32 v26, $0x1;
	v6 =	vadd.s32 v1, v6  }
0x377: {  	v22 =	vsub.f32 v18, v10;
	v30 =	vadd.s32 v3, v30  }
0x378: {  	v63 =	vmul.f32 $9.765625000e-04, v23;
	vm13 =	vle.f32 v24, v43;
	v25 =	vsub.f32 v20, v10;
	[tilespmem:$0x1FF50] =	vst v10  }
0x379: {  	vm3 =	vle.f32 v22, v43;
	v35 =	vsel vm13, $0x0, v38;
	v44 =	vsel vm13, $0x600, v12;
	[tilespmem:$0x1FF60] =	vst v43  }
0x37a: {  	v32 =	vsel vm3, $0x0, v38;
	v57 =	vadd.s32 $0x300, v35;
	v42 =	vsel vm3, $0x600, v12;
	v56 =	vld.idx.msk [tilespmem:v2+s18+$0x0], $0xffff  }
0x37b: {  	v26 =	vsub.f32 v63, v10;
	vm6 =	vle.f32 v25, v43;
	vm7 =	vle.f32 v19, v55;
	v37 =	vld.idx.msk [tilespmem:v6+s18+$0x0], $0xffff  }
0x37c: {  	v34 =	vadd.s32 $0x300, v32;
	v27 =	vsel vm7, v31, v27;
	v5 =	vsel vm7, v5, v31;
	v39 =	vld.idx.msk [tilespmem:v30+s18+$0x0], $0xffff  }
0x37d: {  	v33 =	vsel vm6, $0x0, v38;
	v45 =	vsel vm6, $0x600, v12;
	v41 =	vsub.s32 v27, v5  }
0x37e: {  	vm12 =	vle.f32 v26, v43;
	v36 =	vadd.s32 $0x300, v33;
	v41 =	vshra.s32 v41, $0x1  }
0x37f: {  	v31 =	vsel vm12, $0x0, v38;
	v41 =	vadd.s32 v5, v41;
	vm3 =	vle.f32 v14, v56  }
0x380: {  	v51 =	vld.idx.msk [tilespmem:v57+s18+$0x0], $0xffff;
	v40 =	vadd.s32 $0x300, v31;
	v8 =	vsel vm3, v2, v8;
	v0 =	vsel vm3, v0, v2  }
0x381: {  	v48 =	vld.idx.msk [tilespmem:v34+s18+$0x0], $0xffff;
	vm3 =	vle.f32 v16, v37;
	vm14 =	vle.f32 v17, v39;
	v50 =	vsub.s32 v8, v0  }
0x382: {  	v7 =	vsel vm3, v6, v7;
	v1 =	vsel vm3, v1, v6;
	v4 =	vsel vm14, v30, v4  }
0x383: {  	v49 =	vld.idx.msk [tilespmem:v36+s18+$0x0], $0xffff;
	v3 =	vsel vm14, v3, v30;
	v6 =	vsub.s32 v7, v1;
	v30 =	vshra.s32 v50, $0x1  }
0x384: {  	v52 =	vsub.s32 v4, v3;
	v6 =	vshra.s32 v6, $0x1;
	v30 =	vadd.s32 v0, v30;
	v47 =	vld.idx.msk [tilespmem:v41+s18+$0x0], $0xffff  }
0x385: {  	v43 =	vsel vm12, $0x600, v12;
	v53 =	vshra.s32 v52, $0x1;
	v6 =	vadd.s32 v1, v6  }
0x386: {  	vm15 =	vle.f32 v24, v51;
	vm3 =	vle.f32 v22, v48;
	v46 =	vld.idx.msk [tilespmem:v40+s18+$0x0], $0xffff;
	v9 =	vadd.s32 v3, v53  }
0x387: {  	v35 =	vsel vm15, v35, v57;
	v39 =	vsel vm15, v57, v44;
	v37 =	vsel vm3, v34, v42  }
0x388: {  	v32 =	vsel vm3, v32, v34;
	vm8 =	vle.f32 v25, v49;
	v50 =	vsub.s32 v39, v35  }
0x389: {  	v2 =	vsel vm8, v36, v45;
	v33 =	vsel vm8, v33, v36;
	v54 =	vld.idx.msk [tilespmem:v30+s18+$0x0], $0xffff;
	vm9 =	vle.f32 v19, v47  }
0x38a: {  	v34 =	vsub.s32 v37, v32;
	v55 =	vld.idx.msk [tilespmem:v6+s18+$0x0], $0xffff;
	v27 =	vsel vm9, v41, v27;
	v5 =	vsel vm9, v5, v41  }
0x38b: {  	v42 =	vshra.s32 v50, $0x1;
	vm3 =	vle.f32 v26, v46;
	v57 =	vld.idx.msk [tilespmem:v9+s18+$0x0], $0xffff;
	v56 =	vsub.s32 v27, v5  }
0x38c: {  	v41 =	vsel vm3, v31, v40;
	v31 =	vshra.s32 v34, $0x1;
	v34 =	vshra.s32 v56, $0x1  }
0x38d: {  	v51 =	vsub.s32 v2, v33;
	v48 =	vadd.s32 v35, v42;
	v34 =	vadd.s32 v5, v34  }
0x38e: {  	v45 =	vsel vm3, v40, v43;
	v43 =	vshra.s32 v51, $0x1;
	vm3 =	vle.f32 v14, v54  }
0x38f: {  	v43 =	vadd.s32 v33, v43;
	v31 =	vadd.s32 v32, v31;
	v8 =	vsel vm3, v30, v8  }
0x390: {  	v0 =	vsel vm3, v0, v30;
	vm10 =	vle.f32 v16, v55;
	vm3 =	vle.f32 v17, v57  }
0x391: {  	v30 =	vsub.s32 v8, v0;
	v7 =	vsel vm10, v6, v7;
	v1 =	vsel vm10, v1, v6  }
0x392: {  	v4 =	vsel vm3, v9, v4;
	v54 =	vsub.s32 v7, v1;
	v30 =	vshra.s32 v30, $0x1;
	v53 =	vld.idx.msk [tilespmem:v34+s18+$0x0], $0xffff  }
0x393: {  	v42 =	vld.idx.msk [tilespmem:v48+s18+$0x0], $0xffff;
	v3 =	vsel vm3, v3, v9;
	v9 =	vshra.s32 v54, $0x1;
	v30 =	vadd.s32 v0, v30  }
0x394: {  	v57 =	vld.idx.msk [tilespmem:v43+s18+$0x0], $0xffff;
	v55 =	vsub.s32 v4, v3;
	v9 =	vadd.s32 v1, v9  }
0x395: {  	v56 =	vld.idx.msk [tilespmem:v31+s18+$0x0], $0xffff;
	v36 =	vshra.s32 v55, $0x1  }
0x396: {  	v10 =	vadd.s32 v3, v36  }
0x397: {  	v21 =	vimm.f32 $0.0e+00;
	v52 =	vsub.s32 v45, v41;
	vm3 =	vle.f32 v19, v53  }
0x398: {  	v44 =	vshra.s32 v52, $0x1;
	v54 =	vld.idx.msk [tilespmem:v30+s18+$0x0], $0xffff;
	v6 =	vsel vm3, v34, v27;
	v5 =	vsel vm3, v5, v34  }
0x399: {  	v50 =	vadd.s32 v41, v44;
	vm12 =	vle.f32 v24, v42;
	v49 =	vld.idx.msk [tilespmem:v9+s18+$0x0], $0xffff;
	v55 =	vsub.s32 v6, v5  }
0x39a: {  	vm11 =	vle.f32 v25, v57;
	vm3 =	vle.f32 v22, v56;
	v51 =	vshra.s32 v55, $0x1  }
0x39b: {  	v56 =	vld.idx.msk [tilespmem:v10+s18+$0x0], $0xffff;
	v47 =	vsel vm3, v31, v37;
	v46 =	vsel vm3, v32, v31;
	v51 =	vadd.s32 v5, v51  }
0x39c: {  	v44 =	vsel vm12, v48, v39;
	v42 =	vsel vm11, v43, v2;
	v57 =	vsub.s32 v47, v46  }
0x39d: {  	v40 =	vsel vm11, v33, v43;
	v2 =	vshra.s32 v57, $0x1;
	vm13 =	vle.f32 v14, v54  }
0x39e: {  	v11 =	vld.idx.msk [tilespmem:v50+s18+$0x0], $0xffff;
	v53 =	vadd.s32 v46, v2;
	v37 =	vsel vm13, v30, v8;
	vm15 =	vle.f32 v16, v49  }
0x39f: {  	v36 =	vsel vm13, v0, v30;
	v31 =	vsel vm15, v9, v7;
	v32 =	vsel vm15, v1, v9  }
0x3a0: {  	vm14 =	vle.f32 v17, v56;
	v0 =	vsub.s32 v37, v36;
	v1 =	vsub.s32 v31, v32;
	v8 =	vld.idx.msk [tilespmem:v51+s18+$0x0], $0xffff  }
0x3a1: {  	v30 =	vsel vm14, v10, v4;
	v33 =	vsel vm14, v3, v10;
	v1 =	vshra.s32 v1, $0x1  }
0x3a2: {  	v0 =	vshra.s32 v0, $0x1;
	v3 =	vsub.s32 v30, v33;
	v38 =	vadd.s32 v32, v1  }
0x3a3: {  	vm3 =	vle.f32 v26, v11;
	v43 =	vadd.s32 v36, v0;
	v9 =	vshra.s32 v3, $0x1  }
0x3a4: {  	v52 =	vsel vm3, v50, v45;
	v50 =	vsel vm3, v41, v50;
	v39 =	vadd.s32 v33, v9  }
0x3a5: {  	v11 =	vsub.s32 v42, v40;
	v57 =	vsub.s32 v52, v50;
	vm3 =	vle.f32 v19, v8  }
0x3a6: {  	v49 =	vsel vm12, v35, v48;
	v56 =	vld.idx.msk [tilespmem:v53+s18+$0x0], $0xffff;
	v35 =	vsel vm3, v51, v6;
	v34 =	vsel vm3, v5, v51  }
0x3a7: {  	v57 =	vshra.s32 v57, $0x1;
	v10 =	vsub.s32 v44, v49;
	v45 =	vld.idx.msk [tilespmem:v38+s18+$0x0], $0xffff;
	v41 =	vsub.s32 v35, v34  }
0x3a8: {  	v0 =	vshra.s32 v10, $0x1;
	v1 =	vshra.s32 v11, $0x1;
	v51 =	vld.idx.msk [tilespmem:v43+s18+$0x0], $0xffff;
	v2 =	vshra.s32 v41, $0x1  }
0x3a9: {  	s21 =	simm.s32 $0x4;
	s22 =	simm.s32 $0xB0;
	v55 =	vadd.s32 v49, v0;
	v54 =	vadd.s32 v40, v1;
	v48 =	vld.idx.msk [tilespmem:v39+s18+$0x0], $0xffff;
	v41 =	vadd.s32 v34, v2  }
.LBB2_18:
0x3aa: {  	_ =	sdelay $0x3  }
0x3ab: {  	s0 =	sadd.s32 $0xFFFFFFE0, s22;
	s1 =	sadd.s32 $0xFFFFFFF0, s22;
	v0 =	vor.u32 s22, v61;
	v1 =	vadd.s32 v50, v57;
	v6 =	vld.idx.msk [tilespmem:v55+s18+$0x0], $0xffff;
	v12 =	vimm.s32 $0x600  }
0x3ac: {  	s2 =	sadd.s32 $0xFFFFFFD0, s22;
	v9 =	vld.idx.msk [tilespmem:v41+s18+$0x0], $0xffff;
	v2 =	vor.u32 s0, v61;
	v3 =	vor.u32 s1, v61;
	v0 =	vcvt.s32.f32 v0  }
0x3ad: {  	v4 =	vor.u32 s2, v61;
	v3 =	vcvt.s32.f32 v3;
	vm3 =	vle.f32 v22, v56  }
0x3ae: {  	v5 =	vld.idx.msk [tilespmem:v54+s18+$0x0], $0xffff;
	vm4 =	vle.f32 v14, v51;
	vm14 =	vle.f32 v16, v45;
	v7 =	vsel vm3, v53, v47  }
0x3af: {  	v8 =	vsel vm3, v46, v53;
	v37 =	vsel vm4, v43, v37;
	v36 =	vsel vm4, v36, v43  }
0x3b0: {  	vm3 =	vle.f32 v17, v48;
	v47 =	vsel vm14, v38, v31;
	v38 =	vsel vm14, v32, v38  }
0x3b1: {  	vm15 =	vle.f32 v24, v6;
	vm5 =	vle.f32 v19, v9;
	v51 =	vsub.s32 v37, v36  }
0x3b2: {  	v46 =	vsel vm3, v39, v30;
	v33 =	vsel vm3, v33, v39;
	v30 =	vsub.s32 v47, v38  }
0x3b3: {  	vm3 =	vle.f32 v25, v5;
	v6 =	vsel vm5, v41, v35;
	v31 =	vshra.s32 v51, $0x1  }
0x3b4: {  	v11 =	vld.idx.msk [tilespmem:v1+s18+$0x0], $0xffff;
	v53 =	vsub.s32 v46, v33;
	v30 =	vshra.s32 v30, $0x1;
	v39 =	vadd.s32 v36, v31  }
0x3b5: {  	v9 =	vsel vm5, v34, v41;
	v56 =	vshra.s32 v53, $0x1;
	v45 =	vadd.s32 v38, v30  }
0x3b6: {  	v35 =	vsel vm15, v55, v44;
	v31 =	vsub.s32 v6, v9;
	v5 =	vadd.s32 v33, v56  }
0x3b7: {  	v34 =	vsel vm3, v54, v42;
	v40 =	vsel vm3, v40, v54;
	v31 =	vshra.s32 v31, $0x1  }
0x3b8: {  	v42 =	vsel vm15, v49, v55;
	v30 =	vsub.s32 v7, v8;
	v44 =	vadd.s32 v9, v31  }
0x3b9: {  	v49 =	vsub.s32 v35, v42;
	v30 =	vshra.s32 v30, $0x1;
	vm6 =	vle.f32 v26, v11;
	v57 =	vld.idx.msk [tilespmem:v39+s18+$0x0], $0xffff  }
0x3ba: {  	v41 =	vsel vm6, v1, v52;
	v1 =	vsel vm6, v50, v1;
	v50 =	vadd.s32 v8, v30;
	v61 =	vld.idx.msk [tilespmem:v45+s18+$0x0], $0xffff  }
0x3bb: {  	v2 =	vcvt.s32.f32 v2;
	v49 =	vshra.s32 v49, $0x1;
	v31 =	vsub.s32 v34, v40;
	v10 =	vld.idx.msk [tilespmem:v5+s18+$0x0], $0xffff  }
0x3bc: {  	v49 =	vadd.s32 v42, v49;
	v31 =	vshra.s32 v31, $0x1;
	v30 =	vsub.s32 v41, v1  }
0x3bd: {  	v32 =	vmul.f32 $9.765625000e-04, v2;
	v51 =	vadd.s32 v40, v31;
	v31 =	vshra.s32 v30, $0x1;
	v11 =	vld.idx.msk [tilespmem:v44+s18+$0x0], $0xffff  }
0x3be: {  	v30 =	vmul.f32 $9.765625000e-04, v0;
	v0 =	vadd.s32 v1, v31;
	vm3 =	vle.f32 v14, v57  }
0x3bf: {  	v31 =	vmul.f32 $9.765625000e-04, v3;
	v55 =	vld.idx.msk [tilespmem:v50+s18+$0x0], $0xffff;
	vm9 =	vle.f32 v16, v61;
	v2 =	vsel vm3, v39, v37  }
0x3c0: {  	vm8 =	vle.f32 v17, v10;
	v36 =	vsel vm3, v36, v39;
	v47 =	vsel vm9, v45, v47  }
0x3c1: {  	v61 =	vld.idx.msk [tilespmem:v49+s18+$0x0], $0xffff;
	v38 =	vsel vm9, v38, v45;
	v39 =	vsel vm8, v5, v46;
	v5 =	vsel vm8, v33, v5  }
0x3c2: {  	v57 =	vsub.s32 v2, v36;
	v54 =	vsub.s32 v47, v38;
	vm3 =	vle.f32 v19, v11  }
0x3c3: {  	v46 =	vsub.s32 v39, v5;
	v33 =	vshra.s32 v57, $0x1;
	v6 =	vsel vm3, v44, v6  }
0x3c4: {  	v56 =	vld.idx.msk [tilespmem:v51+s18+$0x0], $0xffff;
	v9 =	vsel vm3, v9, v44;
	vm3 =	vle.f32 v22, v55;
	v46 =	vshra.s32 v46, $0x1  }
0x3c5: {  	v33 =	vadd.s32 v36, v33;
	v36 =	vshra.s32 v54, $0x1;
	v7 =	vsel vm3, v50, v7  }
0x3c6: {  	v53 =	vld.idx.msk [tilespmem:v0+s18+$0x0], $0xffff;
	v8 =	vsel vm3, v8, v50;
	v5 =	vadd.s32 v5, v46;
	vm3 =	vle.f32 v24, v61  }
0x3c7: {  	v3 =	vadd.s32 v38, v36;
	v46 =	vsel vm3, v49, v35;
	v49 =	vsel vm3, v42, v49  }
0x3c8: {  	v4 =	vcvt.s32.f32 v4;
	v55 =	vsub.s32 v6, v9;
	v10 =	vsub.s32 v46, v49  }
0x3c9: {  	vm10 =	vle.f32 v25, v56;
	v36 =	vshra.s32 v55, $0x1;
	v38 =	vshra.s32 v10, $0x1;
	v10 =	vld [tilespmem:$0x1FF50]  }
0x3ca: {  	v48 =	vmul.f32 $9.765625000e-04, v4;
	v45 =	vsel vm10, v51, v34;
	v9 =	vadd.s32 v9, v36;
	v36 =	vld.idx.msk [tilespmem:v33+s18+$0x0], $0xffff  }
0x3cb: {  	v56 =	vsub.s32 v7, v8;
	v52 =	vsel vm10, v40, v51;
	vm11 =	vle.f32 v26, v53;
	v57 =	vld.idx.msk [tilespmem:v5+s18+$0x0], $0xffff  }
0x3cc: {  	v40 =	vsub.s32 v45, v52;
	v53 =	vsel vm11, v0, v41;
	v0 =	vsel vm11, v1, v0;
	v51 =	vld.idx.msk [tilespmem:v3+s18+$0x0], $0xffff  }
0x3cd: {  	v44 =	vld [tilespmem:$0x1FF60];
	v50 =	vshra.s32 v56, $0x1;
	v40 =	vshra.s32 v40, $0x1;
	v61 =	vsub.s32 v53, v0  }
0x3ce: {  	v23 =	vmovc v20;
	v20 =	vmovc v15;
	v1 =	vadd.s32 v8, v50;
	v54 =	vadd.s32 v52, v40;
	v35 =	vshra.s32 v61, $0x1  }
0x3cf: {  	v15 =	vmovc v59;
	v55 =	vadd.s32 v49, v38;
	v56 =	vadd.s32 v0, v35;
	v50 =	vsub.f32 v30, v10  }
0x3d0: {  	v11 =	vld.idx.msk [tilespmem:v9+s18+$0x0], $0xffff;
	v59 =	vsub.f32 v32, v10;
	v61 =	vsub.f32 v48, v10;
	vm3 =	vle.f32 v14, v36  }
0x3d1: {  	vm12 =	vle.f32 v17, v57;
	v2 =	vsel vm3, v33, v2;
	vm13 =	vle.f32 v16, v51  }
0x3d2: {  	vm15 =	vle.f32 v59, v44;
	v5 =	vsel vm12, v5, v39;
	vm3 =	vgt.s32 v2, $0x1  }
0x3d3: {  	v3 =	vsel vm13, v3, v47;
	vm4 =	vgt.s32 v5, $0x1;
	v2 =	vnsel vm3, $0x1, v2  }
0x3d4: {  	vm3 =	vgt.s32 v3, $0x1;
	v5 =	vnsel vm4, $0x1, v5;
	v2 =	vmin.u32 v2, $0xBFF  }
0x3d5: {  	v4 =	vld.idx.msk [tilespmem:v55+s18+$0x0], $0xffff;
	vm14 =	vle.f32 v19, v11;
	v3 =	vnsel vm3, $0x1, v3;
	v5 =	vmin.u32 v5, $0xBFF  }
0x3d6: {  	v51 =	vld.idx.msk [tilespmem:v54+s18+$0x0], $0xffff;
	v47 =	vsub.f32 v31, v10;
	v6 =	vsel vm14, v9, v6;
	v3 =	vmin.u32 v3, $0xBFF  }
0x3d7: {  	v39 =	vld.idx.msk [tilespmem:v1+s18+$0x0], $0xffff;
	v11 =	vimm.s32 $0xC00;
	vm3 =	vgt.s32 v6, $0x1;
	v57 =	vadd.s32 $0xFFFFFFFF, v5  }
0x3d8: {  	v13 =	vmovc v58;
	v29 =	vmovc v21;
	v38 =	vsel vm15, $0x0, v12;
	v9 =	vld.idx.msk [tilespmem:v56+s18+$0x0], $0xffff;
	v6 =	vnsel vm3, $0x1, v6;
	v58 =	vadd.s32 $0xFFFFFFFF, v3  }
0x3d9: {  	v21 =	vmovc v18;
	v18 =	vmovc v60;
	v35 =	vsel vm15, $0x600, v11;
	v43 =	vadd.s32 $0x300, v38;
	v6 =	vmin.u32 v6, $0xBFF;
	v60 =	vld.idx.msk [tilespmem:v2+s18+$0x0], $0xffff  }
0x3da: {  	v27 =	vmovc v62;
	vm8 =	vle.f32 v47, v44;
	vm3 =	vle.f32 v50, v44;
	v62 =	vadd.s32 $0xFFFFFFFF, v6;
	v5 =	vld.idx.msk [tilespmem:v5+s18+$0x0], $0xffff  }
0x3db: {  	v40 =	vsel vm8, $0x600, v11;
	v41 =	vsel vm8, $0x0, v12;
	v2 =	vadd.s32 $0xFFFFFFFF, v2;
	v3 =	vld.idx.msk [tilespmem:v3+s18+$0x0], $0xffff  }
0x3dc: {  	v28 =	vmovc v63;
	vm10 =	vle.f32 v24, v4;
	v36 =	vsel vm3, $0x600, v11;
	v37 =	vsel vm3, $0x0, v12;
	v63 =	vld.idx.msk [tilespmem:v57+s18+$0x0], $0xffff  }
0x3dd: {  	vm3 =	vle.f32 v61, v44;
	v42 =	vadd.s32 $0x300, v41;
	vm9 =	vle.f32 v25, v51;
	v10 =	vld.idx.msk [tilespmem:v58+s18+$0x0], $0xffff  }
0x3de: {  	v51 =	vsel vm10, v55, v46;
	v33 =	vsel vm3, $0x600, v11;
	v44 =	vadd.s32 $0x300, v37;
	v6 =	vld.idx.msk [tilespmem:v6+s18+$0x0], $0xffff  }
0x3df: {  	v34 =	vsel vm3, $0x0, v12;
	vm3 =	vle.f32 v22, v39;
	v45 =	vsel vm9, v54, v45;
	v11 =	vld.idx.msk [tilespmem:v62+s18+$0x0], $0xffff  }
0x3e0: {  	v46 =	vsel vm9, v52, v54;
	v52 =	vsel vm10, v49, v55;
	v7 =	vsel vm3, v1, v7;
	v12 =	vld.idx.msk [tilespmem:v2+s18+$0x0], $0xffff  }
0x3e1: {  	v1 =	vsel vm3, v8, v1;
	vm3 =	vle.f32 v26, v9;
	v54 =	vsub.s32 v51, v52  }
0x3e2: {  	v9 =	vcvt.s32.f32 v58;
	v4 =	vsub.s32 v7, v1;
	v5 =	vsub.f32 v5, v63  }
0x3e3: {  	v8 =	vsel vm3, v56, v53;
	v0 =	vsel vm3, v0, v56;
	v3 =	vsub.f32 v3, v10  }
0x3e4: {  	v4 =	vshra.s32 v4, $0x1;
	v6 =	vsub.f32 v6, v11;
	vm11 =	veq.f32 v5, $0.0e+00  }
0x3e5: {  	vm12 =	veq.f32 v3, $0.0e+00;
	v5 =	vsel vm11, $0x3F800000, v5;
	v49 =	vsub.f32 v60, v12  }
0x3e6: {  	v3 =	vsel vm12, $0x3F800000, v3;
	vm13 =	veq.f32 v6, $0.0e+00;
	(erf) = vrcp.f32 v5  }
0x3e7: {  	v53 =	vsel vm13, $0x3F800000, v6;
	(erf) = vrcp.f32 v3;
	vm3 =	veq.f32 v49, $0.0e+00  }
0x3e8: {  	v4 =	vadd.s32 v1, v4;
	v5 =	vsel vm3, $0x3F800000, v49;
	(erf) = vrcp.f32 v53  }
0x3e9: {  	v56 =	vsub.s32 v8, v0;
	v9 =	vmul.f32 $9.768805470e-04, v9;
	(erf) = vrcp.f32 v5  }
0x3ea: {  	v55 =	vsub.s32 v45, v46;
	v2 =	vcvt.s32.f32 v2;
	v5 =	vshra.s32 v56, $0x1  }
0x3eb: {  	v57 =	vcvt.s32.f32 v57;
	v9 =	vadd.f32 $-1.000000000e+00, v9;
	v5 =	vadd.s32 v0, v5  }
0x3ec: {  	v2 =	vmul.f32 $9.768805470e-04, v2;
	v10 =	vsub.f32 v16, v10;
	v11 =	vsub.f32 v19, v11  }
0x3ed: {  	v6 =	vshra.s32 v55, $0x1;
	v55 =	vcvt.s32.f32 v62;
	v3 =	vshra.s32 v54, $0x1;
	v56 =	vld.idx.msk [tilespmem:v4+s18+$0x0], $0xffff  }
0x3ee: {  	v16 =	vmovc v24;
	v2 =	vadd.f32 $-1.000000000e+00, v2;
	v12 =	vsub.f32 v14, v12;
	v14 =	vmovc v22;
	v3 =	vadd.s32 v52, v3  }
0x3ef: {  	v49 =	vadd.s32 v46, v6;
	v6 =	vmul.f32 $9.768805470e-04, v57;
	v55 =	vmul.f32 $9.768805470e-04, v55;
	v60 =	vpop (erf)  }
0x3f0: {  	v22 =	vmov v50;
	v54 =	vsub.f32 v17, v63;
	v50 =	vld.idx.msk [tilespmem:v5+s18+$0x0], $0xffff;
	v53 =	vmul.f32 $9.768805470e-04, v60;
	v62 =	vpop (erf)  }
0x3f1: {  	v6 =	vadd.f32 $-1.000000000e+00, v6;
	v55 =	vadd.f32 $-1.000000000e+00, v55;
	v57 =	vmul.f32 $9.768805470e-04, v62;
	v19 =	vpop (erf)  }
0x3f2: {  	vm3 =	vle.f32 v14, v56;
	v63 =	vmul.f32 v53, v54;
	v19 =	vmul.f32 $9.768805470e-04, v19;
	v58 =	vpop (erf)  }
0x3f3: {  	v24 =	vmovc v59;
	v7 =	vsel vm3, v4, v7;
	v54 =	vld.idx.msk [tilespmem:v3+s18+$0x0], $0xffff;
	v10 =	vmul.f32 v57, v10;
	v53 =	vmul.f32 $9.768805470e-04, v58  }
0x3f4: {  	v17 =	vmovc v26;
	v1 =	vsel vm3, v1, v4;
	v6 =	vadd.f32 v6, v63;
	v59 =	vmul.f32 v19, v11  }
0x3f5: {  	vm14 =	vle.f32 v17, v50;
	v9 =	vadd.f32 v9, v10;
	v12 =	vmul.f32 v53, v12  }
0x3f6: {  	v8 =	vsel vm14, v5, v8;
	v0 =	vsel vm14, v0, v5;
	v6 =	vsub.f32 v6, v18  }
0x3f7: {  	v39 =	vadd.s32 $0x300, v34;
	v10 =	vadd.f32 v55, v59;
	v19 =	vmovc v25;
	v25 =	vmovc v47;
	v5 =	vsub.s32 v8, v0  }
0x3f8: {  	v47 =	vld.idx.msk [tilespmem:v44+s18+$0x0], $0xffff;
	v9 =	vsub.f32 v9, v15;
	v2 =	vadd.f32 v2, v12;
	vm3 =	vle.f32 v16, v54  }
0x3f9: {  	v18 =	vmovc v30;
	v30 =	vld.idx.msk [tilespmem:v43+s18+$0x0], $0xffff;
	v54 =	vshra.s32 v5, $0x1;
	v6 =	vand.u32 $0x7FFFFFFF, v6;
	v59 =	vmovc v27;
	v10 =	vsub.f32 v10, v20  }
0x3fa: {  	v20 =	vmovc v31;
	v27 =	vsub.s32 v7, v1;
	v31 =	vsel vm3, v3, v51;
	v3 =	vsel vm3, v52, v3  }
0x3fb: {  	v53 =	vsub.f32 $1.000000000e+00, v6;
	v9 =	vand.u32 $0x7FFFFFFF, v9;
	v2 =	vsub.f32 v2, v13  }
0x3fc: {  	v12 =	vld.idx.msk [tilespmem:v42+s18+$0x0], $0xffff;
	v52 =	vsub.s32 v31, v3;
	v27 =	vshra.s32 v27, $0x1;
	v10 =	vand.u32 $0x7FFFFFFF, v10  }
0x3fd: {  	v62 =	vmovc v32;
	v55 =	vsub.f32 $1.000000000e+00, v9;
	v4 =	vmin.f32 v6, v53;
	v32 =	vsub.f32 $1.000000000e+00, v10  }
0x3fe: {  	v2 =	vand.u32 $0x7FFFFFFF, v2;
	vm3 =	vle.f32 v22, v47;
	v4 =	vmul.f32 v4, v4  }
0x3ff: {  	v63 =	vmovc v48;
	vm15 =	vle.f32 v24, v30;
	v6 =	vmin.f32 v9, v55;
	v48 =	vsub.f32 $1.000000000e+00, v2  }
0x400: {  	v5 =	vsel vm3, v44, v36;
	v6 =	vmul.f32 v6, v6;
	v4 =	vadd.f32 v4, v29  }
0x401: {  	v53 =	vld.idx.msk [tilespmem:v49+s18+$0x0], $0xffff;
	vm8 =	vle.f32 v25, v12;
	v9 =	vmin.f32 v10, v32;
	v32 =	vadd.s32 v1, v27  }
0x402: {  	v30 =	vsel vm15, v43, v35;
	v50 =	vmul.f32 v9, v9;
	v4 =	vadd.f32 v6, v4  }
0x403: {  	v51 =	vld.idx.msk [tilespmem:v39+s18+$0x0], $0xffff;
	v11 =	vsel vm8, v41, v42;
	v2 =	vmin.f32 v2, v48;
	v9 =	vsel vm8, v42, v40  }
0x404: {  	v2 =	vmul.f32 v2, v2;
	v6 =	vshra.s32 v52, $0x1;
	v4 =	vadd.f32 v50, v4  }
0x405: {  	v58 =	vmovc v21;
	v35 =	vsel vm15, v38, v43;
	v42 =	vsub.s32 v9, v11;
	v55 =	vadd.s32 v3, v6  }
0x406: {  	vm9 =	vle.f32 v19, v53;
	v56 =	vld.idx.msk [tilespmem:v32+s18+$0x0], $0xffff;
	v21 =	vadd.f32 v2, v4;
	v2 =	vadd.s32 v0, v54  }
0x407: {  	v26 =	vmovc v61;
	v53 =	vsub.s32 v30, v35;
	v42 =	vshra.s32 v42, $0x1;
	v6 =	vsel vm3, v37, v44  }
0x408: {  	vm3 =	vle.f32 v26, v51;
	v48 =	vsel vm9, v49, v45;
	v50 =	vsel vm9, v46, v49  }
0x409: {  	v40 =	vshra.s32 v53, $0x1;
	v12 =	vsub.s32 v5, v6;
	v52 =	vsub.s32 v48, v50  }
0x40a: {  	v41 =	vsel vm3, v39, v33;
	v34 =	vsel vm3, v34, v39;
	v39 =	vshra.s32 v52, $0x1;
	v57 =	vld.idx.msk [tilespmem:v55+s18+$0x0], $0xffff  }
0x40b: {  	v45 =	vadd.s32 v35, v40;
	v39 =	vadd.s32 v50, v39;
	vm3 =	vle.f32 v14, v56;
	v51 =	vld.idx.msk [tilespmem:v2+s18+$0x0], $0xffff  }
0x40c: {  	v40 =	vadd.s32 v11, v42;
	v7 =	vsel vm3, v32, v7;
	v1 =	vsel vm3, v1, v32  }
0x40d: {  	v12 =	vshra.s32 v12, $0x1;
	v32 =	vsub.s32 v7, v1  }
0x40e: {  	v54 =	vsub.s32 v41, v34;
	v12 =	vadd.s32 v6, v12;
	v32 =	vshra.s32 v32, $0x1  }
0x40f: {  	v43 =	vshra.s32 v54, $0x1;
	vm10 =	vle.f32 v16, v57;
	v32 =	vadd.s32 v1, v32  }
0x410: {  	v31 =	vsel vm10, v55, v31;
	v3 =	vsel vm10, v3, v55;
	v55 =	vld.idx.msk [tilespmem:v39+s18+$0x0], $0xffff;
	vm3 =	vle.f32 v17, v51  }
0x411: {  	v42 =	vld.idx.msk [tilespmem:v40+s18+$0x0], $0xffff;
	v56 =	vsub.s32 v31, v3;
	v8 =	vsel vm3, v2, v8;
	v0 =	vsel vm3, v0, v2  }
0x412: {  	v10 =	vadd.s32 v34, v43;
	v53 =	vld.idx.msk [tilespmem:v45+s18+$0x0], $0xffff;
	v2 =	vshra.s32 v56, $0x1;
	v52 =	vsub.s32 v8, v0  }
0x413: {  	v57 =	vld.idx.msk [tilespmem:v12+s18+$0x0], $0xffff;
	v2 =	vadd.s32 v3, v2;
	v38 =	vshra.s32 v52, $0x1  }
0x414: {  	v38 =	vadd.s32 v0, v38  }
0x415: {  	vm3 =	vle.f32 v19, v55;
	v55 =	vld.idx.msk [tilespmem:v32+s18+$0x0], $0xffff  }
0x416: {  	v4 =	vsel vm3, v39, v48;
	v48 =	vsel vm3, v50, v39  }
0x417: {  	v54 =	vld.idx.msk [tilespmem:v10+s18+$0x0], $0xffff;
	vm11 =	vle.f32 v24, v53;
	vm12 =	vle.f32 v25, v42;
	v37 =	vsub.s32 v4, v48  }
0x418: {  	v42 =	vsel vm12, v40, v9;
	vm3 =	vle.f32 v22, v57;
	v37 =	vshra.s32 v37, $0x1;
	v56 =	vld.idx.msk [tilespmem:v2+s18+$0x0], $0xffff  }
0x419: {  	v40 =	vsel vm12, v11, v40;
	v47 =	vsel vm3, v12, v5;
	v5 =	vadd.s32 v48, v37;
	v57 =	vld.idx.msk [tilespmem:v38+s18+$0x0], $0xffff  }
0x41a: {  	v44 =	vsel vm11, v45, v30;
	v46 =	vsel vm3, v6, v12;
	vm13 =	vle.f32 v14, v55  }
0x41b: {  	v6 =	vsub.s32 v47, v46;
	v37 =	vsel vm13, v32, v7;
	v36 =	vsel vm13, v1, v32  }
0x41c: {  	vm3 =	vle.f32 v26, v54;
	v6 =	vshra.s32 v6, $0x1;
	v54 =	vsub.s32 v37, v36  }
0x41d: {  	v53 =	vadd.s32 v46, v6;
	vm15 =	vle.f32 v16, v56;
	v56 =	vshra.s32 v54, $0x1  }
0x41e: {  	v11 =	vld.idx.msk [tilespmem:v5+s18+$0x0], $0xffff;
	v31 =	vsel vm15, v2, v31;
	v32 =	vsel vm15, v3, v2;
	vm14 =	vle.f32 v17, v57  }
0x41f: {  	v55 =	vsub.s32 v31, v32;
	v30 =	vsel vm14, v38, v8;
	v33 =	vsel vm14, v0, v38  }
0x420: {  	v43 =	vadd.s32 v36, v56;
	v0 =	vshra.s32 v55, $0x1;
	v57 =	vsub.s32 v30, v33  }
0x421: {  	s21 =	sadd.s32 $0x4, s21;
	v61 =	vlaneseq.u32;
	v38 =	vadd.s32 v32, v0;
	v6 =	vshra.s32 v57, $0x1  }
0x422: {  	p0 =	slt.u32 s21, $0x3C;
	v49 =	vsel vm11, v35, v45;
	v52 =	vsel vm3, v10, v41;
	v39 =	vadd.s32 v33, v6  }
.Ltmp8:
0x423: {  	v50 =	vsel vm3, v34, v10;
	v7 =	vsub.s32 v44, v49;
	vm3 =	vle.f32 v19, v11;
	(pc) =	sbr.rel @p0 .LBB2_18-.Ltmp8, $4  }
0x424: {  	v56 =	vld.idx.msk [tilespmem:v53+s18+$0x0], $0xffff;
	v8 =	vsub.s32 v42, v40;
	v35 =	vsel vm3, v5, v4;
	v34 =	vsel vm3, v48, v5  }
0x425: {  	v9 =	vshra.s32 v8, $0x1;
	v0 =	vshra.s32 v7, $0x1;
	v51 =	vld.idx.msk [tilespmem:v43+s18+$0x0], $0xffff;
	v10 =	vsub.s32 v35, v34  }
0x426: {  	v60 =	vmovc v28;
	v54 =	vadd.s32 v40, v9;
	v11 =	vsub.s32 v52, v50;
	v41 =	vshra.s32 v10, $0x1;
	v45 =	vld.idx.msk [tilespmem:v38+s18+$0x0], $0xffff  }
0x427: {  	s22 =	sadd.s32 $0x40, s22;
	v15 =	vmovc v23;
	v55 =	vadd.s32 v49, v0;
	v57 =	vshra.s32 v11, $0x1;
	v41 =	vadd.s32 v34, v41;
	v48 =	vld.idx.msk [tilespmem:v39+s18+$0x0], $0xffff  }
0x428: {  	_ = 	snop  }
0x429: {  	v0 =	vadd.s32 v50, v57;
	_ =	sdelay $0x2  }
0x42a: {  	v1 =	vld.idx.msk [tilespmem:v55+s18+$0x0], $0xffff;
	_ =	sdelay $0x1  }
0x42b: {  	v2 =	vld.idx.msk [tilespmem:v0+s18+$0x0], $0xffff  }
0x42c: {  	vm3 =	vle.f32 v22, v56  }
0x42d: {  	v3 =	vsel vm3, v53, v47;
	v4 =	vsel vm3, v46, v53  }
0x42e: {  	v46 =	vsub.s32 v3, v4;
	vm3 =	vle.f32 v24, v1  }
0x42f: {  	v9 =	vld.idx.msk [tilespmem:v54+s18+$0x0], $0xffff;
	v1 =	vshra.s32 v46, $0x1;
	v47 =	vsel vm3, v55, v44;
	v6 =	vsel vm3, v49, v55  }
0x430: {  	v1 =	vadd.s32 v4, v1;
	v7 =	vsub.s32 v47, v6;
	vm4 =	vle.f32 v26, v2  }
0x431: {  	v7 =	vshra.s32 v7, $0x1;
	v5 =	vsel vm4, v0, v52;
	v0 =	vsel vm4, v50, v0  }
0x432: {  	v7 =	vadd.s32 v6, v7;
	v8 =	vsub.s32 v5, v0  }
0x433: {  	v8 =	vshra.s32 v8, $0x1  }
0x434: {  	vm3 =	vle.f32 v25, v9;
	v8 =	vadd.s32 v0, v8  }
0x435: {  	v12 =	vsel vm3, v54, v42;
	v28 =	vsel vm3, v40, v54;
	v10 =	vld.idx.msk [tilespmem:v1+s18+$0x0], $0xffff  }
0x436: {  	v29 =	vsub.s32 v12, v28  }
0x437: {  	v29 =	vshra.s32 v29, $0x1;
	v11 =	vld.idx.msk [tilespmem:v7+s18+$0x0], $0xffff  }
0x438: {  	v55 =	vadd.s32 v28, v29  }
0x439: {  	v53 =	vld.idx.msk [tilespmem:v8+s18+$0x0], $0xffff  }
0x43a: {  	vm3 =	vle.f32 v22, v10  }
0x43b: {  	v3 =	vsel vm3, v1, v3;
	v1 =	vsel vm3, v4, v1  }
0x43c: {  	v4 =	vsub.s32 v3, v1;
	vm3 =	vle.f32 v24, v11  }
0x43d: {  	v56 =	vld.idx.msk [tilespmem:v55+s18+$0x0], $0xffff;
	v4 =	vshra.s32 v4, $0x1;
	v2 =	vsel vm3, v7, v47;
	v6 =	vsel vm3, v6, v7  }
0x43e: {  	v4 =	vadd.s32 v1, v4;
	v7 =	vsub.s32 v2, v6;
	vm13 =	vle.f32 v26, v53  }
0x43f: {  	v7 =	vshra.s32 v7, $0x1;
	v5 =	vsel vm13, v8, v5;
	v0 =	vsel vm13, v0, v8  }
0x440: {  	v7 =	vadd.s32 v6, v7;
	v8 =	vsub.s32 v5, v0  }
0x441: {  	v8 =	vshra.s32 v8, $0x1  }
0x442: {  	vm3 =	vle.f32 v25, v56;
	v8 =	vadd.s32 v0, v8  }
0x443: {  	v12 =	vsel vm3, v55, v12;
	v10 =	vsel vm3, v28, v55;
	v57 =	vld.idx.msk [tilespmem:v4+s18+$0x0], $0xffff  }
0x444: {  	v28 =	vsub.s32 v12, v10  }
0x445: {  	v28 =	vshra.s32 v28, $0x1;
	v23 =	vld.idx.msk [tilespmem:v7+s18+$0x0], $0xffff  }
0x446: {  	v42 =	vadd.s32 v10, v28  }
0x447: {  	v40 =	vld.idx.msk [tilespmem:v8+s18+$0x0], $0xffff  }
0x448: {  	vm3 =	vle.f32 v22, v57  }
0x449: {  	v3 =	vsel vm3, v4, v3;
	v1 =	vsel vm3, v1, v4  }
0x44a: {  	v4 =	vsub.s32 v3, v1;
	vm14 =	vle.f32 v24, v23  }
0x44b: {  	v44 =	vld.idx.msk [tilespmem:v42+s18+$0x0], $0xffff;
	v4 =	vshra.s32 v4, $0x1;
	v2 =	vsel vm14, v7, v2;
	v6 =	vsel vm14, v6, v7  }
0x44c: {  	v4 =	vadd.s32 v1, v4;
	v7 =	vsub.s32 v2, v6;
	vm3 =	vle.f32 v26, v40  }
0x44d: {  	v7 =	vshra.s32 v7, $0x1;
	v5 =	vsel vm3, v8, v5;
	v0 =	vsel vm3, v0, v8  }
0x44e: {  	v7 =	vadd.s32 v6, v7;
	v8 =	vsub.s32 v5, v0  }
0x44f: {  	v8 =	vshra.s32 v8, $0x1  }
0x450: {  	vm3 =	vle.f32 v25, v44;
	v8 =	vadd.s32 v0, v8  }
0x451: {  	v46 =	vld.idx.msk [tilespmem:v4+s18+$0x0], $0xffff;
	v12 =	vsel vm3, v42, v12;
	v10 =	vsel vm3, v10, v42  }
0x452: {  	vm9 =	vle.f32 v16, v45;
	v50 =	vsub.s32 v12, v10  }
0x453: {  	v31 =	vsel vm9, v38, v31;
	v32 =	vsel vm9, v32, v38;
	v47 =	vld.idx.msk [tilespmem:v7+s18+$0x0], $0xffff;
	v29 =	vshra.s32 v50, $0x1  }
0x454: {  	v38 =	vsub.s32 v31, v32;
	v29 =	vadd.s32 v10, v29  }
0x455: {  	v38 =	vshra.s32 v38, $0x1;
	v49 =	vld.idx.msk [tilespmem:v8+s18+$0x0], $0xffff  }
0x456: {  	v38 =	vadd.s32 v32, v38;
	vm3 =	vle.f32 v14, v51;
	vm15 =	vle.f32 v22, v46  }
0x457: {  	v37 =	vsel vm3, v43, v37;
	v3 =	vsel vm15, v4, v3;
	v1 =	vsel vm15, v1, v4  }
0x458: {  	v28 =	vsel vm3, v36, v43;
	v4 =	vsub.s32 v3, v1;
	vm3 =	vle.f32 v24, v47  }
0x459: {  	v4 =	vshra.s32 v4, $0x1;
	v2 =	vsel vm3, v7, v2;
	v6 =	vsel vm3, v6, v7;
	v51 =	vld.idx.msk [tilespmem:v29+s18+$0x0], $0xffff  }
0x45a: {  	v4 =	vadd.s32 v1, v4;
	v7 =	vsub.s32 v2, v6;
	vm8 =	vle.f32 v26, v49  }
0x45b: {  	v7 =	vshra.s32 v7, $0x1;
	v5 =	vsel vm8, v8, v5;
	v0 =	vsel vm8, v0, v8  }
0x45c: {  	vm3 =	vle.f32 v17, v48;
	v7 =	vadd.s32 v6, v7;
	v8 =	vsub.s32 v5, v0  }
0x45d: {  	v52 =	vsub.s32 v37, v28;
	v30 =	vsel vm3, v39, v30;
	v8 =	vshra.s32 v8, $0x1  }
0x45e: {  	v46 =	vld.idx.msk [tilespmem:v38+s18+$0x0], $0xffff;
	v33 =	vsel vm3, v33, v39;
	vm3 =	vle.f32 v25, v51;
	v8 =	vadd.s32 v0, v8  }
0x45f: {  	v11 =	vshra.s32 v52, $0x1;
	v54 =	vld.idx.msk [tilespmem:v4+s18+$0x0], $0xffff;
	v12 =	vsel vm3, v29, v12;
	v10 =	vsel vm3, v10, v29  }
0x460: {  	v53 =	vld.idx.msk [tilespmem:v41+s18+$0x0], $0xffff;
	v11 =	vadd.s32 v28, v11;
	v23 =	vsub.s32 v12, v10  }
0x461: {  	v55 =	vld.idx.msk [tilespmem:v7+s18+$0x0], $0xffff;
	v42 =	vshra.s32 v23, $0x1  }
0x462: {  	v39 =	vsub.s32 v30, v33;
	v27 =	vadd.s32 v10, v42  }
0x463: {  	vm5 =	vle.f32 v16, v46;
	v56 =	vshra.s32 v39, $0x1;
	v57 =	vld.idx.msk [tilespmem:v8+s18+$0x0], $0xffff  }
0x464: {  	v31 =	vsel vm5, v38, v31;
	v29 =	vadd.s32 v33, v56;
	vm10 =	vle.f32 v22, v54  }
0x465: {  	v45 =	vld.idx.msk [tilespmem:v11+s18+$0x0], $0xffff;
	vm3 =	vle.f32 v19, v53;
	v3 =	vsel vm10, v4, v3;
	v1 =	vsel vm10, v1, v4  }
0x466: {  	v35 =	vsel vm3, v41, v35;
	v47 =	vsub.s32 v3, v1;
	vm11 =	vle.f32 v24, v55  }
0x467: {  	v9 =	vsel vm3, v34, v41;
	v39 =	vshra.s32 v47, $0x1;
	v2 =	vsel vm11, v7, v2;
	v49 =	vld.idx.msk [tilespmem:v27+s18+$0x0], $0xffff  }
0x468: {  	v6 =	vsel vm11, v6, v7;
	v39 =	vadd.s32 v1, v39;
	vm3 =	vle.f32 v26, v57  }
0x469: {  	v32 =	vsel vm5, v32, v38;
	v48 =	vld.idx.msk [tilespmem:v29+s18+$0x0], $0xffff;
	v50 =	vsub.s32 v2, v6;
	v5 =	vsel vm3, v8, v5  }
0x46a: {  	v0 =	vsel vm3, v0, v8;
	v8 =	vshra.s32 v50, $0x1;
	vm3 =	vle.f32 v14, v45  }
0x46b: {  	v51 =	vsub.s32 v5, v0;
	v8 =	vadd.s32 v6, v8;
	v37 =	vsel vm3, v11, v37  }
0x46c: {  	v54 =	vsel vm3, v28, v11;
	vm3 =	vle.f32 v25, v49;
	v41 =	vshra.s32 v51, $0x1  }
0x46d: {  	v55 =	vsel vm3, v27, v12;
	v10 =	vsel vm3, v10, v27;
	v12 =	vld.idx.msk [tilespmem:v39+s18+$0x0], $0xffff;
	v53 =	vadd.s32 v0, v41  }
0x46e: {  	v52 =	vsub.s32 v35, v9;
	vm12 =	vle.f32 v17, v48;
	v44 =	vsub.s32 v55, v10  }
0x46f: {  	v7 =	vsel vm12, v29, v30;
	v56 =	vsel vm12, v33, v29;
	v33 =	vshra.s32 v44, $0x1  }
0x470: {  	v42 =	vshra.s32 v52, $0x1;
	v45 =	vsub.s32 v7, v56;
	v33 =	vadd.s32 v10, v33  }
0x471: {  	v47 =	vsub.s32 v31, v32;
	v36 =	vshra.s32 v45, $0x1;
	v57 =	vsub.s32 v37, v54;
	v23 =	vld.idx.msk [tilespmem:v8+s18+$0x0], $0xffff  }
0x472: {  	v28 =	vadd.s32 v56, v36;
	v41 =	vadd.s32 v9, v42;
	vm3 =	vle.f32 v22, v12;
	v46 =	vld.idx.msk [tilespmem:v53+s18+$0x0], $0xffff  }
0x473: {  	v29 =	vshra.s32 v57, $0x1;
	v3 =	vsel vm3, v39, v3;
	v1 =	vsel vm3, v1, v39  }
0x474: {  	v4 =	vadd.s32 v54, v29;
	v29 =	vshra.s32 v47, $0x1;
	v48 =	vsub.s32 v3, v1  }
0x475: {  	v12 =	vadd.s32 v32, v29;
	v49 =	vld.idx.msk [tilespmem:v33+s18+$0x0], $0xffff;
	v29 =	vshra.s32 v48, $0x1  }
0x476: {  	vm13 =	vle.f32 v24, v23;
	v29 =	vadd.s32 v1, v29  }
0x477: {  	v2 =	vsel vm13, v8, v2;
	v6 =	vsel vm13, v6, v8;
	vm3 =	vle.f32 v26, v46  }
0x478: {  	v52 =	vld.idx.msk [tilespmem:v28+s18+$0x0], $0xffff;
	v8 =	vsub.s32 v2, v6;
	v5 =	vsel vm3, v53, v5;
	v0 =	vsel vm3, v0, v53  }
0x479: {  	v50 =	vld.idx.msk [tilespmem:v41+s18+$0x0], $0xffff;
	v8 =	vshra.s32 v8, $0x1;
	v34 =	vsub.s32 v5, v0  }
0x47a: {  	v51 =	vld.idx.msk [tilespmem:v4+s18+$0x0], $0xffff;
	v8 =	vadd.s32 v6, v8;
	vm3 =	vle.f32 v25, v49;
	v34 =	vshra.s32 v34, $0x1  }
0x47b: {  	v11 =	vsel vm3, v33, v55;
	v10 =	vsel vm3, v10, v33;
	v55 =	vld.idx.msk [tilespmem:v29+s18+$0x0], $0xffff;
	v34 =	vadd.s32 v0, v34  }
0x47c: {  	v54 =	vsub.s32 v11, v10  }
0x47d: {  	v32 =	vshra.s32 v54, $0x1  }
0x47e: {  	vm14 =	vle.f32 v17, v52;
	vm3 =	vle.f32 v19, v50;
	v32 =	vadd.s32 v10, v32  }
0x47f: {  	v7 =	vsel vm14, v28, v7;
	v35 =	vsel vm3, v41, v35;
	v9 =	vsel vm3, v9, v41;
	v56 =	vld.idx.msk [tilespmem:v8+s18+$0x0], $0xffff  }
0x480: {  	vm3 =	vle.f32 v14, v51;
	v57 =	vsub.s32 v35, v9;
	vm6 =	vle.f32 v22, v55;
	v23 =	vld.idx.msk [tilespmem:v34+s18+$0x0], $0xffff  }
0x481: {  	v40 =	vshra.s32 v57, $0x1;
	v3 =	vsel vm6, v29, v3;
	v1 =	vsel vm6, v1, v29  }
0x482: {  	v4 =	vsel vm3, v4, v37;
	v9 =	vadd.s32 v9, v40;
	v29 =	vsub.s32 v3, v1  }
0x483: {  	vm4 =	vgt.s32 v7, $0x1;
	vm3 =	vgt.s32 v4, $0x1;
	v37 =	vld.idx.msk [tilespmem:v32+s18+$0x0], $0xffff;
	v29 =	vshra.s32 v29, $0x1  }
0x484: {  	v4 =	vnsel vm3, $0x1, v4;
	vm9 =	vle.f32 v24, v56;
	v29 =	vadd.s32 v1, v29  }
0x485: {  	v53 =	vld.idx.msk [tilespmem:v12+s18+$0x0], $0xffff;
	v2 =	vsel vm9, v8, v2;
	v6 =	vsel vm9, v6, v8;
	vm3 =	vle.f32 v26, v23  }
0x486: {  	v8 =	vsub.s32 v2, v6;
	v5 =	vsel vm3, v34, v5;
	v0 =	vsel vm3, v0, v34  }
0x487: {  	v7 =	vnsel vm4, $0x1, v7;
	v38 =	vld.idx.msk [tilespmem:v9+s18+$0x0], $0xffff;
	v8 =	vshra.s32 v8, $0x1;
	v39 =	vsub.s32 v5, v0  }
0x488: {  	v8 =	vadd.s32 v6, v8;
	vm3 =	vle.f32 v25, v37;
	v33 =	vshra.s32 v39, $0x1  }
0x489: {  	v11 =	vsel vm3, v32, v11;
	v10 =	vsel vm3, v10, v32;
	v40 =	vadd.s32 v0, v33  }
0x48a: {  	v7 =	vmin.u32 v7, $0xBFF;
	vm15 =	vle.f32 v16, v53;
	v43 =	vld.idx.msk [tilespmem:v29+s18+$0x0], $0xffff;
	v41 =	vsub.s32 v11, v10  }
0x48b: {  	v42 =	vadd.s32 $0xFFFFFFFF, v7;
	v12 =	vsel vm15, v12, v31;
	v28 =	vshra.s32 v41, $0x1  }
0x48c: {  	vm3 =	vgt.s32 v12, $0x1;
	vm10 =	vle.f32 v19, v38;
	v28 =	vadd.s32 v10, v28  }
0x48d: {  	v4 =	vmin.u32 v4, $0xBFF;
	v12 =	vnsel vm3, $0x1, v12;
	v9 =	vsel vm10, v9, v35;
	v44 =	vld.idx.msk [tilespmem:v8+s18+$0x0], $0xffff  }
0x48e: {  	v12 =	vmin.u32 v12, $0xBFF;
	vm3 =	vgt.s32 v9, $0x1;
	v45 =	vld.idx.msk [tilespmem:v40+s18+$0x0], $0xffff  }
0x48f: {  	v7 =	vld.idx.msk [tilespmem:v7+s18+$0x0], $0xffff;
	v46 =	vadd.s32 $0xFFFFFFFF, v12;
	v9 =	vnsel vm3, $0x1, v9;
	vm3 =	vle.f32 v22, v43  }
0x490: {  	v49 =	vld.idx.msk [tilespmem:v42+s18+$0x0], $0xffff;
	v9 =	vmin.u32 v9, $0xBFF;
	v3 =	vsel vm3, v29, v3;
	v1 =	vsel vm3, v1, v29  }
0x491: {  	v48 =	vadd.s32 $0xFFFFFFFF, v9;
	v52 =	vsub.s32 v3, v1;
	v50 =	vld.idx.msk [tilespmem:v28+s18+$0x0], $0xffff  }
0x492: {  	v47 =	vld.idx.msk [tilespmem:v4+s18+$0x0], $0xffff;
	v4 =	vadd.s32 $0xFFFFFFFF, v4;
	v31 =	vshra.s32 v52, $0x1;
	vm12 =	vle.f32 v24, v44  }
0x493: {  	v12 =	vld.idx.msk [tilespmem:v12+s18+$0x0], $0xffff;
	v2 =	vsel vm12, v8, v2;
	v6 =	vsel vm12, v6, v8;
	vm11 =	vle.f32 v26, v45  }
0x494: {  	v51 =	vld.idx.msk [tilespmem:v46+s18+$0x0], $0xffff;
	v55 =	vsub.s32 v2, v6;
	v5 =	vsel vm11, v40, v5;
	v0 =	vsel vm11, v0, v40  }
0x495: {  	v9 =	vld.idx.msk [tilespmem:v9+s18+$0x0], $0xffff;
	v1 =	vadd.s32 v1, v31;
	v31 =	vshra.s32 v55, $0x1;
	v53 =	vsub.s32 v5, v0  }
0x496: {  	v54 =	vld.idx.msk [tilespmem:v48+s18+$0x0], $0xffff;
	vm3 =	vle.f32 v25, v50;
	v6 =	vadd.s32 v6, v31;
	v33 =	vshra.s32 v53, $0x1  }
0x497: {  	v8 =	vld.idx.msk [tilespmem:v4+s18+$0x0], $0xffff;
	v11 =	vsel vm3, v28, v11;
	v10 =	vsel vm3, v10, v28;
	v0 =	vadd.s32 v0, v33  }
0x498: {  	v7 =	vsub.f32 v7, v49;
	v28 =	vsub.s32 v11, v10  }
0x499: {  	v44 =	vcvt.s32.f32 v46;
	v40 =	vcvt.s32.f32 v4;
	v28 =	vshra.s32 v28, $0x1  }
0x49a: {  	v12 =	vsub.f32 v12, v51;
	vm3 =	veq.f32 v7, $0.0e+00;
	v56 =	vld.idx.msk [tilespmem:v1+s18+$0x0], $0xffff;
	v10 =	vadd.s32 v10, v28  }
0x49b: {  	v16 =	vsub.f32 v16, v51;
	v9 =	vsub.f32 v9, v54;
	v7 =	vsel vm3, $0x3F800000, v7;
	v36 =	vld.idx.msk [tilespmem:v6+s18+$0x0], $0xffff  }
0x49c: {  	vm3 =	veq.f32 v12, $0.0e+00;
	v57 =	vsub.f32 v47, v8;
	v47 =	vsub.f32 v17, v49;
	v23 =	vld.idx.msk [tilespmem:v0+s18+$0x0], $0xffff  }
0x49d: {  	(erf) = vrcp.f32 v7;
	v27 =	vsel vm3, $0x3F800000, v12;
	vm3 =	veq.f32 v9, $0.0e+00  }
0x49e: {  	(erf) = vrcp.f32 v27;
	v33 =	vsel vm3, $0x3F800000, v9;
	vm3 =	veq.f32 v57, $0.0e+00  }
0x49f: {  	v12 =	vsel vm3, $0x3F800000, v57;
	(erf) = vrcp.f32 v33;
	vm3 =	vle.f32 v22, v56;
	v39 =	vld.idx.msk [tilespmem:v10+s18+$0x0], $0xffff  }
0x4a0: {  	(erf) = vrcp.f32 v12;
	v1 =	vsel vm3, v1, v3;
	vm14 =	vle.f32 v24, v36  }
0x4a1: {  	vm3 =	vgt.s32 v1, $0x1;
	v2 =	vsel vm14, v6, v2;
	vm13 =	vle.f32 v26, v23  }
0x4a2: {  	v1 =	vnsel vm3, $0x1, v1;
	vm3 =	vgt.s32 v2, $0x1;
	v0 =	vsel vm13, v0, v5  }
0x4a3: {  	v1 =	vmin.u32 v1, $0xBFF;
	v2 =	vnsel vm3, $0x1, v2;
	vm4 =	vgt.s32 v0, $0x1  }
0x4a4: {  	vm15 =	vle.f32 v25, v39;
	v2 =	vmin.u32 v2, $0xBFF;
	v0 =	vnsel vm4, $0x1, v0  }
0x4a5: {  	v12 =	vcvt.s32.f32 v42;
	v42 =	vsel vm15, v10, v11;
	v0 =	vmin.u32 v0, $0xBFF  }
0x4a6: {  	v17 =	vcvt.s32.f32 v48;
	vm3 =	vgt.s32 v42, $0x1;
	v41 =	vadd.s32 $0xFFFFFFFF, v0  }
0x4a7: {  	v53 =	vsub.f32 v19, v54;
	v46 =	vadd.s32 $0xFFFFFFFF, v2;
	v5 =	vnsel vm3, $0x1, v42  }
0x4a8: {  	v8 =	vsub.f32 v14, v8;
	v43 =	vmul.f32 $9.768805470e-04, v12;
	v45 =	vpop (erf);
	v12 =	vld.idx.msk [tilespmem:v1+s18+$0x0], $0xffff;
	v5 =	vmin.u32 v5, $0xBFF  }
0x4a9: {  	v7 =	vmul.f32 $9.768805470e-04, v44;
	v9 =	vmul.f32 $9.768805470e-04, v45;
	v48 =	vpop (erf);
	v49 =	vadd.s32 $0xFFFFFFFF, v5;
	v2 =	vld.idx.msk [tilespmem:v2+s18+$0x0], $0xffff  }
0x4aa: {  	v3 =	vmul.f32 $9.768805470e-04, v40;
	v28 =	vmul.f32 $9.768805470e-04, v48;
	v1 =	vadd.s32 $0xFFFFFFFF, v1;
	v0 =	vld.idx.msk [tilespmem:v0+s18+$0x0], $0xffff  }
0x4ab: {  	v51 =	vmul.f32 $9.768805470e-04, v17;
	v6 =	vadd.f32 $-1.000000000e+00, v43;
	v9 =	vmul.f32 v9, v47;
	v50 =	vld.idx.msk [tilespmem:v41+s18+$0x0], $0xffff  }
0x4ac: {  	v7 =	vadd.f32 $-1.000000000e+00, v7;
	v3 =	vadd.f32 $-1.000000000e+00, v3;
	v17 =	vpop (erf);
	v16 =	vmul.f32 v28, v16;
	v52 =	vld.idx.msk [tilespmem:v46+s18+$0x0], $0xffff  }
0x4ad: {  	v11 =	vadd.f32 $-1.000000000e+00, v51;
	v54 =	vmul.f32 $9.768805470e-04, v17;
	v17 =	vpop (erf);
	v6 =	vadd.f32 v6, v9;
	v5 =	vld.idx.msk [tilespmem:v5+s18+$0x0], $0xffff  }
0x4ae: {  	v31 =	vcvt.s32.f32 v46;
	v17 =	vmul.f32 $9.768805470e-04, v17;
	v7 =	vadd.f32 v7, v16;
	v14 =	vld.idx.msk [tilespmem:v49+s18+$0x0], $0xffff  }
0x4af: {  	v9 =	vmul.f32 v54, v53;
	v4 =	vcvt.s32.f32 v41;
	v6 =	vsub.f32 v6, v60;
	v13 =	vld.idx.msk [tilespmem:v1+s18+$0x0], $0xffff  }
0x4b0: {  	v8 =	vmul.f32 v17, v8;
	v7 =	vsub.f32 v7, v59;
	v0 =	vsub.f32 v0, v50  }
0x4b1: {  	v9 =	vadd.f32 v11, v9;
	v4 =	vmul.f32 $9.768805470e-04, v4;
	v36 =	vcvt.s32.f32 v49  }
0x4b2: {  	v1 =	vcvt.s32.f32 v1;
	v2 =	vsub.f32 v2, v52;
	vm3 =	veq.f32 v0, $0.0e+00  }
0x4b3: {  	v6 =	vand.u32 $0x7FFFFFFF, v6;
	v5 =	vsub.f32 v5, v14;
	v0 =	vsel vm3, $0x3F800000, v0  }
0x4b4: {  	v12 =	vsub.f32 v12, v13;
	vm3 =	veq.f32 v2, $0.0e+00;
	(erf) = vrcp.f32 v0  }
0x4b5: {  	v59 =	vadd.f32 v3, v8;
	v56 =	vsel vm3, $0x3F800000, v2;
	vm3 =	veq.f32 v5, $0.0e+00  }
0x4b6: {  	(erf) = vrcp.f32 v56;
	v57 =	vsel vm3, $0x3F800000, v5;
	vm3 =	veq.f32 v12, $0.0e+00  }
0x4b7: {  	v55 =	vsub.f32 $1.000000000e+00, v6;
	v60 =	vsel vm3, $0x3F800000, v12;
	(erf) = vrcp.f32 v57  }
0x4b8: {  	v7 =	vand.u32 $0x7FFFFFFF, v7;
	v9 =	vsub.f32 v9, v15;
	(erf) = vrcp.f32 v60  }
0x4b9: {  	v4 =	vadd.f32 $-1.000000000e+00, v4;
	v1 =	vmul.f32 $9.768805470e-04, v1;
	v11 =	vsub.f32 $1.000000000e+00, v7  }
0x4ba: {  	v8 =	vmin.f32 v6, v55;
	v19 =	vand.u32 $0x7FFFFFFF, v9;
	v9 =	vmul.f32 $9.768805470e-04, v36  }
0x4bb: {  	v1 =	vadd.f32 $-1.000000000e+00, v1;
	v23 =	vsub.f32 $1.000000000e+00, v19;
	v0 =	vmul.f32 v8, v8  }
0x4bc: {  	v39 =	vsub.f32 v24, v52;
	v46 =	vsub.f32 v22, v13;
	v5 =	vmin.f32 v7, v11  }
0x4bd: {  	v43 =	vadd.f32 $-1.000000000e+00, v9;
	v0 =	vadd.f32 v0, v21;
	v5 =	vmul.f32 v5, v5;
	v32 =	vpop (erf)  }
0x4be: {  	v34 =	vsub.f32 v26, v50;
	v2 =	vsub.f32 v59, v58;
	v33 =	vmul.f32 $9.768805470e-04, v32  }
0x4bf: {  	v3 =	vmin.f32 v19, v23;
	v0 =	vadd.f32 v5, v0;
	v5 =	vmul.f32 $9.768805470e-04, v31;
	v35 =	vpop (erf)  }
0x4c0: {  	v2 =	vand.u32 $0x7FFFFFFF, v2;
	v37 =	vpop (erf);
	v38 =	vmul.f32 $9.768805470e-04, v35;
	v6 =	vmul.f32 v33, v34  }
0x4c1: {  	v12 =	vsub.f32 v25, v14;
	v5 =	vadd.f32 $-1.000000000e+00, v5;
	v40 =	vpop (erf);
	v42 =	vmul.f32 $9.768805470e-04, v37  }
0x4c2: {  	_ =	swait.ge [sflag:s14], $0x8000;
	v41 =	vmul.f32 v38, v39;
	v45 =	vmul.f32 $9.768805470e-04, v40;
	v4 =	vadd.f32 v4, v6  }
0x4c3: {  	v3 =	vmul.f32 v3, v3;
	v27 =	vsub.f32 $1.000000000e+00, v2;
	[sflag:s14] =	ssyncset.done $0x0;
	v44 =	vmul.f32 v42, v12  }
0x4c4: {  	s0 =	simm.s32 $0x40;
	[sflag:s14] =	ssyncadd.s32 $0xFFFF8000;
	v5 =	vadd.f32 v5, v41;
	v7 =	vmul.f32 v45, v46;
	v4 =	vsub.f32 v4, v63  }
0x4c5: {  	v0 =	vadd.f32 v3, v0;
	[tilespmem:s15], [sflag:$0x1] =	stream.strided.gather [hbm4b:s7+s12], $0x8000, s13, s12, $0x38;
	v3 =	vadd.f32 v43, v44;
	[tilespmem:$0x12600] =	vst v63  }
0x4c6: {  	v5 =	vsub.f32 v5, v62;
	v47 =	vld [tilespmem:s0+$0x30];
	v1 =	vadd.f32 v1, v7;
	v4 =	vand.u32 $0x7FFFFFFF, v4  }
0x4c7: {  	v2 =	vmin.f32 v2, v27;
	v49 =	vld [tilespmem:s0+$0xFFFFFFD0];
	v3 =	vsub.f32 v3, v20;
	v48 =	vsub.f32 $1.000000000e+00, v4  }
0x4c8: {  	v2 =	vmul.f32 v2, v2;
	v50 =	vld [tilespmem:s0+$0xFFFFFFE0];
	v5 =	vand.u32 $0x7FFFFFFF, v5;
	v1 =	vsub.f32 v1, v18  }
0x4c9: {  	v52 =	vld [tilespmem:s0+$0xFFFFFFF0];
	v51 =	vsub.f32 $1.000000000e+00, v5;
	v3 =	vand.u32 $0x7FFFFFFF, v3;
	v4 =	vmin.f32 v4, v48  }
0x4ca: {  	v0 =	vadd.f32 v2, v0;
	v54 =	vld [tilespmem:s0+$0x0];
	v12 =	vsub.f32 $1.000000000e+00, v3;
	v53 =	vmul.f32 v4, v4  }
0x4cb: {  	v1 =	vand.u32 $0x7FFFFFFF, v1;
	v5 =	vmin.f32 v5, v51;
	v56 =	vshra.s32 v47, $0x10  }
0x4cc: {  	v55 =	vld [tilespmem:s0+$0x10];
	v57 =	vshra.s32 v49, $0x10;
	v5 =	vmul.f32 v5, v5;
	v0 =	vadd.f32 v53, v0  }
0x4cd: {  	v13 =	vshra.s32 v50, $0x10;
	v3 =	vmin.f32 v3, v12;
	v12 =	vsub.f32 $1.000000000e+00, v1  }
0x4ce: {  	v14 =	vld [tilespmem:s0+$0x20];
	v15 =	vshra.s32 v52, $0x10;
	v3 =	vmul.f32 v3, v3;
	v0 =	vadd.f32 v5, v0  }
0x4cf: {  	v58 =	vld [tilespmem:s0+$0xFFFFFFC0];
	v16 =	vshra.s32 v54, $0x10;
	v6 =	vshll.u32 v47, $0x10;
	v1 =	vmin.f32 v1, v12  }
0x4d0: {  	v9 =	vshll.u32 v49, $0x10;
	v1 =	vmul.f32 v1, v1;
	[tilespmem:v56+s16+$0x0] =	vst.idx.add.f32.msk $0xffff, v6;
	v0 =	vadd.f32 v3, v0  }
0x4d1: {  	v17 =	vshra.s32 v55, $0x10;
	v59 =	vshll.u32 v50, $0x10;
	[tilespmem:v57+s16+$0x0] =	vst.idx.add.f32.msk $0xffff, v9  }
0x4d2: {  	v60 =	vshll.u32 v52, $0x10;
	[tilespmem:v13+s16+$0x0] =	vst.idx.add.f32.msk $0xffff, v59;
	v0 =	vadd.f32 v1, v0  }
0x4d3: {  	[tilespmem:v15+s16+$0x0] =	vst.idx.add.f32.msk $0xffff, v60  }
0x4d4: {  	v62 =	vshll.u32 v54, $0x10;
	[tilespmem:$0x1FF40] =	vst v0  }
0x4d5: {  	v63 =	vshll.u32 v55, $0x10;
	v12 =	vshll.u32 v14, $0x10;
	[tilespmem:v16+s16+$0x0] =	vst.idx.add.f32.msk $0xffff, v62  }
0x4d6: {  	s21 =	simm.s32 $0x0;
	s22 =	simm.s32 $0xC0;
	v13 =	vshra.s32 v14, $0x10;
	v14 =	vshll.u32 v58, $0x10;
	v15 =	vshra.s32 v58, $0x10;
	[tilespmem:v17+s16+$0x0] =	vst.idx.add.f32.msk $0xffff, v63  }
.LBB2_20:
0x4d7: {  	v0 =	vld [tilespmem:s22+$0x30];
	s21 =	sadd.s32 $0x8, s21  }
0x4d8: {  	v1 =	vld [tilespmem:s22+$0xFFFFFFD0];
	p0 =	slt.u32 s21, $0x7F8  }
0x4d9: {  	v2 =	vld [tilespmem:s22+$0xFFFFFFE0]  }
0x4da: {  	v3 =	vld [tilespmem:s22+$0xFFFFFFF0]  }
0x4db: {  	v4 =	vld [tilespmem:s22+$0x0]  }
0x4dc: {  	v5 =	vld [tilespmem:s22+$0x10];
	v6 =	vshra.s32 v0, $0x10  }
0x4dd: {  	v7 =	vshll.u32 v1, $0x10;
	v1 =	vshra.s32 v1, $0x10;
	v8 =	vld [tilespmem:s22+$0x20]  }
0x4de: {  	v9 =	vld [tilespmem:s22+$0xFFFFFFC0];
	v10 =	vshll.u32 v2, $0x10;
	v2 =	vshra.s32 v2, $0x10  }
0x4df: {  	v16 =	vshll.u32 v3, $0x10;
	v3 =	vshra.s32 v3, $0x10;
	[tilespmem:v15+s16+$0x0] =	vst.idx.add.f32.msk $0xffff, v14  }
0x4e0: {  	s23 =	simm.s32 $0x10020;
	v0 =	vshll.u32 v0, $0x10;
	v17 =	vshll.u32 v4, $0x10;
	v4 =	vshra.s32 v4, $0x10;
	[tilespmem:v13+s16+$0x0] =	vst.idx.add.f32.msk $0xffff, v12  }
0x4e1: {  	s24 =	simm.f32 $0.0e+00;
	s25 =	simm.s32 $0x10CA0;
	v18 =	vshll.u32 v5, $0x10;
	v5 =	vshra.s32 v5, $0x10;
	[tilespmem:v6+s16+$0x0] =	vst.idx.add.f32.msk $0xffff, v0  }
.Ltmp9:
0x4e2: {  	[tilespmem:v1+s16+$0x0] =	vst.idx.add.f32.msk $0xffff, v7;
	v12 =	vshll.u32 v8, $0x10;
	v13 =	vshra.s32 v8, $0x10;
	(pc) =	sbr.rel @p0 .LBB2_20-.Ltmp9, $4  }
0x4e3: {  	v14 =	vshll.u32 v9, $0x10;
	v15 =	vshra.s32 v9, $0x10;
	[tilespmem:v2+s16+$0x0] =	vst.idx.add.f32.msk $0xffff, v10  }
0x4e4: {  	[tilespmem:v3+s16+$0x0] =	vst.idx.add.f32.msk $0xffff, v16  }
0x4e5: {  	[tilespmem:v4+s16+$0x0] =	vst.idx.add.f32.msk $0xffff, v17  }
0x4e6: {  	s22 =	sadd.s32 $0x80, s22;
	[tilespmem:v5+s16+$0x0] =	vst.idx.add.f32.msk $0xffff, v18  }
0x4e7: {  	_ =	sdelay $0x3  }
0x4e8: {  	[tilespmem:v15+s16+$0x0] =	vst.idx.add.f32.msk $0xffff, v14  }
0x4e9: {  	[tilespmem:v13+s16+$0x0] =	vst.idx.add.f32.msk $0xffff, v12  }
0x4ea: {  	v0 =	vld [tilespmem:s23+$0x0]  }
0x4eb: {  	v1 =	vld [tilespmem:s23+$0xFFFFFFE0];
	_ =	sdelay $0x2  }
0x4ec: {  	v2 =	vld [tilespmem:s23+$0xFFFFFFF0]  }
0x4ed: {  	(xrf2) =	vadd.scan.msk.f32 $0xffff, v0  }
0x4ee: {  	(xrf2) =	vadd.scan.msk.f32 $0xffff, v1;
	_ =	sdelay $0x2  }
0x4ef: {  	(xrf2) =	vadd.scan.msk.f32 $0xffff, v2;
	_ =	sdelay $0x1  }
0x4f0: {  	s22 =	simm.s32 $0x10060  }
0x4f1: {  	v3 =	vld [tilespmem:s22+$0x0]  }
0x4f2: {  	v4 =	vld [tilespmem:s23+$0x10];
	_ =	sdelay $0x1  }
0x4f3: {  	v5, _, _ =	vpop (xrf2)  }
0x4f4: {  	v7 =	vld [tilespmem:s22+$0xFFFFFFE0];
	v6, _, _ =	vpop (xrf2)  }
0x4f5: {  	(xrf2) =	vadd.scan.msk.f32 $0xffff, v3;
	(v2sf) =	vpush v6, $0xF  }
0x4f6: {  	(xrf2) =	vadd.scan.msk.f32 $0xffff, v4  }
0x4f7: {  	v9 =	vld [tilespmem:s22+$0xFFFFFFF0];
	v8, _, _ =	vpop (xrf2)  }
0x4f8: {  	(v2sf) =	vpush v8, $0xF  }
0x4f9: {  	(xrf2) =	vadd.scan.msk.f32 $0xffff, v7;
	(v2sf) =	vpush v5, $0xF  }
0x4fa: {  	s21 =	simm.s32 $0x100A0  }
0x4fb: {  	v10 =	vld [tilespmem:s21+$0x0]  }
0x4fc: {  	v19 =	vld [tilespmem:s22+$0x10];
	(xrf2) =	vadd.scan.msk.f32 $0xffff, v9  }
0x4fd: {  	v24 =	vld [tilespmem:s21+$0xFFFFFFE0];
	_ =	sdelay $0x1  }
0x4fe: {  	v17, _, _ =	vpop (xrf2)  }
0x4ff: {  	(xrf2) =	vadd.scan.msk.f32 $0xffff, v10;
	v13, _, _ =	vpop (xrf2)  }
0x500: {  	(xrf2) =	vadd.scan.msk.f32 $0xffff, v19;
	(v2sf) =	vpush v13, $0xF  }
0x501: {  	(xrf2) =	vadd.scan.msk.f32 $0xffff, v24  }
0x502: {  	v14 =	vld [tilespmem:s21+$0xFFFFFFF0];
	v57, _, _ =	vpop (xrf2)  }
0x503: {  	s0 =	spop (v2sf);
	(v2sf) =	vpush v57, $0xF  }
0x504: {  	s28 =	simm.s32 $0x100E0  }
0x505: {  	v15 =	vld [tilespmem:s28+$0x0];
	v59, _, _ =	vpop (xrf2)  }
0x506: {  	v1 =	vsub.f32 v6, v1;
	s1 =	spop (v2sf);
	(v2sf) =	vpush v59, $0xF  }
0x507: {  	v2 =	vsub.f32 v8, v2;
	(xrf2) =	vadd.scan.msk.f32 $0xffff, v14;
	s26 =	spop (v2sf);
	(v2sf) =	vpush v17, $0xF  }
0x508: {  	v1 =	vadd.f32 s24, v1;
	v58 =	vsub.f32 v13, v4;
	v13 =	vld [tilespmem:s21+$0x10];
	s0 =	sadd.f32 s0, s24  }
0x509: {  	v11 =	vimm.f32 $0.0e+00;
	v20, _, _ =	vpop (xrf2)  }
0x50a: {  	v0 =	vsub.f32 v5, v0;
	[tilespmem:s25+$0xFFFFFFE0] =	vst v1;
	(xrf2) =	vadd.scan.msk.f32 $0xffff, v15;
	v62, _, _ =	vpop (xrf2);
	v60 =	vadd.f32 s0, v2;
	s0 =	sadd.f32 s1, s0  }
0x50b: {  	v21 =	vld [tilespmem:s28+$0xFFFFFFE0];
	v12 =	vsub.f32 v17, v3;
	[tilespmem:s23+$0xFFFFFFE0] =	vst v11;
	v63, _, _ =	vpop (xrf2);
	(v2sf) =	vpush v62, $0xF  }
0x50c: {  	v25 =	vimm.f32 $2.000000000e+00;
	(v2sf) =	vpush v63, $0xF;
	[tilespmem:s25+$0xFFFFFFF0] =	vst v60;
	v0 =	vadd.f32 s0, v0  }
0x50d: {  	v22 =	vld [tilespmem:s28+$0xFFFFFFF0];
	v16 =	vsub.f32 v57, v7;
	v18 =	vsub.f32 v59, v9;
	(xrf2) =	vadd.scan.msk.f32 $0xffff, v13;
	s30 =	sadd.f32 s26, s0;
	[tilespmem:s23+$0xFFFFFFF0] =	vst v11  }
0x50e: {  	s29 =	simm.s32 $0xC;
	v26 =	vimm.s32 $0xFFFFDC03;
	v19 =	vsub.f32 v62, v19;
	v24 =	vsub.f32 v63, v24;
	[tilespmem:s25+$0x0] =	vst v0  }
0x50f: {  	v38 =	vimm.s32 $0x600;
	s24 =	simm.s32 $0x100E0;
	v17 =	vsub.f32 v20, v10;
	s31 =	spop (v2sf);
	s26 =	simm.s32 $0x10CA0;
	v23 =	vadd.f32 s30, v58;
	[tilespmem:s23+$0x0] =	vst v11  }
.LBB2_22:
0x510: {  	s29 =	sadd.s32 $0x4, s29;
	s28 =	sadd.s32 $0x40, s28;
	(xrf2) =	vadd.scan.msk.f32 $0xffff, v21;
	s25 =	sadd.s32 $0x40, s25;
	v0 =	vmov v21  }
0x511: {  	v1 =	vld [tilespmem:s28+$0x0];
	p0 =	slt.u32 s29, $0xBC;
	v2, _, _ =	vpop (xrf2)  }
0x512: {  	s1 =	sadd.f32 s31, s30;
	v3 =	vld [tilespmem:s24+$0x10];
	v4 =	vsub.f32 v2, v14;
	(v2sf) =	vpush v2, $0xF;
	s0 =	spop (v2sf);
	[tilespmem:s26+$0x10] =	vst v23;
	v14 =	vmov v22;
	s26 =	smov.u32 s25  }
0x513: {  	(xrf2) =	vadd.scan.msk.f32 $0xffff, v14;
	(v2sf) =	vpush v20, $0xF;
	[tilespmem:s23+$0x10] =	vst v11;
	s23 =	smov.u32 s22;
	s22 =	smov.u32 s21;
	s21 =	smov.u32 s24  }
0x514: {  	v2 =	vadd.f32 s1, v16;
	v16 =	vmov v24;
	s0 =	sadd.f32 s0, s1;
	s24 =	smov.u32 s28;
	v20, _, _ =	vpop (xrf2)  }
0x515: {  	v5 =	vsub.f32 v20, v15;
	s1 =	spop (v2sf)  }
0x516: {  	(xrf2) =	vadd.scan.msk.f32 $0xffff, v1;
	[tilespmem:s25+$0xFFFFFFE0] =	vst v2;
	v2 =	vadd.f32 s0, v18;
	s0 =	sadd.f32 s1, s0;
	s1 =	spop (v2sf);
	v15 =	vmovc v1;
	v18 =	vmov v4  }
.Ltmp10:
0x517: {  	v21 =	vld [tilespmem:s28+$0xFFFFFFE0];
	v1, _, _ =	vpop (xrf2);
	[tilespmem:s23+$0xFFFFFFE0] =	vst v11;
	(pc) =	sbr.rel @p0 .LBB2_22-.Ltmp10, $4  }
0x518: {  	(v2sf) =	vpush v1, $0xF;
	[tilespmem:s25+$0xFFFFFFF0] =	vst v2;
	v2 =	vadd.f32 s0, v12;
	s30 =	sadd.f32 s1, s0;
	v12 =	vmovc v17;
	v17 =	vmov v5  }
0x519: {  	v1 =	vsub.f32 v1, v13;
	v13 =	vmov v3;
	v22 =	vld [tilespmem:s28+$0xFFFFFFF0];
	(xrf2) =	vadd.scan.msk.f32 $0xffff, v3;
	[tilespmem:s23+$0xFFFFFFF0] =	vst v11  }
0x51a: {  	v3, _, _ =	vpop (xrf2);
	[tilespmem:s25+$0x0] =	vst v2;
	v23 =	vadd.f32 s30, v19  }
0x51b: {  	v19 =	vmov v1;
	v24 =	vsub.f32 v3, v0;
	(v2sf) =	vpush v3, $0xF;
	[tilespmem:s23+$0x0] =	vst v11;
	s31 =	spop (v2sf)  }
0x51c: {  	(xrf2) =	vadd.scan.msk.f32 $0xffff, v21;
	_ =	sdelay $0x3  }
0x51d: {  	v0, _, _ =	vpop (xrf2);
	(xrf2) =	vadd.scan.msk.f32 $0xffff, v22  }
0x51e: {  	(v2sf) =	vpush v0, $0xF;
	_ =	sdelay $0x1  }
0x51f: {  	(v2sf) =	vpush v20, $0xF;
	v1, _, _ =	vpop (xrf2)  }
0x520: {  	v5 =	vld [tilespmem:s24+$0x10];
	v2, _, _ =	vpop (xrf2)  }
0x521: {  	s0 =	sadd.f32 s31, s30;
	(v2sf) =	vpush v2, $0xF  }
0x522: {  	s1 =	spop (v2sf);
	v3, _, _ =	vpop (xrf2)  }
0x523: {  	s1 =	sadd.f32 s1, s0;
	(v2sf) =	vpush v3, $0xF  }
0x524: {  	s2 =	spop (v2sf)  }
0x525: {  	(xrf2) =	vadd.scan.msk.f32 $0xffff, v5;
	s2 =	sadd.f32 s2, s1  }
0x526: {  	s19 =	spop (v2sf);
	v4, _, _ =	vpop (xrf2)  }
0x527: {  	s19 =	sadd.f32 s19, s2;
	(v2sf) =	vpush v4, $0xF  }
0x528: {  	s28 =	spop (v2sf)  }
0x529: {  	s28 =	sadd.f32 s28, s19  }
0x52a: {  	(v2sf) =	vpush v1, $0xF;
	s29 =	spop (v2sf)  }
0x52b: {  	v6 =	vadd.f32 s0, v16;
	v0 =	vsub.f32 v0, v14;
	s29 =	sadd.f32 s29, s28  }
0x52c: {  	v7 =	vadd.f32 s1, v18;
	v8 =	vadd.f32 s2, v12;
	s31 =	spop (v2sf)  }
0x52d: {  	v2 =	vsub.f32 v2, v13;
	v9 =	vadd.f32 s19, v19;
	s30 =	sadd.f32 s31, s29  }
0x52e: {  	[tilespmem:s26+$0x10] =	vst v23;
	s26 =	simm.s32 $0x40;
	v3 =	vsub.f32 v3, v21;
	v4 =	vsub.f32 v4, v22;
	s31 =	spop (v2sf)  }
0x52f: {  	v53 =	vmov s26;
	v10 =	vadd.f32 s28, v24;
	v13, _, _ =	vpop (xrf2);
	s31 =	sadd.f32 s31, s30;
	v12 =	vadd.f32 s30, v17;
	s30 =	simm.s32 $0x0  }
0x530: {  	v1 =	vsub.f32 v1, v15;
	v5 =	vsub.f32 v13, v5;
	v39 =	vmov s30;
	s1 =	spop (v2sf)  }
0x531: {  	v0 =	vadd.f32 s29, v0;
	v2 =	vadd.f32 s31, v2;
	vm11 =	vlt.u32 v39, $0x800;
	s0 =	sadd.f32 s1, s31;
	s31 =	simm.s32 $0x10  }
0x532: {  	vm14 =	vlt.u32 v39, $0x400;
	v14 =	vor.u32 s31, v61;
	s2 =	spop (v2sf);
	(v2sf) =	vpush v13, $0xF  }
0x533: {  	v3 =	vadd.f32 s0, v3;
	v13 =	vor.u32 s30, v61;
	vm7 =	vlt.u32 v14, $0xBFF  }
0x534: {  	s25 =	sadd.s32 $0x40, s25;
	[tilespmem:s23+$0x10] =	vst v11;
	v14 =	vmul.u32 $0x3, v14;
	vm3 =	vlt.u32 v13, $0xBFF;
	v43 =	vsel vm7, $0xFFFFE802, v26  }
0x535: {  	[tilespmem:s25+$0xFFFFFFE0] =	vst v6;
	s1 =	sadd.f32 s2, s0;
	v46 =	vmul.u32 $0x3, v13;
	v48 =	vsel vm7, $0x3F800000, v25;
	v13 =	vor.u32 s26, v61  }
0x536: {  	[tilespmem:s22+$0xFFFFFFE0] =	vst v11;
	s19 =	spop (v2sf);
	v45 =	vsel vm3, $0xFFFFE802, v26;
	v49 =	vsel vm3, $0x3F800000, v25;
	vm3 =	vlt.u32 v13, $0xBFF  }
0x537: {  	[tilespmem:s25+$0x0] =	vst v8;
	v58 =	vmul.u32 $0x3, v13;
	s2 =	sadd.f32 s19, s1;
	v4 =	vadd.f32 s1, v4;
	s19 =	simm.s32 $0x20;
	v8 =	vsel vm11, $0xFFFFF401, v45  }
0x538: {  	[tilespmem:s25+$0xFFFFFFF0] =	vst v7;
	v57 =	vsel vm3, $0xFFFFE802, v26;
	v62 =	vsel vm3, $0x3F800000, v25;
	v16 =	vor.u32 s19, v61  }
0x539: {  	[tilespmem:s22+$0xFFFFFFF0] =	vst v11;
	s28 =	spop (v2sf);
	v44 =	vmov s19;
	v8 =	vsel vm14, $0x0, v8;
	v1 =	vadd.f32 s2, v1  }
0x53a: {  	s23 =	sadd.s32 $0x40, s25;
	[tilespmem:s22+$0x0] =	vst v11;
	s29 =	sadd.f32 s28, s2;
	s2 =	simm.s32 $0x30;
	vm8 =	vlt.u32 v16, $0xBFF;
	vm12 =	vlt.u32 v44, $0x800;
	vm13 =	vlt.u32 v44, $0x400  }
0x53b: {  	[tilespmem:s23+$0xFFFFFFF0] =	vst v0;
	v47 =	vmul.u32 $0x3, v16;
	v0 =	vadd.s32 v46, v8;
	s28 =	simm.s32 $0x50;
	v15 =	vor.u32 s2, v61  }
0x53c: {  	[tilespmem:s25+$0x10] =	vst v9;
	v40 =	vmov s2;
	v50 =	vsel vm8, $0x3F800000, v25;
	v54 =	vor.u32 s28, v61  }
0x53d: {  	[tilespmem:s22+$0x10] =	vst v11;
	v56 =	vmov s28;
	v5 =	vadd.f32 s29, v5;
	vm6 =	vlt.u32 v15, $0xBFF  }
0x53e: {  	[tilespmem:s23+$0xFFFFFFE0] =	vst v10;
	vm5 =	vlt.u32 v40, $0x800;
	vm4 =	vlt.u32 v40, $0x400;
	v42 =	vmul.u32 $0x3, v15  }
0x53f: {  	[tilespmem:s23+$0x10] =	vst v2;
	s0 =	sadd.s32 $0x40, s23;
	v15 =	vmov s31;
	v2 =	vsel vm12, $0x0, v50;
	vm7 =	vlt.u32 v54, $0xBFF  }
0x540: {  	[tilespmem:s0+$0xFFFFFFF0] =	vst v4;
	v4 =	vmul.u32 $0x3, v54;
	v41 =	vsel vm6, $0xFFFFE802, v26;
	vm10 =	vlt.u32 v15, $0x800  }
0x541: {  	[tilespmem:s23+$0x0] =	vst v12;
	s29 =	simm.s32 $0x70;
	vm9 =	vlt.u32 v15, $0x400;
	v15 =	vsel vm8, $0xFFFFE802, v26;
	v12 =	vsel vm6, $0x3F800000, v25  }
0x542: {  	[tilespmem:s21+$0xFFFFFFE0] =	vst v11;
	v2 =	vsel vm13, $0xBF800000, v2;
	v16 =	vmov s29;
	v60 =	vsel vm7, $0x3F800000, v25  }
0x543: {  	[tilespmem:s21+$0xFFFFFFF0] =	vst v11;
	v7 =	vsel vm5, $0xFFFFF401, v41;
	v9 =	vsel vm10, $0xFFFFF401, v43;
	v15 =	vsel vm12, $0xFFFFF401, v15  }
0x544: {  	[tilespmem:s21+$0x0] =	vst v11;
	v8 =	vsel vm10, $0x0, v48;
	v12 =	vsel vm5, $0x0, v12;
	vm6 =	vlt.u32 v16, $0x800  }
0x545: {  	[tilespmem:s21+$0x10] =	vst v11;
	vm12 =	vlt.u32 v53, $0x800;
	v7 =	vsel vm4, $0x0, v7;
	v9 =	vsel vm9, $0x0, v9  }
0x546: {  	[tilespmem:s0+$0xFFFFFFE0] =	vst v3;
	v10 =	vsel vm13, $0x0, v15;
	v9 =	vadd.s32 v14, v9;
	v14 =	vor.u32 s29, v61  }
0x547: {  	s30 =	simm.s32 $0x60;
	[tilespmem:s24+$0xFFFFFFE0] =	vst v11;
	v51 =	vsel vm9, $0xBF800000, v8;
	v52 =	vsel vm4, $0xBF800000, v12;
	vm5 =	vlt.u32 v14, $0xBFF  }
0x548: {  	[tilespmem:s24+$0xFFFFFFF0] =	vst v11;
	v15 =	vor.u32 s30, v61;
	vm4 =	vlt.u32 v16, $0x400;
	v55 =	vsel vm5, $0xFFFFE802, v26  }
0x549: {  	[tilespmem:s0+$0x0] =	vst v1;
	v7 =	vadd.s32 v42, v7;
	v14 =	vmul.u32 $0x3, v14;
	v1 =	vsel vm6, $0xFFFFF401, v55  }
0x54a: {  	[tilespmem:s24+$0x0] =	vst v11;
	v16 =	vsel vm7, $0xFFFFE802, v26;
	vm9 =	vlt.u32 v56, $0x400;
	v1 =	vsel vm4, $0x0, v1  }
0x54b: {  	[tilespmem:s0+$0x10] =	vst v5;
	v5 =	vsel vm12, $0xFFFFF401, v57;
	v6 =	vadd.s32 v47, v10;
	v1 =	vadd.s32 v14, v1  }
0x54c: {  	[tilespmem:s24+$0x10] =	vst v11;
	v10 =	vsel vm11, $0x0, v49;
	vm10 =	vlt.u32 v15, $0xBFF;
	vm11 =	vlt.u32 v56, $0x800  }
0x54d: {  	[tilespmem:$0x10C00] =	vst v11;
	v15 =	vmul.u32 $0x3, v15;
	v16 =	vsel vm11, $0xFFFFF401, v16;
	v14 =	vmov s30  }
0x54e: {  	v7 =	vld.idx.msk [tilespmem:v7+s17+$0x0], $0xffff;
	vm13 =	vlt.u32 v14, $0x800;
	vm8 =	vlt.u32 v14, $0x400;
	v14 =	vsel vm10, $0xFFFFE802, v26  }
0x54f: {  	v12 =	vsel vm14, $0xBF800000, v10;
	v13 =	vsel vm9, $0x0, v16;
	v9 =	vld.idx.msk [tilespmem:v9+s17+$0x0], $0xffff;
	v14 =	vsel vm13, $0xFFFFF401, v14  }
0x550: {  	vm14 =	vlt.u32 v53, $0x400;
	v4 =	vadd.s32 v4, v13;
	v13 =	vsel vm8, $0x0, v14;
	v1 =	vld.idx.msk [tilespmem:v1+s17+$0x0], $0xffff  }
0x551: {  	v5 =	vsel vm14, $0x0, v5;
	v6 =	vld.idx.msk [tilespmem:v6+s17+$0x0], $0xffff;
	v59 =	vadd.s32 v15, v13;
	v13 =	vsel vm5, $0x3F800000, v25  }
0x552: {  	v10 =	vsel vm12, $0x0, v62;
	v17 =	vadd.s32 v58, v5;
	v15 =	vsel vm6, $0x0, v13;
	v13 =	vld.idx.msk [tilespmem:v0+s17+$0x0], $0xffff  }
0x553: {  	v8 =	vsel vm11, $0x0, v60;
	v19 =	vsel vm14, $0xBF800000, v10  }
0x554: {  	v14 =	vsel vm10, $0x3F800000, v25;
	v7 =	vadd.f32 v7, v52;
	v15 =	vsel vm4, $0xBF800000, v15  }
0x555: {  	s22 =	simm.s32 $0x11960;
	s21 =	simm.s32 $0x11920;
	v18 =	vld.idx.msk [tilespmem:v4+s17+$0x0], $0xffff;
	v63 =	vsel vm13, $0x0, v14;
	v14 =	vsel vm9, $0xBF800000, v8;
	v22 =	vadd.f32 v1, v15  }
0x556: {  	s23 =	simm.s32 $0x4;
	s24 =	simm.s32 $0x80;
	s31 =	spop (v2sf);
	v16 =	vsel vm8, $0xBF800000, v63;
	v21 =	vadd.f32 v9, v51;
	v20 =	vadd.f32 v6, v2;
	[tilespmem:s21+$0x10] =	vst v7;
	v15 =	vld.idx.msk [tilespmem:v59+s17+$0x0], $0xffff  }
.LBB2_24:
0x557: {  	v0 =	vmov s24;
	v1 =	vor.u32 s24, v61;
	s0 =	sadd.s32 $0x10, s24;
	s1 =	sadd.s32 $0x30, s24;
	s23 =	sadd.s32 $0x4, s23;
	[tilespmem:s22+$0x10] =	vst v22;
	v2 =	vadd.f32 v13, v12;
	v13 =	vld.idx.msk [tilespmem:v17+s17+$0x0], $0xffff;
	v12 =	vmovc v19  }
0x558: {  	s2 =	sadd.s32 $0x20, s24;
	vm3 =	vlt.u32 v1, $0xBFF;
	v3 =	vor.u32 s0, v61;
	v4 =	vor.u32 s1, v61;
	p0 =	slt.u32 s23, $0xBC;
	[tilespmem:s21+$0xFFFFFFF0] =	vst v21  }
0x559: {  	v5 =	vor.u32 s2, v61;
	v8 =	vmov s1;
	vm5 =	vlt.u32 v4, $0xBFF;
	[tilespmem:s21+$0x0] =	vst v20  }
0x55a: {  	vm7 =	vlt.u32 v3, $0xBFF;
	vm4 =	vlt.u32 v8, $0x800;
	v7 =	vsel vm5, $0xFFFFE802, v26;
	[tilespmem:s21+$0xFFFFFFE0] =	vst v2;
	s21 =	smov.u32 s22  }
0x55b: {  	vm6 =	vlt.u32 v8, $0x400;
	v4 =	vmul.u32 $0x3, v4;
	v6 =	vmovc v18;
	v2 =	vsel vm4, $0xFFFFF401, v7  }
0x55c: {  	vm8 =	vlt.u32 v5, $0xBFF;
	v7 =	vmov s0;
	v2 =	vsel vm6, $0x0, v2  }
0x55d: {  	v9 =	vmov s2;
	v8 =	vsel vm7, $0xFFFFE802, v26;
	v2 =	vadd.s32 v4, v2  }
0x55e: {  	v10 =	vsel vm8, $0xFFFFE802, v26;
	vm10 =	vlt.u32 v7, $0x800;
	v4 =	vsel vm3, $0xFFFFE802, v26  }
0x55f: {  	vm9 =	vlt.u32 v0, $0x800;
	vm11 =	vlt.u32 v9, $0x800;
	v8 =	vsel vm10, $0xFFFFF401, v8  }
0x560: {  	vm12 =	vlt.u32 v7, $0x400;
	v7 =	vsel vm11, $0xFFFFF401, v10;
	v4 =	vsel vm9, $0xFFFFF401, v4  }
0x561: {  	v3 =	vmul.u32 $0x3, v3;
	vm13 =	vlt.u32 v9, $0x400;
	v5 =	vmul.u32 $0x3, v5  }
0x562: {  	vm14 =	vlt.u32 v0, $0x400;
	v0 =	vmul.u32 $0x3, v1;
	v1 =	vsel vm12, $0x0, v8;
	v2 =	vld.idx.msk [tilespmem:v2+s17+$0x0], $0xffff  }
0x563: {  	v4 =	vsel vm14, $0x0, v4;
	v1 =	vadd.s32 v3, v1;
	v3 =	vsel vm13, $0x0, v7  }
0x564: {  	v17 =	vadd.s32 v0, v4;
	v0 =	vsel vm7, $0x3F800000, v25;
	v3 =	vadd.s32 v5, v3  }
.Ltmp11:
0x565: {  	v7 =	vsel vm5, $0x3F800000, v25;
	v4 =	vsel vm3, $0x3F800000, v25;
	v5 =	vsel vm8, $0x3F800000, v25;
	(pc) =	sbr.rel @p0 .LBB2_24-.Ltmp11, $4  }
0x566: {  	v7 =	vsel vm4, $0x0, v7;
	v0 =	vsel vm10, $0x0, v0;
	v5 =	vsel vm11, $0x0, v5  }
0x567: {  	v4 =	vsel vm9, $0x0, v4;
	v7 =	vsel vm6, $0xBF800000, v7;
	v0 =	vsel vm12, $0xBF800000, v0  }
0x568: {  	v19 =	vsel vm14, $0xBF800000, v4;
	v22 =	vadd.f32 v2, v7;
	v18 =	vld.idx.msk [tilespmem:v1+s17+$0x0], $0xffff;
	v1 =	vsel vm13, $0xBF800000, v5  }
0x569: {  	s24 =	sadd.s32 $0x40, s24;
	s22 =	sadd.s32 $0x40, s22;
	v21 =	vadd.f32 v6, v14;
	v20 =	vadd.f32 v15, v16;
	v14 =	vmovc v0;
	v15 =	vld.idx.msk [tilespmem:v3+s17+$0x0], $0xffff;
	v16 =	vmov v1  }
0x56a: {  	_ =	sdelay $0x3  }
0x56b: {  	v0 =	vld.idx.msk [tilespmem:v17+s17+$0x0], $0xffff  }
0x56c: {  	[tilespmem:s22+$0x10] =	vst v22  }
0x56d: {  	v1 =	vadd.f32 v13, v12;
	[tilespmem:s21+$0xFFFFFFF0] =	vst v21  }
0x56e: {  	[tilespmem:s21+$0x0] =	vst v20;
	v2 =	vadd.f32 v18, v14  }
0x56f: {  	[tilespmem:s21+$0xFFFFFFE0] =	vst v1;
	v34 =	vadd.f32 v15, v16  }
0x570: {  	v0 =	vadd.f32 v0, v19;
	[tilespmem:s22+$0xFFFFFFF0] =	vst v2  }
0x571: {  	[tilespmem:s22+$0x0] =	vst v34  }
0x572: {  	[tilespmem:s22+$0xFFFFFFE0] =	vst v0  }
0x573: {  	v0 =	vld [tilespmem:$0x1FFE0];
	_ =	sdelay $0x6  }
0x574: {  	s0 =	simm.s32 $0x30  }
0x575: {  	s1 =	simm.s32 $0x10;
	v35 =	vor.u32 s0, v61;
	v12 =	vld.idx.msk [tilespmem:v0+s10+$0x0], $0xffff  }
0x576: {  	s26 =	simm.s32 $0x0;
	v36 =	vor.u32 s1, v61;
	v0 =	vcvt.s32.f32 v35  }
0x577: {  	v37 =	vor.u32 s26, v61;
	v1 =	vcvt.s32.f32 v36;
	v13 =	vld.idx.msk [tilespmem:v38+s18+$0x0], $0xffff  }
0x578: {  	v2 =	vcvt.s32.f32 v37;
	v59 =	vmul.f32 $9.765625000e-04, v0  }
0x579: {  	v60 =	vmul.f32 $9.765625000e-04, v1  }
0x57a: {  	v62 =	vmul.f32 $9.765625000e-04, v2;
	v14 =	vsub.f32 v59, v12  }
0x57b: {  	v17 =	vsub.f32 v60, v12  }
0x57c: {  	v19 =	vsub.f32 v62, v12;
	vm3 =	vle.f32 v14, v13  }
0x57d: {  	vm4 =	vle.f32 v17, v13;
	v39 =	vsel vm3, $0x0, v38  }
0x57e: {  	vm5 =	vle.f32 v19, v13;
	v40 =	vsel vm4, $0x0, v38;
	v41 =	vadd.s32 $0x300, v39  }
0x57f: {  	s28 =	simm.s32 $0x20;
	v3 =	vsel vm5, $0x0, v38;
	v4 =	vadd.s32 $0x300, v40  }
0x580: {  	v5 =	vor.u32 s28, v61;
	v6 =	vadd.s32 $0x300, v3  }
0x581: {  	v5 =	vcvt.s32.f32 v5;
	_ =	sdelay $0x1  }
0x582: {  	v63 =	vmul.f32 $9.765625000e-04, v5;
	v42 =	vld.idx.msk [tilespmem:v41+s18+$0x0], $0xffff  }
0x583: {  	v7 =	vld.idx.msk [tilespmem:v4+s18+$0x0], $0xffff  }
0x584: {  	v20 =	vsub.f32 v63, v12;
	v8 =	vld.idx.msk [tilespmem:v6+s18+$0x0], $0xffff  }
0x585: {  	v15 =	vimm.s32 $0xC00  }
0x586: {  	v9 =	vsel vm3, $0x600, v15;
	vm3 =	vle.f32 v20, v13  }
0x587: {  	v21 =	vsel vm3, $0x0, v38  }
0x588: {  	v10 =	vsel vm5, $0x600, v15;
	v18 =	vsel vm4, $0x600, v15;
	v43 =	vadd.s32 $0x300, v21  }
0x589: {  	vm13 =	vle.f32 v14, v42;
	vm14 =	vle.f32 v19, v8;
	vm15 =	vle.f32 v17, v7  }
0x58a: {  	v9 =	vsel vm13, v41, v9;
	v0 =	vsel vm13, v39, v41;
	v7 =	vsel vm15, v4, v18  }
0x58b: {  	v1 =	vsel vm15, v40, v4;
	v44 =	vsel vm14, v6, v10;
	v2 =	vsub.s32 v9, v0  }
0x58c: {  	v3 =	vsel vm14, v3, v6;
	v45 =	vsub.s32 v7, v1;
	v2 =	vshra.s32 v2, $0x1  }
0x58d: {  	v46 =	vsub.s32 v44, v3;
	v6 =	vshra.s32 v45, $0x1;
	v2 =	vadd.s32 v0, v2  }
0x58e: {  	v8 =	vshra.s32 v46, $0x1;
	v6 =	vadd.s32 v1, v6  }
0x58f: {  	v47 =	vld.idx.msk [tilespmem:v43+s18+$0x0], $0xffff;
	v8 =	vadd.s32 v3, v8;
	_ =	sdelay $0x2  }
0x590: {  	v18 =	vld.idx.msk [tilespmem:v2+s18+$0x0], $0xffff  }
0x591: {  	v22 =	vld.idx.msk [tilespmem:v6+s18+$0x0], $0xffff  }
0x592: {  	v23 =	vsel vm3, $0x600, v15;
	vm3 =	vle.f32 v20, v47;
	v48 =	vld.idx.msk [tilespmem:v8+s18+$0x0], $0xffff  }
0x593: {  	v23 =	vsel vm3, v43, v23;
	v5 =	vsel vm3, v21, v43  }
0x594: {  	v21 =	vsub.s32 v23, v5  }
0x595: {  	v21 =	vshra.s32 v21, $0x1;
	vm3 =	vle.f32 v14, v18  }
0x596: {  	v18 =	vadd.s32 v5, v21;
	vm8 =	vle.f32 v17, v22;
	v9 =	vsel vm3, v2, v9  }
0x597: {  	v0 =	vsel vm3, v0, v2;
	vm3 =	vle.f32 v19, v48;
	v7 =	vsel vm8, v6, v7  }
0x598: {  	v1 =	vsel vm8, v1, v6;
	v2 =	vsub.s32 v9, v0;
	v4 =	vsel vm3, v8, v44  }
0x599: {  	v3 =	vsel vm3, v3, v8;
	v6 =	vsub.s32 v7, v1;
	v2 =	vshra.s32 v2, $0x1  }
0x59a: {  	v6 =	vshra.s32 v6, $0x1;
	v8 =	vsub.s32 v4, v3;
	v2 =	vadd.s32 v0, v2  }
0x59b: {  	v6 =	vadd.s32 v1, v6;
	v8 =	vshra.s32 v8, $0x1  }
0x59c: {  	v49 =	vld.idx.msk [tilespmem:v18+s18+$0x0], $0xffff;
	v8 =	vadd.s32 v3, v8;
	_ =	sdelay $0x2  }
0x59d: {  	v21 =	vld.idx.msk [tilespmem:v2+s18+$0x0], $0xffff  }
0x59e: {  	v22 =	vld.idx.msk [tilespmem:v6+s18+$0x0], $0xffff  }
0x59f: {  	vm3 =	vle.f32 v20, v49;
	v50 =	vld.idx.msk [tilespmem:v8+s18+$0x0], $0xffff  }
0x5a0: {  	v23 =	vsel vm3, v18, v23;
	v5 =	vsel vm3, v5, v18  }
0x5a1: {  	v18 =	vsub.s32 v23, v5  }
0x5a2: {  	v18 =	vshra.s32 v18, $0x1;
	vm3 =	vle.f32 v14, v21  }
0x5a3: {  	v18 =	vadd.s32 v5, v18;
	v9 =	vsel vm3, v2, v9;
	v0 =	vsel vm3, v0, v2  }
0x5a4: {  	vm3 =	vle.f32 v17, v22;
	vm9 =	vle.f32 v19, v50;
	v2 =	vsub.s32 v9, v0  }
0x5a5: {  	v7 =	vsel vm3, v6, v7;
	v4 =	vsel vm9, v8, v4;
	v1 =	vsel vm3, v1, v6  }
0x5a6: {  	v3 =	vsel vm9, v3, v8;
	v2 =	vshra.s32 v2, $0x1;
	v6 =	vsub.s32 v7, v1  }
0x5a7: {  	v8 =	vsub.s32 v4, v3;
	v2 =	vadd.s32 v0, v2;
	v6 =	vshra.s32 v6, $0x1  }
0x5a8: {  	v8 =	vshra.s32 v8, $0x1;
	v51 =	vld.idx.msk [tilespmem:v18+s18+$0x0], $0xffff;
	v6 =	vadd.s32 v1, v6  }
0x5a9: {  	v8 =	vadd.s32 v3, v8;
	_ =	sdelay $0x2  }
0x5aa: {  	v21 =	vld.idx.msk [tilespmem:v2+s18+$0x0], $0xffff  }
0x5ab: {  	vm3 =	vle.f32 v20, v51;
	v52 =	vld.idx.msk [tilespmem:v6+s18+$0x0], $0xffff  }
0x5ac: {  	v22 =	vsel vm3, v18, v23;
	v5 =	vsel vm3, v5, v18;
	v18 =	vld.idx.msk [tilespmem:v8+s18+$0x0], $0xffff  }
0x5ad: {  	v23 =	vsub.s32 v22, v5  }
0x5ae: {  	v23 =	vshra.s32 v23, $0x1  }
0x5af: {  	v23 =	vadd.s32 v5, v23;
	vm3 =	vle.f32 v14, v21  }
0x5b0: {  	v9 =	vsel vm3, v2, v9;
	v0 =	vsel vm3, v0, v2  }
0x5b1: {  	vm3 =	vle.f32 v17, v52;
	vm10 =	vle.f32 v19, v18;
	v2 =	vsub.s32 v9, v0  }
0x5b2: {  	v7 =	vsel vm3, v6, v7;
	v1 =	vsel vm3, v1, v6;
	v4 =	vsel vm10, v8, v4  }
0x5b3: {  	v3 =	vsel vm10, v3, v8;
	v2 =	vshra.s32 v2, $0x1;
	v6 =	vsub.s32 v7, v1  }
0x5b4: {  	v54 =	vsub.s32 v4, v3;
	v6 =	vshra.s32 v6, $0x1;
	v2 =	vadd.s32 v0, v2;
	v53 =	vld.idx.msk [tilespmem:v23+s18+$0x0], $0xffff  }
0x5b5: {  	v10 =	vshra.s32 v54, $0x1;
	v6 =	vadd.s32 v1, v6  }
0x5b6: {  	s29 =	simm.s32 $0x70;
	v10 =	vadd.s32 v3, v10  }
0x5b7: {  	s30 =	simm.s32 $0x50;
	s2 =	simm.s32 $0x60;
	v18 =	vor.u32 s29, v61  }
0x5b8: {  	s31 =	simm.s32 $0x40;
	v24 =	vor.u32 s2, v61;
	v21 =	vor.u32 s30, v61;
	v18 =	vcvt.s32.f32 v18  }
0x5b9: {  	v25 =	vor.u32 s31, v61;
	v21 =	vcvt.s32.f32 v21;
	v55 =	vld.idx.msk [tilespmem:v2+s18+$0x0], $0xffff;
	vm3 =	vle.f32 v20, v53  }
0x5ba: {  	v16 =	vmul.f32 $9.765625000e-04, v18;
	v26 =	vld.idx.msk [tilespmem:v6+s18+$0x0], $0xffff;
	v28 =	vsel vm3, v23, v22;
	v5 =	vsel vm3, v5, v23  }
0x5bb: {  	v23 =	vcvt.s32.f32 v24;
	v27 =	vld.idx.msk [tilespmem:v10+s18+$0x0], $0xffff;
	v24 =	vcvt.s32.f32 v25;
	v22 =	vsub.s32 v28, v5  }
0x5bc: {  	v21 =	vmul.f32 $9.765625000e-04, v21;
	v25 =	vshra.s32 v22, $0x1  }
0x5bd: {  	v18 =	vmul.f32 $9.765625000e-04, v23;
	v11 =	vmul.f32 $9.765625000e-04, v24;
	v23 =	vsub.f32 v16, v12  }
0x5be: {  	v31 =	vadd.s32 v5, v25;
	vm3 =	vle.f32 v14, v55;
	v25 =	vsub.f32 v21, v12  }
0x5bf: {  	v8 =	vsel vm3, v2, v9;
	v0 =	vsel vm3, v0, v2;
	vm11 =	vle.f32 v17, v26  }
0x5c0: {  	v26 =	vsub.f32 v18, v12;
	vm3 =	vle.f32 v19, v27;
	v2 =	vsub.s32 v8, v0  }
0x5c1: {  	v7 =	vsel vm11, v6, v7;
	v1 =	vsel vm11, v1, v6;
	vm13 =	vle.f32 v25, v13  }
0x5c2: {  	v4 =	vsel vm3, v10, v4;
	v3 =	vsel vm3, v3, v10;
	v2 =	vshra.s32 v2, $0x1  }
0x5c3: {  	v6 =	vsub.s32 v7, v1;
	v35 =	vsel vm13, $0x0, v38;
	v2 =	vadd.s32 v0, v2  }
0x5c4: {  	vm6 =	vle.f32 v26, v13;
	v6 =	vshra.s32 v6, $0x1;
	v58 =	vadd.s32 $0x300, v35  }
0x5c5: {  	v10 =	vsub.s32 v4, v3;
	v33 =	vsel vm6, $0x0, v38;
	v56 =	vld.idx.msk [tilespmem:v31+s18+$0x0], $0xffff;
	v6 =	vadd.s32 v1, v6;
	[tilespmem:$0x1FF10] =	vst v11  }
0x5c6: {  	vm3 =	vle.f32 v23, v13;
	v10 =	vshra.s32 v10, $0x1;
	[tilespmem:$0x1FF20] =	vst v12;
	v36 =	vadd.s32 $0x300, v33  }
0x5c7: {  	v32 =	vsel vm3, $0x0, v38;
	[tilespmem:$0x1FF30] =	vst v13;
	v10 =	vadd.s32 v3, v10  }
0x5c8: {  	v34 =	vadd.s32 $0x300, v32;
	v57 =	vld.idx.msk [tilespmem:v2+s18+$0x0], $0xffff  }
0x5c9: {  	v27 =	vsub.f32 v11, v12;
	v51 =	vld.idx.msk [tilespmem:v58+s18+$0x0], $0xffff  }
0x5ca: {  	v44 =	vsel vm13, $0x600, v15;
	v37 =	vld.idx.msk [tilespmem:v6+s18+$0x0], $0xffff  }
0x5cb: {  	vm12 =	vle.f32 v27, v13;
	v42 =	vsel vm3, $0x600, v15;
	vm7 =	vle.f32 v20, v56;
	v49 =	vld.idx.msk [tilespmem:v36+s18+$0x0], $0xffff  }
0x5cc: {  	v45 =	vsel vm6, $0x600, v15;
	v28 =	vsel vm7, v31, v28;
	v5 =	vsel vm7, v5, v31;
	v39 =	vld.idx.msk [tilespmem:v10+s18+$0x0], $0xffff  }
0x5cd: {  	v43 =	vsel vm12, $0x600, v15;
	v48 =	vld.idx.msk [tilespmem:v34+s18+$0x0], $0xffff;
	v31 =	vsel vm12, $0x0, v38;
	v41 =	vsub.s32 v28, v5  }
0x5ce: {  	v40 =	vadd.s32 $0x300, v31;
	v41 =	vshra.s32 v41, $0x1;
	vm3 =	vle.f32 v14, v57  }
0x5cf: {  	v41 =	vadd.s32 v5, v41;
	vm15 =	vle.f32 v25, v51;
	v8 =	vsel vm3, v2, v8  }
0x5d0: {  	v0 =	vsel vm3, v0, v2;
	vm3 =	vle.f32 v17, v37;
	vm8 =	vle.f32 v26, v49  }
0x5d1: {  	v35 =	vsel vm15, v35, v58;
	vm14 =	vle.f32 v19, v39;
	v50 =	vsub.s32 v8, v0  }
0x5d2: {  	v7 =	vsel vm3, v6, v7;
	v1 =	vsel vm3, v1, v6;
	vm3 =	vle.f32 v23, v48  }
0x5d3: {  	v46 =	vld.idx.msk [tilespmem:v40+s18+$0x0], $0xffff;
	v4 =	vsel vm14, v10, v4;
	v6 =	vsub.s32 v7, v1;
	v52 =	vshra.s32 v50, $0x1  }
0x5d4: {  	v3 =	vsel vm14, v3, v10;
	v6 =	vshra.s32 v6, $0x1;
	v10 =	vadd.s32 v0, v52  }
0x5d5: {  	v2 =	vsel vm8, v36, v45;
	v53 =	vsub.s32 v4, v3;
	v47 =	vld.idx.msk [tilespmem:v41+s18+$0x0], $0xffff;
	v6 =	vadd.s32 v1, v6  }
0x5d6: {  	v33 =	vsel vm8, v33, v36;
	v36 =	vsel vm15, v58, v44;
	v54 =	vshra.s32 v53, $0x1  }
0x5d7: {  	v37 =	vsel vm3, v34, v42;
	v32 =	vsel vm3, v32, v34;
	v9 =	vadd.s32 v3, v54  }
0x5d8: {  	v51 =	vsub.s32 v36, v35;
	v34 =	vsub.s32 v37, v32;
	vm3 =	vle.f32 v27, v46  }
0x5d9: {  	v52 =	vsub.s32 v2, v33;
	v55 =	vld.idx.msk [tilespmem:v10+s18+$0x0], $0xffff;
	v42 =	vsel vm3, v40, v43;
	v46 =	vsel vm3, v31, v40  }
0x5da: {  	v31 =	vshra.s32 v34, $0x1;
	v43 =	vshra.s32 v52, $0x1;
	vm9 =	vle.f32 v20, v47;
	v56 =	vld.idx.msk [tilespmem:v6+s18+$0x0], $0xffff  }
0x5db: {  	v53 =	vsub.s32 v42, v46;
	v28 =	vsel vm9, v41, v28;
	v5 =	vsel vm9, v5, v41  }
0x5dc: {  	v31 =	vadd.s32 v32, v31;
	v58 =	vld.idx.msk [tilespmem:v9+s18+$0x0], $0xffff;
	v41 =	vshra.s32 v51, $0x1;
	v57 =	vsub.s32 v28, v5  }
0x5dd: {  	v44 =	vshra.s32 v53, $0x1;
	v49 =	vadd.s32 v35, v41;
	v34 =	vshra.s32 v57, $0x1  }
0x5de: {  	v41 =	vadd.s32 v33, v43;
	v34 =	vadd.s32 v5, v34;
	vm3 =	vle.f32 v14, v55  }
0x5df: {  	v51 =	vadd.s32 v46, v44;
	v8 =	vsel vm3, v10, v8;
	vm10 =	vle.f32 v17, v56  }
0x5e0: {  	v0 =	vsel vm3, v0, v10;
	v7 =	vsel vm10, v6, v7;
	v1 =	vsel vm10, v1, v6  }
0x5e1: {  	vm3 =	vle.f32 v19, v58;
	v10 =	vsub.s32 v8, v0;
	v55 =	vsub.s32 v7, v1  }
0x5e2: {  	v4 =	vsel vm3, v9, v4;
	v3 =	vsel vm3, v3, v9;
	v9 =	vshra.s32 v55, $0x1  }
0x5e3: {  	v10 =	vshra.s32 v10, $0x1;
	v56 =	vsub.s32 v4, v3;
	v54 =	vld.idx.msk [tilespmem:v34+s18+$0x0], $0xffff;
	v9 =	vadd.s32 v1, v9  }
0x5e4: {  	v57 =	vld.idx.msk [tilespmem:v31+s18+$0x0], $0xffff;
	v10 =	vadd.s32 v0, v10;
	v38 =	vshra.s32 v56, $0x1  }
0x5e5: {  	v40 =	vld.idx.msk [tilespmem:v41+s18+$0x0], $0xffff;
	v44 =	vadd.s32 v3, v38  }
0x5e6: {  	v58 =	vld.idx.msk [tilespmem:v49+s18+$0x0], $0xffff  }
0x5e7: {  	v38 =	vld.idx.msk [tilespmem:v51+s18+$0x0], $0xffff  }
0x5e8: {  	vm3 =	vle.f32 v20, v54;
	v11 =	vld.idx.msk [tilespmem:v9+s18+$0x0], $0xffff  }
0x5e9: {  	v6 =	vsel vm3, v34, v28;
	v5 =	vsel vm3, v5, v34;
	v34 =	vld.idx.msk [tilespmem:v10+s18+$0x0], $0xffff  }
0x5ea: {  	vm11 =	vle.f32 v26, v40;
	vm3 =	vle.f32 v23, v57;
	v57 =	vld.idx.msk [tilespmem:v44+s18+$0x0], $0xffff;
	v56 =	vsub.s32 v6, v5  }
0x5eb: {  	v48 =	vsel vm3, v31, v37;
	v47 =	vsel vm3, v32, v31;
	v50 =	vshra.s32 v56, $0x1  }
0x5ec: {  	vm12 =	vle.f32 v25, v58;
	v58 =	vsub.s32 v48, v47;
	v52 =	vadd.s32 v5, v50  }
0x5ed: {  	v22 =	vimm.f32 $0.0e+00;
	v43 =	vsel vm11, v41, v2;
	v2 =	vshra.s32 v58, $0x1  }
0x5ee: {  	v41 =	vsel vm11, v33, v41;
	vm3 =	vle.f32 v27, v38;
	v54 =	vadd.s32 v47, v2  }
0x5ef: {  	vm15 =	vle.f32 v17, v11;
	vm13 =	vle.f32 v14, v34;
	vm14 =	vle.f32 v19, v57  }
0x5f0: {  	v32 =	vsel vm15, v9, v7;
	v33 =	vsel vm15, v1, v9;
	v38 =	vsel vm13, v10, v8  }
0x5f1: {  	v37 =	vsel vm13, v0, v10;
	v31 =	vsel vm14, v44, v4;
	v1 =	vsub.s32 v32, v33;
	v8 =	vld.idx.msk [tilespmem:v52+s18+$0x0], $0xffff  }
0x5f2: {  	v34 =	vsel vm14, v3, v44;
	v0 =	vsub.s32 v38, v37;
	v1 =	vshra.s32 v1, $0x1  }
0x5f3: {  	v3 =	vsub.s32 v31, v34;
	v0 =	vshra.s32 v0, $0x1;
	v39 =	vadd.s32 v33, v1  }
0x5f4: {  	v45 =	vsel vm12, v49, v36;
	v9 =	vshra.s32 v3, $0x1;
	v44 =	vadd.s32 v37, v0  }
0x5f5: {  	v53 =	vsel vm3, v51, v42;
	v51 =	vsel vm3, v46, v51;
	v40 =	vadd.s32 v34, v9  }
0x5f6: {  	v50 =	vsel vm12, v35, v49;
	v49 =	vsub.s32 v53, v51;
	vm3 =	vle.f32 v20, v8  }
0x5f7: {  	v11 =	vsub.s32 v43, v41;
	v57 =	vld.idx.msk [tilespmem:v54+s18+$0x0], $0xffff;
	v36 =	vsel vm3, v52, v6;
	v35 =	vsel vm3, v5, v52  }
0x5f8: {  	v58 =	vshra.s32 v49, $0x1;
	v10 =	vsub.s32 v45, v50;
	v46 =	vld.idx.msk [tilespmem:v39+s18+$0x0], $0xffff;
	v42 =	vsub.s32 v36, v35  }
0x5f9: {  	v1 =	vshra.s32 v11, $0x1;
	v0 =	vshra.s32 v10, $0x1;
	v52 =	vld.idx.msk [tilespmem:v44+s18+$0x0], $0xffff;
	v2 =	vshra.s32 v42, $0x1  }
0x5fa: {  	s21 =	simm.s32 $0x4;
	s22 =	simm.s32 $0xB0;
	v55 =	vadd.s32 v41, v1;
	v56 =	vadd.s32 v50, v0;
	v49 =	vld.idx.msk [tilespmem:v40+s18+$0x0], $0xffff;
	v42 =	vadd.s32 v35, v2  }
.LBB2_26:
0x5fb: {  	_ =	sdelay $0x2  }
0x5fc: {  	s0 =	sadd.s32 $0xFFFFFFE0, s22;
	v0 =	vor.u32 s22, v61;
	v1 =	vadd.s32 v51, v58  }
0x5fd: {  	s1 =	sadd.s32 $0xFFFFFFF0, s22;
	s2 =	sadd.s32 $0xFFFFFFD0, s22;
	v6 =	vld.idx.msk [tilespmem:v56+s18+$0x0], $0xffff;
	v13 =	vimm.s32 $0xC00;
	v15 =	vimm.s32 $0x600;
	v2 =	vor.u32 s0, v61  }
0x5fe: {  	v9 =	vld.idx.msk [tilespmem:v42+s18+$0x0], $0xffff;
	v3 =	vor.u32 s1, v61;
	v0 =	vcvt.s32.f32 v0;
	v4 =	vor.u32 s2, v61  }
0x5ff: {  	v3 =	vcvt.s32.f32 v3;
	v2 =	vcvt.s32.f32 v2;
	vm3 =	vle.f32 v23, v57  }
0x600: {  	vm4 =	vle.f32 v14, v52;
	vm14 =	vle.f32 v17, v46;
	v7 =	vsel vm3, v54, v48  }
0x601: {  	v8 =	vsel vm3, v47, v54;
	v10 =	vsel vm4, v44, v38;
	v37 =	vsel vm4, v37, v44  }
0x602: {  	vm3 =	vle.f32 v19, v49;
	v47 =	vsel vm14, v39, v32;
	v39 =	vsel vm14, v33, v39  }
0x603: {  	v5 =	vld.idx.msk [tilespmem:v55+s18+$0x0], $0xffff;
	vm15 =	vle.f32 v25, v6;
	vm5 =	vle.f32 v20, v9;
	v44 =	vsub.s32 v10, v37  }
0x604: {  	v46 =	vsel vm3, v40, v31;
	v34 =	vsel vm3, v34, v40;
	v31 =	vsub.s32 v47, v39  }
0x605: {  	v6 =	vsel vm5, v42, v36;
	v9 =	vsel vm5, v35, v42;
	v49 =	vshra.s32 v44, $0x1  }
0x606: {  	v52 =	vsub.s32 v46, v34;
	v31 =	vshra.s32 v31, $0x1;
	v40 =	vadd.s32 v37, v49  }
0x607: {  	v48 =	vld.idx.msk [tilespmem:v1+s18+$0x0], $0xffff;
	v57 =	vsub.s32 v6, v9;
	v54 =	vshra.s32 v52, $0x1;
	v44 =	vadd.s32 v39, v31  }
0x608: {  	vm3 =	vle.f32 v26, v5;
	v32 =	vshra.s32 v57, $0x1;
	v5 =	vadd.s32 v34, v54  }
0x609: {  	v4 =	vcvt.s32.f32 v4;
	v36 =	vsel vm15, v56, v45;
	v45 =	vadd.s32 v9, v32  }
0x60a: {  	v42 =	vsel vm15, v50, v56;
	v35 =	vsel vm3, v55, v43;
	v38 =	vsel vm3, v41, v55  }
0x60b: {  	v56 =	vsub.s32 v36, v42;
	v31 =	vsub.s32 v7, v8;
	v61 =	vsub.s32 v35, v38;
	v58 =	vld.idx.msk [tilespmem:v40+s18+$0x0], $0xffff  }
0x60c: {  	v31 =	vshra.s32 v31, $0x1;
	v32 =	vshra.s32 v61, $0x1;
	vm6 =	vle.f32 v27, v48;
	v43 =	vld.idx.msk [tilespmem:v44+s18+$0x0], $0xffff  }
0x60d: {  	v41 =	vsel vm6, v1, v53;
	v1 =	vsel vm6, v51, v1;
	v51 =	vadd.s32 v38, v32;
	v11 =	vld.idx.msk [tilespmem:v5+s18+$0x0], $0xffff  }
0x60e: {  	v33 =	vmul.f32 $9.765625000e-04, v2;
	v49 =	vshra.s32 v56, $0x1;
	v50 =	vadd.s32 v8, v31;
	v52 =	vld.idx.msk [tilespmem:v45+s18+$0x0], $0xffff  }
0x60f: {  	v49 =	vadd.s32 v42, v49;
	v32 =	vmul.f32 $9.765625000e-04, v3;
	v31 =	vsub.s32 v41, v1  }
0x610: {  	v57 =	vshra.s32 v31, $0x1;
	v31 =	vmul.f32 $9.765625000e-04, v0;
	vm3 =	vle.f32 v14, v58  }
0x611: {  	v0 =	vadd.s32 v1, v57;
	vm9 =	vle.f32 v17, v43;
	v2 =	vsel vm3, v40, v10  }
0x612: {  	v53 =	vld.idx.msk [tilespmem:v51+s18+$0x0], $0xffff;
	vm8 =	vle.f32 v19, v11;
	v61 =	vsel vm3, v37, v40;
	v47 =	vsel vm9, v44, v47  }
0x613: {  	v58 =	vld.idx.msk [tilespmem:v50+s18+$0x0], $0xffff;
	v39 =	vsel vm9, v39, v44;
	vm3 =	vle.f32 v20, v52;
	v40 =	vsel vm8, v5, v46  }
0x614: {  	v5 =	vsel vm8, v34, v5;
	v54 =	vsub.s32 v2, v61;
	v57 =	vsub.s32 v47, v39  }
0x615: {  	v55 =	vld.idx.msk [tilespmem:v49+s18+$0x0], $0xffff;
	v6 =	vsel vm3, v45, v6;
	v46 =	vsub.s32 v40, v5;
	v34 =	vshra.s32 v54, $0x1  }
0x616: {  	v56 =	vld.idx.msk [tilespmem:v0+s18+$0x0], $0xffff;
	v9 =	vsel vm3, v9, v45;
	v46 =	vshra.s32 v46, $0x1;
	v10 =	vadd.s32 v61, v34  }
0x617: {  	vm10 =	vle.f32 v26, v53;
	v34 =	vshra.s32 v57, $0x1;
	v5 =	vadd.s32 v5, v46  }
0x618: {  	vm3 =	vle.f32 v23, v58;
	v3 =	vadd.s32 v39, v34;
	v58 =	vsub.s32 v6, v9  }
0x619: {  	v54 =	vsel vm10, v38, v51;
	v46 =	vsel vm10, v51, v35;
	v34 =	vshra.s32 v58, $0x1  }
0x61a: {  	v7 =	vsel vm3, v50, v7;
	v8 =	vsel vm3, v8, v50;
	v9 =	vadd.s32 v9, v34  }
0x61b: {  	vm3 =	vle.f32 v25, v55;
	vm11 =	vle.f32 v27, v56;
	v61 =	vsub.s32 v7, v8;
	v34 =	vld.idx.msk [tilespmem:v10+s18+$0x0], $0xffff  }
0x61c: {  	v50 =	vsel vm3, v49, v36;
	v53 =	vsel vm3, v42, v49;
	v55 =	vsel vm11, v0, v41;
	v11 =	vld.idx.msk [tilespmem:v5+s18+$0x0], $0xffff  }
0x61d: {  	v0 =	vsel vm11, v1, v0;
	v49 =	vsub.s32 v46, v54;
	v48 =	vsub.s32 v50, v53;
	v44 =	vld.idx.msk [tilespmem:v3+s18+$0x0], $0xffff  }
0x61e: {  	v43 =	vshra.s32 v61, $0x1;
	v45 =	vsub.s32 v55, v0;
	v38 =	vshra.s32 v48, $0x1  }
0x61f: {  	v39 =	vshra.s32 v49, $0x1;
	v49 =	vmul.f32 $9.765625000e-04, v4;
	v57 =	vadd.s32 v53, v38;
	v51 =	vld.idx.msk [tilespmem:v9+s18+$0x0], $0xffff  }
0x620: {  	v1 =	vadd.s32 v8, v43;
	v56 =	vadd.s32 v54, v39;
	vm3 =	vle.f32 v14, v34  }
0x621: {  	v36 =	vshra.s32 v45, $0x1;
	vm12 =	vle.f32 v19, v11;
	v2 =	vsel vm3, v10, v2  }
0x622: {  	v10 =	vadd.s32 v0, v36;
	vm13 =	vle.f32 v17, v44;
	v11 =	vld [tilespmem:$0x1FF20];
	v5 =	vsel vm12, v5, v40  }
0x623: {  	vm3 =	vgt.s32 v2, $0x1;
	v3 =	vsel vm13, v3, v47;
	vm4 =	vgt.s32 v5, $0x1  }
0x624: {  	v4 =	vld.idx.msk [tilespmem:v57+s18+$0x0], $0xffff;
	v2 =	vnsel vm3, $0x1, v2;
	vm3 =	vgt.s32 v3, $0x1;
	vm14 =	vle.f32 v20, v51  }
0x625: {  	v47 =	vld.idx.msk [tilespmem:v56+s18+$0x0], $0xffff;
	v5 =	vnsel vm4, $0x1, v5;
	v2 =	vmin.u32 v2, $0xBFF;
	v3 =	vnsel vm3, $0x1, v3  }
0x626: {  	v24 =	vmovc v16;
	v12 =	vld [tilespmem:$0x1FF30];
	v6 =	vsel vm14, v9, v6;
	v5 =	vmin.u32 v5, $0xBFF;
	v3 =	vmin.u32 v3, $0xBFF  }
0x627: {  	v16 =	vmovc v59;
	v28 =	vmovc v18;
	vm3 =	vgt.s32 v6, $0x1;
	v58 =	vadd.s32 $0xFFFFFFFF, v5;
	v51 =	vsub.f32 v31, v11  }
0x628: {  	v18 =	vmovc v60;
	v29 =	vmovc v21;
	v59 =	vadd.s32 $0xFFFFFFFF, v3;
	v6 =	vnsel vm3, $0x1, v6;
	v60 =	vsub.f32 v33, v11  }
0x629: {  	v21 =	vmovc v62;
	v48 =	vsub.f32 v32, v11;
	v62 =	vsub.f32 v49, v11;
	vm10 =	vle.f32 v25, v4  }
0x62a: {  	v30 =	vmovc v22;
	v40 =	vld.idx.msk [tilespmem:v1+s18+$0x0], $0xffff;
	v6 =	vmin.u32 v6, $0xBFF;
	vm9 =	vle.f32 v26, v47;
	v53 =	vsel vm10, v53, v57  }
0x62b: {  	v22 =	vmovc v63;
	v52 =	vld.idx.msk [tilespmem:v10+s18+$0x0], $0xffff;
	vm3 =	vle.f32 v51, v12;
	v63 =	vadd.s32 $0xFFFFFFFF, v6;
	vm15 =	vle.f32 v60, v12  }
0x62c: {  	vm8 =	vle.f32 v48, v12;
	v46 =	vsel vm9, v56, v46;
	v47 =	vsel vm9, v54, v56;
	v61 =	vld.idx.msk [tilespmem:v2+s18+$0x0], $0xffff  }
0x62d: {  	v56 =	vcvt.s32.f32 v58;
	v37 =	vsel vm3, $0x600, v13;
	v38 =	vsel vm3, $0x0, v15;
	v5 =	vld.idx.msk [tilespmem:v5+s18+$0x0], $0xffff  }
0x62e: {  	v2 =	vadd.s32 $0xFFFFFFFF, v2;
	vm3 =	vle.f32 v62, v12;
	v36 =	vsel vm15, $0x600, v13;
	v3 =	vld.idx.msk [tilespmem:v3+s18+$0x0], $0xffff  }
0x62f: {  	v41 =	vsel vm8, $0x600, v13;
	v39 =	vsel vm15, $0x0, v15;
	v42 =	vsel vm8, $0x0, v15;
	v11 =	vld.idx.msk [tilespmem:v58+s18+$0x0], $0xffff  }
0x630: {  	v34 =	vsel vm3, $0x600, v13;
	v35 =	vsel vm3, $0x0, v15;
	vm3 =	vle.f32 v23, v40;
	v12 =	vld.idx.msk [tilespmem:v59+s18+$0x0], $0xffff  }
0x631: {  	v54 =	vsub.s32 v46, v47;
	v45 =	vadd.s32 $0x300, v38;
	v7 =	vsel vm3, v1, v7;
	v6 =	vld.idx.msk [tilespmem:v6+s18+$0x0], $0xffff  }
0x632: {  	v1 =	vsel vm3, v8, v1;
	vm3 =	vle.f32 v27, v52;
	v52 =	vsel vm10, v57, v50;
	v13 =	vld.idx.msk [tilespmem:v63+s18+$0x0], $0xffff  }
0x633: {  	v58 =	vcvt.s32.f32 v59;
	v4 =	vsub.s32 v7, v1;
	v8 =	vsel vm3, v10, v55;
	v15 =	vld.idx.msk [tilespmem:v2+s18+$0x0], $0xffff  }
0x634: {  	v0 =	vsel vm3, v0, v10;
	v50 =	vsub.s32 v52, v53;
	v5 =	vsub.f32 v5, v11  }
0x635: {  	v4 =	vshra.s32 v4, $0x1;
	v55 =	vsub.s32 v8, v0;
	v3 =	vsub.f32 v3, v12  }
0x636: {  	v9 =	vmul.f32 $9.768805470e-04, v58;
	v4 =	vadd.s32 v1, v4;
	vm11 =	veq.f32 v5, $0.0e+00  }
0x637: {  	vm12 =	veq.f32 v3, $0.0e+00;
	v6 =	vsub.f32 v6, v13;
	v5 =	vsel vm11, $0x3F800000, v5  }
0x638: {  	v3 =	vsel vm12, $0x3F800000, v3;
	v57 =	vsub.f32 v61, v15;
	(erf) = vrcp.f32 v5  }
0x639: {  	v2 =	vcvt.s32.f32 v2;
	vm13 =	veq.f32 v6, $0.0e+00;
	(erf) = vrcp.f32 v3  }
0x63a: {  	v10 =	vsel vm13, $0x3F800000, v6;
	vm3 =	veq.f32 v57, $0.0e+00;
	v3 =	vshra.s32 v50, $0x1  }
0x63b: {  	v5 =	vsel vm3, $0x3F800000, v57;
	(erf) = vrcp.f32 v10;
	v3 =	vadd.s32 v53, v3  }
0x63c: {  	v43 =	vadd.s32 $0x300, v42;
	(erf) = vrcp.f32 v5;
	v5 =	vshra.s32 v55, $0x1  }
0x63d: {  	v9 =	vadd.f32 $-1.000000000e+00, v9;
	v2 =	vmul.f32 $9.768805470e-04, v2;
	v55 =	vld.idx.msk [tilespmem:v4+s18+$0x0], $0xffff;
	v5 =	vadd.s32 v0, v5  }
0x63e: {  	v44 =	vadd.s32 $0x300, v39;
	v11 =	vsub.f32 v19, v11;
	v13 =	vsub.f32 v20, v13  }
0x63f: {  	v40 =	vadd.s32 $0x300, v35;
	v2 =	vadd.f32 $-1.000000000e+00, v2;
	v15 =	vsub.f32 v14, v15  }
0x640: {  	v6 =	vshra.s32 v54, $0x1;
	v54 =	vcvt.s32.f32 v63;
	v57 =	vmul.f32 $9.768805470e-04, v56;
	v56 =	vld.idx.msk [tilespmem:v3+s18+$0x0], $0xffff  }
0x641: {  	v14 =	vmov v23;
	v23 =	vmov v51;
	v50 =	vadd.s32 v47, v6;
	v59 =	vpop (erf)  }
0x642: {  	v54 =	vmul.f32 $9.768805470e-04, v54;
	v6 =	vadd.f32 $-1.000000000e+00, v57;
	vm3 =	vle.f32 v14, v55;
	v51 =	vld.idx.msk [tilespmem:v5+s18+$0x0], $0xffff;
	v63 =	vpop (erf)  }
0x643: {  	v19 =	vmovc v27;
	v27 =	vmovc v62;
	v10 =	vmul.f32 $9.768805470e-04, v59;
	v62 =	vmul.f32 $9.768805470e-04, v63;
	v63 =	vsub.f32 v17, v12  }
0x644: {  	v7 =	vsel vm3, v4, v7;
	v1 =	vsel vm3, v1, v4;
	v17 =	vmov v25;
	v20 =	vpop (erf)  }
0x645: {  	v10 =	vmul.f32 v10, v11;
	v12 =	vpop (erf);
	vm3 =	vle.f32 v17, v56;
	v62 =	vmul.f32 v62, v63  }
0x646: {  	v63 =	vmul.f32 $9.768805470e-04, v20;
	v20 =	vadd.f32 $-1.000000000e+00, v54;
	v12 =	vmul.f32 $9.768805470e-04, v12  }
0x647: {  	v58 =	vld.idx.msk [tilespmem:v45+s18+$0x0], $0xffff;
	v6 =	vadd.f32 v6, v10;
	vm14 =	vle.f32 v19, v51;
	v9 =	vadd.f32 v9, v62  }
0x648: {  	v59 =	vmul.f32 v63, v13;
	v12 =	vmul.f32 v12, v15;
	v13 =	vmovc v49;
	v8 =	vsel vm14, v5, v8  }
0x649: {  	v63 =	vld [tilespmem:$0x1FF10];
	v0 =	vsel vm14, v0, v5;
	v6 =	vsub.f32 v6, v21;
	[tilespmem:$0x1FF10] =	vst v13;
	v13 =	vsub.s32 v7, v1  }
0x64a: {  	v5 =	vsub.s32 v8, v0;
	v9 =	vsub.f32 v9, v18;
	v10 =	vadd.f32 v20, v59  }
0x64b: {  	v2 =	vadd.f32 v2, v12;
	v13 =	vshra.s32 v13, $0x1;
	v6 =	vand.u32 $0x7FFFFFFF, v6  }
0x64c: {  	v15 =	vld.idx.msk [tilespmem:v44+s18+$0x0], $0xffff;
	v13 =	vadd.s32 v1, v13;
	v54 =	vsub.f32 $1.000000000e+00, v6;
	v9 =	vand.u32 $0x7FFFFFFF, v9  }
0x64d: {  	v10 =	vsub.f32 v10, v22;
	v2 =	vsub.f32 v2, v16;
	v16 =	vmovc v31;
	v31 =	vsel vm3, v3, v52  }
0x64e: {  	v3 =	vsel vm3, v53, v3;
	vm3 =	vle.f32 v23, v58;
	v53 =	vshra.s32 v5, $0x1  }
0x64f: {  	v55 =	vsub.f32 $1.000000000e+00, v9;
	v51 =	vsub.s32 v31, v3;
	v4 =	vmin.f32 v6, v54  }
0x650: {  	v25 =	vmovc v60;
	v12 =	vld.idx.msk [tilespmem:v43+s18+$0x0], $0xffff;
	v5 =	vsel vm3, v45, v37;
	v10 =	vand.u32 $0x7FFFFFFF, v10;
	v4 =	vmul.f32 v4, v4  }
0x651: {  	vm15 =	vle.f32 v25, v15;
	v6 =	vmin.f32 v9, v55;
	v57 =	vsub.f32 $1.000000000e+00, v10  }
0x652: {  	v21 =	vmovc v33;
	v2 =	vand.u32 $0x7FFFFFFF, v2;
	v6 =	vmul.f32 v6, v6;
	v4 =	vadd.f32 v4, v30  }
0x653: {  	v20 =	vmovc v26;
	v52 =	vld.idx.msk [tilespmem:v50+s18+$0x0], $0xffff;
	v15 =	vsel vm15, v44, v36;
	v33 =	vsub.f32 $1.000000000e+00, v2;
	v9 =	vmin.f32 v10, v57  }
0x654: {  	v26 =	vmovc v48;
	v36 =	vsel vm15, v39, v44;
	v48 =	vmul.f32 v9, v9;
	v4 =	vadd.f32 v6, v4  }
0x655: {  	vm8 =	vle.f32 v26, v12;
	v39 =	vsub.s32 v15, v36;
	v2 =	vmin.f32 v2, v33  }
0x656: {  	v49 =	vld.idx.msk [tilespmem:v40+s18+$0x0], $0xffff;
	v2 =	vmul.f32 v2, v2;
	v6 =	vshra.s32 v51, $0x1;
	v4 =	vadd.f32 v48, v4  }
0x657: {  	v11 =	vsel vm8, v42, v43;
	v39 =	vshra.s32 v39, $0x1;
	v54 =	vadd.s32 v3, v6  }
0x658: {  	v55 =	vld.idx.msk [tilespmem:v13+s18+$0x0], $0xffff;
	vm9 =	vle.f32 v20, v52;
	v22 =	vadd.f32 v2, v4;
	v2 =	vadd.s32 v0, v53  }
0x659: {  	v39 =	vadd.s32 v36, v39;
	v57 =	vsel vm9, v50, v46;
	v58 =	vsel vm9, v47, v50  }
0x65a: {  	v9 =	vsel vm8, v43, v41;
	v6 =	vsel vm3, v38, v45;
	v48 =	vsub.s32 v57, v58  }
0x65b: {  	vm3 =	vle.f32 v27, v49;
	v49 =	vsub.s32 v9, v11;
	v38 =	vshra.s32 v48, $0x1  }
0x65c: {  	v42 =	vsel vm3, v40, v34;
	v35 =	vsel vm3, v35, v40;
	v38 =	vadd.s32 v58, v38;
	v56 =	vld.idx.msk [tilespmem:v54+s18+$0x0], $0xffff  }
0x65d: {  	v12 =	vsub.s32 v5, v6;
	vm3 =	vle.f32 v14, v55;
	v50 =	vsub.s32 v42, v35;
	v47 =	vld.idx.msk [tilespmem:v2+s18+$0x0], $0xffff  }
0x65e: {  	v7 =	vsel vm3, v13, v7;
	v1 =	vsel vm3, v1, v13;
	v41 =	vshra.s32 v50, $0x1  }
0x65f: {  	v12 =	vshra.s32 v12, $0x1;
	v13 =	vsub.s32 v7, v1;
	v10 =	vadd.s32 v35, v41  }
0x660: {  	v40 =	vshra.s32 v49, $0x1;
	v12 =	vadd.s32 v6, v12;
	v13 =	vshra.s32 v13, $0x1  }
0x661: {  	v40 =	vadd.s32 v11, v40;
	v13 =	vadd.s32 v1, v13;
	v51 =	vld.idx.msk [tilespmem:v38+s18+$0x0], $0xffff;
	vm10 =	vle.f32 v17, v56  }
0x662: {  	v18 =	vmovc v32;
	v32 =	vsel vm10, v54, v31;
	v3 =	vsel vm10, v3, v54;
	vm3 =	vle.f32 v19, v47  }
0x663: {  	v55 =	vld.idx.msk [tilespmem:v39+s18+$0x0], $0xffff;
	v52 =	vsub.s32 v32, v3;
	v8 =	vsel vm3, v2, v8;
	v0 =	vsel vm3, v0, v2  }
0x664: {  	v56 =	vld.idx.msk [tilespmem:v10+s18+$0x0], $0xffff;
	v2 =	vshra.s32 v52, $0x1;
	v53 =	vsub.s32 v8, v0  }
0x665: {  	v31 =	vld.idx.msk [tilespmem:v12+s18+$0x0], $0xffff;
	v2 =	vadd.s32 v3, v2;
	v37 =	vshra.s32 v53, $0x1  }
0x666: {  	v54 =	vld.idx.msk [tilespmem:v40+s18+$0x0], $0xffff;
	vm3 =	vle.f32 v20, v51;
	v44 =	vadd.s32 v0, v37  }
0x667: {  	v4 =	vsel vm3, v38, v57;
	v57 =	vld.idx.msk [tilespmem:v13+s18+$0x0], $0xffff  }
0x668: {  	v46 =	vsel vm3, v58, v38  }
0x669: {  	v61 =	vlaneseq.u32;
	vm11 =	vle.f32 v25, v55;
	v38 =	vsub.s32 v4, v46  }
0x66a: {  	v45 =	vsel vm11, v39, v15;
	vm3 =	vle.f32 v23, v31;
	v38 =	vshra.s32 v38, $0x1;
	v58 =	vld.idx.msk [tilespmem:v2+s18+$0x0], $0xffff  }
0x66b: {  	vm12 =	vle.f32 v26, v54;
	v48 =	vsel vm3, v12, v5;
	v5 =	vadd.s32 v46, v38;
	v31 =	vld.idx.msk [tilespmem:v44+s18+$0x0], $0xffff  }
0x66c: {  	v47 =	vsel vm3, v6, v12;
	vm3 =	vle.f32 v27, v56;
	vm13 =	vle.f32 v14, v57  }
0x66d: {  	v6 =	vsub.s32 v48, v47;
	v38 =	vsel vm13, v13, v7;
	v37 =	vsel vm13, v1, v13  }
0x66e: {  	v41 =	vsel vm12, v11, v40;
	v6 =	vshra.s32 v6, $0x1;
	v55 =	vsub.s32 v38, v37  }
0x66f: {  	v54 =	vadd.s32 v47, v6;
	v57 =	vshra.s32 v55, $0x1;
	vm15 =	vle.f32 v17, v58  }
0x670: {  	v11 =	vld.idx.msk [tilespmem:v5+s18+$0x0], $0xffff;
	v32 =	vsel vm15, v2, v32;
	v33 =	vsel vm15, v3, v2;
	vm14 =	vle.f32 v19, v31  }
0x671: {  	v56 =	vsub.s32 v32, v33;
	v31 =	vsel vm14, v44, v8;
	v34 =	vsel vm14, v0, v44  }
0x672: {  	v0 =	vshra.s32 v56, $0x1;
	v44 =	vadd.s32 v37, v57;
	v58 =	vsub.s32 v31, v34  }
0x673: {  	s21 =	sadd.s32 $0x4, s21;
	v50 =	vsel vm11, v36, v39;
	v39 =	vadd.s32 v33, v0;
	v6 =	vshra.s32 v58, $0x1  }
0x674: {  	p0 =	slt.u32 s21, $0x3C;
	v43 =	vsel vm12, v40, v9;
	v53 =	vsel vm3, v10, v42;
	v40 =	vadd.s32 v34, v6  }
.Ltmp12:
0x675: {  	v51 =	vsel vm3, v35, v10;
	v7 =	vsub.s32 v45, v50;
	vm3 =	vle.f32 v20, v11;
	(pc) =	sbr.rel @p0 .LBB2_26-.Ltmp12, $4  }
0x676: {  	v8 =	vsub.s32 v43, v41;
	v57 =	vld.idx.msk [tilespmem:v54+s18+$0x0], $0xffff;
	v36 =	vsel vm3, v5, v4;
	v35 =	vsel vm3, v46, v5  }
0x677: {  	v60 =	vmovc v29;
	v11 =	vsub.s32 v53, v51;
	v9 =	vshra.s32 v8, $0x1;
	v10 =	vsub.s32 v36, v35;
	v52 =	vld.idx.msk [tilespmem:v44+s18+$0x0], $0xffff  }
0x678: {  	v59 =	vmovc v24;
	v62 =	vmovc v63;
	v0 =	vshra.s32 v7, $0x1;
	v55 =	vadd.s32 v41, v9;
	v42 =	vshra.s32 v10, $0x1;
	v46 =	vld.idx.msk [tilespmem:v39+s18+$0x0], $0xffff  }
0x679: {  	s22 =	sadd.s32 $0x40, s22;
	v63 =	vmovc v28;
	v56 =	vadd.s32 v50, v0;
	v58 =	vshra.s32 v11, $0x1;
	v42 =	vadd.s32 v35, v42;
	v49 =	vld.idx.msk [tilespmem:v40+s18+$0x0], $0xffff  }
0x67a: {  	_ =	sdelay $0x2  }
0x67b: {  	v0 =	vadd.s32 v51, v58  }
0x67c: {  	v1 =	vld.idx.msk [tilespmem:v56+s18+$0x0], $0xffff;
	_ =	sdelay $0x2  }
0x67d: {  	vm3 =	vle.f32 v23, v57  }
0x67e: {  	v3 =	vsel vm3, v54, v48;
	v4 =	vsel vm3, v47, v54;
	v2 =	vld.idx.msk [tilespmem:v0+s18+$0x0], $0xffff  }
0x67f: {  	v57 =	vsub.s32 v3, v4;
	vm3 =	vle.f32 v25, v1  }
0x680: {  	v1 =	vshra.s32 v57, $0x1;
	v58 =	vsel vm3, v56, v45;
	v6 =	vsel vm3, v50, v56  }
0x681: {  	v1 =	vadd.s32 v4, v1;
	v7 =	vsub.s32 v58, v6  }
0x682: {  	v9 =	vld.idx.msk [tilespmem:v55+s18+$0x0], $0xffff;
	v7 =	vshra.s32 v7, $0x1  }
0x683: {  	v7 =	vadd.s32 v6, v7;
	vm4 =	vle.f32 v27, v2  }
0x684: {  	v5 =	vsel vm4, v0, v53;
	v0 =	vsel vm4, v51, v0  }
0x685: {  	v8 =	vsub.s32 v5, v0  }
0x686: {  	v10 =	vld.idx.msk [tilespmem:v1+s18+$0x0], $0xffff;
	v8 =	vshra.s32 v8, $0x1  }
0x687: {  	vm3 =	vle.f32 v26, v9;
	v8 =	vadd.s32 v0, v8  }
0x688: {  	v12 =	vsel vm3, v55, v43;
	v13 =	vsel vm3, v41, v55;
	v11 =	vld.idx.msk [tilespmem:v7+s18+$0x0], $0xffff  }
0x689: {  	v15 =	vsub.s32 v12, v13  }
0x68a: {  	v15 =	vshra.s32 v15, $0x1  }
0x68b: {  	v28 =	vadd.s32 v13, v15;
	vm3 =	vle.f32 v23, v10  }
0x68c: {  	v3 =	vsel vm3, v1, v3;
	v1 =	vsel vm3, v4, v1;
	v24 =	vld.idx.msk [tilespmem:v8+s18+$0x0], $0xffff  }
0x68d: {  	v4 =	vsub.s32 v3, v1;
	vm3 =	vle.f32 v25, v11  }
0x68e: {  	v4 =	vshra.s32 v4, $0x1;
	v2 =	vsel vm3, v7, v58;
	v6 =	vsel vm3, v6, v7  }
0x68f: {  	v4 =	vadd.s32 v1, v4;
	v7 =	vsub.s32 v2, v6  }
0x690: {  	v29 =	vld.idx.msk [tilespmem:v28+s18+$0x0], $0xffff;
	v7 =	vshra.s32 v7, $0x1  }
0x691: {  	v7 =	vadd.s32 v6, v7;
	vm13 =	vle.f32 v27, v24  }
0x692: {  	v5 =	vsel vm13, v8, v5;
	v0 =	vsel vm13, v0, v8  }
0x693: {  	v8 =	vsub.s32 v5, v0  }
0x694: {  	v30 =	vld.idx.msk [tilespmem:v4+s18+$0x0], $0xffff;
	v8 =	vshra.s32 v8, $0x1  }
0x695: {  	vm3 =	vle.f32 v26, v29;
	v8 =	vadd.s32 v0, v8  }
0x696: {  	v12 =	vsel vm3, v28, v12;
	v10 =	vsel vm3, v13, v28;
	v15 =	vld.idx.msk [tilespmem:v7+s18+$0x0], $0xffff  }
0x697: {  	v13 =	vsub.s32 v12, v10  }
0x698: {  	v13 =	vshra.s32 v13, $0x1  }
0x699: {  	v43 =	vadd.s32 v10, v13;
	vm3 =	vle.f32 v23, v30  }
0x69a: {  	v3 =	vsel vm3, v4, v3;
	v1 =	vsel vm3, v1, v4;
	v41 =	vld.idx.msk [tilespmem:v8+s18+$0x0], $0xffff  }
0x69b: {  	v4 =	vsub.s32 v3, v1;
	vm14 =	vle.f32 v25, v15  }
0x69c: {  	v4 =	vshra.s32 v4, $0x1;
	v2 =	vsel vm14, v7, v2;
	v6 =	vsel vm14, v6, v7  }
0x69d: {  	v4 =	vadd.s32 v1, v4;
	v7 =	vsub.s32 v2, v6  }
0x69e: {  	v45 =	vld.idx.msk [tilespmem:v43+s18+$0x0], $0xffff;
	v7 =	vshra.s32 v7, $0x1  }
0x69f: {  	v7 =	vadd.s32 v6, v7;
	vm3 =	vle.f32 v27, v41  }
0x6a0: {  	v5 =	vsel vm3, v8, v5;
	v0 =	vsel vm3, v0, v8  }
0x6a1: {  	v8 =	vsub.s32 v5, v0  }
0x6a2: {  	v13 =	vld.idx.msk [tilespmem:v4+s18+$0x0], $0xffff;
	v8 =	vshra.s32 v8, $0x1  }
0x6a3: {  	vm3 =	vle.f32 v26, v45;
	v8 =	vadd.s32 v0, v8  }
0x6a4: {  	v12 =	vsel vm3, v43, v12;
	v10 =	vsel vm3, v10, v43;
	v47 =	vld.idx.msk [tilespmem:v7+s18+$0x0], $0xffff  }
0x6a5: {  	v15 =	vsub.s32 v12, v10  }
0x6a6: {  	v15 =	vshra.s32 v15, $0x1  }
0x6a7: {  	vm3 =	vle.f32 v14, v52;
	v15 =	vadd.s32 v10, v15;
	vm15 =	vle.f32 v23, v13  }
0x6a8: {  	v29 =	vsel vm3, v44, v38;
	v3 =	vsel vm15, v4, v3;
	v1 =	vsel vm15, v1, v4;
	v48 =	vld.idx.msk [tilespmem:v8+s18+$0x0], $0xffff  }
0x6a9: {  	v13 =	vsel vm3, v37, v44;
	v4 =	vsub.s32 v3, v1;
	vm3 =	vle.f32 v25, v47  }
0x6aa: {  	vm9 =	vle.f32 v17, v46;
	v4 =	vshra.s32 v4, $0x1;
	v2 =	vsel vm3, v7, v2  }
0x6ab: {  	v6 =	vsel vm3, v6, v7;
	v4 =	vadd.s32 v1, v4;
	vm3 =	vle.f32 v19, v49  }
0x6ac: {  	v50 =	vld.idx.msk [tilespmem:v15+s18+$0x0], $0xffff;
	v7 =	vsub.s32 v2, v6;
	v30 =	vsel vm3, v40, v31;
	v31 =	vsel vm9, v39, v32  }
0x6ad: {  	v32 =	vsel vm9, v33, v39;
	v7 =	vshra.s32 v7, $0x1;
	vm8 =	vle.f32 v27, v48  }
0x6ae: {  	v53 =	vsub.s32 v31, v32;
	v5 =	vsel vm8, v8, v5;
	v0 =	vsel vm8, v0, v8  }
0x6af: {  	v7 =	vadd.s32 v6, v7;
	v37 =	vshra.s32 v53, $0x1;
	v8 =	vsub.s32 v5, v0  }
0x6b0: {  	v52 =	vld.idx.msk [tilespmem:v42+s18+$0x0], $0xffff;
	v51 =	vsub.s32 v29, v13;
	v37 =	vadd.s32 v32, v37;
	v8 =	vshra.s32 v8, $0x1  }
0x6b1: {  	v34 =	vsel vm3, v34, v40;
	vm3 =	vle.f32 v26, v50;
	v55 =	vld.idx.msk [tilespmem:v4+s18+$0x0], $0xffff;
	v8 =	vadd.s32 v0, v8  }
0x6b2: {  	v11 =	vshra.s32 v51, $0x1;
	v12 =	vsel vm3, v15, v12;
	v10 =	vsel vm3, v10, v15  }
0x6b3: {  	v11 =	vadd.s32 v13, v11;
	v54 =	vsub.s32 v30, v34;
	v58 =	vsub.s32 v12, v10  }
0x6b4: {  	v15 =	vshra.s32 v54, $0x1;
	v56 =	vld.idx.msk [tilespmem:v7+s18+$0x0], $0xffff;
	v40 =	vshra.s32 v58, $0x1  }
0x6b5: {  	vm3 =	vle.f32 v20, v52;
	v15 =	vadd.s32 v34, v15;
	v24 =	vadd.s32 v10, v40;
	v44 =	vld.idx.msk [tilespmem:v37+s18+$0x0], $0xffff  }
0x6b6: {  	v36 =	vsel vm3, v42, v36;
	v9 =	vsel vm3, v35, v42;
	vm10 =	vle.f32 v23, v55;
	v57 =	vld.idx.msk [tilespmem:v8+s18+$0x0], $0xffff  }
0x6b7: {  	v50 =	vsub.s32 v36, v9;
	v3 =	vsel vm10, v4, v3;
	v1 =	vsel vm10, v1, v4  }
0x6b8: {  	v28 =	vld.idx.msk [tilespmem:v11+s18+$0x0], $0xffff;
	v41 =	vshra.s32 v50, $0x1;
	v45 =	vsub.s32 v3, v1  }
0x6b9: {  	v52 =	vadd.s32 v9, v41;
	vm11 =	vle.f32 v25, v56;
	v38 =	vshra.s32 v45, $0x1  }
0x6ba: {  	v2 =	vsel vm11, v7, v2;
	v6 =	vsel vm11, v6, v7;
	v47 =	vld.idx.msk [tilespmem:v24+s18+$0x0], $0xffff;
	v38 =	vadd.s32 v1, v38  }
0x6bb: {  	v46 =	vld.idx.msk [tilespmem:v15+s18+$0x0], $0xffff;
	vm5 =	vle.f32 v17, v44;
	v48 =	vsub.s32 v2, v6;
	vm3 =	vle.f32 v27, v57  }
0x6bc: {  	v5 =	vsel vm3, v8, v5;
	v0 =	vsel vm3, v0, v8;
	v8 =	vshra.s32 v48, $0x1  }
0x6bd: {  	vm3 =	vle.f32 v14, v28;
	v49 =	vsub.s32 v5, v0;
	v8 =	vadd.s32 v6, v8  }
0x6be: {  	v31 =	vsel vm5, v37, v31;
	v29 =	vsel vm3, v11, v29;
	v40 =	vshra.s32 v49, $0x1  }
0x6bf: {  	v53 =	vsel vm3, v13, v11;
	vm3 =	vle.f32 v26, v47;
	v51 =	vadd.s32 v0, v40  }
0x6c0: {  	vm12 =	vle.f32 v19, v46;
	v55 =	vsel vm3, v24, v12;
	v10 =	vsel vm3, v10, v24;
	v12 =	vld.idx.msk [tilespmem:v38+s18+$0x0], $0xffff  }
0x6c1: {  	v32 =	vsel vm5, v32, v37;
	v54 =	vsel vm12, v15, v30;
	v33 =	vsub.s32 v55, v10  }
0x6c2: {  	v13 =	vsel vm12, v34, v15;
	v15 =	vsub.s32 v29, v53;
	v33 =	vshra.s32 v33, $0x1;
	v56 =	vld.idx.msk [tilespmem:v8+s18+$0x0], $0xffff  }
0x6c3: {  	v34 =	vsub.s32 v54, v13;
	v15 =	vshra.s32 v15, $0x1;
	v33 =	vadd.s32 v10, v33  }
0x6c4: {  	v34 =	vshra.s32 v34, $0x1;
	v4 =	vadd.s32 v53, v15;
	v15 =	vsub.s32 v31, v32;
	v57 =	vld.idx.msk [tilespmem:v51+s18+$0x0], $0xffff  }
0x6c5: {  	v13 =	vadd.s32 v13, v34;
	v15 =	vshra.s32 v15, $0x1;
	vm3 =	vle.f32 v23, v12  }
0x6c6: {  	v12 =	vadd.s32 v32, v15;
	v15 =	vld.idx.msk [tilespmem:v52+s18+$0x0], $0xffff;
	v3 =	vsel vm3, v38, v3;
	v1 =	vsel vm3, v1, v38  }
0x6c7: {  	v58 =	vsub.s32 v3, v1;
	vm13 =	vle.f32 v25, v56  }
0x6c8: {  	v24 =	vld.idx.msk [tilespmem:v33+s18+$0x0], $0xffff;
	v30 =	vshra.s32 v58, $0x1;
	v2 =	vsel vm13, v8, v2;
	v6 =	vsel vm13, v6, v8  }
0x6c9: {  	v30 =	vadd.s32 v1, v30;
	vm3 =	vle.f32 v27, v57;
	v8 =	vsub.s32 v2, v6  }
0x6ca: {  	v34 =	vld.idx.msk [tilespmem:v13+s18+$0x0], $0xffff;
	v5 =	vsel vm3, v51, v5;
	v0 =	vsel vm3, v0, v51;
	v8 =	vshra.s32 v8, $0x1  }
0x6cb: {  	vm3 =	vle.f32 v20, v15;
	v35 =	vsub.s32 v5, v0;
	v8 =	vadd.s32 v6, v8  }
0x6cc: {  	v41 =	vld.idx.msk [tilespmem:v12+s18+$0x0], $0xffff;
	v42 =	vsel vm3, v52, v36;
	v35 =	vshra.s32 v35, $0x1  }
0x6cd: {  	v9 =	vsel vm3, v9, v52;
	vm3 =	vle.f32 v26, v24;
	v15 =	vadd.s32 v0, v35  }
0x6ce: {  	v11 =	vsel vm3, v33, v55;
	v10 =	vsel vm3, v10, v33  }
0x6cf: {  	vm3 =	vle.f32 v19, v34;
	v45 =	vld.idx.msk [tilespmem:v30+s18+$0x0], $0xffff;
	v33 =	vsub.s32 v11, v10  }
0x6d0: {  	v7 =	vsel vm3, v13, v54;
	v33 =	vshra.s32 v33, $0x1;
	v13 =	vld.idx.msk [tilespmem:v8+s18+$0x0], $0xffff  }
0x6d1: {  	v43 =	vsub.s32 v42, v9;
	vm3 =	vle.f32 v17, v41;
	v33 =	vadd.s32 v10, v33  }
0x6d2: {  	v32 =	vshra.s32 v43, $0x1;
	vm14 =	vgt.s32 v7, $0x1;
	v12 =	vsel vm3, v12, v31;
	v46 =	vld.idx.msk [tilespmem:v15+s18+$0x0], $0xffff  }
0x6d3: {  	v9 =	vadd.s32 v9, v32;
	v7 =	vnsel vm14, $0x1, v7;
	vm3 =	vgt.s32 v12, $0x1  }
0x6d4: {  	v7 =	vmin.u32 v7, $0xBFF;
	v12 =	vnsel vm3, $0x1, v12;
	vm3 =	vle.f32 v23, v45  }
0x6d5: {  	v3 =	vsel vm3, v30, v3;
	v1 =	vsel vm3, v1, v30;
	vm8 =	vle.f32 v25, v13  }
0x6d6: {  	v47 =	vadd.s32 $0xFFFFFFFF, v7;
	v49 =	vld.idx.msk [tilespmem:v33+s18+$0x0], $0xffff;
	v13 =	vsub.s32 v3, v1;
	v2 =	vsel vm8, v8, v2  }
0x6d7: {  	v6 =	vsel vm8, v6, v8;
	v13 =	vshra.s32 v13, $0x1;
	vm3 =	vle.f32 v27, v46  }
0x6d8: {  	v44 =	vld.idx.msk [tilespmem:v4+s18+$0x0], $0xffff;
	v8 =	vsub.s32 v2, v6;
	v5 =	vsel vm3, v15, v5;
	v0 =	vsel vm3, v0, v15  }
0x6d9: {  	v50 =	vld.idx.msk [tilespmem:v9+s18+$0x0], $0xffff;
	v13 =	vadd.s32 v1, v13;
	v8 =	vshra.s32 v8, $0x1;
	v15 =	vsub.s32 v5, v0  }
0x6da: {  	v7 =	vld.idx.msk [tilespmem:v7+s18+$0x0], $0xffff;
	v8 =	vadd.s32 v6, v8;
	v15 =	vshra.s32 v15, $0x1  }
0x6db: {  	v51 =	vld.idx.msk [tilespmem:v47+s18+$0x0], $0xffff;
	vm9 =	vle.f32 v26, v49;
	v15 =	vadd.s32 v0, v15  }
0x6dc: {  	v11 =	vsel vm9, v33, v11;
	v10 =	vsel vm9, v10, v33  }
0x6dd: {  	vm15 =	vle.f32 v14, v44;
	v52 =	vsub.s32 v11, v10  }
0x6de: {  	v4 =	vsel vm15, v4, v29;
	v31 =	vshra.s32 v52, $0x1;
	v53 =	vld.idx.msk [tilespmem:v13+s18+$0x0], $0xffff  }
0x6df: {  	v12 =	vmin.u32 v12, $0xBFF;
	vm10 =	vle.f32 v20, v50;
	v31 =	vadd.s32 v10, v31;
	v54 =	vld.idx.msk [tilespmem:v8+s18+$0x0], $0xffff  }
0x6e0: {  	vm3 =	vgt.s32 v4, $0x1;
	v9 =	vsel vm10, v9, v42;
	v7 =	vsub.f32 v7, v51;
	v55 =	vld.idx.msk [tilespmem:v15+s18+$0x0], $0xffff  }
0x6e1: {  	v48 =	vadd.s32 $0xFFFFFFFF, v12;
	v4 =	vnsel vm3, $0x1, v4;
	vm3 =	vgt.s32 v9, $0x1  }
0x6e2: {  	v4 =	vmin.u32 v4, $0xBFF;
	v9 =	vnsel vm3, $0x1, v9;
	vm3 =	veq.f32 v7, $0.0e+00  }
0x6e3: {  	v9 =	vmin.u32 v9, $0xBFF;
	v7 =	vsel vm3, $0x3F800000, v7;
	vm3 =	vle.f32 v23, v53  }
0x6e4: {  	v57 =	vadd.s32 $0xFFFFFFFF, v4;
	v56 =	vadd.s32 $0xFFFFFFFF, v9;
	v58 =	vld.idx.msk [tilespmem:v31+s18+$0x0], $0xffff;
	v3 =	vsel vm3, v13, v3  }
0x6e5: {  	v12 =	vld.idx.msk [tilespmem:v12+s18+$0x0], $0xffff;
	v1 =	vsel vm3, v1, v13;
	vm12 =	vle.f32 v25, v54;
	vm11 =	vle.f32 v27, v55  }
0x6e6: {  	v30 =	vld.idx.msk [tilespmem:v48+s18+$0x0], $0xffff;
	v5 =	vsel vm11, v15, v5;
	v0 =	vsel vm11, v0, v15;
	v15 =	vsub.s32 v3, v1  }
0x6e7: {  	v4 =	vld.idx.msk [tilespmem:v4+s18+$0x0], $0xffff;
	v2 =	vsel vm12, v8, v2;
	v28 =	vsub.s32 v5, v0;
	v15 =	vshra.s32 v15, $0x1  }
0x6e8: {  	v9 =	vld.idx.msk [tilespmem:v9+s18+$0x0], $0xffff;
	v6 =	vsel vm12, v6, v8;
	v35 =	vshra.s32 v28, $0x1;
	v1 =	vadd.s32 v1, v15  }
0x6e9: {  	v13 =	vld.idx.msk [tilespmem:v56+s18+$0x0], $0xffff;
	v8 =	vsub.s32 v2, v6;
	vm3 =	vle.f32 v26, v58;
	v0 =	vadd.s32 v0, v35  }
0x6ea: {  	v24 =	vld.idx.msk [tilespmem:v57+s18+$0x0], $0xffff;
	v36 =	vsel vm3, v31, v11;
	v10 =	vsel vm3, v10, v31;
	v35 =	vshra.s32 v8, $0x1  }
0x6eb: {  	v39 =	vsub.s32 v36, v10;
	v6 =	vadd.s32 v6, v35  }
0x6ec: {  	(erf) = vrcp.f32 v7;
	v7 =	vshra.s32 v39, $0x1  }
0x6ed: {  	v12 =	vsub.f32 v12, v30;
	v7 =	vadd.s32 v10, v7;
	v41 =	vld.idx.msk [tilespmem:v1+s18+$0x0], $0xffff  }
0x6ee: {  	v9 =	vsub.f32 v9, v13;
	v42 =	vld.idx.msk [tilespmem:v0+s18+$0x0], $0xffff  }
0x6ef: {  	v4 =	vsub.f32 v4, v24;
	vm3 =	veq.f32 v12, $0.0e+00  }
0x6f0: {  	v40 =	vsel vm3, $0x3F800000, v12;
	vm3 =	veq.f32 v9, $0.0e+00;
	v44 =	vld.idx.msk [tilespmem:v6+s18+$0x0], $0xffff  }
0x6f1: {  	v43 =	vcvt.s32.f32 v47;
	v9 =	vsel vm3, $0x3F800000, v9;
	vm3 =	veq.f32 v4, $0.0e+00  }
0x6f2: {  	(erf) = vrcp.f32 v40;
	v4 =	vsel vm3, $0x3F800000, v4;
	v46 =	vld.idx.msk [tilespmem:v7+s18+$0x0], $0xffff;
	vm3 =	vle.f32 v23, v41  }
0x6f3: {  	(erf) = vrcp.f32 v9;
	vm13 =	vle.f32 v27, v42;
	v1 =	vsel vm3, v1, v3  }
0x6f4: {  	(erf) = vrcp.f32 v4;
	v0 =	vsel vm13, v0, v5;
	vm3 =	vgt.s32 v1, $0x1  }
0x6f5: {  	vm14 =	vle.f32 v25, v44;
	vm4 =	vgt.s32 v0, $0x1;
	v1 =	vnsel vm3, $0x1, v1  }
0x6f6: {  	v2 =	vsel vm14, v6, v2;
	v0 =	vnsel vm4, $0x1, v0;
	v1 =	vmin.u32 v1, $0xBFF  }
0x6f7: {  	vm15 =	vle.f32 v26, v46;
	vm3 =	vgt.s32 v2, $0x1;
	v0 =	vmin.u32 v0, $0xBFF  }
0x6f8: {  	v50 =	vsel vm15, v7, v36;
	v2 =	vnsel vm3, $0x1, v2;
	v49 =	vadd.s32 $0xFFFFFFFF, v0  }
0x6f9: {  	v47 =	vsub.f32 v19, v51;
	v15 =	vpop (erf);
	vm3 =	vgt.s32 v50, $0x1;
	v2 =	vmin.u32 v2, $0xBFF  }
0x6fa: {  	v15 =	vmul.f32 $9.768805470e-04, v15;
	v5 =	vnsel vm3, $0x1, v50;
	v54 =	vadd.s32 $0xFFFFFFFF, v2  }
0x6fb: {  	v55 =	vsub.f32 v17, v30;
	v5 =	vmin.u32 v5, $0xBFF;
	v17 =	vld.idx.msk [tilespmem:v1+s18+$0x0], $0xffff  }
0x6fc: {  	v9 =	vmul.f32 $9.768805470e-04, v43;
	v10 =	vmul.f32 v15, v47;
	v15 =	vadd.s32 $0xFFFFFFFF, v5;
	v0 =	vld.idx.msk [tilespmem:v0+s18+$0x0], $0xffff  }
0x6fd: {  	v45 =	vcvt.s32.f32 v48;
	v48 =	vcvt.s32.f32 v56;
	v53 =	vpop (erf);
	v1 =	vadd.s32 $0xFFFFFFFF, v1;
	v56 =	vld.idx.msk [tilespmem:v49+s18+$0x0], $0xffff  }
0x6fe: {  	v12 =	vcvt.s32.f32 v57;
	v51 =	vadd.f32 $-1.000000000e+00, v9;
	v19 =	vpop (erf);
	v2 =	vld.idx.msk [tilespmem:v2+s18+$0x0], $0xffff  }
0x6ff: {  	v13 =	vsub.f32 v20, v13;
	v57 =	vmul.f32 $9.768805470e-04, v19;
	v58 =	vld.idx.msk [tilespmem:v54+s18+$0x0], $0xffff  }
0x700: {  	v12 =	vmul.f32 $9.768805470e-04, v12;
	v6 =	vadd.f32 v51, v10;
	v19 =	vpop (erf);
	v5 =	vld.idx.msk [tilespmem:v5+s18+$0x0], $0xffff  }
0x701: {  	v10 =	vmul.f32 v57, v13;
	v13 =	vmul.f32 $9.768805470e-04, v19;
	v19 =	vld.idx.msk [tilespmem:v15+s18+$0x0], $0xffff  }
0x702: {  	v14 =	vsub.f32 v14, v24;
	v3 =	vmul.f32 $9.768805470e-04, v48;
	v6 =	vsub.f32 v6, v62;
	v62 =	vld.idx.msk [tilespmem:v1+s18+$0x0], $0xffff  }
0x703: {  	v52 =	vmul.f32 $9.768805470e-04, v45;
	v12 =	vadd.f32 $-1.000000000e+00, v12;
	v8 =	vmul.f32 $9.768805470e-04, v53  }
0x704: {  	v3 =	vadd.f32 $-1.000000000e+00, v3;
	v13 =	vmul.f32 v13, v14;
	v0 =	vsub.f32 v0, v56  }
0x705: {  	v7 =	vadd.f32 $-1.000000000e+00, v52;
	v8 =	vmul.f32 v8, v55;
	v2 =	vsub.f32 v2, v58  }
0x706: {  	v12 =	vadd.f32 v12, v13;
	vm3 =	veq.f32 v0, $0.0e+00;
	v5 =	vsub.f32 v5, v19  }
0x707: {  	v0 =	vsel vm3, $0x3F800000, v0;
	vm3 =	veq.f32 v2, $0.0e+00;
	v13 =	vsub.f32 v17, v62  }
0x708: {  	(erf) = vrcp.f32 v0;
	v2 =	vsel vm3, $0x3F800000, v2;
	vm3 =	veq.f32 v5, $0.0e+00  }
0x709: {  	(erf) = vrcp.f32 v2;
	v24 =	vsel vm3, $0x3F800000, v5;
	vm3 =	veq.f32 v13, $0.0e+00  }
0x70a: {  	v28 =	vsub.f32 v12, v59;
	v12 =	vsel vm3, $0x3F800000, v13;
	(erf) = vrcp.f32 v24  }
0x70b: {  	v7 =	vadd.f32 v7, v8;
	(erf) = vrcp.f32 v12  }
0x70c: {  	v6 =	vand.u32 $0x7FFFFFFF, v6;
	v3 =	vadd.f32 v3, v10  }
0x70d: {  	v7 =	vsub.f32 v7, v60;
	v14 =	vsub.f32 $1.000000000e+00, v6  }
0x70e: {  	v30 =	vcvt.s32.f32 v49;
	v32 =	vcvt.s32.f32 v54;
	v3 =	vsub.f32 v3, v63  }
0x70f: {  	v36 =	vcvt.s32.f32 v15;
	v7 =	vand.u32 $0x7FFFFFFF, v7;
	v6 =	vmin.f32 v6, v14  }
0x710: {  	v6 =	vmul.f32 v6, v6;
	v20 =	vand.u32 $0x7FFFFFFF, v3;
	v3 =	vmul.f32 $9.768805470e-04, v30  }
0x711: {  	v63 =	vsub.f32 $1.000000000e+00, v7;
	v9 =	vmul.f32 $9.768805470e-04, v36;
	v29 =	vsub.f32 $1.000000000e+00, v20;
	v33 =	vpop (erf)  }
0x712: {  	v6 =	vadd.f32 v6, v22;
	v3 =	vadd.f32 $-1.000000000e+00, v3;
	v1 =	vcvt.s32.f32 v1;
	v37 =	vpop (erf)  }
0x713: {  	v43 =	vadd.f32 $-1.000000000e+00, v9;
	v35 =	vsub.f32 v27, v56;
	v0 =	vmin.f32 v7, v63;
	v12 =	vpop (erf)  }
0x714: {  	v1 =	vmul.f32 $9.768805470e-04, v1;
	v0 =	vmul.f32 v0, v0;
	v5 =	vand.u32 $0x7FFFFFFF, v28;
	v42 =	vpop (erf)  }
0x715: {  	v8 =	vsub.f32 v25, v58;
	v31 =	vsub.f32 $1.000000000e+00, v5;
	v34 =	vmul.f32 $9.768805470e-04, v33;
	_ =	swait.ge [sflag:s14], $0x8000  }
0x716: {  	v39 =	vsub.f32 v26, v19;
	v0 =	vadd.f32 v0, v6;
	v6 =	vmul.f32 $9.768805470e-04, v32;
	v44 =	vld [tilespmem:$0x1FF10]  }
0x717: {  	v4 =	vmin.f32 v5, v31;
	v38 =	vmul.f32 $9.768805470e-04, v37;
	v5 =	vmul.f32 v34, v35  }
0x718: {  	v1 =	vadd.f32 $-1.000000000e+00, v1;
	v2 =	vmin.f32 v20, v29;
	v6 =	vadd.f32 $-1.000000000e+00, v6  }
0x719: {  	v41 =	vmul.f32 $9.768805470e-04, v12;
	v40 =	vmul.f32 v38, v8;
	v3 =	vadd.f32 v3, v5  }
0x71a: {  	v47 =	vsub.f32 v23, v62;
	v2 =	vmul.f32 v2, v2;
	v46 =	vmul.f32 $9.768805470e-04, v42;
	[sflag:s14] =	ssyncset.done $0x0  }
0x71b: {  	s0 =	simm.s32 $0x8040;
	v45 =	vmul.f32 v41, v39;
	v5 =	vadd.f32 v6, v40;
	[sflag:s14] =	ssyncadd.s32 $0xFFFF8000;
	v3 =	vsub.f32 v3, v44  }
0x71c: {  	v0 =	vadd.f32 v2, v0;
	v4 =	vmul.f32 v4, v4;
	v7 =	vmul.f32 v46, v47;
	v48 =	vld [tilespmem:s0+$0x30]  }
0x71d: {  	v2 =	vadd.f32 v43, v45;
	v50 =	vld [tilespmem:s0+$0xFFFFFFD0];
	v5 =	vsub.f32 v5, v21;
	v3 =	vand.u32 $0x7FFFFFFF, v3  }
0x71e: {  	v1 =	vadd.f32 v1, v7;
	v49 =	vsub.f32 $1.000000000e+00, v3  }
0x71f: {  	v0 =	vadd.f32 v4, v0;
	v51 =	vld [tilespmem:s0+$0xFFFFFFE0];
	v2 =	vsub.f32 v2, v18;
	v5 =	vand.u32 $0x7FFFFFFF, v5  }
0x720: {  	v53 =	vld [tilespmem:s0+$0xFFFFFFF0];
	v1 =	vsub.f32 v1, v16;
	v52 =	vsub.f32 $1.000000000e+00, v5;
	v3 =	vmin.f32 v3, v49  }
0x721: {  	v54 =	vld [tilespmem:s0+$0x0];
	v2 =	vand.u32 $0x7FFFFFFF, v2;
	v56 =	vshra.s32 v48, $0x10;
	v3 =	vmul.f32 v3, v3  }
0x722: {  	v12 =	vsub.f32 $1.000000000e+00, v2;
	v57 =	vshra.s32 v50, $0x10;
	v5 =	vmin.f32 v5, v52  }
0x723: {  	v55 =	vld [tilespmem:s0+$0x10];
	v1 =	vand.u32 $0x7FFFFFFF, v1;
	v5 =	vmul.f32 v5, v5;
	v0 =	vadd.f32 v3, v0  }
0x724: {  	v13 =	vshra.s32 v51, $0x10;
	v2 =	vmin.f32 v2, v12;
	v12 =	vsub.f32 $1.000000000e+00, v1  }
0x725: {  	v14 =	vld [tilespmem:s0+$0x20];
	v15 =	vshra.s32 v53, $0x10;
	v2 =	vmul.f32 v2, v2;
	v0 =	vadd.f32 v5, v0  }
0x726: {  	v58 =	vld [tilespmem:s0+$0xFFFFFFC0];
	v16 =	vshra.s32 v54, $0x10;
	v6 =	vshll.u32 v48, $0x10;
	v1 =	vmin.f32 v1, v12  }
0x727: {  	v9 =	vshll.u32 v50, $0x10;
	[tilespmem:v56+s16+$0x0] =	vst.idx.add.f32.msk $0xffff, v6;
	v1 =	vmul.f32 v1, v1;
	v0 =	vadd.f32 v2, v0  }
0x728: {  	v17 =	vshra.s32 v55, $0x10;
	v59 =	vshll.u32 v51, $0x10;
	[tilespmem:v57+s16+$0x0] =	vst.idx.add.f32.msk $0xffff, v9  }
0x729: {  	v60 =	vshll.u32 v53, $0x10;
	[tilespmem:v13+s16+$0x0] =	vst.idx.add.f32.msk $0xffff, v59;
	v0 =	vadd.f32 v1, v0  }
0x72a: {  	[tilespmem:v15+s16+$0x0] =	vst.idx.add.f32.msk $0xffff, v60  }
0x72b: {  	v62 =	vshll.u32 v54, $0x10;
	[tilespmem:$0x1FF00] =	vst v0  }
0x72c: {  	v63 =	vshll.u32 v55, $0x10;
	v13 =	vshll.u32 v14, $0x10;
	[tilespmem:v16+s16+$0x0] =	vst.idx.add.f32.msk $0xffff, v62  }
0x72d: {  	s21 =	simm.s32 $0x0;
	s22 =	simm.s32 $0x80C0;
	v14 =	vshra.s32 v14, $0x10;
	v15 =	vshll.u32 v58, $0x10;
	v16 =	vshra.s32 v58, $0x10;
	[tilespmem:v17+s16+$0x0] =	vst.idx.add.f32.msk $0xffff, v63  }
.LBB2_28:
0x72e: {  	v0 =	vld [tilespmem:s22+$0x30];
	s21 =	sadd.s32 $0x8, s21  }
0x72f: {  	v1 =	vld [tilespmem:s22+$0xFFFFFFD0];
	p0 =	slt.u32 s21, $0x7F8  }
0x730: {  	v2 =	vld [tilespmem:s22+$0xFFFFFFE0]  }
0x731: {  	v3 =	vld [tilespmem:s22+$0xFFFFFFF0]  }
0x732: {  	v4 =	vld [tilespmem:s22+$0x0]  }
0x733: {  	v5 =	vld [tilespmem:s22+$0x10];
	v6 =	vshra.s32 v0, $0x10  }
0x734: {  	v7 =	vshll.u32 v1, $0x10;
	v1 =	vshra.s32 v1, $0x10;
	v8 =	vld [tilespmem:s22+$0x20]  }
0x735: {  	v9 =	vld [tilespmem:s22+$0xFFFFFFC0];
	v10 =	vshll.u32 v2, $0x10;
	v2 =	vshra.s32 v2, $0x10  }
0x736: {  	v11 =	vshll.u32 v3, $0x10;
	v3 =	vshra.s32 v3, $0x10;
	[tilespmem:v16+s16+$0x0] =	vst.idx.add.f32.msk $0xffff, v15  }
0x737: {  	s23 =	simm.s32 $0x10020;
	v0 =	vshll.u32 v0, $0x10;
	v17 =	vshll.u32 v4, $0x10;
	v4 =	vshra.s32 v4, $0x10;
	[tilespmem:v14+s16+$0x0] =	vst.idx.add.f32.msk $0xffff, v13  }
0x738: {  	s24 =	simm.f32 $0.0e+00;
	s25 =	simm.s32 $0x10CA0;
	v18 =	vshll.u32 v5, $0x10;
	v5 =	vshra.s32 v5, $0x10;
	[tilespmem:v6+s16+$0x0] =	vst.idx.add.f32.msk $0xffff, v0  }
.Ltmp13:
0x739: {  	[tilespmem:v1+s16+$0x0] =	vst.idx.add.f32.msk $0xffff, v7;
	v13 =	vshll.u32 v8, $0x10;
	v14 =	vshra.s32 v8, $0x10;
	(pc) =	sbr.rel @p0 .LBB2_28-.Ltmp13, $4  }
0x73a: {  	v15 =	vshll.u32 v9, $0x10;
	v16 =	vshra.s32 v9, $0x10;
	[tilespmem:v2+s16+$0x0] =	vst.idx.add.f32.msk $0xffff, v10  }
0x73b: {  	[tilespmem:v3+s16+$0x0] =	vst.idx.add.f32.msk $0xffff, v11  }
0x73c: {  	[tilespmem:v4+s16+$0x0] =	vst.idx.add.f32.msk $0xffff, v17  }
0x73d: {  	s22 =	sadd.s32 $0x80, s22;
	[tilespmem:v5+s16+$0x0] =	vst.idx.add.f32.msk $0xffff, v18  }
0x73e: {  	_ =	sdelay $0x3  }
0x73f: {  	[tilespmem:v16+s16+$0x0] =	vst.idx.add.f32.msk $0xffff, v15  }
0x740: {  	[tilespmem:v14+s16+$0x0] =	vst.idx.add.f32.msk $0xffff, v13  }
0x741: {  	v0 =	vld [tilespmem:s23+$0x0]  }
0x742: {  	v1 =	vld [tilespmem:s23+$0xFFFFFFE0];
	_ =	sdelay $0x2  }
0x743: {  	v2 =	vld [tilespmem:s23+$0xFFFFFFF0]  }
0x744: {  	(xrf2) =	vadd.scan.msk.f32 $0xffff, v0  }
0x745: {  	(xrf2) =	vadd.scan.msk.f32 $0xffff, v1;
	_ =	sdelay $0x2  }
0x746: {  	(xrf2) =	vadd.scan.msk.f32 $0xffff, v2;
	_ =	sdelay $0x1  }
0x747: {  	s22 =	simm.s32 $0x10060  }
0x748: {  	v3 =	vld [tilespmem:s22+$0x0]  }
0x749: {  	v4 =	vld [tilespmem:s23+$0x10];
	_ =	sdelay $0x1  }
0x74a: {  	v5, _, _ =	vpop (xrf2)  }
0x74b: {  	v7 =	vld [tilespmem:s22+$0xFFFFFFE0];
	v6, _, _ =	vpop (xrf2)  }
0x74c: {  	(xrf2) =	vadd.scan.msk.f32 $0xffff, v3;
	(v2sf) =	vpush v6, $0xF  }
0x74d: {  	(xrf2) =	vadd.scan.msk.f32 $0xffff, v4  }
0x74e: {  	v9 =	vld [tilespmem:s22+$0xFFFFFFF0];
	v8, _, _ =	vpop (xrf2)  }
0x74f: {  	(v2sf) =	vpush v8, $0xF  }
0x750: {  	(xrf2) =	vadd.scan.msk.f32 $0xffff, v7;
	(v2sf) =	vpush v5, $0xF  }
0x751: {  	s21 =	simm.s32 $0x100A0  }
0x752: {  	v10 =	vld [tilespmem:s21+$0x0]  }
0x753: {  	v11 =	vld [tilespmem:s22+$0x10];
	(xrf2) =	vadd.scan.msk.f32 $0xffff, v9  }
0x754: {  	v25 =	vld [tilespmem:s21+$0xFFFFFFE0];
	_ =	sdelay $0x1  }
0x755: {  	v18, _, _ =	vpop (xrf2)  }
0x756: {  	(xrf2) =	vadd.scan.msk.f32 $0xffff, v10;
	v14, _, _ =	vpop (xrf2)  }
0x757: {  	(xrf2) =	vadd.scan.msk.f32 $0xffff, v11;
	(v2sf) =	vpush v14, $0xF  }
0x758: {  	(xrf2) =	vadd.scan.msk.f32 $0xffff, v25  }
0x759: {  	v15 =	vld [tilespmem:s21+$0xFFFFFFF0];
	v57, _, _ =	vpop (xrf2)  }
0x75a: {  	s0 =	spop (v2sf);
	(v2sf) =	vpush v57, $0xF  }
0x75b: {  	s28 =	simm.s32 $0x100E0  }
0x75c: {  	v16 =	vld [tilespmem:s28+$0x0];
	v59, _, _ =	vpop (xrf2)  }
0x75d: {  	v1 =	vsub.f32 v6, v1;
	s1 =	spop (v2sf);
	(v2sf) =	vpush v59, $0xF  }
0x75e: {  	v2 =	vsub.f32 v8, v2;
	(xrf2) =	vadd.scan.msk.f32 $0xffff, v15;
	s26 =	spop (v2sf);
	(v2sf) =	vpush v18, $0xF  }
0x75f: {  	v1 =	vadd.f32 s24, v1;
	v58 =	vsub.f32 v14, v4;
	v14 =	vld [tilespmem:s21+$0x10];
	s0 =	sadd.f32 s0, s24  }
0x760: {  	v12 =	vimm.f32 $0.0e+00;
	v21, _, _ =	vpop (xrf2)  }
0x761: {  	v0 =	vsub.f32 v5, v0;
	[tilespmem:s25+$0xFFFFFFE0] =	vst v1;
	(xrf2) =	vadd.scan.msk.f32 $0xffff, v16;
	v62, _, _ =	vpop (xrf2);
	v60 =	vadd.f32 s0, v2;
	s0 =	sadd.f32 s1, s0  }
0x762: {  	v22 =	vld [tilespmem:s28+$0xFFFFFFE0];
	v13 =	vsub.f32 v18, v3;
	[tilespmem:s23+$0xFFFFFFE0] =	vst v12;
	v63, _, _ =	vpop (xrf2);
	(v2sf) =	vpush v62, $0xF  }
0x763: {  	v26 =	vimm.f32 $2.000000000e+00;
	(v2sf) =	vpush v63, $0xF;
	[tilespmem:s25+$0xFFFFFFF0] =	vst v60;
	v0 =	vadd.f32 s0, v0  }
0x764: {  	v23 =	vld [tilespmem:s28+$0xFFFFFFF0];
	v17 =	vsub.f32 v57, v7;
	v19 =	vsub.f32 v59, v9;
	(xrf2) =	vadd.scan.msk.f32 $0xffff, v14;
	s30 =	sadd.f32 s26, s0;
	[tilespmem:s23+$0xFFFFFFF0] =	vst v12  }
0x765: {  	s29 =	simm.s32 $0xC;
	v27 =	vimm.s32 $0xFFFFDC03;
	v20 =	vsub.f32 v62, v11;
	v25 =	vsub.f32 v63, v25;
	[tilespmem:s25+$0x0] =	vst v0  }
0x766: {  	v38 =	vimm.s32 $0x600;
	s24 =	simm.s32 $0x100E0;
	v18 =	vsub.f32 v21, v10;
	s31 =	spop (v2sf);
	s26 =	simm.s32 $0x10CA0;
	v24 =	vadd.f32 s30, v58;
	[tilespmem:s23+$0x0] =	vst v12  }
.LBB2_30:
0x767: {  	s29 =	sadd.s32 $0x4, s29;
	s28 =	sadd.s32 $0x40, s28;
	(xrf2) =	vadd.scan.msk.f32 $0xffff, v22;
	s25 =	sadd.s32 $0x40, s25;
	v0 =	vmov v22  }
0x768: {  	v1 =	vld [tilespmem:s28+$0x0];
	p0 =	slt.u32 s29, $0xBC;
	v2, _, _ =	vpop (xrf2)  }
0x769: {  	s1 =	sadd.f32 s31, s30;
	v3 =	vld [tilespmem:s24+$0x10];
	v4 =	vsub.f32 v2, v15;
	(v2sf) =	vpush v2, $0xF;
	s0 =	spop (v2sf);
	[tilespmem:s26+$0x10] =	vst v24;
	v15 =	vmov v23;
	s26 =	smov.u32 s25  }
0x76a: {  	(xrf2) =	vadd.scan.msk.f32 $0xffff, v15;
	(v2sf) =	vpush v21, $0xF;
	[tilespmem:s23+$0x10] =	vst v12;
	s23 =	smov.u32 s22;
	s22 =	smov.u32 s21;
	s21 =	smov.u32 s24  }
0x76b: {  	v2 =	vadd.f32 s1, v17;
	v17 =	vmov v25;
	s0 =	sadd.f32 s0, s1;
	s24 =	smov.u32 s28;
	v21, _, _ =	vpop (xrf2)  }
0x76c: {  	v5 =	vsub.f32 v21, v16;
	s1 =	spop (v2sf)  }
0x76d: {  	(xrf2) =	vadd.scan.msk.f32 $0xffff, v1;
	[tilespmem:s25+$0xFFFFFFE0] =	vst v2;
	v2 =	vadd.f32 s0, v19;
	s0 =	sadd.f32 s1, s0;
	s1 =	spop (v2sf);
	v16 =	vmovc v1;
	v19 =	vmov v4  }
.Ltmp14:
0x76e: {  	v22 =	vld [tilespmem:s28+$0xFFFFFFE0];
	v1, _, _ =	vpop (xrf2);
	[tilespmem:s23+$0xFFFFFFE0] =	vst v12;
	(pc) =	sbr.rel @p0 .LBB2_30-.Ltmp14, $4  }
0x76f: {  	(v2sf) =	vpush v1, $0xF;
	[tilespmem:s25+$0xFFFFFFF0] =	vst v2;
	v2 =	vadd.f32 s0, v13;
	s30 =	sadd.f32 s1, s0;
	v13 =	vmovc v18;
	v18 =	vmov v5  }
0x770: {  	v1 =	vsub.f32 v1, v14;
	v14 =	vmov v3;
	v23 =	vld [tilespmem:s28+$0xFFFFFFF0];
	(xrf2) =	vadd.scan.msk.f32 $0xffff, v3;
	[tilespmem:s23+$0xFFFFFFF0] =	vst v12  }
0x771: {  	v3, _, _ =	vpop (xrf2);
	[tilespmem:s25+$0x0] =	vst v2;
	v24 =	vadd.f32 s30, v20  }
0x772: {  	v20 =	vmov v1;
	v25 =	vsub.f32 v3, v0;
	(v2sf) =	vpush v3, $0xF;
	[tilespmem:s23+$0x0] =	vst v12;
	s31 =	spop (v2sf)  }
0x773: {  	(xrf2) =	vadd.scan.msk.f32 $0xffff, v22;
	_ =	sdelay $0x3  }
0x774: {  	v0, _, _ =	vpop (xrf2);
	(xrf2) =	vadd.scan.msk.f32 $0xffff, v23  }
0x775: {  	(v2sf) =	vpush v0, $0xF;
	_ =	sdelay $0x1  }
0x776: {  	(v2sf) =	vpush v21, $0xF;
	v1, _, _ =	vpop (xrf2)  }
0x777: {  	v5 =	vld [tilespmem:s24+$0x10];
	v2, _, _ =	vpop (xrf2)  }
0x778: {  	s0 =	sadd.f32 s31, s30;
	(v2sf) =	vpush v2, $0xF  }
0x779: {  	s1 =	spop (v2sf);
	v3, _, _ =	vpop (xrf2)  }
0x77a: {  	s1 =	sadd.f32 s1, s0;
	(v2sf) =	vpush v3, $0xF  }
0x77b: {  	s2 =	spop (v2sf)  }
0x77c: {  	(xrf2) =	vadd.scan.msk.f32 $0xffff, v5;
	s2 =	sadd.f32 s2, s1  }
0x77d: {  	s19 =	spop (v2sf);
	v4, _, _ =	vpop (xrf2)  }
0x77e: {  	s19 =	sadd.f32 s19, s2;
	(v2sf) =	vpush v4, $0xF  }
0x77f: {  	s28 =	spop (v2sf)  }
0x780: {  	s28 =	sadd.f32 s28, s19  }
0x781: {  	(v2sf) =	vpush v1, $0xF;
	s29 =	spop (v2sf)  }
0x782: {  	v6 =	vadd.f32 s0, v17;
	v0 =	vsub.f32 v0, v15;
	s29 =	sadd.f32 s29, s28  }
0x783: {  	[tilespmem:s26+$0x10] =	vst v24;
	s26 =	simm.s32 $0x40;
	v7 =	vadd.f32 s1, v19;
	v8 =	vadd.f32 s2, v13;
	s31 =	spop (v2sf)  }
0x784: {  	v49 =	vmov s26;
	v2 =	vsub.f32 v2, v14;
	v9 =	vadd.f32 s19, v20;
	s30 =	sadd.f32 s31, s29  }
0x785: {  	v50 =	vor.u32 s26, v61;
	v3 =	vsub.f32 v3, v22;
	v4 =	vsub.f32 v4, v23;
	s31 =	spop (v2sf)  }
0x786: {  	v55 =	vmul.u32 $0x3, v50;
	v10 =	vadd.f32 s28, v25;
	v13, _, _ =	vpop (xrf2);
	s31 =	sadd.f32 s31, s30;
	v11 =	vadd.f32 s30, v18;
	s30 =	simm.s32 $0x0  }
0x787: {  	v1 =	vsub.f32 v1, v16;
	v5 =	vsub.f32 v13, v5;
	v33 =	vmov s30;
	s1 =	spop (v2sf)  }
0x788: {  	v0 =	vadd.f32 s29, v0;
	v2 =	vadd.f32 s31, v2;
	vm11 =	vlt.u32 v33, $0x800;
	s0 =	sadd.f32 s1, s31;
	s31 =	simm.s32 $0x10  }
0x789: {  	vm14 =	vlt.u32 v33, $0x400;
	v14 =	vor.u32 s31, v61;
	s2 =	spop (v2sf);
	(v2sf) =	vpush v13, $0xF  }
0x78a: {  	s25 =	sadd.s32 $0x40, s25;
	[tilespmem:s23+$0x10] =	vst v12;
	v3 =	vadd.f32 s0, v3;
	v13 =	vor.u32 s30, v61;
	vm7 =	vlt.u32 v14, $0xBFF  }
0x78b: {  	[tilespmem:s25+$0xFFFFFFE0] =	vst v6;
	v14 =	vmul.u32 $0x3, v14;
	s1 =	sadd.f32 s2, s0;
	vm3 =	vlt.u32 v13, $0xBFF;
	v37 =	vsel vm7, $0xFFFFE802, v27  }
0x78c: {  	[tilespmem:s22+$0xFFFFFFE0] =	vst v12;
	v41 =	vmul.u32 $0x3, v13;
	v43 =	vsel vm7, $0x3F800000, v26;
	v40 =	vsel vm3, $0xFFFFE802, v27  }
0x78d: {  	[tilespmem:s25+$0xFFFFFFF0] =	vst v7;
	s19 =	spop (v2sf);
	v44 =	vsel vm3, $0x3F800000, v26;
	vm3 =	vlt.u32 v50, $0xBFF;
	v4 =	vadd.f32 s1, v4  }
0x78e: {  	[tilespmem:s25+$0x0] =	vst v8;
	s2 =	sadd.f32 s19, s1;
	s19 =	simm.s32 $0x20;
	v8 =	vsel vm11, $0xFFFFF401, v40;
	v54 =	vsel vm3, $0xFFFFE802, v27;
	v60 =	vsel vm3, $0x3F800000, v26  }
0x78f: {  	[tilespmem:s22+$0xFFFFFFF0] =	vst v12;
	v16 =	vor.u32 s19, v61;
	v39 =	vmov s19;
	v8 =	vsel vm14, $0x0, v8  }
0x790: {  	s23 =	sadd.s32 $0x40, s25;
	[tilespmem:s22+$0x0] =	vst v12;
	s28 =	spop (v2sf);
	v1 =	vadd.f32 s2, v1;
	vm8 =	vlt.u32 v16, $0xBFF;
	vm12 =	vlt.u32 v39, $0x800  }
0x791: {  	[tilespmem:s23+$0xFFFFFFF0] =	vst v0;
	s29 =	sadd.f32 s28, s2;
	s2 =	simm.s32 $0x30;
	vm13 =	vlt.u32 v39, $0x400;
	v42 =	vmul.u32 $0x3, v16;
	v0 =	vadd.s32 v41, v8  }
0x792: {  	[tilespmem:s25+$0x10] =	vst v9;
	s28 =	simm.s32 $0x50;
	v15 =	vor.u32 s2, v61;
	v34 =	vmov s2;
	v45 =	vsel vm8, $0x3F800000, v26  }
0x793: {  	[tilespmem:s22+$0x10] =	vst v12;
	v51 =	vor.u32 s28, v61;
	v53 =	vmov s28;
	v5 =	vadd.f32 s29, v5  }
0x794: {  	[tilespmem:s23+$0xFFFFFFE0] =	vst v10;
	vm6 =	vlt.u32 v15, $0xBFF;
	vm5 =	vlt.u32 v34, $0x800;
	vm4 =	vlt.u32 v34, $0x400  }
0x795: {  	[tilespmem:s23+$0x10] =	vst v2;
	s0 =	sadd.s32 $0x40, s23;
	v36 =	vmul.u32 $0x3, v15;
	v15 =	vmov s31;
	v2 =	vsel vm12, $0x0, v45  }
0x796: {  	[tilespmem:s0+$0xFFFFFFF0] =	vst v4;
	vm7 =	vlt.u32 v51, $0xBFF;
	v4 =	vmul.u32 $0x3, v51;
	v35 =	vsel vm6, $0xFFFFE802, v27  }
0x797: {  	[tilespmem:s21+$0xFFFFFFE0] =	vst v12;
	s29 =	simm.s32 $0x70;
	vm10 =	vlt.u32 v15, $0x800;
	vm9 =	vlt.u32 v15, $0x400;
	v15 =	vsel vm8, $0xFFFFE802, v27  }
0x798: {  	[tilespmem:s21+$0xFFFFFFF0] =	vst v12;
	v46 =	vsel vm6, $0x3F800000, v26;
	v2 =	vsel vm13, $0xBF800000, v2;
	v16 =	vmov s29  }
0x799: {  	[tilespmem:s23+$0x0] =	vst v11;
	v7 =	vsel vm5, $0xFFFFF401, v35;
	v9 =	vsel vm10, $0xFFFFF401, v37;
	v15 =	vsel vm12, $0xFFFFF401, v15  }
0x79a: {  	[tilespmem:s21+$0x0] =	vst v12;
	v8 =	vsel vm10, $0x0, v43;
	v11 =	vsel vm5, $0x0, v46;
	vm6 =	vlt.u32 v16, $0x800  }
0x79b: {  	[tilespmem:s21+$0x10] =	vst v12;
	vm12 =	vlt.u32 v49, $0x800;
	v7 =	vsel vm4, $0x0, v7;
	v9 =	vsel vm9, $0x0, v9  }
0x79c: {  	[tilespmem:s0+$0xFFFFFFE0] =	vst v3;
	v10 =	vsel vm13, $0x0, v15;
	v9 =	vadd.s32 v14, v9;
	v14 =	vor.u32 s29, v61  }
0x79d: {  	s30 =	simm.s32 $0x60;
	[tilespmem:s24+$0xFFFFFFE0] =	vst v12;
	v47 =	vsel vm9, $0xBF800000, v8;
	v48 =	vsel vm4, $0xBF800000, v11;
	vm5 =	vlt.u32 v14, $0xBFF  }
0x79e: {  	[tilespmem:s24+$0xFFFFFFF0] =	vst v12;
	v15 =	vor.u32 s30, v61;
	vm4 =	vlt.u32 v16, $0x400;
	v52 =	vsel vm5, $0xFFFFE802, v27  }
0x79f: {  	[tilespmem:s0+$0x0] =	vst v1;
	v7 =	vadd.s32 v36, v7;
	v14 =	vmul.u32 $0x3, v14;
	v1 =	vsel vm6, $0xFFFFF401, v52  }
0x7a0: {  	[tilespmem:s24+$0x0] =	vst v12;
	v16 =	vsel vm7, $0xFFFFE802, v27;
	vm9 =	vlt.u32 v53, $0x400;
	v1 =	vsel vm4, $0x0, v1  }
0x7a1: {  	[tilespmem:s0+$0x10] =	vst v5;
	v5 =	vsel vm12, $0xFFFFF401, v54;
	v6 =	vadd.s32 v42, v10;
	v1 =	vadd.s32 v14, v1  }
0x7a2: {  	[tilespmem:s24+$0x10] =	vst v12;
	v10 =	vsel vm11, $0x0, v44;
	vm10 =	vlt.u32 v15, $0xBFF;
	vm11 =	vlt.u32 v53, $0x800  }
0x7a3: {  	[tilespmem:$0x10C00] =	vst v12;
	v15 =	vmul.u32 $0x3, v15;
	v16 =	vsel vm11, $0xFFFFF401, v16;
	v14 =	vmov s30  }
0x7a4: {  	v7 =	vld.idx.msk [tilespmem:v7+s17+$0x0], $0xffff;
	vm13 =	vlt.u32 v14, $0x800;
	vm8 =	vlt.u32 v14, $0x400;
	v14 =	vsel vm10, $0xFFFFE802, v27  }
0x7a5: {  	v13 =	vsel vm14, $0xBF800000, v10;
	v56 =	vsel vm9, $0x0, v16;
	v9 =	vld.idx.msk [tilespmem:v9+s17+$0x0], $0xffff;
	v14 =	vsel vm13, $0xFFFFF401, v14  }
0x7a6: {  	vm14 =	vlt.u32 v49, $0x400;
	v4 =	vadd.s32 v4, v56;
	v57 =	vsel vm8, $0x0, v14;
	v1 =	vld.idx.msk [tilespmem:v1+s17+$0x0], $0xffff  }
0x7a7: {  	v59 =	vsel vm7, $0x3F800000, v26;
	v5 =	vsel vm14, $0x0, v5;
	v6 =	vld.idx.msk [tilespmem:v6+s17+$0x0], $0xffff;
	v58 =	vadd.s32 v15, v57  }
0x7a8: {  	v10 =	vsel vm12, $0x0, v60;
	v62 =	vsel vm5, $0x3F800000, v26;
	v18 =	vadd.s32 v55, v5;
	v14 =	vld.idx.msk [tilespmem:v0+s17+$0x0], $0xffff  }
0x7a9: {  	v8 =	vsel vm11, $0x0, v59;
	v20 =	vsel vm14, $0xBF800000, v10;
	v11 =	vsel vm6, $0x0, v62  }
0x7aa: {  	v11 =	vsel vm4, $0xBF800000, v11;
	v15 =	vsel vm10, $0x3F800000, v26;
	v7 =	vadd.f32 v7, v48  }
0x7ab: {  	s22 =	simm.s32 $0x11960;
	s21 =	simm.s32 $0x11920;
	v19 =	vld.idx.msk [tilespmem:v4+s17+$0x0], $0xffff;
	v63 =	vsel vm13, $0x0, v15;
	v15 =	vsel vm9, $0xBF800000, v8;
	v23 =	vadd.f32 v1, v11  }
0x7ac: {  	s23 =	simm.s32 $0x4;
	s24 =	simm.s32 $0x80;
	s31 =	spop (v2sf);
	v22 =	vadd.f32 v9, v47;
	v21 =	vadd.f32 v6, v2;
	v17 =	vsel vm8, $0xBF800000, v63;
	[tilespmem:s21+$0x10] =	vst v7;
	v16 =	vld.idx.msk [tilespmem:v58+s17+$0x0], $0xffff  }
.LBB2_32:
0x7ad: {  	v0 =	vmov s24;
	v1 =	vor.u32 s24, v61;
	s0 =	sadd.s32 $0x10, s24;
	s1 =	sadd.s32 $0x30, s24;
	s23 =	sadd.s32 $0x4, s23;
	[tilespmem:s22+$0x10] =	vst v23;
	v2 =	vadd.f32 v14, v13;
	v14 =	vld.idx.msk [tilespmem:v18+s17+$0x0], $0xffff;
	v13 =	vmovc v20  }
0x7ae: {  	s2 =	sadd.s32 $0x20, s24;
	vm3 =	vlt.u32 v1, $0xBFF;
	v3 =	vor.u32 s0, v61;
	v4 =	vor.u32 s1, v61;
	p0 =	slt.u32 s23, $0xBC;
	[tilespmem:s21+$0xFFFFFFF0] =	vst v22  }
0x7af: {  	v5 =	vor.u32 s2, v61;
	v8 =	vmov s1;
	vm5 =	vlt.u32 v4, $0xBFF;
	[tilespmem:s21+$0x0] =	vst v21  }
0x7b0: {  	vm7 =	vlt.u32 v3, $0xBFF;
	vm4 =	vlt.u32 v8, $0x800;
	v7 =	vsel vm5, $0xFFFFE802, v27;
	[tilespmem:s21+$0xFFFFFFE0] =	vst v2;
	s21 =	smov.u32 s22  }
0x7b1: {  	vm6 =	vlt.u32 v8, $0x400;
	v4 =	vmul.u32 $0x3, v4;
	v6 =	vmovc v19;
	v2 =	vsel vm4, $0xFFFFF401, v7  }
0x7b2: {  	vm8 =	vlt.u32 v5, $0xBFF;
	v7 =	vmov s0;
	v2 =	vsel vm6, $0x0, v2  }
0x7b3: {  	v9 =	vmov s2;
	v8 =	vsel vm7, $0xFFFFE802, v27;
	v2 =	vadd.s32 v4, v2  }
0x7b4: {  	v10 =	vsel vm8, $0xFFFFE802, v27;
	vm10 =	vlt.u32 v7, $0x800;
	v4 =	vsel vm3, $0xFFFFE802, v27  }
0x7b5: {  	vm9 =	vlt.u32 v0, $0x800;
	vm11 =	vlt.u32 v9, $0x800;
	v8 =	vsel vm10, $0xFFFFF401, v8  }
0x7b6: {  	vm12 =	vlt.u32 v7, $0x400;
	v7 =	vsel vm11, $0xFFFFF401, v10;
	v4 =	vsel vm9, $0xFFFFF401, v4  }
0x7b7: {  	v3 =	vmul.u32 $0x3, v3;
	vm13 =	vlt.u32 v9, $0x400;
	v5 =	vmul.u32 $0x3, v5  }
0x7b8: {  	vm14 =	vlt.u32 v0, $0x400;
	v0 =	vmul.u32 $0x3, v1;
	v1 =	vsel vm12, $0x0, v8;
	v2 =	vld.idx.msk [tilespmem:v2+s17+$0x0], $0xffff  }
0x7b9: {  	v4 =	vsel vm14, $0x0, v4;
	v1 =	vadd.s32 v3, v1;
	v3 =	vsel vm13, $0x0, v7  }
0x7ba: {  	v18 =	vadd.s32 v0, v4;
	v0 =	vsel vm7, $0x3F800000, v26;
	v3 =	vadd.s32 v5, v3  }
.Ltmp15:
0x7bb: {  	v7 =	vsel vm5, $0x3F800000, v26;
	v4 =	vsel vm3, $0x3F800000, v26;
	v5 =	vsel vm8, $0x3F800000, v26;
	(pc) =	sbr.rel @p0 .LBB2_32-.Ltmp15, $4  }
0x7bc: {  	v7 =	vsel vm4, $0x0, v7;
	v0 =	vsel vm10, $0x0, v0;
	v5 =	vsel vm11, $0x0, v5  }
0x7bd: {  	v4 =	vsel vm9, $0x0, v4;
	v7 =	vsel vm6, $0xBF800000, v7;
	v0 =	vsel vm12, $0xBF800000, v0  }
0x7be: {  	v20 =	vsel vm14, $0xBF800000, v4;
	v23 =	vadd.f32 v2, v7;
	v19 =	vld.idx.msk [tilespmem:v1+s17+$0x0], $0xffff;
	v1 =	vsel vm13, $0xBF800000, v5  }
0x7bf: {  	s24 =	sadd.s32 $0x40, s24;
	s22 =	sadd.s32 $0x40, s22;
	v22 =	vadd.f32 v6, v15;
	v21 =	vadd.f32 v16, v17;
	v15 =	vmovc v0;
	v16 =	vld.idx.msk [tilespmem:v3+s17+$0x0], $0xffff;
	v17 =	vmov v1  }
0x7c0: {  	_ =	sdelay $0x3  }
0x7c1: {  	v0 =	vld.idx.msk [tilespmem:v18+s17+$0x0], $0xffff  }
0x7c2: {  	[tilespmem:s22+$0x10] =	vst v23  }
0x7c3: {  	v1 =	vadd.f32 v14, v13;
	[tilespmem:s21+$0xFFFFFFF0] =	vst v22  }
0x7c4: {  	[tilespmem:s21+$0x0] =	vst v21;
	v2 =	vadd.f32 v19, v15  }
0x7c5: {  	[tilespmem:s21+$0xFFFFFFE0] =	vst v1;
	v50 =	vadd.f32 v16, v17  }
0x7c6: {  	v0 =	vadd.f32 v0, v20;
	[tilespmem:s22+$0xFFFFFFF0] =	vst v2  }
0x7c7: {  	[tilespmem:s22+$0x0] =	vst v50  }
0x7c8: {  	[tilespmem:s22+$0xFFFFFFE0] =	vst v0  }
0x7c9: {  	v0 =	vld [tilespmem:$0x1FFF0];
	_ =	sdelay $0x6  }
0x7ca: {  	s0 =	simm.s32 $0x30  }
0x7cb: {  	s1 =	simm.s32 $0x10;
	v51 =	vor.u32 s0, v61;
	v30 =	vld.idx.msk [tilespmem:v0+s10+$0x0], $0xffff  }
0x7cc: {  	s26 =	simm.s32 $0x0;
	v52 =	vor.u32 s1, v61;
	v0 =	vcvt.s32.f32 v51  }
0x7cd: {  	v53 =	vor.u32 s26, v61;
	v1 =	vcvt.s32.f32 v52;
	v31 =	vld.idx.msk [tilespmem:v38+s18+$0x0], $0xffff  }
0x7ce: {  	v2 =	vcvt.s32.f32 v53;
	v60 =	vmul.f32 $9.765625000e-04, v0  }
0x7cf: {  	v62 =	vmul.f32 $9.765625000e-04, v1  }
0x7d0: {  	v63 =	vmul.f32 $9.765625000e-04, v2;
	v15 =	vsub.f32 v60, v30  }
0x7d1: {  	s28 =	simm.s32 $0x20;
	v18 =	vsub.f32 v62, v30  }
0x7d2: {  	v5 =	vor.u32 s28, v61;
	v19 =	vsub.f32 v63, v30;
	vm3 =	vle.f32 v15, v31  }
0x7d3: {  	v5 =	vcvt.s32.f32 v5;
	vm4 =	vle.f32 v18, v31;
	v54 =	vsel vm3, $0x0, v38  }
0x7d4: {  	vm5 =	vle.f32 v19, v31;
	v55 =	vsel vm4, $0x0, v38;
	v56 =	vadd.s32 $0x300, v54  }
0x7d5: {  	v17 =	vmul.f32 $9.765625000e-04, v5;
	v3 =	vsel vm5, $0x0, v38;
	v4 =	vadd.s32 $0x300, v55  }
0x7d6: {  	v6 =	vadd.s32 $0x300, v3  }
0x7d7: {  	v21 =	vsub.f32 v17, v30  }
0x7d8: {  	v14 =	vimm.s32 $0xC00  }
0x7d9: {  	v9 =	vsel vm3, $0x600, v14;
	vm3 =	vle.f32 v21, v31;
	v57 =	vld.idx.msk [tilespmem:v56+s18+$0x0], $0xffff  }
0x7da: {  	v20 =	vsel vm3, $0x0, v38;
	v7 =	vld.idx.msk [tilespmem:v4+s18+$0x0], $0xffff  }
0x7db: {  	v58 =	vadd.s32 $0x300, v20;
	v8 =	vld.idx.msk [tilespmem:v6+s18+$0x0], $0xffff;
	_ =	sdelay $0x3  }
0x7dc: {  	v10 =	vsel vm5, $0x600, v14;
	v11 =	vsel vm4, $0x600, v14;
	v23 =	vsel vm3, $0x600, v14  }
0x7dd: {  	v34 =	vld.idx.msk [tilespmem:v58+s18+$0x0], $0xffff;
	vm13 =	vle.f32 v15, v57;
	vm14 =	vle.f32 v19, v8;
	vm15 =	vle.f32 v18, v7  }
0x7de: {  	v9 =	vsel vm13, v56, v9;
	v0 =	vsel vm13, v54, v56;
	v7 =	vsel vm15, v4, v11  }
0x7df: {  	v1 =	vsel vm15, v55, v4;
	v59 =	vsel vm14, v6, v10;
	v2 =	vsub.s32 v9, v0  }
0x7e0: {  	v3 =	vsel vm14, v3, v6;
	v32 =	vsub.s32 v7, v1;
	v2 =	vshra.s32 v2, $0x1  }
0x7e1: {  	v33 =	vsub.s32 v59, v3;
	v6 =	vshra.s32 v32, $0x1;
	v2 =	vadd.s32 v0, v2  }
0x7e2: {  	vm3 =	vle.f32 v21, v34;
	v8 =	vshra.s32 v33, $0x1;
	v6 =	vadd.s32 v1, v6  }
0x7e3: {  	v23 =	vsel vm3, v58, v23;
	v5 =	vsel vm3, v20, v58;
	v8 =	vadd.s32 v3, v8  }
0x7e4: {  	v20 =	vsub.s32 v23, v5  }
0x7e5: {  	v20 =	vshra.s32 v20, $0x1  }
0x7e6: {  	v37 =	vadd.s32 v5, v20;
	v35 =	vld.idx.msk [tilespmem:v2+s18+$0x0], $0xffff  }
0x7e7: {  	v22 =	vld.idx.msk [tilespmem:v6+s18+$0x0], $0xffff  }
0x7e8: {  	v36 =	vld.idx.msk [tilespmem:v8+s18+$0x0], $0xffff;
	_ =	sdelay $0x2  }
0x7e9: {  	v39 =	vld.idx.msk [tilespmem:v37+s18+$0x0], $0xffff  }
0x7ea: {  	vm3 =	vle.f32 v15, v35;
	vm8 =	vle.f32 v18, v22  }
0x7eb: {  	v9 =	vsel vm3, v2, v9;
	v0 =	vsel vm3, v0, v2;
	vm3 =	vle.f32 v19, v36  }
0x7ec: {  	v7 =	vsel vm8, v6, v7;
	v1 =	vsel vm8, v1, v6;
	v2 =	vsub.s32 v9, v0  }
0x7ed: {  	v4 =	vsel vm3, v8, v59;
	v3 =	vsel vm3, v3, v8;
	v6 =	vsub.s32 v7, v1  }
0x7ee: {  	vm3 =	vle.f32 v21, v39;
	v2 =	vshra.s32 v2, $0x1;
	v6 =	vshra.s32 v6, $0x1  }
0x7ef: {  	v8 =	vsub.s32 v4, v3;
	v23 =	vsel vm3, v37, v23;
	v2 =	vadd.s32 v0, v2  }
0x7f0: {  	v5 =	vsel vm3, v5, v37;
	v6 =	vadd.s32 v1, v6;
	v8 =	vshra.s32 v8, $0x1  }
0x7f1: {  	v11 =	vsub.s32 v23, v5;
	v8 =	vadd.s32 v3, v8  }
0x7f2: {  	v11 =	vshra.s32 v11, $0x1  }
0x7f3: {  	v11 =	vadd.s32 v5, v11  }
0x7f4: {  	v20 =	vld.idx.msk [tilespmem:v2+s18+$0x0], $0xffff  }
0x7f5: {  	v22 =	vld.idx.msk [tilespmem:v6+s18+$0x0], $0xffff  }
0x7f6: {  	v40 =	vld.idx.msk [tilespmem:v8+s18+$0x0], $0xffff;
	_ =	sdelay $0x1  }
0x7f7: {  	v41 =	vld.idx.msk [tilespmem:v11+s18+$0x0], $0xffff  }
0x7f8: {  	vm3 =	vle.f32 v15, v20  }
0x7f9: {  	v9 =	vsel vm3, v2, v9  }
0x7fa: {  	v0 =	vsel vm3, v0, v2;
	vm3 =	vle.f32 v18, v22;
	vm9 =	vle.f32 v19, v40  }
0x7fb: {  	v2 =	vsub.s32 v9, v0;
	v7 =	vsel vm3, v6, v7;
	v4 =	vsel vm9, v8, v4  }
0x7fc: {  	v1 =	vsel vm3, v1, v6;
	v3 =	vsel vm9, v3, v8;
	vm3 =	vle.f32 v21, v41  }
0x7fd: {  	v2 =	vshra.s32 v2, $0x1;
	v6 =	vsub.s32 v7, v1;
	v8 =	vsub.s32 v4, v3  }
0x7fe: {  	v22 =	vsel vm3, v11, v23;
	v2 =	vadd.s32 v0, v2;
	v6 =	vshra.s32 v6, $0x1  }
0x7ff: {  	v5 =	vsel vm3, v5, v11;
	v8 =	vshra.s32 v8, $0x1;
	v6 =	vadd.s32 v1, v6  }
0x800: {  	v23 =	vsub.s32 v22, v5;
	v8 =	vadd.s32 v3, v8  }
0x801: {  	v23 =	vshra.s32 v23, $0x1  }
0x802: {  	v23 =	vadd.s32 v5, v23  }
0x803: {  	v20 =	vld.idx.msk [tilespmem:v2+s18+$0x0], $0xffff  }
0x804: {  	v42 =	vld.idx.msk [tilespmem:v6+s18+$0x0], $0xffff  }
0x805: {  	v43 =	vld.idx.msk [tilespmem:v8+s18+$0x0], $0xffff;
	_ =	sdelay $0x1  }
0x806: {  	s30 =	simm.s32 $0x50;
	v44 =	vld.idx.msk [tilespmem:v23+s18+$0x0], $0xffff  }
0x807: {  	vm3 =	vle.f32 v15, v20;
	v20 =	vor.u32 s30, v61  }
0x808: {  	v9 =	vsel vm3, v2, v9;
	v0 =	vsel vm3, v0, v2;
	vm3 =	vle.f32 v18, v42  }
0x809: {  	vm10 =	vle.f32 v19, v43;
	v2 =	vsub.s32 v9, v0;
	v7 =	vsel vm3, v6, v7  }
0x80a: {  	v1 =	vsel vm3, v1, v6;
	v4 =	vsel vm10, v8, v4;
	v3 =	vsel vm10, v3, v8  }
0x80b: {  	vm3 =	vle.f32 v21, v44;
	v2 =	vshra.s32 v2, $0x1;
	v45 =	vsub.s32 v4, v3  }
0x80c: {  	v6 =	vsub.s32 v7, v1;
	v2 =	vadd.s32 v0, v2;
	v10 =	vshra.s32 v45, $0x1  }
0x80d: {  	v29 =	vsel vm3, v23, v22;
	v6 =	vshra.s32 v6, $0x1;
	v10 =	vadd.s32 v3, v10  }
0x80e: {  	v5 =	vsel vm3, v5, v23;
	v23 =	vcvt.s32.f32 v20;
	v6 =	vadd.s32 v1, v6  }
0x80f: {  	s31 =	simm.s32 $0x40  }
0x810: {  	s29 =	simm.s32 $0x70;
	v25 =	vor.u32 s31, v61;
	v12 =	vmul.f32 $9.765625000e-04, v23  }
0x811: {  	s2 =	simm.s32 $0x60;
	v46 =	vor.u32 s29, v61;
	v25 =	vcvt.s32.f32 v25;
	v47 =	vld.idx.msk [tilespmem:v2+s18+$0x0], $0xffff  }
0x812: {  	v24 =	vor.u32 s2, v61;
	v11 =	vcvt.s32.f32 v46;
	v26 =	vsub.f32 v12, v30;
	v28 =	vld.idx.msk [tilespmem:v10+s18+$0x0], $0xffff  }
0x813: {  	v13 =	vmul.f32 $9.765625000e-04, v25;
	v22 =	vcvt.s32.f32 v24;
	v27 =	vld.idx.msk [tilespmem:v6+s18+$0x0], $0xffff  }
0x814: {  	v20 =	vmul.f32 $9.765625000e-04, v11;
	v24 =	vsub.s32 v29, v5;
	vm13 =	vle.f32 v26, v31  }
0x815: {  	v48 =	vshra.s32 v24, $0x1;
	v22 =	vmul.f32 $9.765625000e-04, v22;
	v35 =	vsel vm13, $0x0, v38  }
0x816: {  	v11 =	vadd.s32 v5, v48;
	v51 =	vadd.s32 $0x300, v35;
	vm3 =	vle.f32 v15, v47  }
0x817: {  	v8 =	vsel vm3, v2, v9;
	v0 =	vsel vm3, v0, v2;
	vm3 =	vle.f32 v19, v28  }
0x818: {  	vm11 =	vle.f32 v18, v27;
	v27 =	vsub.f32 v22, v30;
	v2 =	vsub.s32 v8, v0  }
0x819: {  	v7 =	vsel vm11, v6, v7;
	v1 =	vsel vm11, v1, v6;
	v4 =	vsel vm3, v10, v4  }
0x81a: {  	[tilespmem:$0x1FEE0] =	vst v12;
	v3 =	vsel vm3, v3, v10;
	v2 =	vshra.s32 v2, $0x1;
	v6 =	vsub.s32 v7, v1  }
0x81b: {  	v49 =	vld.idx.msk [tilespmem:v11+s18+$0x0], $0xffff;
	v10 =	vsub.s32 v4, v3;
	v2 =	vadd.s32 v0, v2;
	v6 =	vshra.s32 v6, $0x1  }
0x81c: {  	vm6 =	vle.f32 v27, v31;
	v10 =	vshra.s32 v10, $0x1;
	v6 =	vadd.s32 v1, v6  }
0x81d: {  	v33 =	vsel vm6, $0x0, v38;
	v10 =	vadd.s32 v3, v10  }
0x81e: {  	v24 =	vsub.f32 v20, v30;
	[tilespmem:$0x1FEF0] =	vst v13;
	v36 =	vadd.s32 $0x300, v33  }
0x81f: {  	v55 =	vld.idx.msk [tilespmem:v51+s18+$0x0], $0xffff  }
0x820: {  	v28 =	vsub.f32 v13, v30;
	vm3 =	vle.f32 v24, v31;
	vm7 =	vle.f32 v21, v49;
	v50 =	vld.idx.msk [tilespmem:v2+s18+$0x0], $0xffff  }
0x821: {  	v32 =	vsel vm3, $0x0, v38;
	v29 =	vsel vm7, v11, v29;
	v5 =	vsel vm7, v5, v11;
	v37 =	vld.idx.msk [tilespmem:v6+s18+$0x0], $0xffff  }
0x822: {  	v34 =	vadd.s32 $0x300, v32;
	v41 =	vsub.s32 v29, v5;
	v39 =	vld.idx.msk [tilespmem:v10+s18+$0x0], $0xffff  }
0x823: {  	v44 =	vsel vm13, $0x600, v14;
	vm12 =	vle.f32 v28, v31;
	v41 =	vshra.s32 v41, $0x1;
	v53 =	vld.idx.msk [tilespmem:v36+s18+$0x0], $0xffff  }
0x824: {  	v42 =	vsel vm3, $0x600, v14;
	v11 =	vsel vm12, $0x0, v38;
	v41 =	vadd.s32 v5, v41  }
0x825: {  	v43 =	vsel vm12, $0x600, v14;
	v40 =	vadd.s32 $0x300, v11;
	vm15 =	vle.f32 v26, v55  }
0x826: {  	v45 =	vsel vm6, $0x600, v14;
	vm3 =	vle.f32 v15, v50;
	v50 =	vsel vm15, v35, v51  }
0x827: {  	v52 =	vld.idx.msk [tilespmem:v34+s18+$0x0], $0xffff;
	v8 =	vsel vm3, v2, v8;
	v0 =	vsel vm3, v0, v2;
	vm3 =	vle.f32 v18, v37  }
0x828: {  	vm14 =	vle.f32 v19, v39;
	vm8 =	vle.f32 v27, v53;
	v54 =	vsub.s32 v8, v0  }
0x829: {  	v47 =	vld.idx.msk [tilespmem:v41+s18+$0x0], $0xffff;
	v7 =	vsel vm3, v6, v7;
	v4 =	vsel vm14, v10, v4;
	v1 =	vsel vm3, v1, v6  }
0x82a: {  	v46 =	vld.idx.msk [tilespmem:v40+s18+$0x0], $0xffff;
	v3 =	vsel vm14, v3, v10;
	v6 =	vsub.s32 v7, v1;
	v56 =	vshra.s32 v54, $0x1  }
0x82b: {  	v57 =	vsub.s32 v4, v3;
	v6 =	vshra.s32 v6, $0x1;
	v10 =	vadd.s32 v0, v56  }
0x82c: {  	vm3 =	vle.f32 v24, v52;
	v58 =	vshra.s32 v57, $0x1;
	v6 =	vadd.s32 v1, v6  }
0x82d: {  	v2 =	vsel vm8, v36, v45;
	v33 =	vsel vm8, v33, v36;
	v9 =	vadd.s32 v3, v58  }
0x82e: {  	v36 =	vsel vm15, v51, v44;
	vm9 =	vle.f32 v21, v47;
	v37 =	vsel vm3, v34, v42  }
0x82f: {  	v32 =	vsel vm3, v32, v34;
	vm3 =	vle.f32 v28, v46;
	v29 =	vsel vm9, v41, v29  }
0x830: {  	v5 =	vsel vm9, v5, v41;
	v52 =	vsub.s32 v36, v50;
	v53 =	vsub.s32 v2, v33;
	v59 =	vld.idx.msk [tilespmem:v10+s18+$0x0], $0xffff  }
0x831: {  	v34 =	vsub.s32 v37, v32;
	v43 =	vsel vm3, v40, v43;
	v11 =	vsel vm3, v11, v40;
	v48 =	vld.idx.msk [tilespmem:v6+s18+$0x0], $0xffff  }
0x832: {  	v49 =	vsub.s32 v29, v5;
	v41 =	vshra.s32 v52, $0x1;
	v42 =	vshra.s32 v53, $0x1;
	v51 =	vld.idx.msk [tilespmem:v9+s18+$0x0], $0xffff  }
0x833: {  	v34 =	vshra.s32 v34, $0x1;
	v39 =	vshra.s32 v49, $0x1;
	v54 =	vsub.s32 v43, v11  }
0x834: {  	v41 =	vadd.s32 v50, v41;
	v42 =	vadd.s32 v33, v42;
	v39 =	vadd.s32 v5, v39  }
0x835: {  	v34 =	vadd.s32 v32, v34;
	v44 =	vshra.s32 v54, $0x1;
	vm3 =	vle.f32 v15, v59  }
0x836: {  	v47 =	vadd.s32 v11, v44;
	v8 =	vsel vm3, v10, v8;
	v0 =	vsel vm3, v0, v10  }
0x837: {  	vm3 =	vle.f32 v19, v51;
	vm10 =	vle.f32 v18, v48;
	v10 =	vsub.s32 v8, v0  }
0x838: {  	v4 =	vsel vm3, v9, v4;
	v7 =	vsel vm10, v6, v7;
	v1 =	vsel vm10, v1, v6  }
0x839: {  	v55 =	vld.idx.msk [tilespmem:v39+s18+$0x0], $0xffff;
	v3 =	vsel vm3, v3, v9;
	v56 =	vsub.s32 v7, v1;
	v10 =	vshra.s32 v10, $0x1  }
0x83a: {  	v40 =	vld.idx.msk [tilespmem:v42+s18+$0x0], $0xffff;
	v57 =	vsub.s32 v4, v3;
	v9 =	vshra.s32 v56, $0x1;
	v10 =	vadd.s32 v0, v10  }
0x83b: {  	v58 =	vld.idx.msk [tilespmem:v34+s18+$0x0], $0xffff;
	v35 =	vshra.s32 v57, $0x1;
	v9 =	vadd.s32 v1, v9  }
0x83c: {  	v35 =	vadd.s32 v3, v35  }
0x83d: {  	v44 =	vld.idx.msk [tilespmem:v47+s18+$0x0], $0xffff  }
0x83e: {  	v59 =	vld.idx.msk [tilespmem:v41+s18+$0x0], $0xffff;
	vm3 =	vle.f32 v21, v55  }
0x83f: {  	v6 =	vsel vm3, v39, v29;
	v5 =	vsel vm3, v5, v39;
	v56 =	vld.idx.msk [tilespmem:v10+s18+$0x0], $0xffff  }
0x840: {  	vm11 =	vle.f32 v27, v40;
	vm3 =	vle.f32 v24, v58;
	v48 =	vsub.s32 v6, v5;
	v57 =	vld.idx.msk [tilespmem:v9+s18+$0x0], $0xffff  }
0x841: {  	v29 =	vimm.f32 $0.0e+00;
	v49 =	vsel vm3, v34, v37;
	v58 =	vshra.s32 v48, $0x1;
	v51 =	vld.idx.msk [tilespmem:v35+s18+$0x0], $0xffff  }
0x842: {  	v48 =	vsel vm3, v32, v34;
	vm3 =	vle.f32 v28, v44;
	v53 =	vadd.s32 v5, v58  }
0x843: {  	vm12 =	vle.f32 v26, v59;
	v44 =	vsel vm11, v42, v2;
	v59 =	vsub.s32 v49, v48  }
0x844: {  	v42 =	vsel vm11, v33, v42;
	v2 =	vshra.s32 v59, $0x1;
	vm13 =	vle.f32 v15, v56  }
0x845: {  	v55 =	vadd.s32 v48, v2;
	v39 =	vsel vm13, v10, v8;
	v38 =	vsel vm13, v0, v10  }
0x846: {  	vm14 =	vle.f32 v19, v51;
	vm15 =	vle.f32 v18, v57;
	v0 =	vsub.s32 v39, v38  }
0x847: {  	v8 =	vld.idx.msk [tilespmem:v53+s18+$0x0], $0xffff;
	v32 =	vsel vm14, v35, v4;
	v33 =	vsel vm15, v9, v7;
	v34 =	vsel vm15, v1, v9  }
0x848: {  	v35 =	vsel vm14, v3, v35;
	v1 =	vsub.s32 v33, v34;
	v0 =	vshra.s32 v0, $0x1  }
0x849: {  	v3 =	vsub.s32 v32, v35;
	v1 =	vshra.s32 v1, $0x1;
	v45 =	vadd.s32 v38, v0  }
0x84a: {  	v46 =	vsel vm12, v41, v36;
	v9 =	vshra.s32 v3, $0x1;
	v40 =	vadd.s32 v34, v1  }
0x84b: {  	v54 =	vsel vm3, v47, v43;
	v51 =	vsel vm12, v50, v41;
	v41 =	vadd.s32 v35, v9  }
0x84c: {  	v52 =	vsel vm3, v11, v47;
	v11 =	vsub.s32 v44, v42;
	vm3 =	vle.f32 v21, v8  }
0x84d: {  	v58 =	vld.idx.msk [tilespmem:v55+s18+$0x0], $0xffff;
	v50 =	vsub.s32 v54, v52;
	v37 =	vsel vm3, v53, v6;
	v36 =	vsel vm3, v5, v53  }
0x84e: {  	v10 =	vsub.s32 v46, v51;
	v59 =	vshra.s32 v50, $0x1;
	v43 =	vsub.s32 v37, v36;
	v53 =	vld.idx.msk [tilespmem:v45+s18+$0x0], $0xffff  }
0x84f: {  	v0 =	vshra.s32 v10, $0x1;
	v1 =	vshra.s32 v11, $0x1;
	v2 =	vshra.s32 v43, $0x1;
	v47 =	vld.idx.msk [tilespmem:v40+s18+$0x0], $0xffff  }
0x850: {  	s21 =	simm.s32 $0x4;
	s22 =	simm.s32 $0xB0;
	v57 =	vadd.s32 v51, v0;
	v56 =	vadd.s32 v42, v1;
	v50 =	vld.idx.msk [tilespmem:v41+s18+$0x0], $0xffff;
	v43 =	vadd.s32 v36, v2  }
.LBB2_34:
0x851: {  	_ =	sdelay $0x3  }
0x852: {  	s0 =	sadd.s32 $0xFFFFFFE0, s22;
	v0 =	vor.u32 s22, v61;
	v1 =	vadd.s32 v52, v59;
	v6 =	vld.idx.msk [tilespmem:v57+s18+$0x0], $0xffff  }
0x853: {  	s1 =	sadd.s32 $0xFFFFFFF0, s22;
	s2 =	sadd.s32 $0xFFFFFFD0, s22;
	v9 =	vld.idx.msk [tilespmem:v43+s18+$0x0], $0xffff;
	v12 =	vimm.s32 $0xC00;
	v13 =	vimm.s32 $0x600;
	v2 =	vor.u32 s0, v61  }
0x854: {  	v3 =	vor.u32 s1, v61;
	v0 =	vcvt.s32.f32 v0;
	v4 =	vor.u32 s2, v61  }
0x855: {  	v5 =	vld.idx.msk [tilespmem:v56+s18+$0x0], $0xffff;
	vm3 =	vle.f32 v24, v58;
	vm4 =	vle.f32 v15, v53;
	vm14 =	vle.f32 v18, v47  }
0x856: {  	v7 =	vsel vm3, v55, v49;
	v8 =	vsel vm3, v48, v55;
	v10 =	vsel vm4, v45, v39  }
0x857: {  	v11 =	vsel vm4, v38, v45;
	vm3 =	vle.f32 v19, v50;
	v47 =	vsel vm14, v40, v33  }
0x858: {  	v40 =	vsel vm14, v34, v40;
	vm15 =	vle.f32 v26, v6;
	vm5 =	vle.f32 v21, v9  }
0x859: {  	v39 =	vsub.s32 v10, v11;
	v45 =	vsel vm3, v41, v32;
	v35 =	vsel vm3, v35, v41  }
0x85a: {  	v48 =	vsub.s32 v47, v40;
	vm3 =	vle.f32 v27, v5;
	v6 =	vsel vm5, v43, v37  }
0x85b: {  	v9 =	vsel vm5, v36, v43;
	v55 =	vsub.s32 v7, v8;
	v49 =	vshra.s32 v39, $0x1  }
0x85c: {  	v50 =	vsub.s32 v45, v35;
	v32 =	vshra.s32 v48, $0x1;
	v39 =	vadd.s32 v11, v49  }
0x85d: {  	v61 =	vld.idx.msk [tilespmem:v1+s18+$0x0], $0xffff;
	v58 =	vsub.s32 v6, v9;
	v53 =	vshra.s32 v50, $0x1;
	v41 =	vadd.s32 v40, v32  }
0x85e: {  	v37 =	vsel vm15, v57, v46;
	v33 =	vshra.s32 v58, $0x1;
	v5 =	vadd.s32 v35, v53  }
0x85f: {  	v36 =	vsel vm3, v56, v44;
	v38 =	vsel vm3, v42, v56;
	v46 =	vadd.s32 v9, v33  }
0x860: {  	v3 =	vcvt.s32.f32 v3;
	v59 =	vsub.s32 v36, v38;
	v32 =	vshra.s32 v55, $0x1  }
0x861: {  	v43 =	vsel vm15, v51, v57;
	v33 =	vshra.s32 v59, $0x1;
	v50 =	vadd.s32 v8, v32;
	v34 =	vld.idx.msk [tilespmem:v39+s18+$0x0], $0xffff  }
0x862: {  	v55 =	vsub.s32 v37, v43;
	vm6 =	vle.f32 v28, v61;
	v51 =	vadd.s32 v38, v33;
	v44 =	vld.idx.msk [tilespmem:v41+s18+$0x0], $0xffff  }
0x863: {  	v49 =	vshra.s32 v55, $0x1;
	v42 =	vsel vm6, v1, v54;
	v1 =	vsel vm6, v52, v1;
	v61 =	vld.idx.msk [tilespmem:v5+s18+$0x0], $0xffff  }
0x864: {  	v2 =	vcvt.s32.f32 v2;
	v49 =	vadd.s32 v43, v49;
	v56 =	vsub.s32 v42, v1;
	v58 =	vld.idx.msk [tilespmem:v46+s18+$0x0], $0xffff  }
0x865: {  	v4 =	vcvt.s32.f32 v4;
	v32 =	vmul.f32 $9.765625000e-04, v0;
	v57 =	vshra.s32 v56, $0x1  }
0x866: {  	v33 =	vmul.f32 $9.765625000e-04, v3;
	v0 =	vadd.s32 v1, v57;
	v59 =	vld.idx.msk [tilespmem:v50+s18+$0x0], $0xffff;
	vm3 =	vle.f32 v15, v34  }
0x867: {  	v53 =	vld.idx.msk [tilespmem:v51+s18+$0x0], $0xffff;
	v34 =	vmul.f32 $9.765625000e-04, v2;
	vm9 =	vle.f32 v18, v44;
	v2 =	vsel vm3, v39, v10  }
0x868: {  	vm8 =	vle.f32 v19, v61;
	v61 =	vsel vm3, v11, v39;
	v47 =	vsel vm9, v41, v47  }
0x869: {  	v55 =	vld.idx.msk [tilespmem:v49+s18+$0x0], $0xffff;
	v40 =	vsel vm9, v40, v41;
	vm3 =	vle.f32 v21, v58;
	v39 =	vsel vm8, v5, v45  }
0x86a: {  	v5 =	vsel vm8, v35, v5;
	v54 =	vsub.s32 v2, v61;
	v57 =	vsub.s32 v47, v40  }
0x86b: {  	v6 =	vsel vm3, v46, v6;
	v9 =	vsel vm3, v9, v46;
	vm3 =	vle.f32 v24, v59  }
0x86c: {  	vm10 =	vle.f32 v27, v53;
	v45 =	vsub.s32 v39, v5;
	v35 =	vshra.s32 v54, $0x1  }
0x86d: {  	v58 =	vsub.s32 v6, v9;
	v7 =	vsel vm3, v50, v7;
	v8 =	vsel vm3, v8, v50  }
0x86e: {  	vm3 =	vle.f32 v26, v55;
	v48 =	vsel vm10, v51, v36;
	v51 =	vsel vm10, v38, v51  }
0x86f: {  	v56 =	vld.idx.msk [tilespmem:v0+s18+$0x0], $0xffff;
	v45 =	vshra.s32 v45, $0x1;
	v10 =	vadd.s32 v61, v35;
	v35 =	vshra.s32 v57, $0x1  }
0x870: {  	v59 =	vsub.s32 v7, v8;
	v53 =	vsel vm3, v49, v37;
	v5 =	vadd.s32 v5, v45  }
0x871: {  	v54 =	vsel vm3, v43, v49;
	v50 =	vsub.s32 v48, v51;
	v3 =	vadd.s32 v40, v35  }
0x872: {  	v35 =	vshra.s32 v58, $0x1;
	v44 =	vshra.s32 v59, $0x1;
	v49 =	vsub.s32 v53, v54  }
0x873: {  	v40 =	vshra.s32 v50, $0x1;
	v50 =	vmul.f32 $9.765625000e-04, v4;
	v59 =	vsub.f32 v34, v30  }
0x874: {  	v9 =	vadd.s32 v9, v35;
	vm11 =	vle.f32 v28, v56;
	v38 =	vshra.s32 v49, $0x1;
	v11 =	vld.idx.msk [tilespmem:v10+s18+$0x0], $0xffff  }
0x875: {  	v56 =	vadd.s32 v51, v40;
	v49 =	vsub.f32 v33, v30;
	v55 =	vsel vm11, v0, v42;
	v61 =	vld.idx.msk [tilespmem:v5+s18+$0x0], $0xffff  }
0x876: {  	v0 =	vsel vm11, v1, v0;
	v1 =	vadd.s32 v8, v44;
	vm15 =	vle.f32 v59, v31;
	v45 =	vld.idx.msk [tilespmem:v3+s18+$0x0], $0xffff  }
0x877: {  	v46 =	vsub.s32 v55, v0;
	vm8 =	vle.f32 v49, v31;
	v40 =	vsel vm15, $0x0, v13  }
0x878: {  	v37 =	vshra.s32 v46, $0x1;
	v42 =	vsel vm8, $0x600, v12;
	v43 =	vsel vm8, $0x0, v13  }
0x879: {  	v44 =	vadd.s32 $0x300, v43;
	v52 =	vld.idx.msk [tilespmem:v9+s18+$0x0], $0xffff;
	vm3 =	vle.f32 v15, v11;
	v11 =	vadd.s32 v54, v38  }
0x87a: {  	vm12 =	vle.f32 v19, v61;
	v2 =	vsel vm3, v10, v2;
	v10 =	vadd.s32 v0, v37  }
0x87b: {  	vm13 =	vle.f32 v18, v45;
	v5 =	vsel vm12, v5, v39;
	vm3 =	vgt.s32 v2, $0x1  }
0x87c: {  	v3 =	vsel vm13, v3, v47;
	vm4 =	vgt.s32 v5, $0x1;
	v2 =	vnsel vm3, $0x1, v2  }
0x87d: {  	vm3 =	vgt.s32 v3, $0x1;
	v5 =	vnsel vm4, $0x1, v5;
	v2 =	vmin.u32 v2, $0xBFF  }
0x87e: {  	v45 =	vld.idx.msk [tilespmem:v1+s18+$0x0], $0xffff;
	vm14 =	vle.f32 v21, v52;
	v3 =	vnsel vm3, $0x1, v3;
	v5 =	vmin.u32 v5, $0xBFF  }
0x87f: {  	v47 =	vld.idx.msk [tilespmem:v56+s18+$0x0], $0xffff;
	v52 =	vsub.f32 v32, v30;
	v6 =	vsel vm14, v9, v6;
	v3 =	vmin.u32 v3, $0xBFF  }
0x880: {  	v61 =	vsub.f32 v50, v30;
	vm3 =	vgt.s32 v6, $0x1;
	v4 =	vld.idx.msk [tilespmem:v11+s18+$0x0], $0xffff;
	v57 =	vadd.s32 $0xFFFFFFFF, v5  }
0x881: {  	v6 =	vnsel vm3, $0x1, v6;
	vm3 =	vle.f32 v52, v31;
	v9 =	vld.idx.msk [tilespmem:v10+s18+$0x0], $0xffff;
	v58 =	vadd.s32 $0xFFFFFFFF, v3  }
0x882: {  	v16 =	vmovc v60;
	v25 =	vmovc v22;
	v37 =	vsel vm15, $0x600, v12;
	v6 =	vmin.u32 v6, $0xBFF;
	v38 =	vsel vm3, $0x600, v12;
	v60 =	vld.idx.msk [tilespmem:v2+s18+$0x0], $0xffff  }
0x883: {  	v22 =	vmovc v17;
	v17 =	vmovc v62;
	v39 =	vsel vm3, $0x0, v13;
	vm3 =	vle.f32 v61, v31;
	v62 =	vadd.s32 $0xFFFFFFFF, v6;
	v5 =	vld.idx.msk [tilespmem:v5+s18+$0x0], $0xffff  }
0x884: {  	v35 =	vsel vm3, $0x600, v12;
	v46 =	vadd.s32 $0x300, v39;
	v2 =	vadd.s32 $0xFFFFFFFF, v2;
	v3 =	vld.idx.msk [tilespmem:v3+s18+$0x0], $0xffff  }
0x885: {  	v23 =	vmovc v20;
	v20 =	vmovc v63;
	v36 =	vsel vm3, $0x0, v13;
	vm3 =	vle.f32 v24, v45;
	v45 =	vadd.s32 $0x300, v40;
	v63 =	vld.idx.msk [tilespmem:v57+s18+$0x0], $0xffff  }
0x886: {  	vm9 =	vle.f32 v27, v47;
	v41 =	vadd.s32 $0x300, v36;
	v7 =	vsel vm3, v1, v7;
	v12 =	vld.idx.msk [tilespmem:v58+s18+$0x0], $0xffff  }
0x887: {  	v1 =	vsel vm3, v8, v1;
	v47 =	vsel vm9, v56, v48;
	v48 =	vsel vm9, v51, v56;
	v6 =	vld.idx.msk [tilespmem:v6+s18+$0x0], $0xffff  }
0x888: {  	vm10 =	vle.f32 v26, v4;
	v4 =	vsub.s32 v7, v1;
	vm3 =	vle.f32 v28, v9;
	v13 =	vld.idx.msk [tilespmem:v62+s18+$0x0], $0xffff  }
0x889: {  	v53 =	vsel vm10, v11, v53;
	v54 =	vsel vm10, v54, v11;
	v4 =	vshra.s32 v4, $0x1;
	v14 =	vld.idx.msk [tilespmem:v2+s18+$0x0], $0xffff  }
0x88a: {  	v9 =	vcvt.s32.f32 v58;
	v8 =	vsel vm3, v10, v55;
	v5 =	vsub.f32 v5, v63  }
0x88b: {  	v0 =	vsel vm3, v0, v10;
	v51 =	vsub.s32 v53, v54;
	v3 =	vsub.f32 v3, v12  }
0x88c: {  	v4 =	vadd.s32 v1, v4;
	v56 =	vsub.s32 v8, v0;
	vm11 =	veq.f32 v5, $0.0e+00  }
0x88d: {  	v6 =	vsub.f32 v6, v13;
	vm12 =	veq.f32 v3, $0.0e+00;
	v5 =	vsel vm11, $0x3F800000, v5  }
0x88e: {  	v3 =	vsel vm12, $0x3F800000, v3;
	v60 =	vsub.f32 v60, v14;
	(erf) = vrcp.f32 v5  }
0x88f: {  	v2 =	vcvt.s32.f32 v2;
	vm13 =	veq.f32 v6, $0.0e+00;
	(erf) = vrcp.f32 v3  }
0x890: {  	v11 =	vsel vm13, $0x3F800000, v6;
	vm3 =	veq.f32 v60, $0.0e+00;
	v3 =	vshra.s32 v51, $0x1  }
0x891: {  	v5 =	vsel vm3, $0x3F800000, v60;
	(erf) = vrcp.f32 v11;
	v3 =	vadd.s32 v54, v3  }
0x892: {  	v9 =	vmul.f32 $9.768805470e-04, v9;
	(erf) = vrcp.f32 v5;
	v5 =	vshra.s32 v56, $0x1  }
0x893: {  	v57 =	vcvt.s32.f32 v57;
	v2 =	vmul.f32 $9.768805470e-04, v2;
	v56 =	vld.idx.msk [tilespmem:v4+s18+$0x0], $0xffff;
	v5 =	vadd.s32 v0, v5  }
0x894: {  	v55 =	vsub.s32 v47, v48;
	v9 =	vadd.f32 $-1.000000000e+00, v9;
	v13 =	vsub.f32 v21, v13  }
0x895: {  	v2 =	vadd.f32 $-1.000000000e+00, v2;
	v14 =	vsub.f32 v15, v14;
	v6 =	vshra.s32 v55, $0x1  }
0x896: {  	v55 =	vcvt.s32.f32 v62;
	v51 =	vadd.s32 v48, v6;
	v6 =	vmul.f32 $9.768805470e-04, v57;
	v57 =	vld.idx.msk [tilespmem:v3+s18+$0x0], $0xffff  }
0x897: {  	v15 =	vmov v24;
	v24 =	vmov v52;
	v11 =	vsub.f32 v19, v63;
	v60 =	vpop (erf)  }
0x898: {  	v55 =	vmul.f32 $9.768805470e-04, v55;
	v6 =	vadd.f32 $-1.000000000e+00, v6;
	vm3 =	vle.f32 v15, v56;
	v52 =	vld.idx.msk [tilespmem:v5+s18+$0x0], $0xffff;
	v62 =	vpop (erf)  }
0x899: {  	v10 =	vmul.f32 $9.768805470e-04, v60;
	v60 =	vsub.f32 v18, v12;
	v63 =	vmul.f32 $9.768805470e-04, v62  }
0x89a: {  	v7 =	vsel vm3, v4, v7;
	v1 =	vsel vm3, v1, v4;
	v18 =	vmov v26;
	v21 =	vpop (erf)  }
0x89b: {  	v10 =	vmul.f32 v10, v11;
	v12 =	vpop (erf);
	vm3 =	vle.f32 v18, v57;
	v62 =	vmul.f32 v63, v60  }
0x89c: {  	v58 =	vld.idx.msk [tilespmem:v46+s18+$0x0], $0xffff;
	v19 =	vmovc v28;
	v63 =	vmul.f32 $9.768805470e-04, v21;
	v21 =	vadd.f32 $-1.000000000e+00, v55;
	v12 =	vmul.f32 $9.768805470e-04, v12  }
0x89d: {  	v6 =	vadd.f32 v6, v10;
	vm14 =	vle.f32 v19, v52;
	v9 =	vadd.f32 v9, v62  }
0x89e: {  	v26 =	vmovc v59;
	v59 =	vmul.f32 v63, v13;
	v12 =	vmul.f32 v12, v14;
	v8 =	vsel vm14, v5, v8  }
0x89f: {  	v0 =	vsel vm14, v0, v5;
	v6 =	vsub.f32 v6, v20;
	v20 =	vmovc v32;
	v32 =	vsel vm3, v3, v53  }
0x8a0: {  	v14 =	vld.idx.msk [tilespmem:v45+s18+$0x0], $0xffff;
	v3 =	vsel vm3, v54, v3;
	v5 =	vsub.s32 v8, v0;
	v9 =	vsub.f32 v9, v17  }
0x8a1: {  	v62 =	vld [tilespmem:$0x1FEF0];
	v13 =	vmovc v50;
	vm3 =	vle.f32 v24, v58;
	v10 =	vadd.f32 v21, v59;
	v2 =	vadd.f32 v2, v12  }
0x8a2: {  	[tilespmem:$0x1FEF0] =	vst v13;
	v13 =	vld [tilespmem:$0x1FEE0];
	v52 =	vsub.s32 v32, v3;
	v54 =	vshra.s32 v5, $0x1;
	v6 =	vand.u32 $0x7FFFFFFF, v6  }
0x8a3: {  	v55 =	vsub.f32 $1.000000000e+00, v6;
	v9 =	vand.u32 $0x7FFFFFFF, v9;
	v10 =	vsub.f32 v10, v22  }
0x8a4: {  	v5 =	vsel vm3, v46, v38;
	v2 =	vsub.f32 v2, v16;
	v56 =	vsub.f32 $1.000000000e+00, v9  }
0x8a5: {  	v53 =	vld.idx.msk [tilespmem:v51+s18+$0x0], $0xffff;
	vm15 =	vle.f32 v26, v14;
	v4 =	vmin.f32 v6, v55;
	v10 =	vand.u32 $0x7FFFFFFF, v10  }
0x8a6: {  	v12 =	vld.idx.msk [tilespmem:v44+s18+$0x0], $0xffff;
	v63 =	vmovc v62;
	v2 =	vand.u32 $0x7FFFFFFF, v2;
	v14 =	vsel vm15, v45, v37;
	v4 =	vmul.f32 v4, v4  }
0x8a7: {  	v62 =	vmovc v13;
	v13 =	vmovc v34;
	v37 =	vsel vm15, v40, v45;
	v6 =	vmin.f32 v9, v56;
	v57 =	vsub.f32 $1.000000000e+00, v10  }
0x8a8: {  	[tilespmem:$0x1FEE0] =	vst v13;
	v13 =	vsub.s32 v7, v1;
	v6 =	vmul.f32 v6, v6;
	v4 =	vadd.f32 v4, v29  }
0x8a9: {  	v21 =	vmovc v27;
	v59 =	vsub.f32 $1.000000000e+00, v2;
	v13 =	vshra.s32 v13, $0x1;
	v9 =	vmin.f32 v10, v57  }
0x8aa: {  	v27 =	vmovc v49;
	v13 =	vadd.s32 v1, v13;
	v49 =	vmul.f32 v9, v9;
	v4 =	vadd.f32 v6, v4  }
0x8ab: {  	vm9 =	vle.f32 v21, v53;
	v2 =	vmin.f32 v2, v59;
	v6 =	vshra.s32 v52, $0x1  }
0x8ac: {  	v50 =	vld.idx.msk [tilespmem:v41+s18+$0x0], $0xffff;
	v2 =	vmul.f32 v2, v2;
	v55 =	vadd.s32 v3, v6;
	v4 =	vadd.f32 v49, v4  }
0x8ad: {  	vm8 =	vle.f32 v27, v12;
	v58 =	vsel vm9, v51, v47;
	v40 =	vsub.s32 v14, v37  }
0x8ae: {  	v11 =	vsel vm8, v43, v44;
	v29 =	vadd.f32 v2, v4;
	v2 =	vadd.s32 v0, v54  }
0x8af: {  	v40 =	vshra.s32 v40, $0x1;
	v59 =	vsel vm9, v48, v51;
	v9 =	vsel vm8, v44, v42;
	v56 =	vld.idx.msk [tilespmem:v13+s18+$0x0], $0xffff  }
0x8b0: {  	v28 =	vmovc v61;
	v47 =	vsub.s32 v58, v59;
	v48 =	vsub.s32 v9, v11;
	v6 =	vsel vm3, v39, v46  }
0x8b1: {  	vm3 =	vle.f32 v28, v50;
	v39 =	vshra.s32 v47, $0x1;
	v12 =	vsub.s32 v5, v6;
	v57 =	vld.idx.msk [tilespmem:v55+s18+$0x0], $0xffff  }
0x8b2: {  	v43 =	vsel vm3, v41, v35;
	v36 =	vsel vm3, v36, v41;
	v39 =	vadd.s32 v59, v39  }
0x8b3: {  	v41 =	vshra.s32 v48, $0x1;
	v12 =	vshra.s32 v12, $0x1;
	v49 =	vsub.s32 v43, v36;
	v46 =	vld.idx.msk [tilespmem:v2+s18+$0x0], $0xffff  }
0x8b4: {  	v41 =	vadd.s32 v11, v41;
	v12 =	vadd.s32 v6, v12;
	vm3 =	vle.f32 v15, v56  }
0x8b5: {  	v42 =	vshra.s32 v49, $0x1;
	v7 =	vsel vm3, v13, v7;
	v1 =	vsel vm3, v1, v13  }
0x8b6: {  	v10 =	vadd.s32 v36, v42;
	v13 =	vsub.s32 v7, v1;
	vm10 =	vle.f32 v18, v57  }
0x8b7: {  	v22 =	vmovc v33;
	v40 =	vadd.s32 v37, v40;
	v13 =	vshra.s32 v13, $0x1;
	v33 =	vsel vm10, v55, v32  }
0x8b8: {  	v50 =	vld.idx.msk [tilespmem:v39+s18+$0x0], $0xffff;
	v3 =	vsel vm10, v3, v55;
	v13 =	vadd.s32 v1, v13;
	vm3 =	vle.f32 v19, v46  }
0x8b9: {  	v54 =	vld.idx.msk [tilespmem:v41+s18+$0x0], $0xffff;
	v51 =	vsub.s32 v33, v3;
	v8 =	vsel vm3, v2, v8;
	v0 =	vsel vm3, v0, v2  }
0x8ba: {  	v52 =	vld.idx.msk [tilespmem:v12+s18+$0x0], $0xffff;
	v2 =	vshra.s32 v51, $0x1;
	v53 =	vsub.s32 v8, v0  }
0x8bb: {  	v56 =	vld.idx.msk [tilespmem:v10+s18+$0x0], $0xffff;
	v2 =	vadd.s32 v3, v2;
	v38 =	vshra.s32 v53, $0x1  }
0x8bc: {  	v55 =	vld.idx.msk [tilespmem:v40+s18+$0x0], $0xffff;
	v45 =	vadd.s32 v0, v38  }
0x8bd: {  	vm3 =	vle.f32 v21, v50;
	v57 =	vld.idx.msk [tilespmem:v13+s18+$0x0], $0xffff  }
0x8be: {  	v4 =	vsel vm3, v39, v58;
	v47 =	vsel vm3, v59, v39  }
0x8bf: {  	v61 =	vlaneseq.u32;
	vm12 =	vle.f32 v27, v54;
	v39 =	vsub.s32 v4, v47  }
0x8c0: {  	v42 =	vsel vm12, v11, v41;
	vm3 =	vle.f32 v24, v52;
	v39 =	vshra.s32 v39, $0x1;
	v58 =	vld.idx.msk [tilespmem:v2+s18+$0x0], $0xffff  }
0x8c1: {  	v49 =	vsel vm3, v12, v5;
	v48 =	vsel vm3, v6, v12;
	v5 =	vadd.s32 v47, v39;
	v59 =	vld.idx.msk [tilespmem:v45+s18+$0x0], $0xffff  }
0x8c2: {  	vm3 =	vle.f32 v28, v56;
	vm11 =	vle.f32 v26, v55;
	vm13 =	vle.f32 v15, v57  }
0x8c3: {  	v6 =	vsub.s32 v49, v48;
	v39 =	vsel vm13, v13, v7;
	v38 =	vsel vm13, v1, v13  }
0x8c4: {  	v46 =	vsel vm11, v40, v14;
	v6 =	vshra.s32 v6, $0x1;
	v56 =	vsub.s32 v39, v38  }
0x8c5: {  	v55 =	vadd.s32 v48, v6;
	vm15 =	vle.f32 v18, v58;
	v58 =	vshra.s32 v56, $0x1  }
0x8c6: {  	v11 =	vld.idx.msk [tilespmem:v5+s18+$0x0], $0xffff;
	v33 =	vsel vm15, v2, v33;
	v34 =	vsel vm15, v3, v2;
	vm14 =	vle.f32 v19, v59  }
0x8c7: {  	v57 =	vsub.s32 v33, v34;
	v32 =	vsel vm14, v45, v8;
	v35 =	vsel vm14, v0, v45  }
0x8c8: {  	v0 =	vshra.s32 v57, $0x1;
	v45 =	vadd.s32 v38, v58;
	v59 =	vsub.s32 v32, v35  }
0x8c9: {  	s21 =	sadd.s32 $0x4, s21;
	v51 =	vsel vm11, v37, v40;
	v40 =	vadd.s32 v34, v0;
	v6 =	vshra.s32 v59, $0x1  }
0x8ca: {  	p0 =	slt.u32 s21, $0x3C;
	v44 =	vsel vm12, v41, v9;
	v54 =	vsel vm3, v10, v43;
	v41 =	vadd.s32 v35, v6  }
.Ltmp16:
0x8cb: {  	v52 =	vsel vm3, v36, v10;
	v7 =	vsub.s32 v46, v51;
	vm3 =	vle.f32 v21, v11;
	(pc) =	sbr.rel @p0 .LBB2_34-.Ltmp16, $4  }
0x8cc: {  	v8 =	vsub.s32 v44, v42;
	v58 =	vld.idx.msk [tilespmem:v55+s18+$0x0], $0xffff;
	v37 =	vsel vm3, v5, v4;
	v36 =	vsel vm3, v47, v5  }
0x8cd: {  	v11 =	vsub.s32 v54, v52;
	v9 =	vshra.s32 v8, $0x1;
	v10 =	vsub.s32 v37, v36;
	v53 =	vld.idx.msk [tilespmem:v45+s18+$0x0], $0xffff  }
0x8ce: {  	v60 =	vmovc v23;
	v0 =	vshra.s32 v7, $0x1;
	v56 =	vadd.s32 v42, v9;
	v43 =	vshra.s32 v10, $0x1;
	v47 =	vld.idx.msk [tilespmem:v40+s18+$0x0], $0xffff  }
0x8cf: {  	s22 =	sadd.s32 $0x40, s22;
	v17 =	vmovc v25;
	v57 =	vadd.s32 v51, v0;
	v59 =	vshra.s32 v11, $0x1;
	v43 =	vadd.s32 v36, v43;
	v50 =	vld.idx.msk [tilespmem:v41+s18+$0x0], $0xffff  }
0x8d0: {  	_ =	sdelay $0x1  }
0x8d1: {  	v0 =	vadd.s32 v52, v59;
	_ =	sdelay $0x1  }
0x8d2: {  	v1 =	vld.idx.msk [tilespmem:v57+s18+$0x0], $0xffff;
	_ =	sdelay $0x2  }
0x8d3: {  	vm3 =	vle.f32 v24, v58;
	v2 =	vld.idx.msk [tilespmem:v0+s18+$0x0], $0xffff  }
0x8d4: {  	v3 =	vsel vm3, v55, v49;
	v4 =	vsel vm3, v48, v55  }
0x8d5: {  	vm3 =	vle.f32 v26, v1;
	v1 =	vsub.s32 v3, v4  }
0x8d6: {  	v1 =	vshra.s32 v1, $0x1  }
0x8d7: {  	v1 =	vadd.s32 v4, v1  }
0x8d8: {  	v6 =	vsel vm3, v51, v57;
	vm4 =	vle.f32 v28, v2;
	v2 =	vsel vm3, v57, v46  }
0x8d9: {  	v5 =	vsel vm4, v0, v54;
	v0 =	vsel vm4, v52, v0;
	v7 =	vsub.s32 v2, v6  }
0x8da: {  	v9 =	vld.idx.msk [tilespmem:v56+s18+$0x0], $0xffff;
	v8 =	vsub.s32 v5, v0;
	v7 =	vshra.s32 v7, $0x1  }
0x8db: {  	v8 =	vshra.s32 v8, $0x1;
	v7 =	vadd.s32 v6, v7  }
0x8dc: {  	v10 =	vld.idx.msk [tilespmem:v1+s18+$0x0], $0xffff;
	v8 =	vadd.s32 v0, v8;
	_ =	sdelay $0x2  }
0x8dd: {  	vm3 =	vle.f32 v27, v9  }
0x8de: {  	v12 =	vsel vm3, v56, v44;
	v13 =	vsel vm3, v42, v56;
	v11 =	vld.idx.msk [tilespmem:v7+s18+$0x0], $0xffff  }
0x8df: {  	v14 =	vsub.s32 v12, v13;
	vm3 =	vle.f32 v24, v10;
	v46 =	vld.idx.msk [tilespmem:v8+s18+$0x0], $0xffff  }
0x8e0: {  	v14 =	vshra.s32 v14, $0x1;
	v3 =	vsel vm3, v1, v3;
	v1 =	vsel vm3, v4, v1  }
0x8e1: {  	v48 =	vadd.s32 v13, v14;
	v4 =	vsub.s32 v3, v1  }
0x8e2: {  	v4 =	vshra.s32 v4, $0x1  }
0x8e3: {  	v4 =	vadd.s32 v1, v4;
	vm3 =	vle.f32 v26, v11  }
0x8e4: {  	vm13 =	vle.f32 v28, v46;
	v2 =	vsel vm3, v7, v2;
	v6 =	vsel vm3, v6, v7  }
0x8e5: {  	v5 =	vsel vm13, v8, v5;
	v0 =	vsel vm13, v0, v8;
	v7 =	vsub.s32 v2, v6  }
0x8e6: {  	v49 =	vld.idx.msk [tilespmem:v48+s18+$0x0], $0xffff;
	v8 =	vsub.s32 v5, v0;
	v7 =	vshra.s32 v7, $0x1  }
0x8e7: {  	v8 =	vshra.s32 v8, $0x1;
	v7 =	vadd.s32 v6, v7  }
0x8e8: {  	v51 =	vld.idx.msk [tilespmem:v4+s18+$0x0], $0xffff;
	v8 =	vadd.s32 v0, v8;
	_ =	sdelay $0x2  }
0x8e9: {  	vm3 =	vle.f32 v27, v49  }
0x8ea: {  	v12 =	vsel vm3, v48, v12;
	v10 =	vsel vm3, v13, v48;
	v52 =	vld.idx.msk [tilespmem:v7+s18+$0x0], $0xffff  }
0x8eb: {  	v13 =	vsub.s32 v12, v10;
	vm3 =	vle.f32 v24, v51;
	v54 =	vld.idx.msk [tilespmem:v8+s18+$0x0], $0xffff  }
0x8ec: {  	v13 =	vshra.s32 v13, $0x1;
	v3 =	vsel vm3, v4, v3;
	v1 =	vsel vm3, v1, v4  }
0x8ed: {  	v55 =	vadd.s32 v10, v13;
	v4 =	vsub.s32 v3, v1  }
0x8ee: {  	v4 =	vshra.s32 v4, $0x1  }
0x8ef: {  	v4 =	vadd.s32 v1, v4;
	vm14 =	vle.f32 v26, v52  }
0x8f0: {  	vm3 =	vle.f32 v28, v54;
	v2 =	vsel vm14, v7, v2;
	v6 =	vsel vm14, v6, v7  }
0x8f1: {  	v5 =	vsel vm3, v8, v5;
	v0 =	vsel vm3, v0, v8;
	v7 =	vsub.s32 v2, v6  }
0x8f2: {  	v56 =	vld.idx.msk [tilespmem:v55+s18+$0x0], $0xffff;
	v8 =	vsub.s32 v5, v0;
	v7 =	vshra.s32 v7, $0x1  }
0x8f3: {  	v8 =	vshra.s32 v8, $0x1;
	v7 =	vadd.s32 v6, v7  }
0x8f4: {  	v8 =	vadd.s32 v0, v8  }
0x8f5: {  	v57 =	vld.idx.msk [tilespmem:v4+s18+$0x0], $0xffff;
	_ =	sdelay $0x1  }
0x8f6: {  	vm3 =	vle.f32 v27, v56  }
0x8f7: {  	v12 =	vsel vm3, v55, v12;
	v10 =	vsel vm3, v10, v55;
	v58 =	vld.idx.msk [tilespmem:v7+s18+$0x0], $0xffff  }
0x8f8: {  	v16 =	vsub.s32 v12, v10;
	v59 =	vld.idx.msk [tilespmem:v8+s18+$0x0], $0xffff  }
0x8f9: {  	vm3 =	vle.f32 v15, v53;
	v14 =	vshra.s32 v16, $0x1;
	vm15 =	vle.f32 v24, v57  }
0x8fa: {  	v14 =	vadd.s32 v10, v14;
	v3 =	vsel vm15, v4, v3;
	v1 =	vsel vm15, v1, v4  }
0x8fb: {  	v30 =	vsel vm3, v45, v39;
	v23 =	vsel vm3, v38, v45;
	v4 =	vsub.s32 v3, v1  }
0x8fc: {  	vm9 =	vle.f32 v18, v47;
	v42 =	vsub.s32 v30, v23;
	v4 =	vshra.s32 v4, $0x1  }
0x8fd: {  	v4 =	vadd.s32 v1, v4;
	vm3 =	vle.f32 v26, v58;
	vm8 =	vle.f32 v28, v59  }
0x8fe: {  	v2 =	vsel vm3, v7, v2;
	v6 =	vsel vm3, v6, v7;
	vm3 =	vle.f32 v19, v50  }
0x8ff: {  	v25 =	vld.idx.msk [tilespmem:v14+s18+$0x0], $0xffff;
	v5 =	vsel vm8, v8, v5;
	v0 =	vsel vm8, v0, v8;
	v7 =	vsub.s32 v2, v6  }
0x900: {  	v31 =	vsel vm3, v41, v32;
	v32 =	vsel vm9, v40, v33;
	v33 =	vsel vm9, v34, v40  }
0x901: {  	v35 =	vsel vm3, v35, v41;
	v8 =	vsub.s32 v5, v0;
	v7 =	vshra.s32 v7, $0x1  }
0x902: {  	v44 =	vld.idx.msk [tilespmem:v43+s18+$0x0], $0xffff;
	v45 =	vsub.s32 v32, v33;
	v8 =	vshra.s32 v8, $0x1;
	v7 =	vadd.s32 v6, v7  }
0x903: {  	v46 =	vsub.s32 v31, v35;
	v47 =	vld.idx.msk [tilespmem:v4+s18+$0x0], $0xffff;
	v38 =	vshra.s32 v45, $0x1;
	v8 =	vadd.s32 v0, v8  }
0x904: {  	vm3 =	vle.f32 v27, v25;
	v49 =	vshra.s32 v46, $0x1;
	v38 =	vadd.s32 v33, v38  }
0x905: {  	v12 =	vsel vm3, v14, v12;
	v10 =	vsel vm3, v10, v14;
	v14 =	vadd.s32 v35, v49  }
0x906: {  	v11 =	vshra.s32 v42, $0x1  }
0x907: {  	v11 =	vadd.s32 v23, v11;
	v51 =	vsub.s32 v12, v10;
	v48 =	vld.idx.msk [tilespmem:v7+s18+$0x0], $0xffff  }
0x908: {  	vm3 =	vle.f32 v21, v44;
	v41 =	vshra.s32 v51, $0x1;
	vm10 =	vle.f32 v24, v47;
	v50 =	vld.idx.msk [tilespmem:v8+s18+$0x0], $0xffff  }
0x909: {  	v52 =	vadd.s32 v10, v41;
	v3 =	vsel vm10, v4, v3;
	v1 =	vsel vm10, v1, v4;
	v4 =	vld.idx.msk [tilespmem:v38+s18+$0x0], $0xffff  }
0x90a: {  	v37 =	vsel vm3, v43, v37;
	v9 =	vsel vm3, v36, v43;
	v55 =	vld.idx.msk [tilespmem:v14+s18+$0x0], $0xffff  }
0x90b: {  	v58 =	vsub.s32 v37, v9  }
0x90c: {  	v53 =	vld.idx.msk [tilespmem:v11+s18+$0x0], $0xffff;
	v42 =	vshra.s32 v58, $0x1;
	v54 =	vsub.s32 v3, v1  }
0x90d: {  	v16 =	vadd.s32 v9, v42;
	v39 =	vshra.s32 v54, $0x1;
	vm11 =	vle.f32 v26, v48  }
0x90e: {  	v39 =	vadd.s32 v1, v39;
	v2 =	vsel vm11, v7, v2;
	v6 =	vsel vm11, v6, v7;
	v7 =	vld.idx.msk [tilespmem:v52+s18+$0x0], $0xffff  }
0x90f: {  	vm3 =	vle.f32 v28, v50;
	vm12 =	vle.f32 v19, v55;
	vm5 =	vle.f32 v18, v4  }
0x910: {  	v5 =	vsel vm3, v8, v5;
	v0 =	vsel vm3, v0, v8;
	v56 =	vsub.s32 v2, v6  }
0x911: {  	vm3 =	vle.f32 v15, v53;
	v57 =	vsub.s32 v5, v0;
	v8 =	vshra.s32 v56, $0x1  }
0x912: {  	v30 =	vsel vm3, v11, v30;
	v41 =	vshra.s32 v57, $0x1;
	v8 =	vadd.s32 v6, v8  }
0x913: {  	v4 =	vsel vm3, v23, v11;
	v25 =	vld.idx.msk [tilespmem:v39+s18+$0x0], $0xffff;
	v59 =	vadd.s32 v0, v41;
	vm3 =	vle.f32 v27, v7  }
0x914: {  	v44 =	vsel vm12, v35, v14;
	v23 =	vsel vm3, v52, v12;
	v10 =	vsel vm3, v10, v52  }
0x915: {  	v32 =	vsel vm5, v38, v32;
	v33 =	vsel vm5, v33, v38;
	v34 =	vsub.s32 v23, v10  }
0x916: {  	v48 =	vsub.s32 v32, v33;
	v7 =	vsel vm12, v14, v31;
	v34 =	vshra.s32 v34, $0x1  }
0x917: {  	v45 =	vsub.s32 v30, v4;
	v35 =	vsub.s32 v7, v44;
	v46 =	vld.idx.msk [tilespmem:v8+s18+$0x0], $0xffff;
	v34 =	vadd.s32 v10, v34  }
0x918: {  	v14 =	vshra.s32 v45, $0x1;
	v35 =	vshra.s32 v35, $0x1;
	vm3 =	vle.f32 v24, v25;
	v47 =	vld.idx.msk [tilespmem:v59+s18+$0x0], $0xffff  }
0x919: {  	v13 =	vadd.s32 v44, v35;
	v3 =	vsel vm3, v39, v3;
	v1 =	vsel vm3, v1, v39  }
0x91a: {  	v50 =	vld.idx.msk [tilespmem:v16+s18+$0x0], $0xffff;
	v4 =	vadd.s32 v4, v14;
	v14 =	vshra.s32 v48, $0x1;
	v51 =	vsub.s32 v3, v1  }
0x91b: {  	v49 =	vadd.s32 v33, v14;
	v31 =	vshra.s32 v51, $0x1  }
0x91c: {  	v31 =	vadd.s32 v1, v31;
	vm13 =	vle.f32 v26, v46;
	v52 =	vld.idx.msk [tilespmem:v34+s18+$0x0], $0xffff  }
0x91d: {  	vm3 =	vle.f32 v28, v47;
	v2 =	vsel vm13, v8, v2;
	v6 =	vsel vm13, v6, v8  }
0x91e: {  	v35 =	vld.idx.msk [tilespmem:v13+s18+$0x0], $0xffff;
	v5 =	vsel vm3, v59, v5;
	v0 =	vsel vm3, v0, v59;
	v8 =	vsub.s32 v2, v6  }
0x91f: {  	vm3 =	vle.f32 v21, v50;
	v36 =	vsub.s32 v5, v0;
	v8 =	vshra.s32 v8, $0x1  }
0x920: {  	v53 =	vld.idx.msk [tilespmem:v49+s18+$0x0], $0xffff;
	v55 =	vsel vm3, v16, v37;
	v36 =	vshra.s32 v36, $0x1;
	v8 =	vadd.s32 v6, v8  }
0x921: {  	v57 =	vld.idx.msk [tilespmem:v4+s18+$0x0], $0xffff;
	v9 =	vsel vm3, v9, v16;
	v54 =	vadd.s32 v0, v36;
	vm3 =	vle.f32 v27, v52  }
0x922: {  	v56 =	vsub.s32 v55, v9;
	v11 =	vsel vm3, v34, v23;
	v10 =	vsel vm3, v10, v34  }
0x923: {  	v58 =	vld.idx.msk [tilespmem:v31+s18+$0x0], $0xffff;
	v33 =	vshra.s32 v56, $0x1;
	vm3 =	vle.f32 v19, v35;
	v34 =	vsub.s32 v11, v10  }
0x924: {  	v9 =	vadd.s32 v9, v33;
	v7 =	vsel vm3, v13, v7;
	v34 =	vshra.s32 v34, $0x1  }
0x925: {  	vm3 =	vle.f32 v18, v53;
	v59 =	vld.idx.msk [tilespmem:v8+s18+$0x0], $0xffff;
	vm14 =	vgt.s32 v7, $0x1;
	v34 =	vadd.s32 v10, v34  }
0x926: {  	vm15 =	vle.f32 v15, v57;
	v12 =	vsel vm3, v49, v32;
	v16 =	vld.idx.msk [tilespmem:v54+s18+$0x0], $0xffff;
	v7 =	vnsel vm14, $0x1, v7  }
0x927: {  	v4 =	vsel vm15, v4, v30;
	vm3 =	vgt.s32 v12, $0x1;
	v7 =	vmin.u32 v7, $0xBFF  }
0x928: {  	v12 =	vnsel vm3, $0x1, v12;
	vm3 =	vle.f32 v24, v58;
	v23 =	vadd.s32 $0xFFFFFFFF, v7  }
0x929: {  	v41 =	vld.idx.msk [tilespmem:v9+s18+$0x0], $0xffff;
	v12 =	vmin.u32 v12, $0xBFF;
	v3 =	vsel vm3, v31, v3;
	v1 =	vsel vm3, v1, v31  }
0x92a: {  	v25 =	vadd.s32 $0xFFFFFFFF, v12;
	v40 =	vsub.s32 v3, v1;
	vm8 =	vle.f32 v26, v59;
	v39 =	vld.idx.msk [tilespmem:v34+s18+$0x0], $0xffff  }
0x92b: {  	v13 =	vshra.s32 v40, $0x1;
	vm3 =	vle.f32 v28, v16;
	v2 =	vsel vm8, v8, v2  }
0x92c: {  	v6 =	vsel vm8, v6, v8;
	v5 =	vsel vm3, v54, v5;
	v0 =	vsel vm3, v0, v54  }
0x92d: {  	v13 =	vadd.s32 v1, v13;
	v8 =	vsub.s32 v2, v6;
	v14 =	vsub.s32 v5, v0  }
0x92e: {  	v7 =	vld.idx.msk [tilespmem:v7+s18+$0x0], $0xffff;
	vm3 =	vgt.s32 v4, $0x1;
	vm10 =	vle.f32 v21, v41;
	v14 =	vshra.s32 v14, $0x1  }
0x92f: {  	v8 =	vshra.s32 v8, $0x1;
	v42 =	vld.idx.msk [tilespmem:v23+s18+$0x0], $0xffff;
	v14 =	vadd.s32 v0, v14;
	vm9 =	vle.f32 v27, v39  }
0x930: {  	v8 =	vadd.s32 v6, v8;
	v11 =	vsel vm9, v34, v11;
	v10 =	vsel vm9, v10, v34  }
0x931: {  	v12 =	vld.idx.msk [tilespmem:v12+s18+$0x0], $0xffff;
	v4 =	vnsel vm3, $0x1, v4;
	v9 =	vsel vm10, v9, v55;
	v44 =	vsub.s32 v11, v10  }
0x932: {  	v4 =	vmin.u32 v4, $0xBFF;
	vm3 =	vgt.s32 v9, $0x1;
	v45 =	vld.idx.msk [tilespmem:v13+s18+$0x0], $0xffff;
	v32 =	vshra.s32 v44, $0x1  }
0x933: {  	v43 =	vld.idx.msk [tilespmem:v25+s18+$0x0], $0xffff;
	v9 =	vnsel vm3, $0x1, v9;
	v32 =	vadd.s32 v10, v32  }
0x934: {  	v9 =	vmin.u32 v9, $0xBFF;
	v7 =	vsub.f32 v7, v42;
	v47 =	vld.idx.msk [tilespmem:v14+s18+$0x0], $0xffff  }
0x935: {  	v48 =	vadd.s32 $0xFFFFFFFF, v9;
	v46 =	vld.idx.msk [tilespmem:v8+s18+$0x0], $0xffff  }
0x936: {  	v49 =	vadd.s32 $0xFFFFFFFF, v4;
	vm3 =	veq.f32 v7, $0.0e+00  }
0x937: {  	v4 =	vld.idx.msk [tilespmem:v4+s18+$0x0], $0xffff;
	v7 =	vsel vm3, $0x3F800000, v7;
	vm3 =	vle.f32 v24, v45  }
0x938: {  	(erf) = vrcp.f32 v7;
	v3 =	vsel vm3, v13, v3;
	v1 =	vsel vm3, v1, v13;
	v7 =	vld.idx.msk [tilespmem:v32+s18+$0x0], $0xffff  }
0x939: {  	v12 =	vsub.f32 v12, v43;
	v9 =	vld.idx.msk [tilespmem:v9+s18+$0x0], $0xffff;
	v51 =	vsub.s32 v3, v1;
	vm11 =	vle.f32 v28, v47  }
0x93a: {  	v50 =	vld.idx.msk [tilespmem:v48+s18+$0x0], $0xffff;
	vm12 =	vle.f32 v26, v46;
	v5 =	vsel vm11, v14, v5;
	v0 =	vsel vm11, v0, v14  }
0x93b: {  	v52 =	vld.idx.msk [tilespmem:v49+s18+$0x0], $0xffff;
	v2 =	vsel vm12, v8, v2;
	v14 =	vshra.s32 v51, $0x1;
	v53 =	vsub.s32 v5, v0  }
0x93c: {  	v6 =	vsel vm12, v6, v8;
	v1 =	vadd.s32 v1, v14;
	v36 =	vshra.s32 v53, $0x1  }
0x93d: {  	v8 =	vsub.s32 v2, v6;
	v0 =	vadd.s32 v0, v36;
	vm3 =	vle.f32 v27, v7  }
0x93e: {  	v7 =	vshra.s32 v8, $0x1;
	v54 =	vsel vm3, v32, v11;
	v10 =	vsel vm3, v10, v32  }
0x93f: {  	v9 =	vsub.f32 v9, v50;
	v6 =	vadd.s32 v6, v7;
	v7 =	vsub.s32 v54, v10  }
0x940: {  	v4 =	vsub.f32 v4, v52;
	vm3 =	veq.f32 v12, $0.0e+00;
	v7 =	vshra.s32 v7, $0x1  }
0x941: {  	v55 =	vsel vm3, $0x3F800000, v12;
	vm3 =	veq.f32 v9, $0.0e+00;
	v56 =	vld.idx.msk [tilespmem:v1+s18+$0x0], $0xffff;
	v7 =	vadd.s32 v10, v7  }
0x942: {  	(erf) = vrcp.f32 v55;
	v9 =	vsel vm3, $0x3F800000, v9;
	vm3 =	veq.f32 v4, $0.0e+00;
	v57 =	vld.idx.msk [tilespmem:v0+s18+$0x0], $0xffff  }
0x943: {  	v4 =	vsel vm3, $0x3F800000, v4;
	(erf) = vrcp.f32 v9  }
0x944: {  	(erf) = vrcp.f32 v4;
	v4 =	vld.idx.msk [tilespmem:v6+s18+$0x0], $0xffff  }
0x945: {  	v58 =	vcvt.s32.f32 v23;
	v23 =	vcvt.s32.f32 v25  }
0x946: {  	v59 =	vcvt.s32.f32 v49;
	v39 =	vsub.f32 v18, v43;
	vm3 =	vle.f32 v24, v56;
	v25 =	vld.idx.msk [tilespmem:v7+s18+$0x0], $0xffff  }
0x947: {  	v47 =	vsub.f32 v15, v52;
	v1 =	vsel vm3, v1, v3;
	vm13 =	vle.f32 v28, v57  }
0x948: {  	v36 =	vsub.f32 v19, v42;
	vm3 =	vgt.s32 v1, $0x1;
	v0 =	vsel vm13, v0, v5  }
0x949: {  	v1 =	vnsel vm3, $0x1, v1;
	vm4 =	vgt.s32 v0, $0x1;
	vm14 =	vle.f32 v26, v4  }
0x94a: {  	v1 =	vmin.u32 v1, $0xBFF;
	v0 =	vnsel vm4, $0x1, v0;
	v2 =	vsel vm14, v6, v2  }
0x94b: {  	v0 =	vmin.u32 v0, $0xBFF;
	vm3 =	vgt.s32 v2, $0x1;
	vm15 =	vle.f32 v27, v25  }
0x94c: {  	v16 =	vpop (erf);
	v4 =	vadd.s32 $0xFFFFFFFF, v0;
	v2 =	vnsel vm3, $0x1, v2;
	v5 =	vsel vm15, v7, v54  }
0x94d: {  	v14 =	vmul.f32 $9.768805470e-04, v16;
	v2 =	vmin.u32 v2, $0xBFF;
	vm3 =	vgt.s32 v5, $0x1  }
0x94e: {  	v9 =	vmul.f32 $9.768805470e-04, v58;
	v38 =	vadd.s32 $0xFFFFFFFF, v2;
	v5 =	vnsel vm3, $0x1, v5  }
0x94f: {  	v13 =	vsub.f32 v21, v50;
	v3 =	vcvt.s32.f32 v48;
	v37 =	vpop (erf);
	v40 =	vld.idx.msk [tilespmem:v1+s18+$0x0], $0xffff;
	v5 =	vmin.u32 v5, $0xBFF  }
0x950: {  	v10 =	vmul.f32 v14, v36;
	v6 =	vadd.f32 $-1.000000000e+00, v9;
	v42 =	vpop (erf);
	v0 =	vld.idx.msk [tilespmem:v0+s18+$0x0], $0xffff;
	v41 =	vadd.s32 $0xFFFFFFFF, v5  }
0x951: {  	v3 =	vmul.f32 $9.768805470e-04, v3;
	v44 =	vmul.f32 $9.768805470e-04, v42;
	v1 =	vadd.s32 $0xFFFFFFFF, v1;
	v43 =	vld.idx.msk [tilespmem:v4+s18+$0x0], $0xffff  }
0x952: {  	v8 =	vmul.f32 $9.768805470e-04, v37;
	v6 =	vadd.f32 v6, v10;
	v7 =	vmul.f32 $9.768805470e-04, v23;
	v2 =	vld.idx.msk [tilespmem:v2+s18+$0x0], $0xffff  }
0x953: {  	v12 =	vmul.f32 $9.768805470e-04, v59;
	v3 =	vadd.f32 $-1.000000000e+00, v3;
	v10 =	vmul.f32 v44, v13;
	v45 =	vld.idx.msk [tilespmem:v38+s18+$0x0], $0xffff  }
0x954: {  	v46 =	vpop (erf);
	v8 =	vmul.f32 v8, v39;
	v6 =	vsub.f32 v6, v63;
	v7 =	vadd.f32 $-1.000000000e+00, v7;
	v5 =	vld.idx.msk [tilespmem:v5+s18+$0x0], $0xffff  }
0x955: {  	v12 =	vadd.f32 $-1.000000000e+00, v12;
	v48 =	vmul.f32 $9.768805470e-04, v46;
	v3 =	vadd.f32 v3, v10;
	v16 =	vld.idx.msk [tilespmem:v41+s18+$0x0], $0xffff  }
0x956: {  	v6 =	vand.u32 $0x7FFFFFFF, v6;
	v7 =	vadd.f32 v7, v8;
	v49 =	vld.idx.msk [tilespmem:v1+s18+$0x0], $0xffff;
	v0 =	vsub.f32 v0, v43  }
0x957: {  	v13 =	vmul.f32 v48, v47;
	v50 =	vsub.f32 $1.000000000e+00, v6;
	v3 =	vsub.f32 v3, v17  }
0x958: {  	v54 =	vcvt.s32.f32 v41;
	vm3 =	veq.f32 v0, $0.0e+00;
	v2 =	vsub.f32 v2, v45  }
0x959: {  	v7 =	vsub.f32 v7, v62;
	v6 =	vmin.f32 v6, v50;
	v0 =	vsel vm3, $0x3F800000, v0  }
0x95a: {  	vm3 =	veq.f32 v2, $0.0e+00;
	(erf) = vrcp.f32 v0;
	v5 =	vsub.f32 v5, v16  }
0x95b: {  	v1 =	vcvt.s32.f32 v1;
	v51 =	vsub.f32 v40, v49;
	v2 =	vsel vm3, $0x3F800000, v2  }
0x95c: {  	v7 =	vand.u32 $0x7FFFFFFF, v7;
	(erf) = vrcp.f32 v2;
	vm3 =	veq.f32 v5, $0.0e+00  }
0x95d: {  	v2 =	vand.u32 $0x7FFFFFFF, v3;
	v3 =	vsel vm3, $0x3F800000, v5;
	vm3 =	veq.f32 v51, $0.0e+00  }
0x95e: {  	v0 =	vsub.f32 $1.000000000e+00, v7;
	v52 =	vsel vm3, $0x3F800000, v51;
	(erf) = vrcp.f32 v3  }
0x95f: {  	v12 =	vadd.f32 v12, v13;
	v6 =	vmul.f32 v6, v6;
	(erf) = vrcp.f32 v52  }
0x960: {  	v11 =	vmul.f32 $9.768805470e-04, v54;
	v0 =	vmin.f32 v7, v0;
	v3 =	vsub.f32 $1.000000000e+00, v2  }
0x961: {  	v1 =	vmul.f32 $9.768805470e-04, v1;
	v6 =	vadd.f32 v6, v29;
	v0 =	vmul.f32 v0, v0  }
0x962: {  	v53 =	vsub.f32 v28, v43;
	v2 =	vmin.f32 v2, v3;
	v3 =	vcvt.s32.f32 v4  }
0x963: {  	v11 =	vadd.f32 $-1.000000000e+00, v11;
	v0 =	vadd.f32 v0, v6;
	v6 =	vcvt.s32.f32 v38;
	v7 =	vpop (erf)  }
0x964: {  	v1 =	vadd.f32 $-1.000000000e+00, v1;
	v3 =	vmul.f32 $9.768805470e-04, v3;
	v7 =	vmul.f32 $9.768805470e-04, v7  }
0x965: {  	v62 =	vld [tilespmem:$0x1FEF0];
	v8 =	vsub.f32 v26, v45;
	v5 =	vsub.f32 v12, v60;
	v6 =	vmul.f32 $9.768805470e-04, v6;
	v55 =	vpop (erf)  }
0x966: {  	v3 =	vadd.f32 $-1.000000000e+00, v3;
	v7 =	vmul.f32 v7, v53;
	v56 =	vmul.f32 $9.768805470e-04, v55  }
0x967: {  	v63 =	vld [tilespmem:$0x1FEE0];
	v57 =	vsub.f32 v27, v16;
	v5 =	vand.u32 $0x7FFFFFFF, v5;
	v6 =	vadd.f32 $-1.000000000e+00, v6;
	v58 =	vpop (erf)  }
0x968: {  	v3 =	vadd.f32 v3, v7;
	v7 =	vmul.f32 v56, v8;
	v59 =	vmul.f32 $9.768805470e-04, v58;
	v60 =	vpop (erf)  }
0x969: {  	v10 =	vsub.f32 v24, v49;
	v4 =	vsub.f32 $1.000000000e+00, v5;
	v9 =	vmul.f32 $9.768805470e-04, v60  }
0x96a: {  	v3 =	vsub.f32 v3, v62;
	v6 =	vadd.f32 v6, v7;
	v7 =	vmul.f32 v59, v57  }
0x96b: {  	v2 =	vmul.f32 v2, v2;
	v4 =	vmin.f32 v5, v4;
	v5 =	vmul.f32 v9, v10  }
0x96c: {  	v3 =	vand.u32 $0x7FFFFFFF, v3;
	v6 =	vsub.f32 v6, v63;
	v7 =	vadd.f32 v11, v7  }
0x96d: {  	v0 =	vadd.f32 v2, v0;
	v2 =	vmul.f32 v4, v4;
	v4 =	vsub.f32 $1.000000000e+00, v3  }
0x96e: {  	v6 =	vand.u32 $0x7FFFFFFF, v6;
	v1 =	vadd.f32 v1, v5;
	v7 =	vsub.f32 v7, v22  }
0x96f: {  	v0 =	vadd.f32 v2, v0;
	v2 =	vmin.f32 v3, v4;
	v3 =	vsub.f32 $1.000000000e+00, v6  }
0x970: {  	v2 =	vmul.f32 v2, v2;
	v1 =	vsub.f32 v1, v20;
	v4 =	vand.u32 $0x7FFFFFFF, v7  }
0x971: {  	v3 =	vmin.f32 v6, v3;
	v5 =	vsub.f32 $1.000000000e+00, v4  }
0x972: {  	v0 =	vadd.f32 v2, v0;
	v2 =	vmul.f32 v3, v3;
	v1 =	vand.u32 $0x7FFFFFFF, v1  }
0x973: {  	v3 =	vmin.f32 v4, v5;
	v4 =	vsub.f32 $1.000000000e+00, v1  }
0x974: {  	v0 =	vadd.f32 v2, v0;
	v2 =	vmul.f32 v3, v3  }
0x975: {  	v1 =	vmin.f32 v1, v4  }
0x976: {  	v0 =	vadd.f32 v2, v0;
	v1 =	vmul.f32 v1, v1  }
0x977: {  	v2 =	vld [tilespmem:$0x1FF70]  }
0x978: {  	v0 =	vadd.f32 v1, v0;
	v1 =	vld [tilespmem:$0x1FF40];
	_ =	sdelay $0x3  }
0x979: {  	(xrf2) =	vadd.scan.msk.f32 $0xffff, v2  }
0x97a: {  	(xrf2) =	vadd.scan.msk.f32 $0xffff, v1;
	v1 =	vld [tilespmem:$0x1FF00];
	_ =	sdelay $0x4  }
0x97b: {  	(xrf2) =	vadd.scan.msk.f32 $0xffff, v1  }
0x97c: {  	(xrf2) =	vadd.scan.msk.f32 $0xffff, v0;
	_ =	sdelay $0x6  }
0x97d: {  	v0, _, _ =	vpop (xrf2)  }
0x97e: {  	v0 =	vbroadcast v0, $0xF;
	v1, _, _ =	vpop (xrf2)  }
0x97f: {  	vm3 =	vmmov $0x1;
	v1 =	vbroadcast v1, $0xF;
	v2, _, _ =	vpop (xrf2)  }
0x980: {  	v0 =	vnsel vm3, $0x0, v0;
	v3, _, _ =	vpop (xrf2);
	v2 =	vbroadcast v2, $0xF  }
0x981: {  	v0 =	vsel vm0, v0, v1;
	v1 =	vbroadcast v3, $0xF  }
0x982: {  	s20 =	sadd.s32 $0x1, s20;
	v0 =	vsel vm1, v0, v2  }
0x983: {  	p0 =	sne.s32 s20, s9;
	v0 =	vsel vm2, v0, v1  }
.Ltmp17:
0x984: {  	s0 =	simm.s32 $0x12580;
	[tilespmem:$0x12580] =	vst v0;
	(pc) =	sbr.rel @p0 .LBB2_1-.Ltmp17, $4  }
0x985: {  	[hbm4b:s8+s3] =	stream.linear.scatter [tilespmem:s0], [sflag:$0x2], $0x80, $0x38;
	[tilespmem:$0x12600] =	vst v63  }
0x986: {  	_ =	swait.ge [sflag:s11], $0x80  }
0x987: {  	v4 =	vimm.s32 $0xC00;
	v3 =	vimm.s32 $0x600;
	[sflag:s11] =	ssyncset.done $0x0  }
0x988: {  	v2 =	vimm.s32 $0xFFFFDC03;
	v1 =	vimm.f32 $2.000000000e+00;
	v0 =	vimm.f32 $0.0e+00;
	[sflag:s11] =	ssyncadd.s32 $0xFFFFFF80  }
0x989: {  	_ =	sfence.sel $0x180000  }
0x98a: {  	[bflag:$0x0] =	sbarrier.arrive $0xFFFF  }
0x98b: {  	_ =	strace $0x90000047  }
0x98c: {  	s0 =	stileid.u32;
	[bflag:$0x2] =	sbarrier.arrive $0xFFFF  }
0x98d: {  	p0 =	sne.s32 s0, $0x0;
	s0 =	rddreg [dreg:$0x2]  }
0x98e: {  	s0 =	sadd.s32 @!p0 $0x100000, s0  }
0x98f: {  	[sflag:s0] =	ssyncadd.tile.s32 @!p0 $0x1;
	_ =	shalt  }
.Lfunc_end2:
_tile_overlayer_lowered:
.L_overlay_start_2:
0x990: {  	(tag) =	ssettag $0x2  }
0x991: {  	s0 =	rddreg [dreg:$0x0];
	s2 =	stileid.u32  }
0x992: {  	s1 =	rddreg [dreg:$0x1];
	p0 =	sne.s32 s2, $0x0  }
0x993: {  	s3 =	rddreg [dreg:$0x2];
	[bflag:$0x3] =	sbarrier.arrive $0xFFFF;
	s2 =	simm.s32 @!p0 $0x1C02  }
0x994: {  	[timem:s3], [sflag:s2] =	dma.local @!p0 [hbm:s0], s1  }
0x995: {  	s0 =	simm.s32 @!p0 $0x2  }
0x996: {  	_ =	swait.ge @!p0 [sflag:s0], s1  }
0x997: {  	s1 =	ssub.s32 @!p0 $0x0, s1;
	[sflag:s0] =	ssyncset.done @!p0 $0x0  }
0x998: {  	[sflag:s0] =	ssyncadd.s32 @!p0 s1  }
0x999: {  	[bflag:$0x3] =	sbarrier.arrive $0xFFFF  }
0x99a: {  	_ =	shalt  }

</sc_bundles>
